<compile_context>
chip_gen: v7x
topology: tpu7x:2x2x1
jax: 0.10.2.dev20260603
libtpu: 0.0.44.dev20260713+nightly
codegen_flags: <defaults>
</compile_context>

<pallas_src>
import functools

import jax
import jax.numpy as jnp
from jax import lax
from jax.experimental import pallas as pl
from jax.experimental.pallas import tpu as pltpu
from jax.experimental.pallas import tpu_sc as plsc

_BATCH = 16384
_D = 32
_NW = 32
_BPW = _BATCH // _NW
_CHUNK = 128
_NCHUNK = _BPW // _CHUNK

_N = 1000000
_SB = 768
_NSB = (_N + _SB - 1) // _SB
_SB_PER_W = (_NSB + 31) // 32
_TAIL = _N - (_NSB - 1) * _SB


def _tr_kernel(src_hbm, dst_hbm, in0, in1, patch0, patch1, sem_in, sem_out):
    wid = lax.axis_index("s") * 2 + lax.axis_index("c")
    lo = wid * _SB_PER_W
    hi = jnp.minimum(lo + _SB_PER_W, _NSB)

    ins = [in0, in1]
    patches = [patch0, patch1]
    iota = lax.iota(jnp.int32, 16)

    def fire_in(c, buf):
        col0 = pl.multiple_of(c * _SB, 128)
        is_tail = c == _NSB - 1

        @pl.when(jnp.logical_not(is_tail))
        def _():
            pltpu.make_async_copy(
                src_hbm.at[:, pl.ds(col0, _SB)], buf, sem_in).start()

        @pl.when(is_tail)
        def _():
            pltpu.make_async_copy(
                src_hbm.at[:, pl.ds(col0, 128)],
                buf.at[:, pl.ds(0, 128)], sem_in).start()

    def wait_in(c, buf):
        is_tail = c == _NSB - 1

        @pl.when(jnp.logical_not(is_tail))
        def _():
            pltpu.make_async_copy(
                src_hbm.at[:, pl.ds(0, _SB)], buf, sem_in).wait()

        @pl.when(is_tail)
        def _():
            pltpu.make_async_copy(
                src_hbm.at[:, pl.ds(0, 128)],
                buf.at[:, pl.ds(0, 128)], sem_in).wait()

    def transpose(buf, patch):
        def step(c8, _):
            for u in range(8):
                rv = c8 * 8 + u + iota
                rv = jnp.where(rv >= _SB, rv - _SB, rv)
                v0 = plsc.load_gather(buf, [iota, rv])
                v1 = plsc.load_gather(buf, [iota + 16, rv])
                plsc.store_scatter(patch, [rv * _D + iota], v0)
                plsc.store_scatter(patch, [rv * _D + 16 + iota], v1)
            return 0
        lax.fori_loop(0, _SB // 8, step, 0)

    def fire_out(c, patch):
        off = pl.multiple_of(c * _SB * _D, 8)
        is_tail = c == _NSB - 1

        @pl.when(jnp.logical_not(is_tail))
        def _():
            pltpu.make_async_copy(
                patch, dst_hbm.at[pl.ds(off, _SB * _D)], sem_out).start()

        @pl.when(is_tail)
        def _():
            pltpu.make_async_copy(
                patch.at[pl.ds(0, _TAIL * _D)],
                dst_hbm.at[pl.ds(off, _TAIL * _D)], sem_out).start()

    def drain_out(nrows):
        pltpu.make_async_copy(
            patch0.at[pl.ds(0, nrows * _D)],
            dst_hbm.at[pl.ds(0, nrows * _D)], sem_out).wait()

    @pl.when(lo < hi)
    def _():
        fire_in(lo, ins[0])

    def body(k, _):
        for bufi in range(2):
            c = lo + 2 * k + bufi

            @pl.when(c < hi)
            def _():
                wait_in(c, ins[bufi])

                @pl.when(c + 1 < hi)
                def _():
                    fire_in(c + 1, ins[1 - bufi])

                @pl.when(c - 2 >= lo)
                def _():
                    drain_out(_SB)

                transpose(ins[bufi], patches[bufi])
                fire_out(c, patches[bufi])
        return 0

    lax.fori_loop(0, (_SB_PER_W + 1) // 2, body, 0)

    nb = hi - lo

    @pl.when((nb >= 2) & (hi == _NSB))
    def _():
        drain_out(_SB)
        drain_out(_TAIL)

    @pl.when((nb >= 2) & (hi < _NSB))
    def _():
        drain_out(_SB)
        drain_out(_SB)

    @pl.when((nb == 1) & (hi == _NSB))
    def _():
        drain_out(_TAIL)

    @pl.when((nb == 1) & (hi < _NSB))
    def _():
        drain_out(_SB)


def _sc_transpose_one(table_t):
    mesh = plsc.VectorSubcoreMesh(core_axis_name="c", subcore_axis_name="s")
    run = pl.kernel(
        _tr_kernel,
        out_type=jax.ShapeDtypeStruct((_N * _D,), jnp.float32),
        mesh=mesh,
        scratch_types=[
            pltpu.VMEM((_D, _SB), jnp.float32),
            pltpu.VMEM((_D, _SB), jnp.float32),
            pltpu.VMEM((_SB * _D,), jnp.float32),
            pltpu.VMEM((_SB * _D,), jnp.float32),
            pltpu.SemaphoreType.DMA,
            pltpu.SemaphoreType.DMA,
        ],
        compiler_params=pltpu.CompilerParams(
            use_tc_tiling_on_sc=True, needs_layout_passes=False,
            disable_bounds_checks=True),
    )
    return run(table_t)


def _sc_kernel(sid_hbm, pid_hbm, sw_hbm, pw_hbm, out_hbm,
               sidx_v, pidx_v, srows_v, prows_v, out_v, sem):
    wid = lax.axis_index("s") * 2 + lax.axis_index("c")

    pltpu.sync_copy(sid_hbm.at[wid], sidx_v)
    pltpu.sync_copy(pid_hbm.at[wid], pidx_v)

    copies = []
    for j in range(_NCHUNK):
        sl = pl.ds(j * _CHUNK, _CHUNK)
        copies.append(pltpu.make_async_copy(sw_hbm.at[sidx_v.at[j]],
                                            srows_v.at[sl], sem))
        copies.append(pltpu.make_async_copy(pw_hbm.at[pidx_v.at[j]],
                                            prows_v.at[sl], sem))
    for c in copies:
        c.start()
    for c in copies:
        c.wait()

    iota = lax.iota(jnp.int32, 16)

    def body(g, _):
        rowv = g * 16 + iota

        acc = jnp.zeros((16,), jnp.float32)
        for d in range(_D):
            colv = iota + d
            colv = jnp.where(colv >= _D, colv - _D, colv)
            vs = plsc.load_gather(srows_v, [rowv, colv])
            vp = plsc.load_gather(prows_v, [rowv, colv])
            acc = acc + vs * vp
        out_v[pl.ds(g * 16, 16)] = acc
        return 0

    lax.fori_loop(0, _BPW // 16, body, 0)

    pltpu.sync_copy(out_v, out_hbm.at[wid])


def _sc_gather_dot(sid3, pid3, sw_lin, pw_lin):
    mesh = plsc.VectorSubcoreMesh(core_axis_name="c", subcore_axis_name="s")
    run = pl.kernel(
        _sc_kernel,
        out_type=jax.ShapeDtypeStruct((_NW, _BPW), jnp.float32),
        mesh=mesh,
        scratch_types=[
            pltpu.VMEM((_NCHUNK, _CHUNK), jnp.int32),
            pltpu.VMEM((_NCHUNK, _CHUNK), jnp.int32),
            pltpu.VMEM((_BPW, _D), jnp.float32),
            pltpu.VMEM((_BPW, _D), jnp.float32),
            pltpu.VMEM((_BPW,), jnp.float32),
            pltpu.SemaphoreType.DMA,
        ],
        compiler_params=pltpu.CompilerParams(
            use_tc_tiling_on_sc=False, needs_layout_passes=False),
    )
    return run(sid3, pid3, sw_lin, pw_lin)


def kernel(sid, pid, scientist_weight, paper_weight):
    sid3 = sid.astype(jnp.int32).reshape(_NW, _NCHUNK, _CHUNK)
    pid3 = pid.astype(jnp.int32).reshape(_NW, _NCHUNK, _CHUNK)

    sw_lin = _sc_transpose_one(scientist_weight.T).reshape(_N, _D)
    pw_lin = _sc_transpose_one(paper_weight.T).reshape(_N, _D)

    out = _sc_gather_dot(sid3, pid3, sw_lin, pw_lin)
    return out.reshape(_BATCH)

# --- scband reference (transcript-rebuilt; emitter-appended) ---
"""Pipeline reference for scband-embedding-dot-product-model-1288490189334 (READ-ONLY COPY).

The authoritative reference and input builder live on the scoring server;
editing this copy changes nothing except your own understanding.
"""

import jax, jax.numpy as jnp
import numpy as np

N_SIDS = 1000000
N_PIDS = 1000000
EMBED_DIM = 32
BATCH = 16384

def _xavier_uniform(key, shape):
    fan_in, fan_out = shape[0], shape[1]
    limit = float(np.sqrt(6.0 / (fan_in + fan_out)))
    return jax.random.uniform(key, shape, dtype=jnp.float32, minval=-limit, maxval=limit)

def setup_inputs(seed: int = 0) -> dict:
    key = jax.random.key(seed)
    k1, k2, k3, k4 = jax.random.split(key, 4)
    sid = jax.random.randint(k1, (BATCH,), 0, N_SIDS, dtype=jnp.int64) if jax.config.jax_enable_x64 else jax.random.randint(k1, (BATCH,), 0, N_SIDS, dtype=jnp.int32)
    pid = jax.random.randint(k2, (BATCH,), 0, N_PIDS, dtype=jnp.int32)
    scientist_weight = _xavier_uniform(k3, (N_SIDS, EMBED_DIM))
    paper_weight = _xavier_uniform(k4, (N_PIDS, EMBED_DIM))
    return {"sid": sid, "pid": pid, "scientist_weight": scientist_weight, "paper_weight": paper_weight}

def reference(sid, pid, scientist_weight, paper_weight):
    scientist_vec = jnp.take(scientist_weight, sid, axis=0)
    paper_vec = jnp.take(paper_weight, pid, axis=0)
    return jnp.sum(scientist_vec * paper_vec, axis=-1)

if __name__ == "__main__":
    import jax
    _d = setup_inputs()
    print(jax.jit(kernel)(*tuple(_d.values())))

</pallas_src>

<mosaic_0001>
#map = affine_map<(d0, d1) -> (0, 0)>
#map1 = affine_map<(d0, d1) -> (0)>
module attributes {stable_mosaic.version = 14 : i64} {
  func.func @_tr_kernel(%arg0: i32, %arg1: i32, %arg2: memref<32x1000000xf32, #tpu.memory_space<hbm>>, %arg3: memref<32000000xf32, #tpu.memory_space<hbm>>, %arg4: memref<32x768xf32, #tpu.memory_space<vmem>>, %arg5: memref<32x768xf32, #tpu.memory_space<vmem>>, %arg6: memref<24576xf32, #tpu.memory_space<vmem>>, %arg7: memref<24576xf32, #tpu.memory_space<vmem>>, %arg8: memref<!tpu.dma_semaphore, #tpu.memory_space<semaphore_mem>>, %arg9: memref<!tpu.dma_semaphore, #tpu.memory_space<semaphore_mem>>) attributes {dimension_semantics = [#tpu.dimension_semantics<core_parallel>, #tpu.dimension_semantics<subcore_parallel>], iteration_bounds = array<i64: 2, 16>, scalar_prefetch = 0 : i64, scratch_operands = 6 : i64, tpu.core_type = #tpu.core_type<sc_vector_subcore>, window_params = [{transform_indices = #map}, {transform_indices = #map1}]} {
    %mul3A = arith.constant 2 : i32
    %mul3A_0 = arith.muli %arg1, %mul3A : i32
    %add3A = arith.addi %mul3A_0, %arg0 : i32
    %mul3A_1 = arith.constant 41 : i32
    %mul3A_2 = arith.muli %add3A, %mul3A_1 : i32
    %add3A_3 = arith.constant 41 : i32
    %add3A_4 = arith.addi %mul3A_2, %add3A_3 : i32
    %min3A = arith.constant 1303 : i32
    %min3A_5 = arith.minsi %add3A_4, %min3A : i32
    %iota3A = tpu.iota {dimensions = array<i32: 0>} : vector<16xi32>
    %lt3A = arith.cmpi slt, %mul3A_2, %min3A_5 : i32
    %convert_element_type3A = arith.extui %lt3A : i1 to i32
    %cond3A = arith.constant 0 : i32
    %cond3A_6 = arith.cmpi ne, %convert_element_type3A, %cond3A : i32
    scf.if %cond3A_6 {
      %mul3A_42 = arith.constant 768 : i32
      %mul3A_43 = arith.muli %mul3A_2, %mul3A_42 : i32
      %multiple_of3A = tpu.assume_multiple %mul3A_43, 128 : i32
      %eq3A_44 = arith.constant 1302 : i32
      %eq3A_45 = arith.cmpi eq, %mul3A_2, %eq3A_44 : i32
      %not3A = arith.constant true
      %not3A_46 = arith.xori %eq3A_45, %not3A : i1
      %convert_element_type3A_47 = arith.extui %not3A_46 : i1 to i32
      %cond3A_48 = arith.constant 0 : i32
      %cond3A_49 = arith.cmpi ne, %convert_element_type3A_47, %cond3A_48 : i32
      scf.if %cond3A_49 {
        %dma_start3A = arith.constant 0 : i32
        %dma_start3A_53 = tpu.memref_slice %arg2[%dma_start3A, %multiple_of3A] : memref<32x1000000xf32, #tpu.memory_space<hbm>> -> memref<32x768xf32, #tpu.memory_space<hbm>>
        %dma_start3A_54 = arith.constant 0 : i32
        %dma_start3A_55 = tpu.memref_slice %arg2[%dma_start3A_54, %multiple_of3A] : memref<32x1000000xf32, #tpu.memory_space<hbm>> -> memref<32x768xf32, #tpu.memory_space<hbm>>
        tpu.enqueue_dma source(%dma_start3A_55 : memref<32x768xf32, #tpu.memory_space<hbm>>) target(%arg4 : memref<32x768xf32, #tpu.memory_space<vmem>>) target_semaphore(%arg8 : memref<!tpu.dma_semaphore, #tpu.memory_space<semaphore_mem>>)
      } else {
      }
      %convert_element_type3A_50 = arith.extui %eq3A_45 : i1 to i32
      %cond3A_51 = arith.constant 0 : i32
      %cond3A_52 = arith.cmpi ne, %convert_element_type3A_50, %cond3A_51 : i32
      scf.if %cond3A_52 {
        %dma_start3A = arith.constant 0 : i32
        %dma_start3A_53 = arith.constant 0 : i32
        %dma_start3A_54 = tpu.memref_slice %arg4[%dma_start3A, %dma_start3A_53] : memref<32x768xf32, #tpu.memory_space<vmem>> -> memref<32x128xf32, #tpu.memory_space<vmem>>
        %dma_start3A_55 = arith.constant 0 : i32
        %dma_start3A_56 = tpu.memref_slice %arg2[%dma_start3A_55, %multiple_of3A] : memref<32x1000000xf32, #tpu.memory_space<hbm>> -> memref<32x128xf32, #tpu.memory_space<hbm>>
        %dma_start3A_57 = arith.constant 0 : i32
        %dma_start3A_58 = arith.constant 0 : i32
        %dma_start3A_59 = tpu.memref_slice %arg4[%dma_start3A_57, %dma_start3A_58] : memref<32x768xf32, #tpu.memory_space<vmem>> -> memref<32x128xf32, #tpu.memory_space<vmem>>
        %dma_start3A_60 = arith.constant 0 : i32
        %dma_start3A_61 = tpu.memref_slice %arg2[%dma_start3A_60, %multiple_of3A] : memref<32x1000000xf32, #tpu.memory_space<hbm>> -> memref<32x128xf32, #tpu.memory_space<hbm>>
        tpu.enqueue_dma source(%dma_start3A_61 : memref<32x128xf32, #tpu.memory_space<hbm>>) target(%dma_start3A_59 : memref<32x128xf32, #tpu.memory_space<vmem>>) target_semaphore(%arg8 : memref<!tpu.dma_semaphore, #tpu.memory_space<semaphore_mem>>)
      } else {
      }
    } else {
    }
    %scan3A = arith.constant 0 : i32
    %scan3A_7 = arith.constant 0 : i32
    %scan3A_8 = arith.constant 21 : i32
    %scan3A_9 = arith.addi %scan3A_7, %scan3A_8 : i32
    %scan3A_10 = arith.constant 1 : i32
    %scan3A_11 = scf.for %scan3A_42 = %scan3A_7 to %scan3A_9 step %scan3A_10 iter_args(%scan3A_43 = %scan3A) -> (i32)  : i32 {
      %mul3A_44 = arith.constant 2 : i32
      %mul3A_45 = arith.muli %mul3A_44, %scan3A_42 : i32
      %add3A_46 = arith.addi %mul3A_2, %mul3A_45 : i32
      %add3A_47 = arith.constant 0 : i32
      %add3A_48 = arith.addi %add3A_46, %add3A_47 : i32
      %lt3A_49 = arith.cmpi slt, %add3A_48, %min3A_5 : i32
      %convert_element_type3A_50 = arith.extui %lt3A_49 : i1 to i32
      %cond3A_51 = arith.constant 0 : i32
      %cond3A_52 = arith.cmpi ne, %convert_element_type3A_50, %cond3A_51 : i32
      scf.if %cond3A_52 {
        %eq3A_63 = arith.constant 1302 : i32
        %eq3A_64 = arith.cmpi eq, %add3A_48, %eq3A_63 : i32
        %not3A = arith.constant true
        %not3A_65 = arith.xori %eq3A_64, %not3A : i1
        %convert_element_type3A_66 = arith.extui %not3A_65 : i1 to i32
        %cond3A_67 = arith.constant 0 : i32
        %cond3A_68 = arith.cmpi ne, %convert_element_type3A_66, %cond3A_67 : i32
        scf.if %cond3A_68 {
          %dma_wait3A = arith.constant 0 : i32
          %dma_wait3A_105 = arith.constant 0 : i32
          %dma_wait3A_106 = tpu.memref_slice %arg2[%dma_wait3A, %dma_wait3A_105] : memref<32x1000000xf32, #tpu.memory_space<hbm>> -> memref<32x768xf32, #tpu.memory_space<hbm>>
          %dma_wait3A_107 = arith.constant 0 : i32
          %dma_wait3A_108 = arith.constant 0 : i32
          %dma_wait3A_109 = tpu.memref_slice %arg2[%dma_wait3A_107, %dma_wait3A_108] : memref<32x1000000xf32, #tpu.memory_space<hbm>> -> memref<32x768xf32, #tpu.memory_space<hbm>>
          tpu.wait_dma2 semaphore(%arg8 : memref<!tpu.dma_semaphore, #tpu.memory_space<semaphore_mem>>) src(%dma_wait3A_109 : memref<32x768xf32, #tpu.memory_space<hbm>>) dst(%arg4 : memref<32x768xf32, #tpu.memory_space<vmem>>)
        } else {
        }
        %convert_element_type3A_69 = arith.extui %eq3A_64 : i1 to i32
        %cond3A_70 = arith.constant 0 : i32
        %cond3A_71 = arith.cmpi ne, %convert_element_type3A_69, %cond3A_70 : i32
        scf.if %cond3A_71 {
          %dma_wait3A = arith.constant 0 : i32
          %dma_wait3A_105 = arith.constant 0 : i32
          %dma_wait3A_106 = tpu.memref_slice %arg4[%dma_wait3A, %dma_wait3A_105] : memref<32x768xf32, #tpu.memory_space<vmem>> -> memref<32x128xf32, #tpu.memory_space<vmem>>
          %dma_wait3A_107 = arith.constant 0 : i32
          %dma_wait3A_108 = arith.constant 0 : i32
          %dma_wait3A_109 = tpu.memref_slice %arg2[%dma_wait3A_107, %dma_wait3A_108] : memref<32x1000000xf32, #tpu.memory_space<hbm>> -> memref<32x128xf32, #tpu.memory_space<hbm>>
          %dma_wait3A_110 = arith.constant 0 : i32
          %dma_wait3A_111 = arith.constant 0 : i32
          %dma_wait3A_112 = tpu.memref_slice %arg4[%dma_wait3A_110, %dma_wait3A_111] : memref<32x768xf32, #tpu.memory_space<vmem>> -> memref<32x128xf32, #tpu.memory_space<vmem>>
          %dma_wait3A_113 = arith.constant 0 : i32
          %dma_wait3A_114 = arith.constant 0 : i32
          %dma_wait3A_115 = tpu.memref_slice %arg2[%dma_wait3A_113, %dma_wait3A_114] : memref<32x1000000xf32, #tpu.memory_space<hbm>> -> memref<32x128xf32, #tpu.memory_space<hbm>>
          tpu.wait_dma2 semaphore(%arg8 : memref<!tpu.dma_semaphore, #tpu.memory_space<semaphore_mem>>) src(%dma_wait3A_115 : memref<32x128xf32, #tpu.memory_space<hbm>>) dst(%dma_wait3A_112 : memref<32x128xf32, #tpu.memory_space<vmem>>)
        } else {
        }
        %add3A_72 = arith.constant 1 : i32
        %add3A_73 = arith.addi %add3A_48, %add3A_72 : i32
        %lt3A_74 = arith.cmpi slt, %add3A_73, %min3A_5 : i32
        %convert_element_type3A_75 = arith.extui %lt3A_74 : i1 to i32
        %cond3A_76 = arith.constant 0 : i32
        %cond3A_77 = arith.cmpi ne, %convert_element_type3A_75, %cond3A_76 : i32
        scf.if %cond3A_77 {
          %add3A_105 = arith.constant 1 : i32
          %add3A_106 = arith.addi %add3A_48, %add3A_105 : i32
          %mul3A_107 = arith.constant 768 : i32
          %mul3A_108 = arith.muli %add3A_106, %mul3A_107 : i32
          %multiple_of3A_109 = tpu.assume_multiple %mul3A_108, 128 : i32
          %eq3A_110 = arith.constant 1302 : i32
          %eq3A_111 = arith.cmpi eq, %add3A_106, %eq3A_110 : i32
          %not3A_112 = arith.constant true
          %not3A_113 = arith.xori %eq3A_111, %not3A_112 : i1
          %convert_element_type3A_114 = arith.extui %not3A_113 : i1 to i32
          %cond3A_115 = arith.constant 0 : i32
          %cond3A_116 = arith.cmpi ne, %convert_element_type3A_114, %cond3A_115 : i32
          scf.if %cond3A_116 {
            %dma_start3A = arith.constant 0 : i32
            %dma_start3A_120 = tpu.memref_slice %arg2[%dma_start3A, %multiple_of3A_109] : memref<32x1000000xf32, #tpu.memory_space<hbm>> -> memref<32x768xf32, #tpu.memory_space<hbm>>
            %dma_start3A_121 = arith.constant 0 : i32
            %dma_start3A_122 = tpu.memref_slice %arg2[%dma_start3A_121, %multiple_of3A_109] : memref<32x1000000xf32, #tpu.memory_space<hbm>> -> memref<32x768xf32, #tpu.memory_space<hbm>>
            tpu.enqueue_dma source(%dma_start3A_122 : memref<32x768xf32, #tpu.memory_space<hbm>>) target(%arg5 : memref<32x768xf32, #tpu.memory_space<vmem>>) target_semaphore(%arg8 : memref<!tpu.dma_semaphore, #tpu.memory_space<semaphore_mem>>)
          } else {
          }
          %convert_element_type3A_117 = arith.extui %eq3A_111 : i1 to i32
          %cond3A_118 = arith.constant 0 : i32
          %cond3A_119 = arith.cmpi ne, %convert_element_type3A_117, %cond3A_118 : i32
          scf.if %cond3A_119 {
            %dma_start3A = arith.constant 0 : i32
            %dma_start3A_120 = arith.constant 0 : i32
            %dma_start3A_121 = tpu.memref_slice %arg5[%dma_start3A, %dma_start3A_120] : memref<32x768xf32, #tpu.memory_space<vmem>> -> memref<32x128xf32, #tpu.memory_space<vmem>>
            %dma_start3A_122 = arith.constant 0 : i32
            %dma_start3A_123 = tpu.memref_slice %arg2[%dma_start3A_122, %multiple_of3A_109] : memref<32x1000000xf32, #tpu.memory_space<hbm>> -> memref<32x128xf32, #tpu.memory_space<hbm>>
            %dma_start3A_124 = arith.constant 0 : i32
            %dma_start3A_125 = arith.constant 0 : i32
            %dma_start3A_126 = tpu.memref_slice %arg5[%dma_start3A_124, %dma_start3A_125] : memref<32x768xf32, #tpu.memory_space<vmem>> -> memref<32x128xf32, #tpu.memory_space<vmem>>
            %dma_start3A_127 = arith.constant 0 : i32
            %dma_start3A_128 = tpu.memref_slice %arg2[%dma_start3A_127, %multiple_of3A_109] : memref<32x1000000xf32, #tpu.memory_space<hbm>> -> memref<32x128xf32, #tpu.memory_space<hbm>>
            tpu.enqueue_dma source(%dma_start3A_128 : memref<32x128xf32, #tpu.memory_space<hbm>>) target(%dma_start3A_126 : memref<32x128xf32, #tpu.memory_space<vmem>>) target_semaphore(%arg8 : memref<!tpu.dma_semaphore, #tpu.memory_space<semaphore_mem>>)
          } else {
          }
        } else {
        }
        %sub3A_78 = arith.constant 2 : i32
        %sub3A_79 = arith.subi %add3A_48, %sub3A_78 : i32
        %ge3A_80 = arith.cmpi sge, %sub3A_79, %mul3A_2 : i32
        %convert_element_type3A_81 = arith.extui %ge3A_80 : i1 to i32
        %cond3A_82 = arith.constant 0 : i32
        %cond3A_83 = arith.cmpi ne, %convert_element_type3A_81, %cond3A_82 : i32
        scf.if %cond3A_83 {
          %dma_wait3A = arith.constant 0 : i32
          %dma_wait3A_105 = tpu.memref_slice %arg6[%dma_wait3A] : memref<24576xf32, #tpu.memory_space<vmem>> -> memref<24576xf32, #tpu.memory_space<vmem>>
          %dma_wait3A_106 = arith.constant 0 : i32
          %dma_wait3A_107 = tpu.memref_slice %arg3[%dma_wait3A_106] : memref<32000000xf32, #tpu.memory_space<hbm>> -> memref<24576xf32, #tpu.memory_space<hbm>>
          %dma_wait3A_108 = arith.constant 0 : i32
          %dma_wait3A_109 = tpu.memref_slice %arg3[%dma_wait3A_108] : memref<32000000xf32, #tpu.memory_space<hbm>> -> memref<24576xf32, #tpu.memory_space<hbm>>
          %dma_wait3A_110 = arith.constant 0 : i32
          %dma_wait3A_111 = tpu.memref_slice %arg6[%dma_wait3A_110] : memref<24576xf32, #tpu.memory_space<vmem>> -> memref<24576xf32, #tpu.memory_space<vmem>>
          tpu.wait_dma2 semaphore(%arg9 : memref<!tpu.dma_semaphore, #tpu.memory_space<semaphore_mem>>) src(%dma_wait3A_111 : memref<24576xf32, #tpu.memory_space<vmem>>) dst(%dma_wait3A_109 : memref<24576xf32, #tpu.memory_space<hbm>>)
        } else {
        }
        %scan3A_84 = arith.constant 0 : i32
        %scan3A_85 = arith.constant 0 : i32
        %scan3A_86 = arith.constant 96 : i32
        %scan3A_87 = arith.addi %scan3A_85, %scan3A_86 : i32
        %scan3A_88 = arith.constant 1 : i32
        %scan3A_89 = scf.for %scan3A_105 = %scan3A_85 to %scan3A_87 step %scan3A_88 iter_args(%scan3A_106 = %scan3A_84) -> (i32)  : i32 {
          %mul3A_107 = arith.constant 8 : i32
          %mul3A_108 = arith.muli %scan3A_105, %mul3A_107 : i32
          %add3A_109 = arith.constant 0 : i32
          %add3A_110 = arith.addi %mul3A_108, %add3A_109 : i32
          %add3A_111 = vector.broadcast %add3A_110 : i32 to vector<16xi32>
          %add3A_112 = arith.addi %add3A_111, %iota3A : vector<16xi32>
          %ge3A_113 = arith.constant 768 : i32
          %ge3A_114 = vector.broadcast %ge3A_113 : i32 to vector<16xi32>
          %ge3A_115 = arith.cmpi sge, %add3A_112, %ge3A_114 : vector<16xi32>
          %sub3A_116 = arith.constant 768 : i32
          %sub3A_117 = vector.broadcast %sub3A_116 : i32 to vector<16xi32>
          %sub3A_118 = arith.subi %add3A_112, %sub3A_117 : vector<16xi32>
          %select_n3A = arith.select %ge3A_115, %sub3A_118, %add3A_112 : vector<16xi1>, vector<16xi32>
          %gather3A = tpu.vector_load_idx %arg4[%iota3A, %select_n3A] : memref<32x768xf32, #tpu.memory_space<vmem>>[vector<16xi32>, vector<16xi32>], vector<16xf32>,
          %add3A_119 = arith.constant 16 : i32
          %add3A_120 = vector.broadcast %add3A_119 : i32 to vector<16xi32>
          %add3A_121 = arith.addi %iota3A, %add3A_120 : vector<16xi32>
          %gather3A_122 = tpu.vector_load_idx %arg4[%add3A_121, %select_n3A] : memref<32x768xf32, #tpu.memory_space<vmem>>[vector<16xi32>, vector<16xi32>], vector<16xf32>,
          %mul3A_123 = arith.constant 32 : i32
          %mul3A_124 = vector.broadcast %mul3A_123 : i32 to vector<16xi32>
          %mul3A_125 = arith.muli %select_n3A, %mul3A_124 : vector<16xi32>
          %add3A_126 = arith.addi %mul3A_125, %iota3A : vector<16xi32>
          tpu.vector_store_idx %arg6[%add3A_126], %gather3A : memref<24576xf32, #tpu.memory_space<vmem>>[vector<16xi32>], vector<16xf32>,
          %mul3A_127 = arith.constant 32 : i32
          %mul3A_128 = vector.broadcast %mul3A_127 : i32 to vector<16xi32>
          %mul3A_129 = arith.muli %select_n3A, %mul3A_128 : vector<16xi32>
          %add3A_130 = arith.constant 16 : i32
          %add3A_131 = vector.broadcast %add3A_130 : i32 to vector<16xi32>
          %add3A_132 = arith.addi %mul3A_129, %add3A_131 : vector<16xi32>
          %add3A_133 = arith.addi %add3A_132, %iota3A : vector<16xi32>
          tpu.vector_store_idx %arg6[%add3A_133], %gather3A_122 : memref<24576xf32, #tpu.memory_space<vmem>>[vector<16xi32>], vector<16xf32>,
          %mul3A_134 = arith.constant 8 : i32
          %mul3A_135 = arith.muli %scan3A_105, %mul3A_134 : i32
          %add3A_136 = arith.constant 1 : i32
          %add3A_137 = arith.addi %mul3A_135, %add3A_136 : i32
          %add3A_138 = vector.broadcast %add3A_137 : i32 to vector<16xi32>
          %add3A_139 = arith.addi %add3A_138, %iota3A : vector<16xi32>
          %ge3A_140 = arith.constant 768 : i32
          %ge3A_141 = vector.broadcast %ge3A_140 : i32 to vector<16xi32>
          %ge3A_142 = arith.cmpi sge, %add3A_139, %ge3A_141 : vector<16xi32>
          %sub3A_143 = arith.constant 768 : i32
          %sub3A_144 = vector.broadcast %sub3A_143 : i32 to vector<16xi32>
          %sub3A_145 = arith.subi %add3A_139, %sub3A_144 : vector<16xi32>
          %select_n3A_146 = arith.select %ge3A_142, %sub3A_145, %add3A_139 : vector<16xi1>, vector<16xi32>
          %gather3A_147 = tpu.vector_load_idx %arg4[%iota3A, %select_n3A_146] : memref<32x768xf32, #tpu.memory_space<vmem>>[vector<16xi32>, vector<16xi32>], vector<16xf32>,
          %add3A_148 = arith.constant 16 : i32
          %add3A_149 = vector.broadcast %add3A_148 : i32 to vector<16xi32>
          %add3A_150 = arith.addi %iota3A, %add3A_149 : vector<16xi32>
          %gather3A_151 = tpu.vector_load_idx %arg4[%add3A_150, %select_n3A_146] : memref<32x768xf32, #tpu.memory_space<vmem>>[vector<16xi32>, vector<16xi32>], vector<16xf32>,
          %mul3A_152 = arith.constant 32 : i32
          %mul3A_153 = vector.broadcast %mul3A_152 : i32 to vector<16xi32>
          %mul3A_154 = arith.muli %select_n3A_146, %mul3A_153 : vector<16xi32>
          %add3A_155 = arith.addi %mul3A_154, %iota3A : vector<16xi32>
          tpu.vector_store_idx %arg6[%add3A_155], %gather3A_147 : memref<24576xf32, #tpu.memory_space<vmem>>[vector<16xi32>], vector<16xf32>,
          %mul3A_156 = arith.constant 32 : i32
          %mul3A_157 = vector.broadcast %mul3A_156 : i32 to vector<16xi32>
          %mul3A_158 = arith.muli %select_n3A_146, %mul3A_157 : vector<16xi32>
          %add3A_159 = arith.constant 16 : i32
          %add3A_160 = vector.broadcast %add3A_159 : i32 to vector<16xi32>
          %add3A_161 = arith.addi %mul3A_158, %add3A_160 : vector<16xi32>
          %add3A_162 = arith.addi %add3A_161, %iota3A : vector<16xi32>
          tpu.vector_store_idx %arg6[%add3A_162], %gather3A_151 : memref<24576xf32, #tpu.memory_space<vmem>>[vector<16xi32>], vector<16xf32>,
          %mul3A_163 = arith.constant 8 : i32
          %mul3A_164 = arith.muli %scan3A_105, %mul3A_163 : i32
          %add3A_165 = arith.constant 2 : i32
          %add3A_166 = arith.addi %mul3A_164, %add3A_165 : i32
          %add3A_167 = vector.broadcast %add3A_166 : i32 to vector<16xi32>
          %add3A_168 = arith.addi %add3A_167, %iota3A : vector<16xi32>
          %ge3A_169 = arith.constant 768 : i32
          %ge3A_170 = vector.broadcast %ge3A_169 : i32 to vector<16xi32>
          %ge3A_171 = arith.cmpi sge, %add3A_168, %ge3A_170 : vector<16xi32>
          %sub3A_172 = arith.constant 768 : i32
          %sub3A_173 = vector.broadcast %sub3A_172 : i32 to vector<16xi32>
          %sub3A_174 = arith.subi %add3A_168, %sub3A_173 : vector<16xi32>
          %select_n3A_175 = arith.select %ge3A_171, %sub3A_174, %add3A_168 : vector<16xi1>, vector<16xi32>
          %gather3A_176 = tpu.vector_load_idx %arg4[%iota3A, %select_n3A_175] : memref<32x768xf32, #tpu.memory_space<vmem>>[vector<16xi32>, vector<16xi32>], vector<16xf32>,
          %add3A_177 = arith.constant 16 : i32
          %add3A_178 = vector.broadcast %add3A_177 : i32 to vector<16xi32>
          %add3A_179 = arith.addi %iota3A, %add3A_178 : vector<16xi32>
          %gather3A_180 = tpu.vector_load_idx %arg4[%add3A_179, %select_n3A_175] : memref<32x768xf32, #tpu.memory_space<vmem>>[vector<16xi32>, vector<16xi32>], vector<16xf32>,
          %mul3A_181 = arith.constant 32 : i32
          %mul3A_182 = vector.broadcast %mul3A_181 : i32 to vector<16xi32>
          %mul3A_183 = arith.muli %select_n3A_175, %mul3A_182 : vector<16xi32>
          %add3A_184 = arith.addi %mul3A_183, %iota3A : vector<16xi32>
          tpu.vector_store_idx %arg6[%add3A_184], %gather3A_176 : memref<24576xf32, #tpu.memory_space<vmem>>[vector<16xi32>], vector<16xf32>,
          %mul3A_185 = arith.constant 32 : i32
          %mul3A_186 = vector.broadcast %mul3A_185 : i32 to vector<16xi32>
          %mul3A_187 = arith.muli %select_n3A_175, %mul3A_186 : vector<16xi32>
          %add3A_188 = arith.constant 16 : i32
          %add3A_189 = vector.broadcast %add3A_188 : i32 to vector<16xi32>
          %add3A_190 = arith.addi %mul3A_187, %add3A_189 : vector<16xi32>
          %add3A_191 = arith.addi %add3A_190, %iota3A : vector<16xi32>
          tpu.vector_store_idx %arg6[%add3A_191], %gather3A_180 : memref<24576xf32, #tpu.memory_space<vmem>>[vector<16xi32>], vector<16xf32>,
          %mul3A_192 = arith.constant 8 : i32
          %mul3A_193 = arith.muli %scan3A_105, %mul3A_192 : i32
          %add3A_194 = arith.constant 3 : i32
          %add3A_195 = arith.addi %mul3A_193, %add3A_194 : i32
          %add3A_196 = vector.broadcast %add3A_195 : i32 to vector<16xi32>
          %add3A_197 = arith.addi %add3A_196, %iota3A : vector<16xi32>
          %ge3A_198 = arith.constant 768 : i32
          %ge3A_199 = vector.broadcast %ge3A_198 : i32 to vector<16xi32>
          %ge3A_200 = arith.cmpi sge, %add3A_197, %ge3A_199 : vector<16xi32>
          %sub3A_201 = arith.constant 768 : i32
          %sub3A_202 = vector.broadcast %sub3A_201 : i32 to vector<16xi32>
          %sub3A_203 = arith.subi %add3A_197, %sub3A_202 : vector<16xi32>
          %select_n3A_204 = arith.select %ge3A_200, %sub3A_203, %add3A_197 : vector<16xi1>, vector<16xi32>
          %gather3A_205 = tpu.vector_load_idx %arg4[%iota3A, %select_n3A_204] : memref<32x768xf32, #tpu.memory_space<vmem>>[vector<16xi32>, vector<16xi32>], vector<16xf32>,
          %add3A_206 = arith.constant 16 : i32
          %add3A_207 = vector.broadcast %add3A_206 : i32 to vector<16xi32>
          %add3A_208 = arith.addi %iota3A, %add3A_207 : vector<16xi32>
          %gather3A_209 = tpu.vector_load_idx %arg4[%add3A_208, %select_n3A_204] : memref<32x768xf32, #tpu.memory_space<vmem>>[vector<16xi32>, vector<16xi32>], vector<16xf32>,
          %mul3A_210 = arith.constant 32 : i32
          %mul3A_211 = vector.broadcast %mul3A_210 : i32 to vector<16xi32>
          %mul3A_212 = arith.muli %select_n3A_204, %mul3A_211 : vector<16xi32>
          %add3A_213 = arith.addi %mul3A_212, %iota3A : vector<16xi32>
          tpu.vector_store_idx %arg6[%add3A_213], %gather3A_205 : memref<24576xf32, #tpu.memory_space<vmem>>[vector<16xi32>], vector<16xf32>,
          %mul3A_214 = arith.constant 32 : i32
          %mul3A_215 = vector.broadcast %mul3A_214 : i32 to vector<16xi32>
          %mul3A_216 = arith.muli %select_n3A_204, %mul3A_215 : vector<16xi32>
          %add3A_217 = arith.constant 16 : i32
          %add3A_218 = vector.broadcast %add3A_217 : i32 to vector<16xi32>
          %add3A_219 = arith.addi %mul3A_216, %add3A_218 : vector<16xi32>
          %add3A_220 = arith.addi %add3A_219, %iota3A : vector<16xi32>
          tpu.vector_store_idx %arg6[%add3A_220], %gather3A_209 : memref<24576xf32, #tpu.memory_space<vmem>>[vector<16xi32>], vector<16xf32>,
          %mul3A_221 = arith.constant 8 : i32
          %mul3A_222 = arith.muli %scan3A_105, %mul3A_221 : i32
          %add3A_223 = arith.constant 4 : i32
          %add3A_224 = arith.addi %mul3A_222, %add3A_223 : i32
          %add3A_225 = vector.broadcast %add3A_224 : i32 to vector<16xi32>
          %add3A_226 = arith.addi %add3A_225, %iota3A : vector<16xi32>
          %ge3A_227 = arith.constant 768 : i32
          %ge3A_228 = vector.broadcast %ge3A_227 : i32 to vector<16xi32>
          %ge3A_229 = arith.cmpi sge, %add3A_226, %ge3A_228 : vector<16xi32>
          %sub3A_230 = arith.constant 768 : i32
          %sub3A_231 = vector.broadcast %sub3A_230 : i32 to vector<16xi32>
          %sub3A_232 = arith.subi %add3A_226, %sub3A_231 : vector<16xi32>
          %select_n3A_233 = arith.select %ge3A_229, %sub3A_232, %add3A_226 : vector<16xi1>, vector<16xi32>
          %gather3A_234 = tpu.vector_load_idx %arg4[%iota3A, %select_n3A_233] : memref<32x768xf32, #tpu.memory_space<vmem>>[vector<16xi32>, vector<16xi32>], vector<16xf32>,
          %add3A_235 = arith.constant 16 : i32
          %add3A_236 = vector.broadcast %add3A_235 : i32 to vector<16xi32>
          %add3A_237 = arith.addi %iota3A, %add3A_236 : vector<16xi32>
          %gather3A_238 = tpu.vector_load_idx %arg4[%add3A_237, %select_n3A_233] : memref<32x768xf32, #tpu.memory_space<vmem>>[vector<16xi32>, vector<16xi32>], vector<16xf32>,
          %mul3A_239 = arith.constant 32 : i32
          %mul3A_240 = vector.broadcast %mul3A_239 : i32 to vector<16xi32>
          %mul3A_241 = arith.muli %select_n3A_233, %mul3A_240 : vector<16xi32>
          %add3A_242 = arith.addi %mul3A_241, %iota3A : vector<16xi32>
          tpu.vector_store_idx %arg6[%add3A_242], %gather3A_234 : memref<24576xf32, #tpu.memory_space<vmem>>[vector<16xi32>], vector<16xf32>,
          %mul3A_243 = arith.constant 32 : i32
          %mul3A_244 = vector.broadcast %mul3A_243 : i32 to vector<16xi32>
          %mul3A_245 = arith.muli %select_n3A_233, %mul3A_244 : vector<16xi32>
          %add3A_246 = arith.constant 16 : i32
          %add3A_247 = vector.broadcast %add3A_246 : i32 to vector<16xi32>
          %add3A_248 = arith.addi %mul3A_245, %add3A_247 : vector<16xi32>
          %add3A_249 = arith.addi %add3A_248, %iota3A : vector<16xi32>
          tpu.vector_store_idx %arg6[%add3A_249], %gather3A_238 : memref<24576xf32, #tpu.memory_space<vmem>>[vector<16xi32>], vector<16xf32>,
          %mul3A_250 = arith.constant 8 : i32
          %mul3A_251 = arith.muli %scan3A_105, %mul3A_250 : i32
          %add3A_252 = arith.constant 5 : i32
          %add3A_253 = arith.addi %mul3A_251, %add3A_252 : i32
          %add3A_254 = vector.broadcast %add3A_253 : i32 to vector<16xi32>
          %add3A_255 = arith.addi %add3A_254, %iota3A : vector<16xi32>
          %ge3A_256 = arith.constant 768 : i32
          %ge3A_257 = vector.broadcast %ge3A_256 : i32 to vector<16xi32>
          %ge3A_258 = arith.cmpi sge, %add3A_255, %ge3A_257 : vector<16xi32>
          %sub3A_259 = arith.constant 768 : i32
          %sub3A_260 = vector.broadcast %sub3A_259 : i32 to vector<16xi32>
          %sub3A_261 = arith.subi %add3A_255, %sub3A_260 : vector<16xi32>
          %select_n3A_262 = arith.select %ge3A_258, %sub3A_261, %add3A_255 : vector<16xi1>, vector<16xi32>
          %gather3A_263 = tpu.vector_load_idx %arg4[%iota3A, %select_n3A_262] : memref<32x768xf32, #tpu.memory_space<vmem>>[vector<16xi32>, vector<16xi32>], vector<16xf32>,
          %add3A_264 = arith.constant 16 : i32
          %add3A_265 = vector.broadcast %add3A_264 : i32 to vector<16xi32>
          %add3A_266 = arith.addi %iota3A, %add3A_265 : vector<16xi32>
          %gather3A_267 = tpu.vector_load_idx %arg4[%add3A_266, %select_n3A_262] : memref<32x768xf32, #tpu.memory_space<vmem>>[vector<16xi32>, vector<16xi32>], vector<16xf32>,
          %mul3A_268 = arith.constant 32 : i32
          %mul3A_269 = vector.broadcast %mul3A_268 : i32 to vector<16xi32>
          %mul3A_270 = arith.muli %select_n3A_262, %mul3A_269 : vector<16xi32>
          %add3A_271 = arith.addi %mul3A_270, %iota3A : vector<16xi32>
          tpu.vector_store_idx %arg6[%add3A_271], %gather3A_263 : memref<24576xf32, #tpu.memory_space<vmem>>[vector<16xi32>], vector<16xf32>,
          %mul3A_272 = arith.constant 32 : i32
          %mul3A_273 = vector.broadcast %mul3A_272 : i32 to vector<16xi32>
          %mul3A_274 = arith.muli %select_n3A_262, %mul3A_273 : vector<16xi32>
          %add3A_275 = arith.constant 16 : i32
          %add3A_276 = vector.broadcast %add3A_275 : i32 to vector<16xi32>
          %add3A_277 = arith.addi %mul3A_274, %add3A_276 : vector<16xi32>
          %add3A_278 = arith.addi %add3A_277, %iota3A : vector<16xi32>
          tpu.vector_store_idx %arg6[%add3A_278], %gather3A_267 : memref<24576xf32, #tpu.memory_space<vmem>>[vector<16xi32>], vector<16xf32>,
          %mul3A_279 = arith.constant 8 : i32
          %mul3A_280 = arith.muli %scan3A_105, %mul3A_279 : i32
          %add3A_281 = arith.constant 6 : i32
          %add3A_282 = arith.addi %mul3A_280, %add3A_281 : i32
          %add3A_283 = vector.broadcast %add3A_282 : i32 to vector<16xi32>
          %add3A_284 = arith.addi %add3A_283, %iota3A : vector<16xi32>
          %ge3A_285 = arith.constant 768 : i32
          %ge3A_286 = vector.broadcast %ge3A_285 : i32 to vector<16xi32>
          %ge3A_287 = arith.cmpi sge, %add3A_284, %ge3A_286 : vector<16xi32>
          %sub3A_288 = arith.constant 768 : i32
          %sub3A_289 = vector.broadcast %sub3A_288 : i32 to vector<16xi32>
          %sub3A_290 = arith.subi %add3A_284, %sub3A_289 : vector<16xi32>
          %select_n3A_291 = arith.select %ge3A_287, %sub3A_290, %add3A_284 : vector<16xi1>, vector<16xi32>
          %gather3A_292 = tpu.vector_load_idx %arg4[%iota3A, %select_n3A_291] : memref<32x768xf32, #tpu.memory_space<vmem>>[vector<16xi32>, vector<16xi32>], vector<16xf32>,
          %add3A_293 = arith.constant 16 : i32
          %add3A_294 = vector.broadcast %add3A_293 : i32 to vector<16xi32>
          %add3A_295 = arith.addi %iota3A, %add3A_294 : vector<16xi32>
          %gather3A_296 = tpu.vector_load_idx %arg4[%add3A_295, %select_n3A_291] : memref<32x768xf32, #tpu.memory_space<vmem>>[vector<16xi32>, vector<16xi32>], vector<16xf32>,
          %mul3A_297 = arith.constant 32 : i32
          %mul3A_298 = vector.broadcast %mul3A_297 : i32 to vector<16xi32>
          %mul3A_299 = arith.muli %select_n3A_291, %mul3A_298 : vector<16xi32>
          %add3A_300 = arith.addi %mul3A_299, %iota3A : vector<16xi32>
          tpu.vector_store_idx %arg6[%add3A_300], %gather3A_292 : memref<24576xf32, #tpu.memory_space<vmem>>[vector<16xi32>], vector<16xf32>,
          %mul3A_301 = arith.constant 32 : i32
          %mul3A_302 = vector.broadcast %mul3A_301 : i32 to vector<16xi32>
          %mul3A_303 = arith.muli %select_n3A_291, %mul3A_302 : vector<16xi32>
          %add3A_304 = arith.constant 16 : i32
          %add3A_305 = vector.broadcast %add3A_304 : i32 to vector<16xi32>
          %add3A_306 = arith.addi %mul3A_303, %add3A_305 : vector<16xi32>
          %add3A_307 = arith.addi %add3A_306, %iota3A : vector<16xi32>
          tpu.vector_store_idx %arg6[%add3A_307], %gather3A_296 : memref<24576xf32, #tpu.memory_space<vmem>>[vector<16xi32>], vector<16xf32>,
          %mul3A_308 = arith.constant 8 : i32
          %mul3A_309 = arith.muli %scan3A_105, %mul3A_308 : i32
          %add3A_310 = arith.constant 7 : i32
          %add3A_311 = arith.addi %mul3A_309, %add3A_310 : i32
          %add3A_312 = vector.broadcast %add3A_311 : i32 to vector<16xi32>
          %add3A_313 = arith.addi %add3A_312, %iota3A : vector<16xi32>
          %ge3A_314 = arith.constant 768 : i32
          %ge3A_315 = vector.broadcast %ge3A_314 : i32 to vector<16xi32>
          %ge3A_316 = arith.cmpi sge, %add3A_313, %ge3A_315 : vector<16xi32>
          %sub3A_317 = arith.constant 768 : i32
          %sub3A_318 = vector.broadcast %sub3A_317 : i32 to vector<16xi32>
          %sub3A_319 = arith.subi %add3A_313, %sub3A_318 : vector<16xi32>
          %select_n3A_320 = arith.select %ge3A_316, %sub3A_319, %add3A_313 : vector<16xi1>, vector<16xi32>
          %gather3A_321 = tpu.vector_load_idx %arg4[%iota3A, %select_n3A_320] : memref<32x768xf32, #tpu.memory_space<vmem>>[vector<16xi32>, vector<16xi32>], vector<16xf32>,
          %add3A_322 = arith.constant 16 : i32
          %add3A_323 = vector.broadcast %add3A_322 : i32 to vector<16xi32>
          %add3A_324 = arith.addi %iota3A, %add3A_323 : vector<16xi32>
          %gather3A_325 = tpu.vector_load_idx %arg4[%add3A_324, %select_n3A_320] : memref<32x768xf32, #tpu.memory_space<vmem>>[vector<16xi32>, vector<16xi32>], vector<16xf32>,
          %mul3A_326 = arith.constant 32 : i32
          %mul3A_327 = vector.broadcast %mul3A_326 : i32 to vector<16xi32>
          %mul3A_328 = arith.muli %select_n3A_320, %mul3A_327 : vector<16xi32>
          %add3A_329 = arith.addi %mul3A_328, %iota3A : vector<16xi32>
          tpu.vector_store_idx %arg6[%add3A_329], %gather3A_321 : memref<24576xf32, #tpu.memory_space<vmem>>[vector<16xi32>], vector<16xf32>,
          %mul3A_330 = arith.constant 32 : i32
          %mul3A_331 = vector.broadcast %mul3A_330 : i32 to vector<16xi32>
          %mul3A_332 = arith.muli %select_n3A_320, %mul3A_331 : vector<16xi32>
          %add3A_333 = arith.constant 16 : i32
          %add3A_334 = vector.broadcast %add3A_333 : i32 to vector<16xi32>
          %add3A_335 = arith.addi %mul3A_332, %add3A_334 : vector<16xi32>
          %add3A_336 = arith.addi %add3A_335, %iota3A : vector<16xi32>
          tpu.vector_store_idx %arg6[%add3A_336], %gather3A_325 : memref<24576xf32, #tpu.memory_space<vmem>>[vector<16xi32>], vector<16xf32>,
          %scan3A_337 = arith.constant 0 : i32
          scf.yield %scan3A_337 : i32
        }
        %scan3A_90 = arith.constant 96 : i32
        %mul3A_91 = arith.constant 768 : i32
        %mul3A_92 = arith.muli %add3A_48, %mul3A_91 : i32
        %mul3A_93 = arith.constant 32 : i32
        %mul3A_94 = arith.muli %mul3A_92, %mul3A_93 : i32
        %multiple_of3A = tpu.assume_multiple %mul3A_94, 8 : i32
        %eq3A_95 = arith.constant 1302 : i32
        %eq3A_96 = arith.cmpi eq, %add3A_48, %eq3A_95 : i32
        %not3A_97 = arith.constant true
        %not3A_98 = arith.xori %eq3A_96, %not3A_97 : i1
        %convert_element_type3A_99 = arith.extui %not3A_98 : i1 to i32
        %cond3A_100 = arith.constant 0 : i32
        %cond3A_101 = arith.cmpi ne, %convert_element_type3A_99, %cond3A_100 : i32
        scf.if %cond3A_101 {
          %dma_start3A = tpu.memref_slice %arg3[%multiple_of3A] : memref<32000000xf32, #tpu.memory_space<hbm>> -> memref<24576xf32, #tpu.memory_space<hbm>>
          %dma_start3A_105 = tpu.memref_slice %arg3[%multiple_of3A] : memref<32000000xf32, #tpu.memory_space<hbm>> -> memref<24576xf32, #tpu.memory_space<hbm>>
          tpu.enqueue_dma source(%arg6 : memref<24576xf32, #tpu.memory_space<vmem>>) target(%dma_start3A_105 : memref<24576xf32, #tpu.memory_space<hbm>>) target_semaphore(%arg9 : memref<!tpu.dma_semaphore, #tpu.memory_space<semaphore_mem>>)
        } else {
        }
        %convert_element_type3A_102 = arith.extui %eq3A_96 : i1 to i32
        %cond3A_103 = arith.constant 0 : i32
        %cond3A_104 = arith.cmpi ne, %convert_element_type3A_102, %cond3A_103 : i32
        scf.if %cond3A_104 {
          %dma_start3A = arith.constant 0 : i32
          %dma_start3A_105 = tpu.memref_slice %arg6[%dma_start3A] : memref<24576xf32, #tpu.memory_space<vmem>> -> memref<2048xf32, #tpu.memory_space<vmem>>
          %dma_start3A_106 = tpu.memref_slice %arg3[%multiple_of3A] : memref<32000000xf32, #tpu.memory_space<hbm>> -> memref<2048xf32, #tpu.memory_space<hbm>>
          %dma_start3A_107 = tpu.memref_slice %arg3[%multiple_of3A] : memref<32000000xf32, #tpu.memory_space<hbm>> -> memref<2048xf32, #tpu.memory_space<hbm>>
          %dma_start3A_108 = arith.constant 0 : i32
          %dma_start3A_109 = tpu.memref_slice %arg6[%dma_start3A_108] : memref<24576xf32, #tpu.memory_space<vmem>> -> memref<2048xf32, #tpu.memory_space<vmem>>
          tpu.enqueue_dma source(%dma_start3A_109 : memref<2048xf32, #tpu.memory_space<vmem>>) target(%dma_start3A_107 : memref<2048xf32, #tpu.memory_space<hbm>>) target_semaphore(%arg9 : memref<!tpu.dma_semaphore, #tpu.memory_space<semaphore_mem>>)
        } else {
        }
      } else {
      }
      %mul3A_53 = arith.constant 2 : i32
      %mul3A_54 = arith.muli %mul3A_53, %scan3A_42 : i32
      %add3A_55 = arith.addi %mul3A_2, %mul3A_54 : i32
      %add3A_56 = arith.constant 1 : i32
      %add3A_57 = arith.addi %add3A_55, %add3A_56 : i32
      %lt3A_58 = arith.cmpi slt, %add3A_57, %min3A_5 : i32
      %convert_element_type3A_59 = arith.extui %lt3A_58 : i1 to i32
      %cond3A_60 = arith.constant 0 : i32
      %cond3A_61 = arith.cmpi ne, %convert_element_type3A_59, %cond3A_60 : i32
      scf.if %cond3A_61 {
        %eq3A_63 = arith.constant 1302 : i32
        %eq3A_64 = arith.cmpi eq, %add3A_57, %eq3A_63 : i32
        %not3A = arith.constant true
        %not3A_65 = arith.xori %eq3A_64, %not3A : i1
        %convert_element_type3A_66 = arith.extui %not3A_65 : i1 to i32
        %cond3A_67 = arith.constant 0 : i32
        %cond3A_68 = arith.cmpi ne, %convert_element_type3A_66, %cond3A_67 : i32
        scf.if %cond3A_68 {
          %dma_wait3A = arith.constant 0 : i32
          %dma_wait3A_105 = arith.constant 0 : i32
          %dma_wait3A_106 = tpu.memref_slice %arg2[%dma_wait3A, %dma_wait3A_105] : memref<32x1000000xf32, #tpu.memory_space<hbm>> -> memref<32x768xf32, #tpu.memory_space<hbm>>
          %dma_wait3A_107 = arith.constant 0 : i32
          %dma_wait3A_108 = arith.constant 0 : i32
          %dma_wait3A_109 = tpu.memref_slice %arg2[%dma_wait3A_107, %dma_wait3A_108] : memref<32x1000000xf32, #tpu.memory_space<hbm>> -> memref<32x768xf32, #tpu.memory_space<hbm>>
          tpu.wait_dma2 semaphore(%arg8 : memref<!tpu.dma_semaphore, #tpu.memory_space<semaphore_mem>>) src(%dma_wait3A_109 : memref<32x768xf32, #tpu.memory_space<hbm>>) dst(%arg5 : memref<32x768xf32, #tpu.memory_space<vmem>>)
        } else {
        }
        %convert_element_type3A_69 = arith.extui %eq3A_64 : i1 to i32
        %cond3A_70 = arith.constant 0 : i32
        %cond3A_71 = arith.cmpi ne, %convert_element_type3A_69, %cond3A_70 : i32
        scf.if %cond3A_71 {
          %dma_wait3A = arith.constant 0 : i32
          %dma_wait3A_105 = arith.constant 0 : i32
          %dma_wait3A_106 = tpu.memref_slice %arg5[%dma_wait3A, %dma_wait3A_105] : memref<32x768xf32, #tpu.memory_space<vmem>> -> memref<32x128xf32, #tpu.memory_space<vmem>>
          %dma_wait3A_107 = arith.constant 0 : i32
          %dma_wait3A_108 = arith.constant 0 : i32
          %dma_wait3A_109 = tpu.memref_slice %arg2[%dma_wait3A_107, %dma_wait3A_108] : memref<32x1000000xf32, #tpu.memory_space<hbm>> -> memref<32x128xf32, #tpu.memory_space<hbm>>
          %dma_wait3A_110 = arith.constant 0 : i32
          %dma_wait3A_111 = arith.constant 0 : i32
          %dma_wait3A_112 = tpu.memref_slice %arg5[%dma_wait3A_110, %dma_wait3A_111] : memref<32x768xf32, #tpu.memory_space<vmem>> -> memref<32x128xf32, #tpu.memory_space<vmem>>
          %dma_wait3A_113 = arith.constant 0 : i32
          %dma_wait3A_114 = arith.constant 0 : i32
          %dma_wait3A_115 = tpu.memref_slice %arg2[%dma_wait3A_113, %dma_wait3A_114] : memref<32x1000000xf32, #tpu.memory_space<hbm>> -> memref<32x128xf32, #tpu.memory_space<hbm>>
          tpu.wait_dma2 semaphore(%arg8 : memref<!tpu.dma_semaphore, #tpu.memory_space<semaphore_mem>>) src(%dma_wait3A_115 : memref<32x128xf32, #tpu.memory_space<hbm>>) dst(%dma_wait3A_112 : memref<32x128xf32, #tpu.memory_space<vmem>>)
        } else {
        }
        %add3A_72 = arith.constant 1 : i32
        %add3A_73 = arith.addi %add3A_57, %add3A_72 : i32
        %lt3A_74 = arith.cmpi slt, %add3A_73, %min3A_5 : i32
        %convert_element_type3A_75 = arith.extui %lt3A_74 : i1 to i32
        %cond3A_76 = arith.constant 0 : i32
        %cond3A_77 = arith.cmpi ne, %convert_element_type3A_75, %cond3A_76 : i32
        scf.if %cond3A_77 {
          %add3A_105 = arith.constant 1 : i32
          %add3A_106 = arith.addi %add3A_57, %add3A_105 : i32
          %mul3A_107 = arith.constant 768 : i32
          %mul3A_108 = arith.muli %add3A_106, %mul3A_107 : i32
          %multiple_of3A_109 = tpu.assume_multiple %mul3A_108, 128 : i32
          %eq3A_110 = arith.constant 1302 : i32
          %eq3A_111 = arith.cmpi eq, %add3A_106, %eq3A_110 : i32
          %not3A_112 = arith.constant true
          %not3A_113 = arith.xori %eq3A_111, %not3A_112 : i1
          %convert_element_type3A_114 = arith.extui %not3A_113 : i1 to i32
          %cond3A_115 = arith.constant 0 : i32
          %cond3A_116 = arith.cmpi ne, %convert_element_type3A_114, %cond3A_115 : i32
          scf.if %cond3A_116 {
            %dma_start3A = arith.constant 0 : i32
            %dma_start3A_120 = tpu.memref_slice %arg2[%dma_start3A, %multiple_of3A_109] : memref<32x1000000xf32, #tpu.memory_space<hbm>> -> memref<32x768xf32, #tpu.memory_space<hbm>>
            %dma_start3A_121 = arith.constant 0 : i32
            %dma_start3A_122 = tpu.memref_slice %arg2[%dma_start3A_121, %multiple_of3A_109] : memref<32x1000000xf32, #tpu.memory_space<hbm>> -> memref<32x768xf32, #tpu.memory_space<hbm>>
            tpu.enqueue_dma source(%dma_start3A_122 : memref<32x768xf32, #tpu.memory_space<hbm>>) target(%arg4 : memref<32x768xf32, #tpu.memory_space<vmem>>) target_semaphore(%arg8 : memref<!tpu.dma_semaphore, #tpu.memory_space<semaphore_mem>>)
          } else {
          }
          %convert_element_type3A_117 = arith.extui %eq3A_111 : i1 to i32
          %cond3A_118 = arith.constant 0 : i32
          %cond3A_119 = arith.cmpi ne, %convert_element_type3A_117, %cond3A_118 : i32
          scf.if %cond3A_119 {
            %dma_start3A = arith.constant 0 : i32
            %dma_start3A_120 = arith.constant 0 : i32
            %dma_start3A_121 = tpu.memref_slice %arg4[%dma_start3A, %dma_start3A_120] : memref<32x768xf32, #tpu.memory_space<vmem>> -> memref<32x128xf32, #tpu.memory_space<vmem>>
            %dma_start3A_122 = arith.constant 0 : i32
            %dma_start3A_123 = tpu.memref_slice %arg2[%dma_start3A_122, %multiple_of3A_109] : memref<32x1000000xf32, #tpu.memory_space<hbm>> -> memref<32x128xf32, #tpu.memory_space<hbm>>
            %dma_start3A_124 = arith.constant 0 : i32
            %dma_start3A_125 = arith.constant 0 : i32
            %dma_start3A_126 = tpu.memref_slice %arg4[%dma_start3A_124, %dma_start3A_125] : memref<32x768xf32, #tpu.memory_space<vmem>> -> memref<32x128xf32, #tpu.memory_space<vmem>>
            %dma_start3A_127 = arith.constant 0 : i32
            %dma_start3A_128 = tpu.memref_slice %arg2[%dma_start3A_127, %multiple_of3A_109] : memref<32x1000000xf32, #tpu.memory_space<hbm>> -> memref<32x128xf32, #tpu.memory_space<hbm>>
            tpu.enqueue_dma source(%dma_start3A_128 : memref<32x128xf32, #tpu.memory_space<hbm>>) target(%dma_start3A_126 : memref<32x128xf32, #tpu.memory_space<vmem>>) target_semaphore(%arg8 : memref<!tpu.dma_semaphore, #tpu.memory_space<semaphore_mem>>)
          } else {
          }
        } else {
        }
        %sub3A_78 = arith.constant 2 : i32
        %sub3A_79 = arith.subi %add3A_57, %sub3A_78 : i32
        %ge3A_80 = arith.cmpi sge, %sub3A_79, %mul3A_2 : i32
        %convert_element_type3A_81 = arith.extui %ge3A_80 : i1 to i32
        %cond3A_82 = arith.constant 0 : i32
        %cond3A_83 = arith.cmpi ne, %convert_element_type3A_81, %cond3A_82 : i32
        scf.if %cond3A_83 {
          %dma_wait3A = arith.constant 0 : i32
          %dma_wait3A_105 = tpu.memref_slice %arg6[%dma_wait3A] : memref<24576xf32, #tpu.memory_space<vmem>> -> memref<24576xf32, #tpu.memory_space<vmem>>
          %dma_wait3A_106 = arith.constant 0 : i32
          %dma_wait3A_107 = tpu.memref_slice %arg3[%dma_wait3A_106] : memref<32000000xf32, #tpu.memory_space<hbm>> -> memref<24576xf32, #tpu.memory_space<hbm>>
          %dma_wait3A_108 = arith.constant 0 : i32
          %dma_wait3A_109 = tpu.memref_slice %arg3[%dma_wait3A_108] : memref<32000000xf32, #tpu.memory_space<hbm>> -> memref<24576xf32, #tpu.memory_space<hbm>>
          %dma_wait3A_110 = arith.constant 0 : i32
          %dma_wait3A_111 = tpu.memref_slice %arg6[%dma_wait3A_110] : memref<24576xf32, #tpu.memory_space<vmem>> -> memref<24576xf32, #tpu.memory_space<vmem>>
          tpu.wait_dma2 semaphore(%arg9 : memref<!tpu.dma_semaphore, #tpu.memory_space<semaphore_mem>>) src(%dma_wait3A_111 : memref<24576xf32, #tpu.memory_space<vmem>>) dst(%dma_wait3A_109 : memref<24576xf32, #tpu.memory_space<hbm>>)
        } else {
        }
        %scan3A_84 = arith.constant 0 : i32
        %scan3A_85 = arith.constant 0 : i32
        %scan3A_86 = arith.constant 96 : i32
        %scan3A_87 = arith.addi %scan3A_85, %scan3A_86 : i32
        %scan3A_88 = arith.constant 1 : i32
        %scan3A_89 = scf.for %scan3A_105 = %scan3A_85 to %scan3A_87 step %scan3A_88 iter_args(%scan3A_106 = %scan3A_84) -> (i32)  : i32 {
          %mul3A_107 = arith.constant 8 : i32
          %mul3A_108 = arith.muli %scan3A_105, %mul3A_107 : i32
          %add3A_109 = arith.constant 0 : i32
          %add3A_110 = arith.addi %mul3A_108, %add3A_109 : i32
          %add3A_111 = vector.broadcast %add3A_110 : i32 to vector<16xi32>
          %add3A_112 = arith.addi %add3A_111, %iota3A : vector<16xi32>
          %ge3A_113 = arith.constant 768 : i32
          %ge3A_114 = vector.broadcast %ge3A_113 : i32 to vector<16xi32>
          %ge3A_115 = arith.cmpi sge, %add3A_112, %ge3A_114 : vector<16xi32>
          %sub3A_116 = arith.constant 768 : i32
          %sub3A_117 = vector.broadcast %sub3A_116 : i32 to vector<16xi32>
          %sub3A_118 = arith.subi %add3A_112, %sub3A_117 : vector<16xi32>
          %select_n3A = arith.select %ge3A_115, %sub3A_118, %add3A_112 : vector<16xi1>, vector<16xi32>
          %gather3A = tpu.vector_load_idx %arg5[%iota3A, %select_n3A] : memref<32x768xf32, #tpu.memory_space<vmem>>[vector<16xi32>, vector<16xi32>], vector<16xf32>,
          %add3A_119 = arith.constant 16 : i32
          %add3A_120 = vector.broadcast %add3A_119 : i32 to vector<16xi32>
          %add3A_121 = arith.addi %iota3A, %add3A_120 : vector<16xi32>
          %gather3A_122 = tpu.vector_load_idx %arg5[%add3A_121, %select_n3A] : memref<32x768xf32, #tpu.memory_space<vmem>>[vector<16xi32>, vector<16xi32>], vector<16xf32>,
          %mul3A_123 = arith.constant 32 : i32
          %mul3A_124 = vector.broadcast %mul3A_123 : i32 to vector<16xi32>
          %mul3A_125 = arith.muli %select_n3A, %mul3A_124 : vector<16xi32>
          %add3A_126 = arith.addi %mul3A_125, %iota3A : vector<16xi32>
          tpu.vector_store_idx %arg7[%add3A_126], %gather3A : memref<24576xf32, #tpu.memory_space<vmem>>[vector<16xi32>], vector<16xf32>,
          %mul3A_127 = arith.constant 32 : i32
          %mul3A_128 = vector.broadcast %mul3A_127 : i32 to vector<16xi32>
          %mul3A_129 = arith.muli %select_n3A, %mul3A_128 : vector<16xi32>
          %add3A_130 = arith.constant 16 : i32
          %add3A_131 = vector.broadcast %add3A_130 : i32 to vector<16xi32>
          %add3A_132 = arith.addi %mul3A_129, %add3A_131 : vector<16xi32>
          %add3A_133 = arith.addi %add3A_132, %iota3A : vector<16xi32>
          tpu.vector_store_idx %arg7[%add3A_133], %gather3A_122 : memref<24576xf32, #tpu.memory_space<vmem>>[vector<16xi32>], vector<16xf32>,
          %mul3A_134 = arith.constant 8 : i32
          %mul3A_135 = arith.muli %scan3A_105, %mul3A_134 : i32
          %add3A_136 = arith.constant 1 : i32
          %add3A_137 = arith.addi %mul3A_135, %add3A_136 : i32
          %add3A_138 = vector.broadcast %add3A_137 : i32 to vector<16xi32>
          %add3A_139 = arith.addi %add3A_138, %iota3A : vector<16xi32>
          %ge3A_140 = arith.constant 768 : i32
          %ge3A_141 = vector.broadcast %ge3A_140 : i32 to vector<16xi32>
          %ge3A_142 = arith.cmpi sge, %add3A_139, %ge3A_141 : vector<16xi32>
          %sub3A_143 = arith.constant 768 : i32
          %sub3A_144 = vector.broadcast %sub3A_143 : i32 to vector<16xi32>
          %sub3A_145 = arith.subi %add3A_139, %sub3A_144 : vector<16xi32>
          %select_n3A_146 = arith.select %ge3A_142, %sub3A_145, %add3A_139 : vector<16xi1>, vector<16xi32>
          %gather3A_147 = tpu.vector_load_idx %arg5[%iota3A, %select_n3A_146] : memref<32x768xf32, #tpu.memory_space<vmem>>[vector<16xi32>, vector<16xi32>], vector<16xf32>,
          %add3A_148 = arith.constant 16 : i32
          %add3A_149 = vector.broadcast %add3A_148 : i32 to vector<16xi32>
          %add3A_150 = arith.addi %iota3A, %add3A_149 : vector<16xi32>
          %gather3A_151 = tpu.vector_load_idx %arg5[%add3A_150, %select_n3A_146] : memref<32x768xf32, #tpu.memory_space<vmem>>[vector<16xi32>, vector<16xi32>], vector<16xf32>,
          %mul3A_152 = arith.constant 32 : i32
          %mul3A_153 = vector.broadcast %mul3A_152 : i32 to vector<16xi32>
          %mul3A_154 = arith.muli %select_n3A_146, %mul3A_153 : vector<16xi32>
          %add3A_155 = arith.addi %mul3A_154, %iota3A : vector<16xi32>
          tpu.vector_store_idx %arg7[%add3A_155], %gather3A_147 : memref<24576xf32, #tpu.memory_space<vmem>>[vector<16xi32>], vector<16xf32>,
          %mul3A_156 = arith.constant 32 : i32
          %mul3A_157 = vector.broadcast %mul3A_156 : i32 to vector<16xi32>
          %mul3A_158 = arith.muli %select_n3A_146, %mul3A_157 : vector<16xi32>
          %add3A_159 = arith.constant 16 : i32
          %add3A_160 = vector.broadcast %add3A_159 : i32 to vector<16xi32>
          %add3A_161 = arith.addi %mul3A_158, %add3A_160 : vector<16xi32>
          %add3A_162 = arith.addi %add3A_161, %iota3A : vector<16xi32>
          tpu.vector_store_idx %arg7[%add3A_162], %gather3A_151 : memref<24576xf32, #tpu.memory_space<vmem>>[vector<16xi32>], vector<16xf32>,
          %mul3A_163 = arith.constant 8 : i32
          %mul3A_164 = arith.muli %scan3A_105, %mul3A_163 : i32
          %add3A_165 = arith.constant 2 : i32
          %add3A_166 = arith.addi %mul3A_164, %add3A_165 : i32
          %add3A_167 = vector.broadcast %add3A_166 : i32 to vector<16xi32>
          %add3A_168 = arith.addi %add3A_167, %iota3A : vector<16xi32>
          %ge3A_169 = arith.constant 768 : i32
          %ge3A_170 = vector.broadcast %ge3A_169 : i32 to vector<16xi32>
          %ge3A_171 = arith.cmpi sge, %add3A_168, %ge3A_170 : vector<16xi32>
          %sub3A_172 = arith.constant 768 : i32
          %sub3A_173 = vector.broadcast %sub3A_172 : i32 to vector<16xi32>
          %sub3A_174 = arith.subi %add3A_168, %sub3A_173 : vector<16xi32>
          %select_n3A_175 = arith.select %ge3A_171, %sub3A_174, %add3A_168 : vector<16xi1>, vector<16xi32>
          %gather3A_176 = tpu.vector_load_idx %arg5[%iota3A, %select_n3A_175] : memref<32x768xf32, #tpu.memory_space<vmem>>[vector<16xi32>, vector<16xi32>], vector<16xf32>,
          %add3A_177 = arith.constant 16 : i32
          %add3A_178 = vector.broadcast %add3A_177 : i32 to vector<16xi32>
          %add3A_179 = arith.addi %iota3A, %add3A_178 : vector<16xi32>
          %gather3A_180 = tpu.vector_load_idx %arg5[%add3A_179, %select_n3A_175] : memref<32x768xf32, #tpu.memory_space<vmem>>[vector<16xi32>, vector<16xi32>], vector<16xf32>,
          %mul3A_181 = arith.constant 32 : i32
          %mul3A_182 = vector.broadcast %mul3A_181 : i32 to vector<16xi32>
          %mul3A_183 = arith.muli %select_n3A_175, %mul3A_182 : vector<16xi32>
          %add3A_184 = arith.addi %mul3A_183, %iota3A : vector<16xi32>
          tpu.vector_store_idx %arg7[%add3A_184], %gather3A_176 : memref<24576xf32, #tpu.memory_space<vmem>>[vector<16xi32>], vector<16xf32>,
          %mul3A_185 = arith.constant 32 : i32
          %mul3A_186 = vector.broadcast %mul3A_185 : i32 to vector<16xi32>
          %mul3A_187 = arith.muli %select_n3A_175, %mul3A_186 : vector<16xi32>
          %add3A_188 = arith.constant 16 : i32
          %add3A_189 = vector.broadcast %add3A_188 : i32 to vector<16xi32>
          %add3A_190 = arith.addi %mul3A_187, %add3A_189 : vector<16xi32>
          %add3A_191 = arith.addi %add3A_190, %iota3A : vector<16xi32>
          tpu.vector_store_idx %arg7[%add3A_191], %gather3A_180 : memref<24576xf32, #tpu.memory_space<vmem>>[vector<16xi32>], vector<16xf32>,
          %mul3A_192 = arith.constant 8 : i32
          %mul3A_193 = arith.muli %scan3A_105, %mul3A_192 : i32
          %add3A_194 = arith.constant 3 : i32
          %add3A_195 = arith.addi %mul3A_193, %add3A_194 : i32
          %add3A_196 = vector.broadcast %add3A_195 : i32 to vector<16xi32>
          %add3A_197 = arith.addi %add3A_196, %iota3A : vector<16xi32>
          %ge3A_198 = arith.constant 768 : i32
          %ge3A_199 = vector.broadcast %ge3A_198 : i32 to vector<16xi32>
          %ge3A_200 = arith.cmpi sge, %add3A_197, %ge3A_199 : vector<16xi32>
          %sub3A_201 = arith.constant 768 : i32
          %sub3A_202 = vector.broadcast %sub3A_201 : i32 to vector<16xi32>
          %sub3A_203 = arith.subi %add3A_197, %sub3A_202 : vector<16xi32>
          %select_n3A_204 = arith.select %ge3A_200, %sub3A_203, %add3A_197 : vector<16xi1>, vector<16xi32>
          %gather3A_205 = tpu.vector_load_idx %arg5[%iota3A, %select_n3A_204] : memref<32x768xf32, #tpu.memory_space<vmem>>[vector<16xi32>, vector<16xi32>], vector<16xf32>,
          %add3A_206 = arith.constant 16 : i32
          %add3A_207 = vector.broadcast %add3A_206 : i32 to vector<16xi32>
          %add3A_208 = arith.addi %iota3A, %add3A_207 : vector<16xi32>
          %gather3A_209 = tpu.vector_load_idx %arg5[%add3A_208, %select_n3A_204] : memref<32x768xf32, #tpu.memory_space<vmem>>[vector<16xi32>, vector<16xi32>], vector<16xf32>,
          %mul3A_210 = arith.constant 32 : i32
          %mul3A_211 = vector.broadcast %mul3A_210 : i32 to vector<16xi32>
          %mul3A_212 = arith.muli %select_n3A_204, %mul3A_211 : vector<16xi32>
          %add3A_213 = arith.addi %mul3A_212, %iota3A : vector<16xi32>
          tpu.vector_store_idx %arg7[%add3A_213], %gather3A_205 : memref<24576xf32, #tpu.memory_space<vmem>>[vector<16xi32>], vector<16xf32>,
          %mul3A_214 = arith.constant 32 : i32
          %mul3A_215 = vector.broadcast %mul3A_214 : i32 to vector<16xi32>
          %mul3A_216 = arith.muli %select_n3A_204, %mul3A_215 : vector<16xi32>
          %add3A_217 = arith.constant 16 : i32
          %add3A_218 = vector.broadcast %add3A_217 : i32 to vector<16xi32>
          %add3A_219 = arith.addi %mul3A_216, %add3A_218 : vector<16xi32>
          %add3A_220 = arith.addi %add3A_219, %iota3A : vector<16xi32>
          tpu.vector_store_idx %arg7[%add3A_220], %gather3A_209 : memref<24576xf32, #tpu.memory_space<vmem>>[vector<16xi32>], vector<16xf32>,
          %mul3A_221 = arith.constant 8 : i32
          %mul3A_222 = arith.muli %scan3A_105, %mul3A_221 : i32
          %add3A_223 = arith.constant 4 : i32
          %add3A_224 = arith.addi %mul3A_222, %add3A_223 : i32
          %add3A_225 = vector.broadcast %add3A_224 : i32 to vector<16xi32>
          %add3A_226 = arith.addi %add3A_225, %iota3A : vector<16xi32>
          %ge3A_227 = arith.constant 768 : i32
          %ge3A_228 = vector.broadcast %ge3A_227 : i32 to vector<16xi32>
          %ge3A_229 = arith.cmpi sge, %add3A_226, %ge3A_228 : vector<16xi32>
          %sub3A_230 = arith.constant 768 : i32
          %sub3A_231 = vector.broadcast %sub3A_230 : i32 to vector<16xi32>
          %sub3A_232 = arith.subi %add3A_226, %sub3A_231 : vector<16xi32>
          %select_n3A_233 = arith.select %ge3A_229, %sub3A_232, %add3A_226 : vector<16xi1>, vector<16xi32>
          %gather3A_234 = tpu.vector_load_idx %arg5[%iota3A, %select_n3A_233] : memref<32x768xf32, #tpu.memory_space<vmem>>[vector<16xi32>, vector<16xi32>], vector<16xf32>,
          %add3A_235 = arith.constant 16 : i32
          %add3A_236 = vector.broadcast %add3A_235 : i32 to vector<16xi32>
          %add3A_237 = arith.addi %iota3A, %add3A_236 : vector<16xi32>
          %gather3A_238 = tpu.vector_load_idx %arg5[%add3A_237, %select_n3A_233] : memref<32x768xf32, #tpu.memory_space<vmem>>[vector<16xi32>, vector<16xi32>], vector<16xf32>,
          %mul3A_239 = arith.constant 32 : i32
          %mul3A_240 = vector.broadcast %mul3A_239 : i32 to vector<16xi32>
          %mul3A_241 = arith.muli %select_n3A_233, %mul3A_240 : vector<16xi32>
          %add3A_242 = arith.addi %mul3A_241, %iota3A : vector<16xi32>
          tpu.vector_store_idx %arg7[%add3A_242], %gather3A_234 : memref<24576xf32, #tpu.memory_space<vmem>>[vector<16xi32>], vector<16xf32>,
          %mul3A_243 = arith.constant 32 : i32
          %mul3A_244 = vector.broadcast %mul3A_243 : i32 to vector<16xi32>
          %mul3A_245 = arith.muli %select_n3A_233, %mul3A_244 : vector<16xi32>
          %add3A_246 = arith.constant 16 : i32
          %add3A_247 = vector.broadcast %add3A_246 : i32 to vector<16xi32>
          %add3A_248 = arith.addi %mul3A_245, %add3A_247 : vector<16xi32>
          %add3A_249 = arith.addi %add3A_248, %iota3A : vector<16xi32>
          tpu.vector_store_idx %arg7[%add3A_249], %gather3A_238 : memref<24576xf32, #tpu.memory_space<vmem>>[vector<16xi32>], vector<16xf32>,
          %mul3A_250 = arith.constant 8 : i32
          %mul3A_251 = arith.muli %scan3A_105, %mul3A_250 : i32
          %add3A_252 = arith.constant 5 : i32
          %add3A_253 = arith.addi %mul3A_251, %add3A_252 : i32
          %add3A_254 = vector.broadcast %add3A_253 : i32 to vector<16xi32>
          %add3A_255 = arith.addi %add3A_254, %iota3A : vector<16xi32>
          %ge3A_256 = arith.constant 768 : i32
          %ge3A_257 = vector.broadcast %ge3A_256 : i32 to vector<16xi32>
          %ge3A_258 = arith.cmpi sge, %add3A_255, %ge3A_257 : vector<16xi32>
          %sub3A_259 = arith.constant 768 : i32
          %sub3A_260 = vector.broadcast %sub3A_259 : i32 to vector<16xi32>
          %sub3A_261 = arith.subi %add3A_255, %sub3A_260 : vector<16xi32>
          %select_n3A_262 = arith.select %ge3A_258, %sub3A_261, %add3A_255 : vector<16xi1>, vector<16xi32>
          %gather3A_263 = tpu.vector_load_idx %arg5[%iota3A, %select_n3A_262] : memref<32x768xf32, #tpu.memory_space<vmem>>[vector<16xi32>, vector<16xi32>], vector<16xf32>,
          %add3A_264 = arith.constant 16 : i32
          %add3A_265 = vector.broadcast %add3A_264 : i32 to vector<16xi32>
          %add3A_266 = arith.addi %iota3A, %add3A_265 : vector<16xi32>
          %gather3A_267 = tpu.vector_load_idx %arg5[%add3A_266, %select_n3A_262] : memref<32x768xf32, #tpu.memory_space<vmem>>[vector<16xi32>, vector<16xi32>], vector<16xf32>,
          %mul3A_268 = arith.constant 32 : i32
          %mul3A_269 = vector.broadcast %mul3A_268 : i32 to vector<16xi32>
          %mul3A_270 = arith.muli %select_n3A_262, %mul3A_269 : vector<16xi32>
          %add3A_271 = arith.addi %mul3A_270, %iota3A : vector<16xi32>
          tpu.vector_store_idx %arg7[%add3A_271], %gather3A_263 : memref<24576xf32, #tpu.memory_space<vmem>>[vector<16xi32>], vector<16xf32>,
          %mul3A_272 = arith.constant 32 : i32
          %mul3A_273 = vector.broadcast %mul3A_272 : i32 to vector<16xi32>
          %mul3A_274 = arith.muli %select_n3A_262, %mul3A_273 : vector<16xi32>
          %add3A_275 = arith.constant 16 : i32
          %add3A_276 = vector.broadcast %add3A_275 : i32 to vector<16xi32>
          %add3A_277 = arith.addi %mul3A_274, %add3A_276 : vector<16xi32>
          %add3A_278 = arith.addi %add3A_277, %iota3A : vector<16xi32>
          tpu.vector_store_idx %arg7[%add3A_278], %gather3A_267 : memref<24576xf32, #tpu.memory_space<vmem>>[vector<16xi32>], vector<16xf32>,
          %mul3A_279 = arith.constant 8 : i32
          %mul3A_280 = arith.muli %scan3A_105, %mul3A_279 : i32
          %add3A_281 = arith.constant 6 : i32
          %add3A_282 = arith.addi %mul3A_280, %add3A_281 : i32
          %add3A_283 = vector.broadcast %add3A_282 : i32 to vector<16xi32>
          %add3A_284 = arith.addi %add3A_283, %iota3A : vector<16xi32>
          %ge3A_285 = arith.constant 768 : i32
          %ge3A_286 = vector.broadcast %ge3A_285 : i32 to vector<16xi32>
          %ge3A_287 = arith.cmpi sge, %add3A_284, %ge3A_286 : vector<16xi32>
          %sub3A_288 = arith.constant 768 : i32
          %sub3A_289 = vector.broadcast %sub3A_288 : i32 to vector<16xi32>
          %sub3A_290 = arith.subi %add3A_284, %sub3A_289 : vector<16xi32>
          %select_n3A_291 = arith.select %ge3A_287, %sub3A_290, %add3A_284 : vector<16xi1>, vector<16xi32>
          %gather3A_292 = tpu.vector_load_idx %arg5[%iota3A, %select_n3A_291] : memref<32x768xf32, #tpu.memory_space<vmem>>[vector<16xi32>, vector<16xi32>], vector<16xf32>,
          %add3A_293 = arith.constant 16 : i32
          %add3A_294 = vector.broadcast %add3A_293 : i32 to vector<16xi32>
          %add3A_295 = arith.addi %iota3A, %add3A_294 : vector<16xi32>
          %gather3A_296 = tpu.vector_load_idx %arg5[%add3A_295, %select_n3A_291] : memref<32x768xf32, #tpu.memory_space<vmem>>[vector<16xi32>, vector<16xi32>], vector<16xf32>,
          %mul3A_297 = arith.constant 32 : i32
          %mul3A_298 = vector.broadcast %mul3A_297 : i32 to vector<16xi32>
          %mul3A_299 = arith.muli %select_n3A_291, %mul3A_298 : vector<16xi32>
          %add3A_300 = arith.addi %mul3A_299, %iota3A : vector<16xi32>
          tpu.vector_store_idx %arg7[%add3A_300], %gather3A_292 : memref<24576xf32, #tpu.memory_space<vmem>>[vector<16xi32>], vector<16xf32>,
          %mul3A_301 = arith.constant 32 : i32
          %mul3A_302 = vector.broadcast %mul3A_301 : i32 to vector<16xi32>
          %mul3A_303 = arith.muli %select_n3A_291, %mul3A_302 : vector<16xi32>
          %add3A_304 = arith.constant 16 : i32
          %add3A_305 = vector.broadcast %add3A_304 : i32 to vector<16xi32>
          %add3A_306 = arith.addi %mul3A_303, %add3A_305 : vector<16xi32>
          %add3A_307 = arith.addi %add3A_306, %iota3A : vector<16xi32>
          tpu.vector_store_idx %arg7[%add3A_307], %gather3A_296 : memref<24576xf32, #tpu.memory_space<vmem>>[vector<16xi32>], vector<16xf32>,
          %mul3A_308 = arith.constant 8 : i32
          %mul3A_309 = arith.muli %scan3A_105, %mul3A_308 : i32
          %add3A_310 = arith.constant 7 : i32
          %add3A_311 = arith.addi %mul3A_309, %add3A_310 : i32
          %add3A_312 = vector.broadcast %add3A_311 : i32 to vector<16xi32>
          %add3A_313 = arith.addi %add3A_312, %iota3A : vector<16xi32>
          %ge3A_314 = arith.constant 768 : i32
          %ge3A_315 = vector.broadcast %ge3A_314 : i32 to vector<16xi32>
          %ge3A_316 = arith.cmpi sge, %add3A_313, %ge3A_315 : vector<16xi32>
          %sub3A_317 = arith.constant 768 : i32
          %sub3A_318 = vector.broadcast %sub3A_317 : i32 to vector<16xi32>
          %sub3A_319 = arith.subi %add3A_313, %sub3A_318 : vector<16xi32>
          %select_n3A_320 = arith.select %ge3A_316, %sub3A_319, %add3A_313 : vector<16xi1>, vector<16xi32>
          %gather3A_321 = tpu.vector_load_idx %arg5[%iota3A, %select_n3A_320] : memref<32x768xf32, #tpu.memory_space<vmem>>[vector<16xi32>, vector<16xi32>], vector<16xf32>,
          %add3A_322 = arith.constant 16 : i32
          %add3A_323 = vector.broadcast %add3A_322 : i32 to vector<16xi32>
          %add3A_324 = arith.addi %iota3A, %add3A_323 : vector<16xi32>
          %gather3A_325 = tpu.vector_load_idx %arg5[%add3A_324, %select_n3A_320] : memref<32x768xf32, #tpu.memory_space<vmem>>[vector<16xi32>, vector<16xi32>], vector<16xf32>,
          %mul3A_326 = arith.constant 32 : i32
          %mul3A_327 = vector.broadcast %mul3A_326 : i32 to vector<16xi32>
          %mul3A_328 = arith.muli %select_n3A_320, %mul3A_327 : vector<16xi32>
          %add3A_329 = arith.addi %mul3A_328, %iota3A : vector<16xi32>
          tpu.vector_store_idx %arg7[%add3A_329], %gather3A_321 : memref<24576xf32, #tpu.memory_space<vmem>>[vector<16xi32>], vector<16xf32>,
          %mul3A_330 = arith.constant 32 : i32
          %mul3A_331 = vector.broadcast %mul3A_330 : i32 to vector<16xi32>
          %mul3A_332 = arith.muli %select_n3A_320, %mul3A_331 : vector<16xi32>
          %add3A_333 = arith.constant 16 : i32
          %add3A_334 = vector.broadcast %add3A_333 : i32 to vector<16xi32>
          %add3A_335 = arith.addi %mul3A_332, %add3A_334 : vector<16xi32>
          %add3A_336 = arith.addi %add3A_335, %iota3A : vector<16xi32>
          tpu.vector_store_idx %arg7[%add3A_336], %gather3A_325 : memref<24576xf32, #tpu.memory_space<vmem>>[vector<16xi32>], vector<16xf32>,
          %scan3A_337 = arith.constant 0 : i32
          scf.yield %scan3A_337 : i32
        }
        %scan3A_90 = arith.constant 96 : i32
        %mul3A_91 = arith.constant 768 : i32
        %mul3A_92 = arith.muli %add3A_57, %mul3A_91 : i32
        %mul3A_93 = arith.constant 32 : i32
        %mul3A_94 = arith.muli %mul3A_92, %mul3A_93 : i32
        %multiple_of3A = tpu.assume_multiple %mul3A_94, 8 : i32
        %eq3A_95 = arith.constant 1302 : i32
        %eq3A_96 = arith.cmpi eq, %add3A_57, %eq3A_95 : i32
        %not3A_97 = arith.constant true
        %not3A_98 = arith.xori %eq3A_96, %not3A_97 : i1
        %convert_element_type3A_99 = arith.extui %not3A_98 : i1 to i32
        %cond3A_100 = arith.constant 0 : i32
        %cond3A_101 = arith.cmpi ne, %convert_element_type3A_99, %cond3A_100 : i32
        scf.if %cond3A_101 {
          %dma_start3A = tpu.memref_slice %arg3[%multiple_of3A] : memref<32000000xf32, #tpu.memory_space<hbm>> -> memref<24576xf32, #tpu.memory_space<hbm>>
          %dma_start3A_105 = tpu.memref_slice %arg3[%multiple_of3A] : memref<32000000xf32, #tpu.memory_space<hbm>> -> memref<24576xf32, #tpu.memory_space<hbm>>
          tpu.enqueue_dma source(%arg7 : memref<24576xf32, #tpu.memory_space<vmem>>) target(%dma_start3A_105 : memref<24576xf32, #tpu.memory_space<hbm>>) target_semaphore(%arg9 : memref<!tpu.dma_semaphore, #tpu.memory_space<semaphore_mem>>)
        } else {
        }
        %convert_element_type3A_102 = arith.extui %eq3A_96 : i1 to i32
        %cond3A_103 = arith.constant 0 : i32
        %cond3A_104 = arith.cmpi ne, %convert_element_type3A_102, %cond3A_103 : i32
        scf.if %cond3A_104 {
          %dma_start3A = arith.constant 0 : i32
          %dma_start3A_105 = tpu.memref_slice %arg7[%dma_start3A] : memref<24576xf32, #tpu.memory_space<vmem>> -> memref<2048xf32, #tpu.memory_space<vmem>>
          %dma_start3A_106 = tpu.memref_slice %arg3[%multiple_of3A] : memref<32000000xf32, #tpu.memory_space<hbm>> -> memref<2048xf32, #tpu.memory_space<hbm>>
          %dma_start3A_107 = tpu.memref_slice %arg3[%multiple_of3A] : memref<32000000xf32, #tpu.memory_space<hbm>> -> memref<2048xf32, #tpu.memory_space<hbm>>
          %dma_start3A_108 = arith.constant 0 : i32
          %dma_start3A_109 = tpu.memref_slice %arg7[%dma_start3A_108] : memref<24576xf32, #tpu.memory_space<vmem>> -> memref<2048xf32, #tpu.memory_space<vmem>>
          tpu.enqueue_dma source(%dma_start3A_109 : memref<2048xf32, #tpu.memory_space<vmem>>) target(%dma_start3A_107 : memref<2048xf32, #tpu.memory_space<hbm>>) target_semaphore(%arg9 : memref<!tpu.dma_semaphore, #tpu.memory_space<semaphore_mem>>)
        } else {
        }
      } else {
      }
      %scan3A_62 = arith.constant 0 : i32
      scf.yield %scan3A_62 : i32
    }
    %scan3A_12 = arith.constant 21 : i32
    %sub3A = arith.subi %min3A_5, %mul3A_2 : i32
    %ge3A = arith.constant 2 : i32
    %ge3A_13 = arith.cmpi sge, %sub3A, %ge3A : i32
    %eq3A = arith.constant 1303 : i32
    %eq3A_14 = arith.cmpi eq, %min3A_5, %eq3A : i32
    %and3A = arith.andi %ge3A_13, %eq3A_14 : i1
    %convert_element_type3A_15 = arith.extui %and3A : i1 to i32
    %cond3A_16 = arith.constant 0 : i32
    %cond3A_17 = arith.cmpi ne, %convert_element_type3A_15, %cond3A_16 : i32
    scf.if %cond3A_17 {
      %dma_wait3A = arith.constant 0 : i32
      %dma_wait3A_42 = tpu.memref_slice %arg6[%dma_wait3A] : memref<24576xf32, #tpu.memory_space<vmem>> -> memref<24576xf32, #tpu.memory_space<vmem>>
      %dma_wait3A_43 = arith.constant 0 : i32
      %dma_wait3A_44 = tpu.memref_slice %arg3[%dma_wait3A_43] : memref<32000000xf32, #tpu.memory_space<hbm>> -> memref<24576xf32, #tpu.memory_space<hbm>>
      %dma_wait3A_45 = arith.constant 0 : i32
      %dma_wait3A_46 = tpu.memref_slice %arg3[%dma_wait3A_45] : memref<32000000xf32, #tpu.memory_space<hbm>> -> memref<24576xf32, #tpu.memory_space<hbm>>
      %dma_wait3A_47 = arith.constant 0 : i32
      %dma_wait3A_48 = tpu.memref_slice %arg6[%dma_wait3A_47] : memref<24576xf32, #tpu.memory_space<vmem>> -> memref<24576xf32, #tpu.memory_space<vmem>>
      tpu.wait_dma2 semaphore(%arg9 : memref<!tpu.dma_semaphore, #tpu.memory_space<semaphore_mem>>) src(%dma_wait3A_48 : memref<24576xf32, #tpu.memory_space<vmem>>) dst(%dma_wait3A_46 : memref<24576xf32, #tpu.memory_space<hbm>>)
      %dma_wait3A_49 = arith.constant 0 : i32
      %dma_wait3A_50 = tpu.memref_slice %arg6[%dma_wait3A_49] : memref<24576xf32, #tpu.memory_space<vmem>> -> memref<2048xf32, #tpu.memory_space<vmem>>
      %dma_wait3A_51 = arith.constant 0 : i32
      %dma_wait3A_52 = tpu.memref_slice %arg3[%dma_wait3A_51] : memref<32000000xf32, #tpu.memory_space<hbm>> -> memref<2048xf32, #tpu.memory_space<hbm>>
      %dma_wait3A_53 = arith.constant 0 : i32
      %dma_wait3A_54 = tpu.memref_slice %arg3[%dma_wait3A_53] : memref<32000000xf32, #tpu.memory_space<hbm>> -> memref<2048xf32, #tpu.memory_space<hbm>>
      %dma_wait3A_55 = arith.constant 0 : i32
      %dma_wait3A_56 = tpu.memref_slice %arg6[%dma_wait3A_55] : memref<24576xf32, #tpu.memory_space<vmem>> -> memref<2048xf32, #tpu.memory_space<vmem>>
      tpu.wait_dma2 semaphore(%arg9 : memref<!tpu.dma_semaphore, #tpu.memory_space<semaphore_mem>>) src(%dma_wait3A_56 : memref<2048xf32, #tpu.memory_space<vmem>>) dst(%dma_wait3A_54 : memref<2048xf32, #tpu.memory_space<hbm>>)
    } else {
    }
    %ge3A_18 = arith.constant 2 : i32
    %ge3A_19 = arith.cmpi sge, %sub3A, %ge3A_18 : i32
    %lt3A_20 = arith.constant 1303 : i32
    %lt3A_21 = arith.cmpi slt, %min3A_5, %lt3A_20 : i32
    %and3A_22 = arith.andi %ge3A_19, %lt3A_21 : i1
    %convert_element_type3A_23 = arith.extui %and3A_22 : i1 to i32
    %cond3A_24 = arith.constant 0 : i32
    %cond3A_25 = arith.cmpi ne, %convert_element_type3A_23, %cond3A_24 : i32
    scf.if %cond3A_25 {
      %dma_wait3A = arith.constant 0 : i32
      %dma_wait3A_42 = tpu.memref_slice %arg6[%dma_wait3A] : memref<24576xf32, #tpu.memory_space<vmem>> -> memref<24576xf32, #tpu.memory_space<vmem>>
      %dma_wait3A_43 = arith.constant 0 : i32
      %dma_wait3A_44 = tpu.memref_slice %arg3[%dma_wait3A_43] : memref<32000000xf32, #tpu.memory_space<hbm>> -> memref<24576xf32, #tpu.memory_space<hbm>>
      %dma_wait3A_45 = arith.constant 0 : i32
      %dma_wait3A_46 = tpu.memref_slice %arg3[%dma_wait3A_45] : memref<32000000xf32, #tpu.memory_space<hbm>> -> memref<24576xf32, #tpu.memory_space<hbm>>
      %dma_wait3A_47 = arith.constant 0 : i32
      %dma_wait3A_48 = tpu.memref_slice %arg6[%dma_wait3A_47] : memref<24576xf32, #tpu.memory_space<vmem>> -> memref<24576xf32, #tpu.memory_space<vmem>>
      tpu.wait_dma2 semaphore(%arg9 : memref<!tpu.dma_semaphore, #tpu.memory_space<semaphore_mem>>) src(%dma_wait3A_48 : memref<24576xf32, #tpu.memory_space<vmem>>) dst(%dma_wait3A_46 : memref<24576xf32, #tpu.memory_space<hbm>>)
      %dma_wait3A_49 = arith.constant 0 : i32
      %dma_wait3A_50 = tpu.memref_slice %arg6[%dma_wait3A_49] : memref<24576xf32, #tpu.memory_space<vmem>> -> memref<24576xf32, #tpu.memory_space<vmem>>
      %dma_wait3A_51 = arith.constant 0 : i32
      %dma_wait3A_52 = tpu.memref_slice %arg3[%dma_wait3A_51] : memref<32000000xf32, #tpu.memory_space<hbm>> -> memref<24576xf32, #tpu.memory_space<hbm>>
      %dma_wait3A_53 = arith.constant 0 : i32
      %dma_wait3A_54 = tpu.memref_slice %arg3[%dma_wait3A_53] : memref<32000000xf32, #tpu.memory_space<hbm>> -> memref<24576xf32, #tpu.memory_space<hbm>>
      %dma_wait3A_55 = arith.constant 0 : i32
      %dma_wait3A_56 = tpu.memref_slice %arg6[%dma_wait3A_55] : memref<24576xf32, #tpu.memory_space<vmem>> -> memref<24576xf32, #tpu.memory_space<vmem>>
      tpu.wait_dma2 semaphore(%arg9 : memref<!tpu.dma_semaphore, #tpu.memory_space<semaphore_mem>>) src(%dma_wait3A_56 : memref<24576xf32, #tpu.memory_space<vmem>>) dst(%dma_wait3A_54 : memref<24576xf32, #tpu.memory_space<hbm>>)
    } else {
    }
    %eq3A_26 = arith.constant 1 : i32
    %eq3A_27 = arith.cmpi eq, %sub3A, %eq3A_26 : i32
    %eq3A_28 = arith.constant 1303 : i32
    %eq3A_29 = arith.cmpi eq, %min3A_5, %eq3A_28 : i32
    %and3A_30 = arith.andi %eq3A_27, %eq3A_29 : i1
    %convert_element_type3A_31 = arith.extui %and3A_30 : i1 to i32
    %cond3A_32 = arith.constant 0 : i32
    %cond3A_33 = arith.cmpi ne, %convert_element_type3A_31, %cond3A_32 : i32
    scf.if %cond3A_33 {
      %dma_wait3A = arith.constant 0 : i32
      %dma_wait3A_42 = tpu.memref_slice %arg6[%dma_wait3A] : memref<24576xf32, #tpu.memory_space<vmem>> -> memref<2048xf32, #tpu.memory_space<vmem>>
      %dma_wait3A_43 = arith.constant 0 : i32
      %dma_wait3A_44 = tpu.memref_slice %arg3[%dma_wait3A_43] : memref<32000000xf32, #tpu.memory_space<hbm>> -> memref<2048xf32, #tpu.memory_space<hbm>>
      %dma_wait3A_45 = arith.constant 0 : i32
      %dma_wait3A_46 = tpu.memref_slice %arg3[%dma_wait3A_45] : memref<32000000xf32, #tpu.memory_space<hbm>> -> memref<2048xf32, #tpu.memory_space<hbm>>
      %dma_wait3A_47 = arith.constant 0 : i32
      %dma_wait3A_48 = tpu.memref_slice %arg6[%dma_wait3A_47] : memref<24576xf32, #tpu.memory_space<vmem>> -> memref<2048xf32, #tpu.memory_space<vmem>>
      tpu.wait_dma2 semaphore(%arg9 : memref<!tpu.dma_semaphore, #tpu.memory_space<semaphore_mem>>) src(%dma_wait3A_48 : memref<2048xf32, #tpu.memory_space<vmem>>) dst(%dma_wait3A_46 : memref<2048xf32, #tpu.memory_space<hbm>>)
    } else {
    }
    %eq3A_34 = arith.constant 1 : i32
    %eq3A_35 = arith.cmpi eq, %sub3A, %eq3A_34 : i32
    %lt3A_36 = arith.constant 1303 : i32
    %lt3A_37 = arith.cmpi slt, %min3A_5, %lt3A_36 : i32
    %and3A_38 = arith.andi %eq3A_35, %lt3A_37 : i1
    %convert_element_type3A_39 = arith.extui %and3A_38 : i1 to i32
    %cond3A_40 = arith.constant 0 : i32
    %cond3A_41 = arith.cmpi ne, %convert_element_type3A_39, %cond3A_40 : i32
    scf.if %cond3A_41 {
      %dma_wait3A = arith.constant 0 : i32
      %dma_wait3A_42 = tpu.memref_slice %arg6[%dma_wait3A] : memref<24576xf32, #tpu.memory_space<vmem>> -> memref<24576xf32, #tpu.memory_space<vmem>>
      %dma_wait3A_43 = arith.constant 0 : i32
      %dma_wait3A_44 = tpu.memref_slice %arg3[%dma_wait3A_43] : memref<32000000xf32, #tpu.memory_space<hbm>> -> memref<24576xf32, #tpu.memory_space<hbm>>
      %dma_wait3A_45 = arith.constant 0 : i32
      %dma_wait3A_46 = tpu.memref_slice %arg3[%dma_wait3A_45] : memref<32000000xf32, #tpu.memory_space<hbm>> -> memref<24576xf32, #tpu.memory_space<hbm>>
      %dma_wait3A_47 = arith.constant 0 : i32
      %dma_wait3A_48 = tpu.memref_slice %arg6[%dma_wait3A_47] : memref<24576xf32, #tpu.memory_space<vmem>> -> memref<24576xf32, #tpu.memory_space<vmem>>
      tpu.wait_dma2 semaphore(%arg9 : memref<!tpu.dma_semaphore, #tpu.memory_space<semaphore_mem>>) src(%dma_wait3A_48 : memref<24576xf32, #tpu.memory_space<vmem>>) dst(%dma_wait3A_46 : memref<24576xf32, #tpu.memory_space<hbm>>)
    } else {
    }
    return
  }
}

#map = affine_map<(d0, d1) -> (0, 0, 0)>
#map1 = affine_map<(d0, d1) -> (0, 0)>
module attributes {stable_mosaic.version = 14 : i64} {
  func.func @_sc_kernel(%arg0: i32, %arg1: i32, %arg2: memref<32x4x128xi32, #tpu.memory_space<hbm>>, %arg3: memref<32x4x128xi32, #tpu.memory_space<hbm>>, %arg4: memref<1000000x32xf32, #tpu.memory_space<hbm>>, %arg5: memref<1000000x32xf32, #tpu.memory_space<hbm>>, %arg6: memref<32x512xf32, #tpu.memory_space<hbm>>, %arg7: memref<4x128xi32, #tpu.memory_space<vmem>>, %arg8: memref<4x128xi32, #tpu.memory_space<vmem>>, %arg9: memref<512x32xf32, #tpu.memory_space<vmem>>, %arg10: memref<512x32xf32, #tpu.memory_space<vmem>>, %arg11: memref<512xf32, #tpu.memory_space<vmem>>, %arg12: memref<!tpu.dma_semaphore, #tpu.memory_space<semaphore_mem>>) attributes {dimension_semantics = [#tpu.dimension_semantics<core_parallel>, #tpu.dimension_semantics<subcore_parallel>], iteration_bounds = array<i64: 2, 16>, scalar_prefetch = 0 : i64, scratch_operands = 6 : i64, tpu.core_type = #tpu.core_type<sc_vector_subcore>, window_params = [{transform_indices = #map}, {transform_indices = #map}, {transform_indices = #map1}, {transform_indices = #map1}, {transform_indices = #map1}]} {
    %mul3A = arith.constant 2 : i32
    %mul3A_0 = arith.muli %arg1, %mul3A : i32
    %add3A = arith.addi %mul3A_0, %arg0 : i32
    "tpu.region"() ({
      %run_scoped3A = tpu.sem_alloc : memref<!tpu.dma_semaphore, #tpu.memory_space<semaphore_mem>>
      %dma_start3A_165 = arith.constant 0 : i32
      %dma_start3A_166 = arith.constant 0 : i32
      %dma_start3A_167 = tpu.memref_slice %arg2[%add3A, %dma_start3A_165, %dma_start3A_166] : memref<32x4x128xi32, #tpu.memory_space<hbm>> -> memref<1x4x128xi32, #tpu.memory_space<hbm>>
      %dma_start3A_168 = tpu.memref_squeeze %dma_start3A_167 : memref<1x4x128xi32, #tpu.memory_space<hbm>> -> memref<4x128xi32, #tpu.memory_space<hbm>>
      %dma_start3A_169 = arith.constant 0 : i32
      %dma_start3A_170 = arith.constant 0 : i32
      %dma_start3A_171 = tpu.memref_slice %arg2[%add3A, %dma_start3A_169, %dma_start3A_170] : memref<32x4x128xi32, #tpu.memory_space<hbm>> -> memref<1x4x128xi32, #tpu.memory_space<hbm>>
      %dma_start3A_172 = tpu.memref_squeeze %dma_start3A_171 : memref<1x4x128xi32, #tpu.memory_space<hbm>> -> memref<4x128xi32, #tpu.memory_space<hbm>>
      tpu.enqueue_dma source(%dma_start3A_172 : memref<4x128xi32, #tpu.memory_space<hbm>>) target(%arg7 : memref<4x128xi32, #tpu.memory_space<vmem>>) target_semaphore(%run_scoped3A : memref<!tpu.dma_semaphore, #tpu.memory_space<semaphore_mem>>)
      %dma_wait3A_173 = arith.constant 0 : i32
      %dma_wait3A_174 = arith.constant 0 : i32
      %dma_wait3A_175 = tpu.memref_slice %arg2[%add3A, %dma_wait3A_173, %dma_wait3A_174] : memref<32x4x128xi32, #tpu.memory_space<hbm>> -> memref<1x4x128xi32, #tpu.memory_space<hbm>>
      %dma_wait3A_176 = tpu.memref_squeeze %dma_wait3A_175 : memref<1x4x128xi32, #tpu.memory_space<hbm>> -> memref<4x128xi32, #tpu.memory_space<hbm>>
      %dma_wait3A_177 = arith.constant 0 : i32
      %dma_wait3A_178 = arith.constant 0 : i32
      %dma_wait3A_179 = tpu.memref_slice %arg2[%add3A, %dma_wait3A_177, %dma_wait3A_178] : memref<32x4x128xi32, #tpu.memory_space<hbm>> -> memref<1x4x128xi32, #tpu.memory_space<hbm>>
      %dma_wait3A_180 = tpu.memref_squeeze %dma_wait3A_179 : memref<1x4x128xi32, #tpu.memory_space<hbm>> -> memref<4x128xi32, #tpu.memory_space<hbm>>
      tpu.wait_dma2 semaphore(%run_scoped3A : memref<!tpu.dma_semaphore, #tpu.memory_space<semaphore_mem>>) src(%dma_wait3A_180 : memref<4x128xi32, #tpu.memory_space<hbm>>) dst(%arg7 : memref<4x128xi32, #tpu.memory_space<vmem>>)
      tpu.yield
    }) : () -> ()
    "tpu.region"() ({
      %run_scoped3A = tpu.sem_alloc : memref<!tpu.dma_semaphore, #tpu.memory_space<semaphore_mem>>
      %dma_start3A_165 = arith.constant 0 : i32
      %dma_start3A_166 = arith.constant 0 : i32
      %dma_start3A_167 = tpu.memref_slice %arg3[%add3A, %dma_start3A_165, %dma_start3A_166] : memref<32x4x128xi32, #tpu.memory_space<hbm>> -> memref<1x4x128xi32, #tpu.memory_space<hbm>>
      %dma_start3A_168 = tpu.memref_squeeze %dma_start3A_167 : memref<1x4x128xi32, #tpu.memory_space<hbm>> -> memref<4x128xi32, #tpu.memory_space<hbm>>
      %dma_start3A_169 = arith.constant 0 : i32
      %dma_start3A_170 = arith.constant 0 : i32
      %dma_start3A_171 = tpu.memref_slice %arg3[%add3A, %dma_start3A_169, %dma_start3A_170] : memref<32x4x128xi32, #tpu.memory_space<hbm>> -> memref<1x4x128xi32, #tpu.memory_space<hbm>>
      %dma_start3A_172 = tpu.memref_squeeze %dma_start3A_171 : memref<1x4x128xi32, #tpu.memory_space<hbm>> -> memref<4x128xi32, #tpu.memory_space<hbm>>
      tpu.enqueue_dma source(%dma_start3A_172 : memref<4x128xi32, #tpu.memory_space<hbm>>) target(%arg8 : memref<4x128xi32, #tpu.memory_space<vmem>>) target_semaphore(%run_scoped3A : memref<!tpu.dma_semaphore, #tpu.memory_space<semaphore_mem>>)
      %dma_wait3A_173 = arith.constant 0 : i32
      %dma_wait3A_174 = arith.constant 0 : i32
      %dma_wait3A_175 = tpu.memref_slice %arg3[%add3A, %dma_wait3A_173, %dma_wait3A_174] : memref<32x4x128xi32, #tpu.memory_space<hbm>> -> memref<1x4x128xi32, #tpu.memory_space<hbm>>
      %dma_wait3A_176 = tpu.memref_squeeze %dma_wait3A_175 : memref<1x4x128xi32, #tpu.memory_space<hbm>> -> memref<4x128xi32, #tpu.memory_space<hbm>>
      %dma_wait3A_177 = arith.constant 0 : i32
      %dma_wait3A_178 = arith.constant 0 : i32
      %dma_wait3A_179 = tpu.memref_slice %arg3[%add3A, %dma_wait3A_177, %dma_wait3A_178] : memref<32x4x128xi32, #tpu.memory_space<hbm>> -> memref<1x4x128xi32, #tpu.memory_space<hbm>>
      %dma_wait3A_180 = tpu.memref_squeeze %dma_wait3A_179 : memref<1x4x128xi32, #tpu.memory_space<hbm>> -> memref<4x128xi32, #tpu.memory_space<hbm>>
      tpu.wait_dma2 semaphore(%run_scoped3A : memref<!tpu.dma_semaphore, #tpu.memory_space<semaphore_mem>>) src(%dma_wait3A_180 : memref<4x128xi32, #tpu.memory_space<hbm>>) dst(%arg8 : memref<4x128xi32, #tpu.memory_space<vmem>>)
      tpu.yield
    }) : () -> ()
    %dma_start3A = arith.constant 0 : i32
    %dma_start3A_1 = arith.constant 0 : i32
    %dma_start3A_2 = arith.constant 0 : i32
    %dma_start3A_3 = tpu.memref_slice %arg9[%dma_start3A_1, %dma_start3A_2] : memref<512x32xf32, #tpu.memory_space<vmem>> -> memref<128x32xf32, #tpu.memory_space<vmem>>
    %dma_start3A_4 = arith.constant 0 : i32
    %dma_start3A_5 = tpu.memref_slice %arg7[%dma_start3A, %dma_start3A_4] : memref<4x128xi32, #tpu.memory_space<vmem>> -> memref<1x128xi32, #tpu.memory_space<vmem>>
    %dma_start3A_6 = tpu.memref_squeeze %dma_start3A_5 : memref<1x128xi32, #tpu.memory_space<vmem>> -> memref<128xi32, #tpu.memory_space<vmem>>
    %dma_start3A_7 = arith.constant 0 : i32
    %dma_start3A_8 = arith.constant 0 : i32
    %dma_start3A_9 = tpu.memref_slice %arg4[%dma_start3A_7, %dma_start3A_8] : memref<1000000x32xf32, #tpu.memory_space<hbm>> -> memref<1000000x32xf32, #tpu.memory_space<hbm>>
    tpu.enqueue_indirect_dma source(%dma_start3A_9 : memref<1000000x32xf32, #tpu.memory_space<hbm>>) target(%dma_start3A_3 : memref<128x32xf32, #tpu.memory_space<vmem>>) offsets(%dma_start3A_6 : memref<128xi32, #tpu.memory_space<vmem>>) semaphore(%arg12 : memref<!tpu.dma_semaphore, #tpu.memory_space<semaphore_mem>>)
    %dma_start3A_10 = arith.constant 0 : i32
    %dma_start3A_11 = arith.constant 0 : i32
    %dma_start3A_12 = arith.constant 0 : i32
    %dma_start3A_13 = tpu.memref_slice %arg10[%dma_start3A_11, %dma_start3A_12] : memref<512x32xf32, #tpu.memory_space<vmem>> -> memref<128x32xf32, #tpu.memory_space<vmem>>
    %dma_start3A_14 = arith.constant 0 : i32
    %dma_start3A_15 = tpu.memref_slice %arg8[%dma_start3A_10, %dma_start3A_14] : memref<4x128xi32, #tpu.memory_space<vmem>> -> memref<1x128xi32, #tpu.memory_space<vmem>>
    %dma_start3A_16 = tpu.memref_squeeze %dma_start3A_15 : memref<1x128xi32, #tpu.memory_space<vmem>> -> memref<128xi32, #tpu.memory_space<vmem>>
    %dma_start3A_17 = arith.constant 0 : i32
    %dma_start3A_18 = arith.constant 0 : i32
    %dma_start3A_19 = tpu.memref_slice %arg5[%dma_start3A_17, %dma_start3A_18] : memref<1000000x32xf32, #tpu.memory_space<hbm>> -> memref<1000000x32xf32, #tpu.memory_space<hbm>>
    tpu.enqueue_indirect_dma source(%dma_start3A_19 : memref<1000000x32xf32, #tpu.memory_space<hbm>>) target(%dma_start3A_13 : memref<128x32xf32, #tpu.memory_space<vmem>>) offsets(%dma_start3A_16 : memref<128xi32, #tpu.memory_space<vmem>>) semaphore(%arg12 : memref<!tpu.dma_semaphore, #tpu.memory_space<semaphore_mem>>)
    %dma_start3A_20 = arith.constant 1 : i32
    %dma_start3A_21 = arith.constant 128 : i32
    %dma_start3A_22 = arith.constant 0 : i32
    %dma_start3A_23 = tpu.memref_slice %arg9[%dma_start3A_21, %dma_start3A_22] : memref<512x32xf32, #tpu.memory_space<vmem>> -> memref<128x32xf32, #tpu.memory_space<vmem>>
    %dma_start3A_24 = arith.constant 0 : i32
    %dma_start3A_25 = tpu.memref_slice %arg7[%dma_start3A_20, %dma_start3A_24] : memref<4x128xi32, #tpu.memory_space<vmem>> -> memref<1x128xi32, #tpu.memory_space<vmem>>
    %dma_start3A_26 = tpu.memref_squeeze %dma_start3A_25 : memref<1x128xi32, #tpu.memory_space<vmem>> -> memref<128xi32, #tpu.memory_space<vmem>>
    %dma_start3A_27 = arith.constant 0 : i32
    %dma_start3A_28 = arith.constant 0 : i32
    %dma_start3A_29 = tpu.memref_slice %arg4[%dma_start3A_27, %dma_start3A_28] : memref<1000000x32xf32, #tpu.memory_space<hbm>> -> memref<1000000x32xf32, #tpu.memory_space<hbm>>
    tpu.enqueue_indirect_dma source(%dma_start3A_29 : memref<1000000x32xf32, #tpu.memory_space<hbm>>) target(%dma_start3A_23 : memref<128x32xf32, #tpu.memory_space<vmem>>) offsets(%dma_start3A_26 : memref<128xi32, #tpu.memory_space<vmem>>) semaphore(%arg12 : memref<!tpu.dma_semaphore, #tpu.memory_space<semaphore_mem>>)
    %dma_start3A_30 = arith.constant 1 : i32
    %dma_start3A_31 = arith.constant 128 : i32
    %dma_start3A_32 = arith.constant 0 : i32
    %dma_start3A_33 = tpu.memref_slice %arg10[%dma_start3A_31, %dma_start3A_32] : memref<512x32xf32, #tpu.memory_space<vmem>> -> memref<128x32xf32, #tpu.memory_space<vmem>>
    %dma_start3A_34 = arith.constant 0 : i32
    %dma_start3A_35 = tpu.memref_slice %arg8[%dma_start3A_30, %dma_start3A_34] : memref<4x128xi32, #tpu.memory_space<vmem>> -> memref<1x128xi32, #tpu.memory_space<vmem>>
    %dma_start3A_36 = tpu.memref_squeeze %dma_start3A_35 : memref<1x128xi32, #tpu.memory_space<vmem>> -> memref<128xi32, #tpu.memory_space<vmem>>
    %dma_start3A_37 = arith.constant 0 : i32
    %dma_start3A_38 = arith.constant 0 : i32
    %dma_start3A_39 = tpu.memref_slice %arg5[%dma_start3A_37, %dma_start3A_38] : memref<1000000x32xf32, #tpu.memory_space<hbm>> -> memref<1000000x32xf32, #tpu.memory_space<hbm>>
    tpu.enqueue_indirect_dma source(%dma_start3A_39 : memref<1000000x32xf32, #tpu.memory_space<hbm>>) target(%dma_start3A_33 : memref<128x32xf32, #tpu.memory_space<vmem>>) offsets(%dma_start3A_36 : memref<128xi32, #tpu.memory_space<vmem>>) semaphore(%arg12 : memref<!tpu.dma_semaphore, #tpu.memory_space<semaphore_mem>>)
    %dma_start3A_40 = arith.constant 2 : i32
    %dma_start3A_41 = arith.constant 256 : i32
    %dma_start3A_42 = arith.constant 0 : i32
    %dma_start3A_43 = tpu.memref_slice %arg9[%dma_start3A_41, %dma_start3A_42] : memref<512x32xf32, #tpu.memory_space<vmem>> -> memref<128x32xf32, #tpu.memory_space<vmem>>
    %dma_start3A_44 = arith.constant 0 : i32
    %dma_start3A_45 = tpu.memref_slice %arg7[%dma_start3A_40, %dma_start3A_44] : memref<4x128xi32, #tpu.memory_space<vmem>> -> memref<1x128xi32, #tpu.memory_space<vmem>>
    %dma_start3A_46 = tpu.memref_squeeze %dma_start3A_45 : memref<1x128xi32, #tpu.memory_space<vmem>> -> memref<128xi32, #tpu.memory_space<vmem>>
    %dma_start3A_47 = arith.constant 0 : i32
    %dma_start3A_48 = arith.constant 0 : i32
    %dma_start3A_49 = tpu.memref_slice %arg4[%dma_start3A_47, %dma_start3A_48] : memref<1000000x32xf32, #tpu.memory_space<hbm>> -> memref<1000000x32xf32, #tpu.memory_space<hbm>>
    tpu.enqueue_indirect_dma source(%dma_start3A_49 : memref<1000000x32xf32, #tpu.memory_space<hbm>>) target(%dma_start3A_43 : memref<128x32xf32, #tpu.memory_space<vmem>>) offsets(%dma_start3A_46 : memref<128xi32, #tpu.memory_space<vmem>>) semaphore(%arg12 : memref<!tpu.dma_semaphore, #tpu.memory_space<semaphore_mem>>)
    %dma_start3A_50 = arith.constant 2 : i32
    %dma_start3A_51 = arith.constant 256 : i32
    %dma_start3A_52 = arith.constant 0 : i32
    %dma_start3A_53 = tpu.memref_slice %arg10[%dma_start3A_51, %dma_start3A_52] : memref<512x32xf32, #tpu.memory_space<vmem>> -> memref<128x32xf32, #tpu.memory_space<vmem>>
    %dma_start3A_54 = arith.constant 0 : i32
    %dma_start3A_55 = tpu.memref_slice %arg8[%dma_start3A_50, %dma_start3A_54] : memref<4x128xi32, #tpu.memory_space<vmem>> -> memref<1x128xi32, #tpu.memory_space<vmem>>
    %dma_start3A_56 = tpu.memref_squeeze %dma_start3A_55 : memref<1x128xi32, #tpu.memory_space<vmem>> -> memref<128xi32, #tpu.memory_space<vmem>>
    %dma_start3A_57 = arith.constant 0 : i32
    %dma_start3A_58 = arith.constant 0 : i32
    %dma_start3A_59 = tpu.memref_slice %arg5[%dma_start3A_57, %dma_start3A_58] : memref<1000000x32xf32, #tpu.memory_space<hbm>> -> memref<1000000x32xf32, #tpu.memory_space<hbm>>
    tpu.enqueue_indirect_dma source(%dma_start3A_59 : memref<1000000x32xf32, #tpu.memory_space<hbm>>) target(%dma_start3A_53 : memref<128x32xf32, #tpu.memory_space<vmem>>) offsets(%dma_start3A_56 : memref<128xi32, #tpu.memory_space<vmem>>) semaphore(%arg12 : memref<!tpu.dma_semaphore, #tpu.memory_space<semaphore_mem>>)
    %dma_start3A_60 = arith.constant 3 : i32
    %dma_start3A_61 = arith.constant 384 : i32
    %dma_start3A_62 = arith.constant 0 : i32
    %dma_start3A_63 = tpu.memref_slice %arg9[%dma_start3A_61, %dma_start3A_62] : memref<512x32xf32, #tpu.memory_space<vmem>> -> memref<128x32xf32, #tpu.memory_space<vmem>>
    %dma_start3A_64 = arith.constant 0 : i32
    %dma_start3A_65 = tpu.memref_slice %arg7[%dma_start3A_60, %dma_start3A_64] : memref<4x128xi32, #tpu.memory_space<vmem>> -> memref<1x128xi32, #tpu.memory_space<vmem>>
    %dma_start3A_66 = tpu.memref_squeeze %dma_start3A_65 : memref<1x128xi32, #tpu.memory_space<vmem>> -> memref<128xi32, #tpu.memory_space<vmem>>
    %dma_start3A_67 = arith.constant 0 : i32
    %dma_start3A_68 = arith.constant 0 : i32
    %dma_start3A_69 = tpu.memref_slice %arg4[%dma_start3A_67, %dma_start3A_68] : memref<1000000x32xf32, #tpu.memory_space<hbm>> -> memref<1000000x32xf32, #tpu.memory_space<hbm>>
    tpu.enqueue_indirect_dma source(%dma_start3A_69 : memref<1000000x32xf32, #tpu.memory_space<hbm>>) target(%dma_start3A_63 : memref<128x32xf32, #tpu.memory_space<vmem>>) offsets(%dma_start3A_66 : memref<128xi32, #tpu.memory_space<vmem>>) semaphore(%arg12 : memref<!tpu.dma_semaphore, #tpu.memory_space<semaphore_mem>>)
    %dma_start3A_70 = arith.constant 3 : i32
    %dma_start3A_71 = arith.constant 384 : i32
    %dma_start3A_72 = arith.constant 0 : i32
    %dma_start3A_73 = tpu.memref_slice %arg10[%dma_start3A_71, %dma_start3A_72] : memref<512x32xf32, #tpu.memory_space<vmem>> -> memref<128x32xf32, #tpu.memory_space<vmem>>
    %dma_start3A_74 = arith.constant 0 : i32
    %dma_start3A_75 = tpu.memref_slice %arg8[%dma_start3A_70, %dma_start3A_74] : memref<4x128xi32, #tpu.memory_space<vmem>> -> memref<1x128xi32, #tpu.memory_space<vmem>>
    %dma_start3A_76 = tpu.memref_squeeze %dma_start3A_75 : memref<1x128xi32, #tpu.memory_space<vmem>> -> memref<128xi32, #tpu.memory_space<vmem>>
    %dma_start3A_77 = arith.constant 0 : i32
    %dma_start3A_78 = arith.constant 0 : i32
    %dma_start3A_79 = tpu.memref_slice %arg5[%dma_start3A_77, %dma_start3A_78] : memref<1000000x32xf32, #tpu.memory_space<hbm>> -> memref<1000000x32xf32, #tpu.memory_space<hbm>>
    tpu.enqueue_indirect_dma source(%dma_start3A_79 : memref<1000000x32xf32, #tpu.memory_space<hbm>>) target(%dma_start3A_73 : memref<128x32xf32, #tpu.memory_space<vmem>>) offsets(%dma_start3A_76 : memref<128xi32, #tpu.memory_space<vmem>>) semaphore(%arg12 : memref<!tpu.dma_semaphore, #tpu.memory_space<semaphore_mem>>)
    %dma_wait3A = arith.constant 0 : i32
    %dma_wait3A_80 = arith.constant 0 : i32
    %dma_wait3A_81 = arith.constant 0 : i32
    %dma_wait3A_82 = tpu.memref_slice %arg9[%dma_wait3A_80, %dma_wait3A_81] : memref<512x32xf32, #tpu.memory_space<vmem>> -> memref<128x32xf32, #tpu.memory_space<vmem>>
    %dma_wait3A_83 = arith.constant 0 : i32
    %dma_wait3A_84 = tpu.memref_slice %arg7[%dma_wait3A, %dma_wait3A_83] : memref<4x128xi32, #tpu.memory_space<vmem>> -> memref<1x128xi32, #tpu.memory_space<vmem>>
    %dma_wait3A_85 = tpu.memref_squeeze %dma_wait3A_84 : memref<1x128xi32, #tpu.memory_space<vmem>> -> memref<128xi32, #tpu.memory_space<vmem>>
    %dma_wait3A_86 = arith.constant 0 : i32
    %dma_wait3A_87 = arith.constant 0 : i32
    %dma_wait3A_88 = tpu.memref_slice %arg4[%dma_wait3A_86, %dma_wait3A_87] : memref<1000000x32xf32, #tpu.memory_space<hbm>> -> memref<1000000x32xf32, #tpu.memory_space<hbm>>
    tpu.wait_indirect_dma semaphore(%arg12 : memref<!tpu.dma_semaphore, #tpu.memory_space<semaphore_mem>>) src(%dma_wait3A_88 : memref<1000000x32xf32, #tpu.memory_space<hbm>>) dst(%dma_wait3A_82 : memref<128x32xf32, #tpu.memory_space<vmem>>)
    %dma_wait3A_89 = arith.constant 0 : i32
    %dma_wait3A_90 = arith.constant 0 : i32
    %dma_wait3A_91 = arith.constant 0 : i32
    %dma_wait3A_92 = tpu.memref_slice %arg10[%dma_wait3A_90, %dma_wait3A_91] : memref<512x32xf32, #tpu.memory_space<vmem>> -> memref<128x32xf32, #tpu.memory_space<vmem>>
    %dma_wait3A_93 = arith.constant 0 : i32
    %dma_wait3A_94 = tpu.memref_slice %arg8[%dma_wait3A_89, %dma_wait3A_93] : memref<4x128xi32, #tpu.memory_space<vmem>> -> memref<1x128xi32, #tpu.memory_space<vmem>>
    %dma_wait3A_95 = tpu.memref_squeeze %dma_wait3A_94 : memref<1x128xi32, #tpu.memory_space<vmem>> -> memref<128xi32, #tpu.memory_space<vmem>>
    %dma_wait3A_96 = arith.constant 0 : i32
    %dma_wait3A_97 = arith.constant 0 : i32
    %dma_wait3A_98 = tpu.memref_slice %arg5[%dma_wait3A_96, %dma_wait3A_97] : memref<1000000x32xf32, #tpu.memory_space<hbm>> -> memref<1000000x32xf32, #tpu.memory_space<hbm>>
    tpu.wait_indirect_dma semaphore(%arg12 : memref<!tpu.dma_semaphore, #tpu.memory_space<semaphore_mem>>) src(%dma_wait3A_98 : memref<1000000x32xf32, #tpu.memory_space<hbm>>) dst(%dma_wait3A_92 : memref<128x32xf32, #tpu.memory_space<vmem>>)
    %dma_wait3A_99 = arith.constant 1 : i32
    %dma_wait3A_100 = arith.constant 128 : i32
    %dma_wait3A_101 = arith.constant 0 : i32
    %dma_wait3A_102 = tpu.memref_slice %arg9[%dma_wait3A_100, %dma_wait3A_101] : memref<512x32xf32, #tpu.memory_space<vmem>> -> memref<128x32xf32, #tpu.memory_space<vmem>>
    %dma_wait3A_103 = arith.constant 0 : i32
    %dma_wait3A_104 = tpu.memref_slice %arg7[%dma_wait3A_99, %dma_wait3A_103] : memref<4x128xi32, #tpu.memory_space<vmem>> -> memref<1x128xi32, #tpu.memory_space<vmem>>
    %dma_wait3A_105 = tpu.memref_squeeze %dma_wait3A_104 : memref<1x128xi32, #tpu.memory_space<vmem>> -> memref<128xi32, #tpu.memory_space<vmem>>
    %dma_wait3A_106 = arith.constant 0 : i32
    %dma_wait3A_107 = arith.constant 0 : i32
    %dma_wait3A_108 = tpu.memref_slice %arg4[%dma_wait3A_106, %dma_wait3A_107] : memref<1000000x32xf32, #tpu.memory_space<hbm>> -> memref<1000000x32xf32, #tpu.memory_space<hbm>>
    tpu.wait_indirect_dma semaphore(%arg12 : memref<!tpu.dma_semaphore, #tpu.memory_space<semaphore_mem>>) src(%dma_wait3A_108 : memref<1000000x32xf32, #tpu.memory_space<hbm>>) dst(%dma_wait3A_102 : memref<128x32xf32, #tpu.memory_space<vmem>>)
    %dma_wait3A_109 = arith.constant 1 : i32
    %dma_wait3A_110 = arith.constant 128 : i32
    %dma_wait3A_111 = arith.constant 0 : i32
    %dma_wait3A_112 = tpu.memref_slice %arg10[%dma_wait3A_110, %dma_wait3A_111] : memref<512x32xf32, #tpu.memory_space<vmem>> -> memref<128x32xf32, #tpu.memory_space<vmem>>
    %dma_wait3A_113 = arith.constant 0 : i32
    %dma_wait3A_114 = tpu.memref_slice %arg8[%dma_wait3A_109, %dma_wait3A_113] : memref<4x128xi32, #tpu.memory_space<vmem>> -> memref<1x128xi32, #tpu.memory_space<vmem>>
    %dma_wait3A_115 = tpu.memref_squeeze %dma_wait3A_114 : memref<1x128xi32, #tpu.memory_space<vmem>> -> memref<128xi32, #tpu.memory_space<vmem>>
    %dma_wait3A_116 = arith.constant 0 : i32
    %dma_wait3A_117 = arith.constant 0 : i32
    %dma_wait3A_118 = tpu.memref_slice %arg5[%dma_wait3A_116, %dma_wait3A_117] : memref<1000000x32xf32, #tpu.memory_space<hbm>> -> memref<1000000x32xf32, #tpu.memory_space<hbm>>
    tpu.wait_indirect_dma semaphore(%arg12 : memref<!tpu.dma_semaphore, #tpu.memory_space<semaphore_mem>>) src(%dma_wait3A_118 : memref<1000000x32xf32, #tpu.memory_space<hbm>>) dst(%dma_wait3A_112 : memref<128x32xf32, #tpu.memory_space<vmem>>)
    %dma_wait3A_119 = arith.constant 2 : i32
    %dma_wait3A_120 = arith.constant 256 : i32
    %dma_wait3A_121 = arith.constant 0 : i32
    %dma_wait3A_122 = tpu.memref_slice %arg9[%dma_wait3A_120, %dma_wait3A_121] : memref<512x32xf32, #tpu.memory_space<vmem>> -> memref<128x32xf32, #tpu.memory_space<vmem>>
    %dma_wait3A_123 = arith.constant 0 : i32
    %dma_wait3A_124 = tpu.memref_slice %arg7[%dma_wait3A_119, %dma_wait3A_123] : memref<4x128xi32, #tpu.memory_space<vmem>> -> memref<1x128xi32, #tpu.memory_space<vmem>>
    %dma_wait3A_125 = tpu.memref_squeeze %dma_wait3A_124 : memref<1x128xi32, #tpu.memory_space<vmem>> -> memref<128xi32, #tpu.memory_space<vmem>>
    %dma_wait3A_126 = arith.constant 0 : i32
    %dma_wait3A_127 = arith.constant 0 : i32
    %dma_wait3A_128 = tpu.memref_slice %arg4[%dma_wait3A_126, %dma_wait3A_127] : memref<1000000x32xf32, #tpu.memory_space<hbm>> -> memref<1000000x32xf32, #tpu.memory_space<hbm>>
    tpu.wait_indirect_dma semaphore(%arg12 : memref<!tpu.dma_semaphore, #tpu.memory_space<semaphore_mem>>) src(%dma_wait3A_128 : memref<1000000x32xf32, #tpu.memory_space<hbm>>) dst(%dma_wait3A_122 : memref<128x32xf32, #tpu.memory_space<vmem>>)
    %dma_wait3A_129 = arith.constant 2 : i32
    %dma_wait3A_130 = arith.constant 256 : i32
    %dma_wait3A_131 = arith.constant 0 : i32
    %dma_wait3A_132 = tpu.memref_slice %arg10[%dma_wait3A_130, %dma_wait3A_131] : memref<512x32xf32, #tpu.memory_space<vmem>> -> memref<128x32xf32, #tpu.memory_space<vmem>>
    %dma_wait3A_133 = arith.constant 0 : i32
    %dma_wait3A_134 = tpu.memref_slice %arg8[%dma_wait3A_129, %dma_wait3A_133] : memref<4x128xi32, #tpu.memory_space<vmem>> -> memref<1x128xi32, #tpu.memory_space<vmem>>
    %dma_wait3A_135 = tpu.memref_squeeze %dma_wait3A_134 : memref<1x128xi32, #tpu.memory_space<vmem>> -> memref<128xi32, #tpu.memory_space<vmem>>
    %dma_wait3A_136 = arith.constant 0 : i32
    %dma_wait3A_137 = arith.constant 0 : i32
    %dma_wait3A_138 = tpu.memref_slice %arg5[%dma_wait3A_136, %dma_wait3A_137] : memref<1000000x32xf32, #tpu.memory_space<hbm>> -> memref<1000000x32xf32, #tpu.memory_space<hbm>>
    tpu.wait_indirect_dma semaphore(%arg12 : memref<!tpu.dma_semaphore, #tpu.memory_space<semaphore_mem>>) src(%dma_wait3A_138 : memref<1000000x32xf32, #tpu.memory_space<hbm>>) dst(%dma_wait3A_132 : memref<128x32xf32, #tpu.memory_space<vmem>>)
    %dma_wait3A_139 = arith.constant 3 : i32
    %dma_wait3A_140 = arith.constant 384 : i32
    %dma_wait3A_141 = arith.constant 0 : i32
    %dma_wait3A_142 = tpu.memref_slice %arg9[%dma_wait3A_140, %dma_wait3A_141] : memref<512x32xf32, #tpu.memory_space<vmem>> -> memref<128x32xf32, #tpu.memory_space<vmem>>
    %dma_wait3A_143 = arith.constant 0 : i32
    %dma_wait3A_144 = tpu.memref_slice %arg7[%dma_wait3A_139, %dma_wait3A_143] : memref<4x128xi32, #tpu.memory_space<vmem>> -> memref<1x128xi32, #tpu.memory_space<vmem>>
    %dma_wait3A_145 = tpu.memref_squeeze %dma_wait3A_144 : memref<1x128xi32, #tpu.memory_space<vmem>> -> memref<128xi32, #tpu.memory_space<vmem>>
    %dma_wait3A_146 = arith.constant 0 : i32
    %dma_wait3A_147 = arith.constant 0 : i32
    %dma_wait3A_148 = tpu.memref_slice %arg4[%dma_wait3A_146, %dma_wait3A_147] : memref<1000000x32xf32, #tpu.memory_space<hbm>> -> memref<1000000x32xf32, #tpu.memory_space<hbm>>
    tpu.wait_indirect_dma semaphore(%arg12 : memref<!tpu.dma_semaphore, #tpu.memory_space<semaphore_mem>>) src(%dma_wait3A_148 : memref<1000000x32xf32, #tpu.memory_space<hbm>>) dst(%dma_wait3A_142 : memref<128x32xf32, #tpu.memory_space<vmem>>)
    %dma_wait3A_149 = arith.constant 3 : i32
    %dma_wait3A_150 = arith.constant 384 : i32
    %dma_wait3A_151 = arith.constant 0 : i32
    %dma_wait3A_152 = tpu.memref_slice %arg10[%dma_wait3A_150, %dma_wait3A_151] : memref<512x32xf32, #tpu.memory_space<vmem>> -> memref<128x32xf32, #tpu.memory_space<vmem>>
    %dma_wait3A_153 = arith.constant 0 : i32
    %dma_wait3A_154 = tpu.memref_slice %arg8[%dma_wait3A_149, %dma_wait3A_153] : memref<4x128xi32, #tpu.memory_space<vmem>> -> memref<1x128xi32, #tpu.memory_space<vmem>>
    %dma_wait3A_155 = tpu.memref_squeeze %dma_wait3A_154 : memref<1x128xi32, #tpu.memory_space<vmem>> -> memref<128xi32, #tpu.memory_space<vmem>>
    %dma_wait3A_156 = arith.constant 0 : i32
    %dma_wait3A_157 = arith.constant 0 : i32
    %dma_wait3A_158 = tpu.memref_slice %arg5[%dma_wait3A_156, %dma_wait3A_157] : memref<1000000x32xf32, #tpu.memory_space<hbm>> -> memref<1000000x32xf32, #tpu.memory_space<hbm>>
    tpu.wait_indirect_dma semaphore(%arg12 : memref<!tpu.dma_semaphore, #tpu.memory_space<semaphore_mem>>) src(%dma_wait3A_158 : memref<1000000x32xf32, #tpu.memory_space<hbm>>) dst(%dma_wait3A_152 : memref<128x32xf32, #tpu.memory_space<vmem>>)
    %iota3A = tpu.iota {dimensions = array<i32: 0>} : vector<16xi32>
    %scan3A = arith.constant 0 : i32
    %scan3A_159 = arith.constant 0 : i32
    %scan3A_160 = arith.constant 32 : i32
    %scan3A_161 = arith.addi %scan3A_159, %scan3A_160 : i32
    %scan3A_162 = arith.constant 1 : i32
    %scan3A_163 = scf.for %scan3A_165 = %scan3A_159 to %scan3A_161 step %scan3A_162 iter_args(%scan3A_166 = %scan3A) -> (i32)  : i32 {
      %mul3A_167 = arith.constant 16 : i32
      %mul3A_168 = arith.muli %scan3A_165, %mul3A_167 : i32
      %add3A_169 = vector.broadcast %mul3A_168 : i32 to vector<16xi32>
      %add3A_170 = arith.addi %add3A_169, %iota3A : vector<16xi32>
      %broadcast_in_dim3A = arith.constant 0.000000e+00 : f32
      %broadcast_in_dim3A_171 = vector.broadcast %broadcast_in_dim3A : f32 to vector<16xf32>
      %add3A_172 = arith.constant 0 : i32
      %add3A_173 = vector.broadcast %add3A_172 : i32 to vector<16xi32>
      %add3A_174 = arith.addi %iota3A, %add3A_173 : vector<16xi32>
      %ge3A = arith.constant 32 : i32
      %ge3A_175 = vector.broadcast %ge3A : i32 to vector<16xi32>
      %ge3A_176 = arith.cmpi sge, %add3A_174, %ge3A_175 : vector<16xi32>
      %sub3A = arith.constant 32 : i32
      %sub3A_177 = vector.broadcast %sub3A : i32 to vector<16xi32>
      %sub3A_178 = arith.subi %add3A_174, %sub3A_177 : vector<16xi32>
      %select_n3A = arith.select %ge3A_176, %sub3A_178, %add3A_174 : vector<16xi1>, vector<16xi32>
      %gather3A = tpu.vector_load_idx %arg9[%add3A_170, %select_n3A] : memref<512x32xf32, #tpu.memory_space<vmem>>[vector<16xi32>, vector<16xi32>], vector<16xf32>,
      %gather3A_179 = tpu.vector_load_idx %arg10[%add3A_170, %select_n3A] : memref<512x32xf32, #tpu.memory_space<vmem>>[vector<16xi32>, vector<16xi32>], vector<16xf32>,
      %mul3A_180 = arith.mulf %gather3A, %gather3A_179 : vector<16xf32>
      %add3A_181 = arith.addf %broadcast_in_dim3A_171, %mul3A_180 : vector<16xf32>
      %add3A_182 = arith.constant 1 : i32
      %add3A_183 = vector.broadcast %add3A_182 : i32 to vector<16xi32>
      %add3A_184 = arith.addi %iota3A, %add3A_183 : vector<16xi32>
      %ge3A_185 = arith.constant 32 : i32
      %ge3A_186 = vector.broadcast %ge3A_185 : i32 to vector<16xi32>
      %ge3A_187 = arith.cmpi sge, %add3A_184, %ge3A_186 : vector<16xi32>
      %sub3A_188 = arith.constant 32 : i32
      %sub3A_189 = vector.broadcast %sub3A_188 : i32 to vector<16xi32>
      %sub3A_190 = arith.subi %add3A_184, %sub3A_189 : vector<16xi32>
      %select_n3A_191 = arith.select %ge3A_187, %sub3A_190, %add3A_184 : vector<16xi1>, vector<16xi32>
      %gather3A_192 = tpu.vector_load_idx %arg9[%add3A_170, %select_n3A_191] : memref<512x32xf32, #tpu.memory_space<vmem>>[vector<16xi32>, vector<16xi32>], vector<16xf32>,
      %gather3A_193 = tpu.vector_load_idx %arg10[%add3A_170, %select_n3A_191] : memref<512x32xf32, #tpu.memory_space<vmem>>[vector<16xi32>, vector<16xi32>], vector<16xf32>,
      %mul3A_194 = arith.mulf %gather3A_192, %gather3A_193 : vector<16xf32>
      %add3A_195 = arith.addf %add3A_181, %mul3A_194 : vector<16xf32>
      %add3A_196 = arith.constant 2 : i32
      %add3A_197 = vector.broadcast %add3A_196 : i32 to vector<16xi32>
      %add3A_198 = arith.addi %iota3A, %add3A_197 : vector<16xi32>
      %ge3A_199 = arith.constant 32 : i32
      %ge3A_200 = vector.broadcast %ge3A_199 : i32 to vector<16xi32>
      %ge3A_201 = arith.cmpi sge, %add3A_198, %ge3A_200 : vector<16xi32>
      %sub3A_202 = arith.constant 32 : i32
      %sub3A_203 = vector.broadcast %sub3A_202 : i32 to vector<16xi32>
      %sub3A_204 = arith.subi %add3A_198, %sub3A_203 : vector<16xi32>
      %select_n3A_205 = arith.select %ge3A_201, %sub3A_204, %add3A_198 : vector<16xi1>, vector<16xi32>
      %gather3A_206 = tpu.vector_load_idx %arg9[%add3A_170, %select_n3A_205] : memref<512x32xf32, #tpu.memory_space<vmem>>[vector<16xi32>, vector<16xi32>], vector<16xf32>,
      %gather3A_207 = tpu.vector_load_idx %arg10[%add3A_170, %select_n3A_205] : memref<512x32xf32, #tpu.memory_space<vmem>>[vector<16xi32>, vector<16xi32>], vector<16xf32>,
      %mul3A_208 = arith.mulf %gather3A_206, %gather3A_207 : vector<16xf32>
      %add3A_209 = arith.addf %add3A_195, %mul3A_208 : vector<16xf32>
      %add3A_210 = arith.constant 3 : i32
      %add3A_211 = vector.broadcast %add3A_210 : i32 to vector<16xi32>
      %add3A_212 = arith.addi %iota3A, %add3A_211 : vector<16xi32>
      %ge3A_213 = arith.constant 32 : i32
      %ge3A_214 = vector.broadcast %ge3A_213 : i32 to vector<16xi32>
      %ge3A_215 = arith.cmpi sge, %add3A_212, %ge3A_214 : vector<16xi32>
      %sub3A_216 = arith.constant 32 : i32
      %sub3A_217 = vector.broadcast %sub3A_216 : i32 to vector<16xi32>
      %sub3A_218 = arith.subi %add3A_212, %sub3A_217 : vector<16xi32>
      %select_n3A_219 = arith.select %ge3A_215, %sub3A_218, %add3A_212 : vector<16xi1>, vector<16xi32>
      %gather3A_220 = tpu.vector_load_idx %arg9[%add3A_170, %select_n3A_219] : memref<512x32xf32, #tpu.memory_space<vmem>>[vector<16xi32>, vector<16xi32>], vector<16xf32>,
      %gather3A_221 = tpu.vector_load_idx %arg10[%add3A_170, %select_n3A_219] : memref<512x32xf32, #tpu.memory_space<vmem>>[vector<16xi32>, vector<16xi32>], vector<16xf32>,
      %mul3A_222 = arith.mulf %gather3A_220, %gather3A_221 : vector<16xf32>
      %add3A_223 = arith.addf %add3A_209, %mul3A_222 : vector<16xf32>
      %add3A_224 = arith.constant 4 : i32
      %add3A_225 = vector.broadcast %add3A_224 : i32 to vector<16xi32>
      %add3A_226 = arith.addi %iota3A, %add3A_225 : vector<16xi32>
      %ge3A_227 = arith.constant 32 : i32
      %ge3A_228 = vector.broadcast %ge3A_227 : i32 to vector<16xi32>
      %ge3A_229 = arith.cmpi sge, %add3A_226, %ge3A_228 : vector<16xi32>
      %sub3A_230 = arith.constant 32 : i32
      %sub3A_231 = vector.broadcast %sub3A_230 : i32 to vector<16xi32>
      %sub3A_232 = arith.subi %add3A_226, %sub3A_231 : vector<16xi32>
      %select_n3A_233 = arith.select %ge3A_229, %sub3A_232, %add3A_226 : vector<16xi1>, vector<16xi32>
      %gather3A_234 = tpu.vector_load_idx %arg9[%add3A_170, %select_n3A_233] : memref<512x32xf32, #tpu.memory_space<vmem>>[vector<16xi32>, vector<16xi32>], vector<16xf32>,
      %gather3A_235 = tpu.vector_load_idx %arg10[%add3A_170, %select_n3A_233] : memref<512x32xf32, #tpu.memory_space<vmem>>[vector<16xi32>, vector<16xi32>], vector<16xf32>,
      %mul3A_236 = arith.mulf %gather3A_234, %gather3A_235 : vector<16xf32>
      %add3A_237 = arith.addf %add3A_223, %mul3A_236 : vector<16xf32>
      %add3A_238 = arith.constant 5 : i32
      %add3A_239 = vector.broadcast %add3A_238 : i32 to vector<16xi32>
      %add3A_240 = arith.addi %iota3A, %add3A_239 : vector<16xi32>
      %ge3A_241 = arith.constant 32 : i32
      %ge3A_242 = vector.broadcast %ge3A_241 : i32 to vector<16xi32>
      %ge3A_243 = arith.cmpi sge, %add3A_240, %ge3A_242 : vector<16xi32>
      %sub3A_244 = arith.constant 32 : i32
      %sub3A_245 = vector.broadcast %sub3A_244 : i32 to vector<16xi32>
      %sub3A_246 = arith.subi %add3A_240, %sub3A_245 : vector<16xi32>
      %select_n3A_247 = arith.select %ge3A_243, %sub3A_246, %add3A_240 : vector<16xi1>, vector<16xi32>
      %gather3A_248 = tpu.vector_load_idx %arg9[%add3A_170, %select_n3A_247] : memref<512x32xf32, #tpu.memory_space<vmem>>[vector<16xi32>, vector<16xi32>], vector<16xf32>,
      %gather3A_249 = tpu.vector_load_idx %arg10[%add3A_170, %select_n3A_247] : memref<512x32xf32, #tpu.memory_space<vmem>>[vector<16xi32>, vector<16xi32>], vector<16xf32>,
      %mul3A_250 = arith.mulf %gather3A_248, %gather3A_249 : vector<16xf32>
      %add3A_251 = arith.addf %add3A_237, %mul3A_250 : vector<16xf32>
      %add3A_252 = arith.constant 6 : i32
      %add3A_253 = vector.broadcast %add3A_252 : i32 to vector<16xi32>
      %add3A_254 = arith.addi %iota3A, %add3A_253 : vector<16xi32>
      %ge3A_255 = arith.constant 32 : i32
      %ge3A_256 = vector.broadcast %ge3A_255 : i32 to vector<16xi32>
      %ge3A_257 = arith.cmpi sge, %add3A_254, %ge3A_256 : vector<16xi32>
      %sub3A_258 = arith.constant 32 : i32
      %sub3A_259 = vector.broadcast %sub3A_258 : i32 to vector<16xi32>
      %sub3A_260 = arith.subi %add3A_254, %sub3A_259 : vector<16xi32>
      %select_n3A_261 = arith.select %ge3A_257, %sub3A_260, %add3A_254 : vector<16xi1>, vector<16xi32>
      %gather3A_262 = tpu.vector_load_idx %arg9[%add3A_170, %select_n3A_261] : memref<512x32xf32, #tpu.memory_space<vmem>>[vector<16xi32>, vector<16xi32>], vector<16xf32>,
      %gather3A_263 = tpu.vector_load_idx %arg10[%add3A_170, %select_n3A_261] : memref<512x32xf32, #tpu.memory_space<vmem>>[vector<16xi32>, vector<16xi32>], vector<16xf32>,
      %mul3A_264 = arith.mulf %gather3A_262, %gather3A_263 : vector<16xf32>
      %add3A_265 = arith.addf %add3A_251, %mul3A_264 : vector<16xf32>
      %add3A_266 = arith.constant 7 : i32
      %add3A_267 = vector.broadcast %add3A_266 : i32 to vector<16xi32>
      %add3A_268 = arith.addi %iota3A, %add3A_267 : vector<16xi32>
      %ge3A_269 = arith.constant 32 : i32
      %ge3A_270 = vector.broadcast %ge3A_269 : i32 to vector<16xi32>
      %ge3A_271 = arith.cmpi sge, %add3A_268, %ge3A_270 : vector<16xi32>
      %sub3A_272 = arith.constant 32 : i32
      %sub3A_273 = vector.broadcast %sub3A_272 : i32 to vector<16xi32>
      %sub3A_274 = arith.subi %add3A_268, %sub3A_273 : vector<16xi32>
      %select_n3A_275 = arith.select %ge3A_271, %sub3A_274, %add3A_268 : vector<16xi1>, vector<16xi32>
      %gather3A_276 = tpu.vector_load_idx %arg9[%add3A_170, %select_n3A_275] : memref<512x32xf32, #tpu.memory_space<vmem>>[vector<16xi32>, vector<16xi32>], vector<16xf32>,
      %gather3A_277 = tpu.vector_load_idx %arg10[%add3A_170, %select_n3A_275] : memref<512x32xf32, #tpu.memory_space<vmem>>[vector<16xi32>, vector<16xi32>], vector<16xf32>,
      %mul3A_278 = arith.mulf %gather3A_276, %gather3A_277 : vector<16xf32>
      %add3A_279 = arith.addf %add3A_265, %mul3A_278 : vector<16xf32>
      %add3A_280 = arith.constant 8 : i32
      %add3A_281 = vector.broadcast %add3A_280 : i32 to vector<16xi32>
      %add3A_282 = arith.addi %iota3A, %add3A_281 : vector<16xi32>
      %ge3A_283 = arith.constant 32 : i32
      %ge3A_284 = vector.broadcast %ge3A_283 : i32 to vector<16xi32>
      %ge3A_285 = arith.cmpi sge, %add3A_282, %ge3A_284 : vector<16xi32>
      %sub3A_286 = arith.constant 32 : i32
      %sub3A_287 = vector.broadcast %sub3A_286 : i32 to vector<16xi32>
      %sub3A_288 = arith.subi %add3A_282, %sub3A_287 : vector<16xi32>
      %select_n3A_289 = arith.select %ge3A_285, %sub3A_288, %add3A_282 : vector<16xi1>, vector<16xi32>
      %gather3A_290 = tpu.vector_load_idx %arg9[%add3A_170, %select_n3A_289] : memref<512x32xf32, #tpu.memory_space<vmem>>[vector<16xi32>, vector<16xi32>], vector<16xf32>,
      %gather3A_291 = tpu.vector_load_idx %arg10[%add3A_170, %select_n3A_289] : memref<512x32xf32, #tpu.memory_space<vmem>>[vector<16xi32>, vector<16xi32>], vector<16xf32>,
      %mul3A_292 = arith.mulf %gather3A_290, %gather3A_291 : vector<16xf32>
      %add3A_293 = arith.addf %add3A_279, %mul3A_292 : vector<16xf32>
      %add3A_294 = arith.constant 9 : i32
      %add3A_295 = vector.broadcast %add3A_294 : i32 to vector<16xi32>
      %add3A_296 = arith.addi %iota3A, %add3A_295 : vector<16xi32>
      %ge3A_297 = arith.constant 32 : i32
      %ge3A_298 = vector.broadcast %ge3A_297 : i32 to vector<16xi32>
      %ge3A_299 = arith.cmpi sge, %add3A_296, %ge3A_298 : vector<16xi32>
      %sub3A_300 = arith.constant 32 : i32
      %sub3A_301 = vector.broadcast %sub3A_300 : i32 to vector<16xi32>
      %sub3A_302 = arith.subi %add3A_296, %sub3A_301 : vector<16xi32>
      %select_n3A_303 = arith.select %ge3A_299, %sub3A_302, %add3A_296 : vector<16xi1>, vector<16xi32>
      %gather3A_304 = tpu.vector_load_idx %arg9[%add3A_170, %select_n3A_303] : memref<512x32xf32, #tpu.memory_space<vmem>>[vector<16xi32>, vector<16xi32>], vector<16xf32>,
      %gather3A_305 = tpu.vector_load_idx %arg10[%add3A_170, %select_n3A_303] : memref<512x32xf32, #tpu.memory_space<vmem>>[vector<16xi32>, vector<16xi32>], vector<16xf32>,
      %mul3A_306 = arith.mulf %gather3A_304, %gather3A_305 : vector<16xf32>
      %add3A_307 = arith.addf %add3A_293, %mul3A_306 : vector<16xf32>
      %add3A_308 = arith.constant 10 : i32
      %add3A_309 = vector.broadcast %add3A_308 : i32 to vector<16xi32>
      %add3A_310 = arith.addi %iota3A, %add3A_309 : vector<16xi32>
      %ge3A_311 = arith.constant 32 : i32
      %ge3A_312 = vector.broadcast %ge3A_311 : i32 to vector<16xi32>
      %ge3A_313 = arith.cmpi sge, %add3A_310, %ge3A_312 : vector<16xi32>
      %sub3A_314 = arith.constant 32 : i32
      %sub3A_315 = vector.broadcast %sub3A_314 : i32 to vector<16xi32>
      %sub3A_316 = arith.subi %add3A_310, %sub3A_315 : vector<16xi32>
      %select_n3A_317 = arith.select %ge3A_313, %sub3A_316, %add3A_310 : vector<16xi1>, vector<16xi32>
      %gather3A_318 = tpu.vector_load_idx %arg9[%add3A_170, %select_n3A_317] : memref<512x32xf32, #tpu.memory_space<vmem>>[vector<16xi32>, vector<16xi32>], vector<16xf32>,
      %gather3A_319 = tpu.vector_load_idx %arg10[%add3A_170, %select_n3A_317] : memref<512x32xf32, #tpu.memory_space<vmem>>[vector<16xi32>, vector<16xi32>], vector<16xf32>,
      %mul3A_320 = arith.mulf %gather3A_318, %gather3A_319 : vector<16xf32>
      %add3A_321 = arith.addf %add3A_307, %mul3A_320 : vector<16xf32>
      %add3A_322 = arith.constant 11 : i32
      %add3A_323 = vector.broadcast %add3A_322 : i32 to vector<16xi32>
      %add3A_324 = arith.addi %iota3A, %add3A_323 : vector<16xi32>
      %ge3A_325 = arith.constant 32 : i32
      %ge3A_326 = vector.broadcast %ge3A_325 : i32 to vector<16xi32>
      %ge3A_327 = arith.cmpi sge, %add3A_324, %ge3A_326 : vector<16xi32>
      %sub3A_328 = arith.constant 32 : i32
      %sub3A_329 = vector.broadcast %sub3A_328 : i32 to vector<16xi32>
      %sub3A_330 = arith.subi %add3A_324, %sub3A_329 : vector<16xi32>
      %select_n3A_331 = arith.select %ge3A_327, %sub3A_330, %add3A_324 : vector<16xi1>, vector<16xi32>
      %gather3A_332 = tpu.vector_load_idx %arg9[%add3A_170, %select_n3A_331] : memref<512x32xf32, #tpu.memory_space<vmem>>[vector<16xi32>, vector<16xi32>], vector<16xf32>,
      %gather3A_333 = tpu.vector_load_idx %arg10[%add3A_170, %select_n3A_331] : memref<512x32xf32, #tpu.memory_space<vmem>>[vector<16xi32>, vector<16xi32>], vector<16xf32>,
      %mul3A_334 = arith.mulf %gather3A_332, %gather3A_333 : vector<16xf32>
      %add3A_335 = arith.addf %add3A_321, %mul3A_334 : vector<16xf32>
      %add3A_336 = arith.constant 12 : i32
      %add3A_337 = vector.broadcast %add3A_336 : i32 to vector<16xi32>
      %add3A_338 = arith.addi %iota3A, %add3A_337 : vector<16xi32>
      %ge3A_339 = arith.constant 32 : i32
      %ge3A_340 = vector.broadcast %ge3A_339 : i32 to vector<16xi32>
      %ge3A_341 = arith.cmpi sge, %add3A_338, %ge3A_340 : vector<16xi32>
      %sub3A_342 = arith.constant 32 : i32
      %sub3A_343 = vector.broadcast %sub3A_342 : i32 to vector<16xi32>
      %sub3A_344 = arith.subi %add3A_338, %sub3A_343 : vector<16xi32>
      %select_n3A_345 = arith.select %ge3A_341, %sub3A_344, %add3A_338 : vector<16xi1>, vector<16xi32>
      %gather3A_346 = tpu.vector_load_idx %arg9[%add3A_170, %select_n3A_345] : memref<512x32xf32, #tpu.memory_space<vmem>>[vector<16xi32>, vector<16xi32>], vector<16xf32>,
      %gather3A_347 = tpu.vector_load_idx %arg10[%add3A_170, %select_n3A_345] : memref<512x32xf32, #tpu.memory_space<vmem>>[vector<16xi32>, vector<16xi32>], vector<16xf32>,
      %mul3A_348 = arith.mulf %gather3A_346, %gather3A_347 : vector<16xf32>
      %add3A_349 = arith.addf %add3A_335, %mul3A_348 : vector<16xf32>
      %add3A_350 = arith.constant 13 : i32
      %add3A_351 = vector.broadcast %add3A_350 : i32 to vector<16xi32>
      %add3A_352 = arith.addi %iota3A, %add3A_351 : vector<16xi32>
      %ge3A_353 = arith.constant 32 : i32
      %ge3A_354 = vector.broadcast %ge3A_353 : i32 to vector<16xi32>
      %ge3A_355 = arith.cmpi sge, %add3A_352, %ge3A_354 : vector<16xi32>
      %sub3A_356 = arith.constant 32 : i32
      %sub3A_357 = vector.broadcast %sub3A_356 : i32 to vector<16xi32>
      %sub3A_358 = arith.subi %add3A_352, %sub3A_357 : vector<16xi32>
      %select_n3A_359 = arith.select %ge3A_355, %sub3A_358, %add3A_352 : vector<16xi1>, vector<16xi32>
      %gather3A_360 = tpu.vector_load_idx %arg9[%add3A_170, %select_n3A_359] : memref<512x32xf32, #tpu.memory_space<vmem>>[vector<16xi32>, vector<16xi32>], vector<16xf32>,
      %gather3A_361 = tpu.vector_load_idx %arg10[%add3A_170, %select_n3A_359] : memref<512x32xf32, #tpu.memory_space<vmem>>[vector<16xi32>, vector<16xi32>], vector<16xf32>,
      %mul3A_362 = arith.mulf %gather3A_360, %gather3A_361 : vector<16xf32>
      %add3A_363 = arith.addf %add3A_349, %mul3A_362 : vector<16xf32>
      %add3A_364 = arith.constant 14 : i32
      %add3A_365 = vector.broadcast %add3A_364 : i32 to vector<16xi32>
      %add3A_366 = arith.addi %iota3A, %add3A_365 : vector<16xi32>
      %ge3A_367 = arith.constant 32 : i32
      %ge3A_368 = vector.broadcast %ge3A_367 : i32 to vector<16xi32>
      %ge3A_369 = arith.cmpi sge, %add3A_366, %ge3A_368 : vector<16xi32>
      %sub3A_370 = arith.constant 32 : i32
      %sub3A_371 = vector.broadcast %sub3A_370 : i32 to vector<16xi32>
      %sub3A_372 = arith.subi %add3A_366, %sub3A_371 : vector<16xi32>
      %select_n3A_373 = arith.select %ge3A_369, %sub3A_372, %add3A_366 : vector<16xi1>, vector<16xi32>
      %gather3A_374 = tpu.vector_load_idx %arg9[%add3A_170, %select_n3A_373] : memref<512x32xf32, #tpu.memory_space<vmem>>[vector<16xi32>, vector<16xi32>], vector<16xf32>,
      %gather3A_375 = tpu.vector_load_idx %arg10[%add3A_170, %select_n3A_373] : memref<512x32xf32, #tpu.memory_space<vmem>>[vector<16xi32>, vector<16xi32>], vector<16xf32>,
      %mul3A_376 = arith.mulf %gather3A_374, %gather3A_375 : vector<16xf32>
      %add3A_377 = arith.addf %add3A_363, %mul3A_376 : vector<16xf32>
      %add3A_378 = arith.constant 15 : i32
      %add3A_379 = vector.broadcast %add3A_378 : i32 to vector<16xi32>
      %add3A_380 = arith.addi %iota3A, %add3A_379 : vector<16xi32>
      %ge3A_381 = arith.constant 32 : i32
      %ge3A_382 = vector.broadcast %ge3A_381 : i32 to vector<16xi32>
      %ge3A_383 = arith.cmpi sge, %add3A_380, %ge3A_382 : vector<16xi32>
      %sub3A_384 = arith.constant 32 : i32
      %sub3A_385 = vector.broadcast %sub3A_384 : i32 to vector<16xi32>
      %sub3A_386 = arith.subi %add3A_380, %sub3A_385 : vector<16xi32>
      %select_n3A_387 = arith.select %ge3A_383, %sub3A_386, %add3A_380 : vector<16xi1>, vector<16xi32>
      %gather3A_388 = tpu.vector_load_idx %arg9[%add3A_170, %select_n3A_387] : memref<512x32xf32, #tpu.memory_space<vmem>>[vector<16xi32>, vector<16xi32>], vector<16xf32>,
      %gather3A_389 = tpu.vector_load_idx %arg10[%add3A_170, %select_n3A_387] : memref<512x32xf32, #tpu.memory_space<vmem>>[vector<16xi32>, vector<16xi32>], vector<16xf32>,
      %mul3A_390 = arith.mulf %gather3A_388, %gather3A_389 : vector<16xf32>
      %add3A_391 = arith.addf %add3A_377, %mul3A_390 : vector<16xf32>
      %add3A_392 = arith.constant 16 : i32
      %add3A_393 = vector.broadcast %add3A_392 : i32 to vector<16xi32>
      %add3A_394 = arith.addi %iota3A, %add3A_393 : vector<16xi32>
      %ge3A_395 = arith.constant 32 : i32
      %ge3A_396 = vector.broadcast %ge3A_395 : i32 to vector<16xi32>
      %ge3A_397 = arith.cmpi sge, %add3A_394, %ge3A_396 : vector<16xi32>
      %sub3A_398 = arith.constant 32 : i32
      %sub3A_399 = vector.broadcast %sub3A_398 : i32 to vector<16xi32>
      %sub3A_400 = arith.subi %add3A_394, %sub3A_399 : vector<16xi32>
      %select_n3A_401 = arith.select %ge3A_397, %sub3A_400, %add3A_394 : vector<16xi1>, vector<16xi32>
      %gather3A_402 = tpu.vector_load_idx %arg9[%add3A_170, %select_n3A_401] : memref<512x32xf32, #tpu.memory_space<vmem>>[vector<16xi32>, vector<16xi32>], vector<16xf32>,
      %gather3A_403 = tpu.vector_load_idx %arg10[%add3A_170, %select_n3A_401] : memref<512x32xf32, #tpu.memory_space<vmem>>[vector<16xi32>, vector<16xi32>], vector<16xf32>,
      %mul3A_404 = arith.mulf %gather3A_402, %gather3A_403 : vector<16xf32>
      %add3A_405 = arith.addf %add3A_391, %mul3A_404 : vector<16xf32>
      %add3A_406 = arith.constant 17 : i32
      %add3A_407 = vector.broadcast %add3A_406 : i32 to vector<16xi32>
      %add3A_408 = arith.addi %iota3A, %add3A_407 : vector<16xi32>
      %ge3A_409 = arith.constant 32 : i32
      %ge3A_410 = vector.broadcast %ge3A_409 : i32 to vector<16xi32>
      %ge3A_411 = arith.cmpi sge, %add3A_408, %ge3A_410 : vector<16xi32>
      %sub3A_412 = arith.constant 32 : i32
      %sub3A_413 = vector.broadcast %sub3A_412 : i32 to vector<16xi32>
      %sub3A_414 = arith.subi %add3A_408, %sub3A_413 : vector<16xi32>
      %select_n3A_415 = arith.select %ge3A_411, %sub3A_414, %add3A_408 : vector<16xi1>, vector<16xi32>
      %gather3A_416 = tpu.vector_load_idx %arg9[%add3A_170, %select_n3A_415] : memref<512x32xf32, #tpu.memory_space<vmem>>[vector<16xi32>, vector<16xi32>], vector<16xf32>,
      %gather3A_417 = tpu.vector_load_idx %arg10[%add3A_170, %select_n3A_415] : memref<512x32xf32, #tpu.memory_space<vmem>>[vector<16xi32>, vector<16xi32>], vector<16xf32>,
      %mul3A_418 = arith.mulf %gather3A_416, %gather3A_417 : vector<16xf32>
      %add3A_419 = arith.addf %add3A_405, %mul3A_418 : vector<16xf32>
      %add3A_420 = arith.constant 18 : i32
      %add3A_421 = vector.broadcast %add3A_420 : i32 to vector<16xi32>
      %add3A_422 = arith.addi %iota3A, %add3A_421 : vector<16xi32>
      %ge3A_423 = arith.constant 32 : i32
      %ge3A_424 = vector.broadcast %ge3A_423 : i32 to vector<16xi32>
      %ge3A_425 = arith.cmpi sge, %add3A_422, %ge3A_424 : vector<16xi32>
      %sub3A_426 = arith.constant 32 : i32
      %sub3A_427 = vector.broadcast %sub3A_426 : i32 to vector<16xi32>
      %sub3A_428 = arith.subi %add3A_422, %sub3A_427 : vector<16xi32>
      %select_n3A_429 = arith.select %ge3A_425, %sub3A_428, %add3A_422 : vector<16xi1>, vector<16xi32>
      %gather3A_430 = tpu.vector_load_idx %arg9[%add3A_170, %select_n3A_429] : memref<512x32xf32, #tpu.memory_space<vmem>>[vector<16xi32>, vector<16xi32>], vector<16xf32>,
      %gather3A_431 = tpu.vector_load_idx %arg10[%add3A_170, %select_n3A_429] : memref<512x32xf32, #tpu.memory_space<vmem>>[vector<16xi32>, vector<16xi32>], vector<16xf32>,
      %mul3A_432 = arith.mulf %gather3A_430, %gather3A_431 : vector<16xf32>
      %add3A_433 = arith.addf %add3A_419, %mul3A_432 : vector<16xf32>
      %add3A_434 = arith.constant 19 : i32
      %add3A_435 = vector.broadcast %add3A_434 : i32 to vector<16xi32>
      %add3A_436 = arith.addi %iota3A, %add3A_435 : vector<16xi32>
      %ge3A_437 = arith.constant 32 : i32
      %ge3A_438 = vector.broadcast %ge3A_437 : i32 to vector<16xi32>
      %ge3A_439 = arith.cmpi sge, %add3A_436, %ge3A_438 : vector<16xi32>
      %sub3A_440 = arith.constant 32 : i32
      %sub3A_441 = vector.broadcast %sub3A_440 : i32 to vector<16xi32>
      %sub3A_442 = arith.subi %add3A_436, %sub3A_441 : vector<16xi32>
      %select_n3A_443 = arith.select %ge3A_439, %sub3A_442, %add3A_436 : vector<16xi1>, vector<16xi32>
      %gather3A_444 = tpu.vector_load_idx %arg9[%add3A_170, %select_n3A_443] : memref<512x32xf32, #tpu.memory_space<vmem>>[vector<16xi32>, vector<16xi32>], vector<16xf32>,
      %gather3A_445 = tpu.vector_load_idx %arg10[%add3A_170, %select_n3A_443] : memref<512x32xf32, #tpu.memory_space<vmem>>[vector<16xi32>, vector<16xi32>], vector<16xf32>,
      %mul3A_446 = arith.mulf %gather3A_444, %gather3A_445 : vector<16xf32>
      %add3A_447 = arith.addf %add3A_433, %mul3A_446 : vector<16xf32>
      %add3A_448 = arith.constant 20 : i32
      %add3A_449 = vector.broadcast %add3A_448 : i32 to vector<16xi32>
      %add3A_450 = arith.addi %iota3A, %add3A_449 : vector<16xi32>
      %ge3A_451 = arith.constant 32 : i32
      %ge3A_452 = vector.broadcast %ge3A_451 : i32 to vector<16xi32>
      %ge3A_453 = arith.cmpi sge, %add3A_450, %ge3A_452 : vector<16xi32>
      %sub3A_454 = arith.constant 32 : i32
      %sub3A_455 = vector.broadcast %sub3A_454 : i32 to vector<16xi32>
      %sub3A_456 = arith.subi %add3A_450, %sub3A_455 : vector<16xi32>
      %select_n3A_457 = arith.select %ge3A_453, %sub3A_456, %add3A_450 : vector<16xi1>, vector<16xi32>
      %gather3A_458 = tpu.vector_load_idx %arg9[%add3A_170, %select_n3A_457] : memref<512x32xf32, #tpu.memory_space<vmem>>[vector<16xi32>, vector<16xi32>], vector<16xf32>,
      %gather3A_459 = tpu.vector_load_idx %arg10[%add3A_170, %select_n3A_457] : memref<512x32xf32, #tpu.memory_space<vmem>>[vector<16xi32>, vector<16xi32>], vector<16xf32>,
      %mul3A_460 = arith.mulf %gather3A_458, %gather3A_459 : vector<16xf32>
      %add3A_461 = arith.addf %add3A_447, %mul3A_460 : vector<16xf32>
      %add3A_462 = arith.constant 21 : i32
      %add3A_463 = vector.broadcast %add3A_462 : i32 to vector<16xi32>
      %add3A_464 = arith.addi %iota3A, %add3A_463 : vector<16xi32>
      %ge3A_465 = arith.constant 32 : i32
      %ge3A_466 = vector.broadcast %ge3A_465 : i32 to vector<16xi32>
      %ge3A_467 = arith.cmpi sge, %add3A_464, %ge3A_466 : vector<16xi32>
      %sub3A_468 = arith.constant 32 : i32
      %sub3A_469 = vector.broadcast %sub3A_468 : i32 to vector<16xi32>
      %sub3A_470 = arith.subi %add3A_464, %sub3A_469 : vector<16xi32>
      %select_n3A_471 = arith.select %ge3A_467, %sub3A_470, %add3A_464 : vector<16xi1>, vector<16xi32>
      %gather3A_472 = tpu.vector_load_idx %arg9[%add3A_170, %select_n3A_471] : memref<512x32xf32, #tpu.memory_space<vmem>>[vector<16xi32>, vector<16xi32>], vector<16xf32>,
      %gather3A_473 = tpu.vector_load_idx %arg10[%add3A_170, %select_n3A_471] : memref<512x32xf32, #tpu.memory_space<vmem>>[vector<16xi32>, vector<16xi32>], vector<16xf32>,
      %mul3A_474 = arith.mulf %gather3A_472, %gather3A_473 : vector<16xf32>
      %add3A_475 = arith.addf %add3A_461, %mul3A_474 : vector<16xf32>
      %add3A_476 = arith.constant 22 : i32
      %add3A_477 = vector.broadcast %add3A_476 : i32 to vector<16xi32>
      %add3A_478 = arith.addi %iota3A, %add3A_477 : vector<16xi32>
      %ge3A_479 = arith.constant 32 : i32
      %ge3A_480 = vector.broadcast %ge3A_479 : i32 to vector<16xi32>
      %ge3A_481 = arith.cmpi sge, %add3A_478, %ge3A_480 : vector<16xi32>
      %sub3A_482 = arith.constant 32 : i32
      %sub3A_483 = vector.broadcast %sub3A_482 : i32 to vector<16xi32>
      %sub3A_484 = arith.subi %add3A_478, %sub3A_483 : vector<16xi32>
      %select_n3A_485 = arith.select %ge3A_481, %sub3A_484, %add3A_478 : vector<16xi1>, vector<16xi32>
      %gather3A_486 = tpu.vector_load_idx %arg9[%add3A_170, %select_n3A_485] : memref<512x32xf32, #tpu.memory_space<vmem>>[vector<16xi32>, vector<16xi32>], vector<16xf32>,
      %gather3A_487 = tpu.vector_load_idx %arg10[%add3A_170, %select_n3A_485] : memref<512x32xf32, #tpu.memory_space<vmem>>[vector<16xi32>, vector<16xi32>], vector<16xf32>,
      %mul3A_488 = arith.mulf %gather3A_486, %gather3A_487 : vector<16xf32>
      %add3A_489 = arith.addf %add3A_475, %mul3A_488 : vector<16xf32>
      %add3A_490 = arith.constant 23 : i32
      %add3A_491 = vector.broadcast %add3A_490 : i32 to vector<16xi32>
      %add3A_492 = arith.addi %iota3A, %add3A_491 : vector<16xi32>
      %ge3A_493 = arith.constant 32 : i32
      %ge3A_494 = vector.broadcast %ge3A_493 : i32 to vector<16xi32>
      %ge3A_495 = arith.cmpi sge, %add3A_492, %ge3A_494 : vector<16xi32>
      %sub3A_496 = arith.constant 32 : i32
      %sub3A_497 = vector.broadcast %sub3A_496 : i32 to vector<16xi32>
      %sub3A_498 = arith.subi %add3A_492, %sub3A_497 : vector<16xi32>
      %select_n3A_499 = arith.select %ge3A_495, %sub3A_498, %add3A_492 : vector<16xi1>, vector<16xi32>
      %gather3A_500 = tpu.vector_load_idx %arg9[%add3A_170, %select_n3A_499] : memref<512x32xf32, #tpu.memory_space<vmem>>[vector<16xi32>, vector<16xi32>], vector<16xf32>,
      %gather3A_501 = tpu.vector_load_idx %arg10[%add3A_170, %select_n3A_499] : memref<512x32xf32, #tpu.memory_space<vmem>>[vector<16xi32>, vector<16xi32>], vector<16xf32>,
      %mul3A_502 = arith.mulf %gather3A_500, %gather3A_501 : vector<16xf32>
      %add3A_503 = arith.addf %add3A_489, %mul3A_502 : vector<16xf32>
      %add3A_504 = arith.constant 24 : i32
      %add3A_505 = vector.broadcast %add3A_504 : i32 to vector<16xi32>
      %add3A_506 = arith.addi %iota3A, %add3A_505 : vector<16xi32>
      %ge3A_507 = arith.constant 32 : i32
      %ge3A_508 = vector.broadcast %ge3A_507 : i32 to vector<16xi32>
      %ge3A_509 = arith.cmpi sge, %add3A_506, %ge3A_508 : vector<16xi32>
      %sub3A_510 = arith.constant 32 : i32
      %sub3A_511 = vector.broadcast %sub3A_510 : i32 to vector<16xi32>
      %sub3A_512 = arith.subi %add3A_506, %sub3A_511 : vector<16xi32>
      %select_n3A_513 = arith.select %ge3A_509, %sub3A_512, %add3A_506 : vector<16xi1>, vector<16xi32>
      %gather3A_514 = tpu.vector_load_idx %arg9[%add3A_170, %select_n3A_513] : memref<512x32xf32, #tpu.memory_space<vmem>>[vector<16xi32>, vector<16xi32>], vector<16xf32>,
      %gather3A_515 = tpu.vector_load_idx %arg10[%add3A_170, %select_n3A_513] : memref<512x32xf32, #tpu.memory_space<vmem>>[vector<16xi32>, vector<16xi32>], vector<16xf32>,
      %mul3A_516 = arith.mulf %gather3A_514, %gather3A_515 : vector<16xf32>
      %add3A_517 = arith.addf %add3A_503, %mul3A_516 : vector<16xf32>
      %add3A_518 = arith.constant 25 : i32
      %add3A_519 = vector.broadcast %add3A_518 : i32 to vector<16xi32>
      %add3A_520 = arith.addi %iota3A, %add3A_519 : vector<16xi32>
      %ge3A_521 = arith.constant 32 : i32
      %ge3A_522 = vector.broadcast %ge3A_521 : i32 to vector<16xi32>
      %ge3A_523 = arith.cmpi sge, %add3A_520, %ge3A_522 : vector<16xi32>
      %sub3A_524 = arith.constant 32 : i32
      %sub3A_525 = vector.broadcast %sub3A_524 : i32 to vector<16xi32>
      %sub3A_526 = arith.subi %add3A_520, %sub3A_525 : vector<16xi32>
      %select_n3A_527 = arith.select %ge3A_523, %sub3A_526, %add3A_520 : vector<16xi1>, vector<16xi32>
      %gather3A_528 = tpu.vector_load_idx %arg9[%add3A_170, %select_n3A_527] : memref<512x32xf32, #tpu.memory_space<vmem>>[vector<16xi32>, vector<16xi32>], vector<16xf32>,
      %gather3A_529 = tpu.vector_load_idx %arg10[%add3A_170, %select_n3A_527] : memref<512x32xf32, #tpu.memory_space<vmem>>[vector<16xi32>, vector<16xi32>], vector<16xf32>,
      %mul3A_530 = arith.mulf %gather3A_528, %gather3A_529 : vector<16xf32>
      %add3A_531 = arith.addf %add3A_517, %mul3A_530 : vector<16xf32>
      %add3A_532 = arith.constant 26 : i32
      %add3A_533 = vector.broadcast %add3A_532 : i32 to vector<16xi32>
      %add3A_534 = arith.addi %iota3A, %add3A_533 : vector<16xi32>
      %ge3A_535 = arith.constant 32 : i32
      %ge3A_536 = vector.broadcast %ge3A_535 : i32 to vector<16xi32>
      %ge3A_537 = arith.cmpi sge, %add3A_534, %ge3A_536 : vector<16xi32>
      %sub3A_538 = arith.constant 32 : i32
      %sub3A_539 = vector.broadcast %sub3A_538 : i32 to vector<16xi32>
      %sub3A_540 = arith.subi %add3A_534, %sub3A_539 : vector<16xi32>
      %select_n3A_541 = arith.select %ge3A_537, %sub3A_540, %add3A_534 : vector<16xi1>, vector<16xi32>
      %gather3A_542 = tpu.vector_load_idx %arg9[%add3A_170, %select_n3A_541] : memref<512x32xf32, #tpu.memory_space<vmem>>[vector<16xi32>, vector<16xi32>], vector<16xf32>,
      %gather3A_543 = tpu.vector_load_idx %arg10[%add3A_170, %select_n3A_541] : memref<512x32xf32, #tpu.memory_space<vmem>>[vector<16xi32>, vector<16xi32>], vector<16xf32>,
      %mul3A_544 = arith.mulf %gather3A_542, %gather3A_543 : vector<16xf32>
      %add3A_545 = arith.addf %add3A_531, %mul3A_544 : vector<16xf32>
      %add3A_546 = arith.constant 27 : i32
      %add3A_547 = vector.broadcast %add3A_546 : i32 to vector<16xi32>
      %add3A_548 = arith.addi %iota3A, %add3A_547 : vector<16xi32>
      %ge3A_549 = arith.constant 32 : i32
      %ge3A_550 = vector.broadcast %ge3A_549 : i32 to vector<16xi32>
      %ge3A_551 = arith.cmpi sge, %add3A_548, %ge3A_550 : vector<16xi32>
      %sub3A_552 = arith.constant 32 : i32
      %sub3A_553 = vector.broadcast %sub3A_552 : i32 to vector<16xi32>
      %sub3A_554 = arith.subi %add3A_548, %sub3A_553 : vector<16xi32>
      %select_n3A_555 = arith.select %ge3A_551, %sub3A_554, %add3A_548 : vector<16xi1>, vector<16xi32>
      %gather3A_556 = tpu.vector_load_idx %arg9[%add3A_170, %select_n3A_555] : memref<512x32xf32, #tpu.memory_space<vmem>>[vector<16xi32>, vector<16xi32>], vector<16xf32>,
      %gather3A_557 = tpu.vector_load_idx %arg10[%add3A_170, %select_n3A_555] : memref<512x32xf32, #tpu.memory_space<vmem>>[vector<16xi32>, vector<16xi32>], vector<16xf32>,
      %mul3A_558 = arith.mulf %gather3A_556, %gather3A_557 : vector<16xf32>
      %add3A_559 = arith.addf %add3A_545, %mul3A_558 : vector<16xf32>
      %add3A_560 = arith.constant 28 : i32
      %add3A_561 = vector.broadcast %add3A_560 : i32 to vector<16xi32>
      %add3A_562 = arith.addi %iota3A, %add3A_561 : vector<16xi32>
      %ge3A_563 = arith.constant 32 : i32
      %ge3A_564 = vector.broadcast %ge3A_563 : i32 to vector<16xi32>
      %ge3A_565 = arith.cmpi sge, %add3A_562, %ge3A_564 : vector<16xi32>
      %sub3A_566 = arith.constant 32 : i32
      %sub3A_567 = vector.broadcast %sub3A_566 : i32 to vector<16xi32>
      %sub3A_568 = arith.subi %add3A_562, %sub3A_567 : vector<16xi32>
      %select_n3A_569 = arith.select %ge3A_565, %sub3A_568, %add3A_562 : vector<16xi1>, vector<16xi32>
      %gather3A_570 = tpu.vector_load_idx %arg9[%add3A_170, %select_n3A_569] : memref<512x32xf32, #tpu.memory_space<vmem>>[vector<16xi32>, vector<16xi32>], vector<16xf32>,
      %gather3A_571 = tpu.vector_load_idx %arg10[%add3A_170, %select_n3A_569] : memref<512x32xf32, #tpu.memory_space<vmem>>[vector<16xi32>, vector<16xi32>], vector<16xf32>,
      %mul3A_572 = arith.mulf %gather3A_570, %gather3A_571 : vector<16xf32>
      %add3A_573 = arith.addf %add3A_559, %mul3A_572 : vector<16xf32>
      %add3A_574 = arith.constant 29 : i32
      %add3A_575 = vector.broadcast %add3A_574 : i32 to vector<16xi32>
      %add3A_576 = arith.addi %iota3A, %add3A_575 : vector<16xi32>
      %ge3A_577 = arith.constant 32 : i32
      %ge3A_578 = vector.broadcast %ge3A_577 : i32 to vector<16xi32>
      %ge3A_579 = arith.cmpi sge, %add3A_576, %ge3A_578 : vector<16xi32>
      %sub3A_580 = arith.constant 32 : i32
      %sub3A_581 = vector.broadcast %sub3A_580 : i32 to vector<16xi32>
      %sub3A_582 = arith.subi %add3A_576, %sub3A_581 : vector<16xi32>
      %select_n3A_583 = arith.select %ge3A_579, %sub3A_582, %add3A_576 : vector<16xi1>, vector<16xi32>
      %gather3A_584 = tpu.vector_load_idx %arg9[%add3A_170, %select_n3A_583] : memref<512x32xf32, #tpu.memory_space<vmem>>[vector<16xi32>, vector<16xi32>], vector<16xf32>,
      %gather3A_585 = tpu.vector_load_idx %arg10[%add3A_170, %select_n3A_583] : memref<512x32xf32, #tpu.memory_space<vmem>>[vector<16xi32>, vector<16xi32>], vector<16xf32>,
      %mul3A_586 = arith.mulf %gather3A_584, %gather3A_585 : vector<16xf32>
      %add3A_587 = arith.addf %add3A_573, %mul3A_586 : vector<16xf32>
      %add3A_588 = arith.constant 30 : i32
      %add3A_589 = vector.broadcast %add3A_588 : i32 to vector<16xi32>
      %add3A_590 = arith.addi %iota3A, %add3A_589 : vector<16xi32>
      %ge3A_591 = arith.constant 32 : i32
      %ge3A_592 = vector.broadcast %ge3A_591 : i32 to vector<16xi32>
      %ge3A_593 = arith.cmpi sge, %add3A_590, %ge3A_592 : vector<16xi32>
      %sub3A_594 = arith.constant 32 : i32
      %sub3A_595 = vector.broadcast %sub3A_594 : i32 to vector<16xi32>
      %sub3A_596 = arith.subi %add3A_590, %sub3A_595 : vector<16xi32>
      %select_n3A_597 = arith.select %ge3A_593, %sub3A_596, %add3A_590 : vector<16xi1>, vector<16xi32>
      %gather3A_598 = tpu.vector_load_idx %arg9[%add3A_170, %select_n3A_597] : memref<512x32xf32, #tpu.memory_space<vmem>>[vector<16xi32>, vector<16xi32>], vector<16xf32>,
      %gather3A_599 = tpu.vector_load_idx %arg10[%add3A_170, %select_n3A_597] : memref<512x32xf32, #tpu.memory_space<vmem>>[vector<16xi32>, vector<16xi32>], vector<16xf32>,
      %mul3A_600 = arith.mulf %gather3A_598, %gather3A_599 : vector<16xf32>
      %add3A_601 = arith.addf %add3A_587, %mul3A_600 : vector<16xf32>
      %add3A_602 = arith.constant 31 : i32
      %add3A_603 = vector.broadcast %add3A_602 : i32 to vector<16xi32>
      %add3A_604 = arith.addi %iota3A, %add3A_603 : vector<16xi32>
      %ge3A_605 = arith.constant 32 : i32
      %ge3A_606 = vector.broadcast %ge3A_605 : i32 to vector<16xi32>
      %ge3A_607 = arith.cmpi sge, %add3A_604, %ge3A_606 : vector<16xi32>
      %sub3A_608 = arith.constant 32 : i32
      %sub3A_609 = vector.broadcast %sub3A_608 : i32 to vector<16xi32>
      %sub3A_610 = arith.subi %add3A_604, %sub3A_609 : vector<16xi32>
      %select_n3A_611 = arith.select %ge3A_607, %sub3A_610, %add3A_604 : vector<16xi1>, vector<16xi32>
      %gather3A_612 = tpu.vector_load_idx %arg9[%add3A_170, %select_n3A_611] : memref<512x32xf32, #tpu.memory_space<vmem>>[vector<16xi32>, vector<16xi32>], vector<16xf32>,
      %gather3A_613 = tpu.vector_load_idx %arg10[%add3A_170, %select_n3A_611] : memref<512x32xf32, #tpu.memory_space<vmem>>[vector<16xi32>, vector<16xi32>], vector<16xf32>,
      %mul3A_614 = arith.mulf %gather3A_612, %gather3A_613 : vector<16xf32>
      %add3A_615 = arith.addf %add3A_601, %mul3A_614 : vector<16xf32>
      %mul3A_616 = arith.constant 16 : i32
      %mul3A_617 = arith.muli %scan3A_165, %mul3A_616 : i32
      %swap3A = arith.index_cast %mul3A_617 : i32 to index
      %swap3A_618 = tpu.vector_load %arg11[%swap3A] {strides = array<i32>} : memref<512xf32, #tpu.memory_space<vmem>>, vector<16xf32>,
      tpu.vector_store %arg11[%swap3A], %add3A_615 {strides = array<i32>} : memref<512xf32, #tpu.memory_space<vmem>>, vector<16xf32>,
      %scan3A_619 = arith.constant 0 : i32
      scf.yield %scan3A_619 : i32
    }
    %scan3A_164 = arith.constant 32 : i32
    "tpu.region"() ({
      %run_scoped3A = tpu.sem_alloc : memref<!tpu.dma_semaphore, #tpu.memory_space<semaphore_mem>>
      %dma_start3A_165 = arith.constant 0 : i32
      %dma_start3A_166 = tpu.memref_slice %arg6[%add3A, %dma_start3A_165] : memref<32x512xf32, #tpu.memory_space<hbm>> -> memref<1x512xf32, #tpu.memory_space<hbm>>
      %dma_start3A_167 = tpu.memref_squeeze %dma_start3A_166 : memref<1x512xf32, #tpu.memory_space<hbm>> -> memref<512xf32, #tpu.memory_space<hbm>>
      %dma_start3A_168 = arith.constant 0 : i32
      %dma_start3A_169 = tpu.memref_slice %arg6[%add3A, %dma_start3A_168] : memref<32x512xf32, #tpu.memory_space<hbm>> -> memref<1x512xf32, #tpu.memory_space<hbm>>
      %dma_start3A_170 = tpu.memref_squeeze %dma_start3A_169 : memref<1x512xf32, #tpu.memory_space<hbm>> -> memref<512xf32, #tpu.memory_space<hbm>>
      tpu.enqueue_dma source(%arg11 : memref<512xf32, #tpu.memory_space<vmem>>) target(%dma_start3A_170 : memref<512xf32, #tpu.memory_space<hbm>>) target_semaphore(%run_scoped3A : memref<!tpu.dma_semaphore, #tpu.memory_space<semaphore_mem>>)
      %dma_wait3A_171 = arith.constant 0 : i32
      %dma_wait3A_172 = tpu.memref_slice %arg6[%add3A, %dma_wait3A_171] : memref<32x512xf32, #tpu.memory_space<hbm>> -> memref<1x512xf32, #tpu.memory_space<hbm>>
      %dma_wait3A_173 = tpu.memref_squeeze %dma_wait3A_172 : memref<1x512xf32, #tpu.memory_space<hbm>> -> memref<512xf32, #tpu.memory_space<hbm>>
      %dma_wait3A_174 = arith.constant 0 : i32
      %dma_wait3A_175 = tpu.memref_slice %arg6[%add3A, %dma_wait3A_174] : memref<32x512xf32, #tpu.memory_space<hbm>> -> memref<1x512xf32, #tpu.memory_space<hbm>>
      %dma_wait3A_176 = tpu.memref_squeeze %dma_wait3A_175 : memref<1x512xf32, #tpu.memory_space<hbm>> -> memref<512xf32, #tpu.memory_space<hbm>>
      tpu.wait_dma2 semaphore(%run_scoped3A : memref<!tpu.dma_semaphore, #tpu.memory_space<semaphore_mem>>) src(%arg11 : memref<512xf32, #tpu.memory_space<vmem>>) dst(%dma_wait3A_176 : memref<512xf32, #tpu.memory_space<hbm>>)
      tpu.yield
    }) : () -> ()
    return
  }
}

#map = affine_map<(d0, d1) -> (0, 0)>
#map1 = affine_map<(d0, d1) -> (0)>
module attributes {stable_mosaic.version = 14 : i64} {
  func.func @_tr_kernel(%arg0: i32, %arg1: i32, %arg2: memref<32x1000000xf32, #tpu.memory_space<hbm>>, %arg3: memref<32000000xf32, #tpu.memory_space<hbm>>, %arg4: memref<32x768xf32, #tpu.memory_space<vmem>>, %arg5: memref<32x768xf32, #tpu.memory_space<vmem>>, %arg6: memref<24576xf32, #tpu.memory_space<vmem>>, %arg7: memref<24576xf32, #tpu.memory_space<vmem>>, %arg8: memref<!tpu.dma_semaphore, #tpu.memory_space<semaphore_mem>>, %arg9: memref<!tpu.dma_semaphore, #tpu.memory_space<semaphore_mem>>) attributes {dimension_semantics = [#tpu.dimension_semantics<core_parallel>, #tpu.dimension_semantics<subcore_parallel>], iteration_bounds = array<i64: 2, 16>, scalar_prefetch = 0 : i64, scratch_operands = 6 : i64, tpu.core_type = #tpu.core_type<sc_vector_subcore>, window_params = [{transform_indices = #map}, {transform_indices = #map1}]} {
    %mul3A = arith.constant 2 : i32
    %mul3A_0 = arith.muli %arg1, %mul3A : i32
    %add3A = arith.addi %mul3A_0, %arg0 : i32
    %mul3A_1 = arith.constant 41 : i32
    %mul3A_2 = arith.muli %add3A, %mul3A_1 : i32
    %add3A_3 = arith.constant 41 : i32
    %add3A_4 = arith.addi %mul3A_2, %add3A_3 : i32
    %min3A = arith.constant 1303 : i32
    %min3A_5 = arith.minsi %add3A_4, %min3A : i32
    %iota3A = tpu.iota {dimensions = array<i32: 0>} : vector<16xi32>
    %lt3A = arith.cmpi slt, %mul3A_2, %min3A_5 : i32
    %convert_element_type3A = arith.extui %lt3A : i1 to i32
    %cond3A = arith.constant 0 : i32
    %cond3A_6 = arith.cmpi ne, %convert_element_type3A, %cond3A : i32
    scf.if %cond3A_6 {
      %mul3A_42 = arith.constant 768 : i32
      %mul3A_43 = arith.muli %mul3A_2, %mul3A_42 : i32
      %multiple_of3A = tpu.assume_multiple %mul3A_43, 128 : i32
      %eq3A_44 = arith.constant 1302 : i32
      %eq3A_45 = arith.cmpi eq, %mul3A_2, %eq3A_44 : i32
      %not3A = arith.constant true
      %not3A_46 = arith.xori %eq3A_45, %not3A : i1
      %convert_element_type3A_47 = arith.extui %not3A_46 : i1 to i32
      %cond3A_48 = arith.constant 0 : i32
      %cond3A_49 = arith.cmpi ne, %convert_element_type3A_47, %cond3A_48 : i32
      scf.if %cond3A_49 {
        %dma_start3A = arith.constant 0 : i32
        %dma_start3A_53 = tpu.memref_slice %arg2[%dma_start3A, %multiple_of3A] : memref<32x1000000xf32, #tpu.memory_space<hbm>> -> memref<32x768xf32, #tpu.memory_space<hbm>>
        %dma_start3A_54 = arith.constant 0 : i32
        %dma_start3A_55 = tpu.memref_slice %arg2[%dma_start3A_54, %multiple_of3A] : memref<32x1000000xf32, #tpu.memory_space<hbm>> -> memref<32x768xf32, #tpu.memory_space<hbm>>
        tpu.enqueue_dma source(%dma_start3A_55 : memref<32x768xf32, #tpu.memory_space<hbm>>) target(%arg4 : memref<32x768xf32, #tpu.memory_space<vmem>>) target_semaphore(%arg8 : memref<!tpu.dma_semaphore, #tpu.memory_space<semaphore_mem>>)
      } else {
      }
      %convert_element_type3A_50 = arith.extui %eq3A_45 : i1 to i32
      %cond3A_51 = arith.constant 0 : i32
      %cond3A_52 = arith.cmpi ne, %convert_element_type3A_50, %cond3A_51 : i32
      scf.if %cond3A_52 {
        %dma_start3A = arith.constant 0 : i32
        %dma_start3A_53 = arith.constant 0 : i32
        %dma_start3A_54 = tpu.memref_slice %arg4[%dma_start3A, %dma_start3A_53] : memref<32x768xf32, #tpu.memory_space<vmem>> -> memref<32x128xf32, #tpu.memory_space<vmem>>
        %dma_start3A_55 = arith.constant 0 : i32
        %dma_start3A_56 = tpu.memref_slice %arg2[%dma_start3A_55, %multiple_of3A] : memref<32x1000000xf32, #tpu.memory_space<hbm>> -> memref<32x128xf32, #tpu.memory_space<hbm>>
        %dma_start3A_57 = arith.constant 0 : i32
        %dma_start3A_58 = arith.constant 0 : i32
        %dma_start3A_59 = tpu.memref_slice %arg4[%dma_start3A_57, %dma_start3A_58] : memref<32x768xf32, #tpu.memory_space<vmem>> -> memref<32x128xf32, #tpu.memory_space<vmem>>
        %dma_start3A_60 = arith.constant 0 : i32
        %dma_start3A_61 = tpu.memref_slice %arg2[%dma_start3A_60, %multiple_of3A] : memref<32x1000000xf32, #tpu.memory_space<hbm>> -> memref<32x128xf32, #tpu.memory_space<hbm>>
        tpu.enqueue_dma source(%dma_start3A_61 : memref<32x128xf32, #tpu.memory_space<hbm>>) target(%dma_start3A_59 : memref<32x128xf32, #tpu.memory_space<vmem>>) target_semaphore(%arg8 : memref<!tpu.dma_semaphore, #tpu.memory_space<semaphore_mem>>)
      } else {
      }
    } else {
    }
    %scan3A = arith.constant 0 : i32
    %scan3A_7 = arith.constant 0 : i32
    %scan3A_8 = arith.constant 21 : i32
    %scan3A_9 = arith.addi %scan3A_7, %scan3A_8 : i32
    %scan3A_10 = arith.constant 1 : i32
    %scan3A_11 = scf.for %scan3A_42 = %scan3A_7 to %scan3A_9 step %scan3A_10 iter_args(%scan3A_43 = %scan3A) -> (i32)  : i32 {
      %mul3A_44 = arith.constant 2 : i32
      %mul3A_45 = arith.muli %mul3A_44, %scan3A_42 : i32
      %add3A_46 = arith.addi %mul3A_2, %mul3A_45 : i32
      %add3A_47 = arith.constant 0 : i32
      %add3A_48 = arith.addi %add3A_46, %add3A_47 : i32
      %lt3A_49 = arith.cmpi slt, %add3A_48, %min3A_5 : i32
      %convert_element_type3A_50 = arith.extui %lt3A_49 : i1 to i32
      %cond3A_51 = arith.constant 0 : i32
      %cond3A_52 = arith.cmpi ne, %convert_element_type3A_50, %cond3A_51 : i32
      scf.if %cond3A_52 {
        %eq3A_63 = arith.constant 1302 : i32
        %eq3A_64 = arith.cmpi eq, %add3A_48, %eq3A_63 : i32
        %not3A = arith.constant true
        %not3A_65 = arith.xori %eq3A_64, %not3A : i1
        %convert_element_type3A_66 = arith.extui %not3A_65 : i1 to i32
        %cond3A_67 = arith.constant 0 : i32
        %cond3A_68 = arith.cmpi ne, %convert_element_type3A_66, %cond3A_67 : i32
        scf.if %cond3A_68 {
          %dma_wait3A = arith.constant 0 : i32
          %dma_wait3A_105 = arith.constant 0 : i32
          %dma_wait3A_106 = tpu.memref_slice %arg2[%dma_wait3A, %dma_wait3A_105] : memref<32x1000000xf32, #tpu.memory_space<hbm>> -> memref<32x768xf32, #tpu.memory_space<hbm>>
          %dma_wait3A_107 = arith.constant 0 : i32
          %dma_wait3A_108 = arith.constant 0 : i32
          %dma_wait3A_109 = tpu.memref_slice %arg2[%dma_wait3A_107, %dma_wait3A_108] : memref<32x1000000xf32, #tpu.memory_space<hbm>> -> memref<32x768xf32, #tpu.memory_space<hbm>>
          tpu.wait_dma2 semaphore(%arg8 : memref<!tpu.dma_semaphore, #tpu.memory_space<semaphore_mem>>) src(%dma_wait3A_109 : memref<32x768xf32, #tpu.memory_space<hbm>>) dst(%arg4 : memref<32x768xf32, #tpu.memory_space<vmem>>)
        } else {
        }
        %convert_element_type3A_69 = arith.extui %eq3A_64 : i1 to i32
        %cond3A_70 = arith.constant 0 : i32
        %cond3A_71 = arith.cmpi ne, %convert_element_type3A_69, %cond3A_70 : i32
        scf.if %cond3A_71 {
          %dma_wait3A = arith.constant 0 : i32
          %dma_wait3A_105 = arith.constant 0 : i32
          %dma_wait3A_106 = tpu.memref_slice %arg4[%dma_wait3A, %dma_wait3A_105] : memref<32x768xf32, #tpu.memory_space<vmem>> -> memref<32x128xf32, #tpu.memory_space<vmem>>
          %dma_wait3A_107 = arith.constant 0 : i32
          %dma_wait3A_108 = arith.constant 0 : i32
          %dma_wait3A_109 = tpu.memref_slice %arg2[%dma_wait3A_107, %dma_wait3A_108] : memref<32x1000000xf32, #tpu.memory_space<hbm>> -> memref<32x128xf32, #tpu.memory_space<hbm>>
          %dma_wait3A_110 = arith.constant 0 : i32
          %dma_wait3A_111 = arith.constant 0 : i32
          %dma_wait3A_112 = tpu.memref_slice %arg4[%dma_wait3A_110, %dma_wait3A_111] : memref<32x768xf32, #tpu.memory_space<vmem>> -> memref<32x128xf32, #tpu.memory_space<vmem>>
          %dma_wait3A_113 = arith.constant 0 : i32
          %dma_wait3A_114 = arith.constant 0 : i32
          %dma_wait3A_115 = tpu.memref_slice %arg2[%dma_wait3A_113, %dma_wait3A_114] : memref<32x1000000xf32, #tpu.memory_space<hbm>> -> memref<32x128xf32, #tpu.memory_space<hbm>>
          tpu.wait_dma2 semaphore(%arg8 : memref<!tpu.dma_semaphore, #tpu.memory_space<semaphore_mem>>) src(%dma_wait3A_115 : memref<32x128xf32, #tpu.memory_space<hbm>>) dst(%dma_wait3A_112 : memref<32x128xf32, #tpu.memory_space<vmem>>)
        } else {
        }
        %add3A_72 = arith.constant 1 : i32
        %add3A_73 = arith.addi %add3A_48, %add3A_72 : i32
        %lt3A_74 = arith.cmpi slt, %add3A_73, %min3A_5 : i32
        %convert_element_type3A_75 = arith.extui %lt3A_74 : i1 to i32
        %cond3A_76 = arith.constant 0 : i32
        %cond3A_77 = arith.cmpi ne, %convert_element_type3A_75, %cond3A_76 : i32
        scf.if %cond3A_77 {
          %add3A_105 = arith.constant 1 : i32
          %add3A_106 = arith.addi %add3A_48, %add3A_105 : i32
          %mul3A_107 = arith.constant 768 : i32
          %mul3A_108 = arith.muli %add3A_106, %mul3A_107 : i32
          %multiple_of3A_109 = tpu.assume_multiple %mul3A_108, 128 : i32
          %eq3A_110 = arith.constant 1302 : i32
          %eq3A_111 = arith.cmpi eq, %add3A_106, %eq3A_110 : i32
          %not3A_112 = arith.constant true
          %not3A_113 = arith.xori %eq3A_111, %not3A_112 : i1
          %convert_element_type3A_114 = arith.extui %not3A_113 : i1 to i32
          %cond3A_115 = arith.constant 0 : i32
          %cond3A_116 = arith.cmpi ne, %convert_element_type3A_114, %cond3A_115 : i32
          scf.if %cond3A_116 {
            %dma_start3A = arith.constant 0 : i32
            %dma_start3A_120 = tpu.memref_slice %arg2[%dma_start3A, %multiple_of3A_109] : memref<32x1000000xf32, #tpu.memory_space<hbm>> -> memref<32x768xf32, #tpu.memory_space<hbm>>
            %dma_start3A_121 = arith.constant 0 : i32
            %dma_start3A_122 = tpu.memref_slice %arg2[%dma_start3A_121, %multiple_of3A_109] : memref<32x1000000xf32, #tpu.memory_space<hbm>> -> memref<32x768xf32, #tpu.memory_space<hbm>>
            tpu.enqueue_dma source(%dma_start3A_122 : memref<32x768xf32, #tpu.memory_space<hbm>>) target(%arg5 : memref<32x768xf32, #tpu.memory_space<vmem>>) target_semaphore(%arg8 : memref<!tpu.dma_semaphore, #tpu.memory_space<semaphore_mem>>)
          } else {
          }
          %convert_element_type3A_117 = arith.extui %eq3A_111 : i1 to i32
          %cond3A_118 = arith.constant 0 : i32
          %cond3A_119 = arith.cmpi ne, %convert_element_type3A_117, %cond3A_118 : i32
          scf.if %cond3A_119 {
            %dma_start3A = arith.constant 0 : i32
            %dma_start3A_120 = arith.constant 0 : i32
            %dma_start3A_121 = tpu.memref_slice %arg5[%dma_start3A, %dma_start3A_120] : memref<32x768xf32, #tpu.memory_space<vmem>> -> memref<32x128xf32, #tpu.memory_space<vmem>>
            %dma_start3A_122 = arith.constant 0 : i32
            %dma_start3A_123 = tpu.memref_slice %arg2[%dma_start3A_122, %multiple_of3A_109] : memref<32x1000000xf32, #tpu.memory_space<hbm>> -> memref<32x128xf32, #tpu.memory_space<hbm>>
            %dma_start3A_124 = arith.constant 0 : i32
            %dma_start3A_125 = arith.constant 0 : i32
            %dma_start3A_126 = tpu.memref_slice %arg5[%dma_start3A_124, %dma_start3A_125] : memref<32x768xf32, #tpu.memory_space<vmem>> -> memref<32x128xf32, #tpu.memory_space<vmem>>
            %dma_start3A_127 = arith.constant 0 : i32
            %dma_start3A_128 = tpu.memref_slice %arg2[%dma_start3A_127, %multiple_of3A_109] : memref<32x1000000xf32, #tpu.memory_space<hbm>> -> memref<32x128xf32, #tpu.memory_space<hbm>>
            tpu.enqueue_dma source(%dma_start3A_128 : memref<32x128xf32, #tpu.memory_space<hbm>>) target(%dma_start3A_126 : memref<32x128xf32, #tpu.memory_space<vmem>>) target_semaphore(%arg8 : memref<!tpu.dma_semaphore, #tpu.memory_space<semaphore_mem>>)
          } else {
          }
        } else {
        }
        %sub3A_78 = arith.constant 2 : i32
        %sub3A_79 = arith.subi %add3A_48, %sub3A_78 : i32
        %ge3A_80 = arith.cmpi sge, %sub3A_79, %mul3A_2 : i32
        %convert_element_type3A_81 = arith.extui %ge3A_80 : i1 to i32
        %cond3A_82 = arith.constant 0 : i32
        %cond3A_83 = arith.cmpi ne, %convert_element_type3A_81, %cond3A_82 : i32
        scf.if %cond3A_83 {
          %dma_wait3A = arith.constant 0 : i32
          %dma_wait3A_105 = tpu.memref_slice %arg6[%dma_wait3A] : memref<24576xf32, #tpu.memory_space<vmem>> -> memref<24576xf32, #tpu.memory_space<vmem>>
          %dma_wait3A_106 = arith.constant 0 : i32
          %dma_wait3A_107 = tpu.memref_slice %arg3[%dma_wait3A_106] : memref<32000000xf32, #tpu.memory_space<hbm>> -> memref<24576xf32, #tpu.memory_space<hbm>>
          %dma_wait3A_108 = arith.constant 0 : i32
          %dma_wait3A_109 = tpu.memref_slice %arg3[%dma_wait3A_108] : memref<32000000xf32, #tpu.memory_space<hbm>> -> memref<24576xf32, #tpu.memory_space<hbm>>
          %dma_wait3A_110 = arith.constant 0 : i32
          %dma_wait3A_111 = tpu.memref_slice %arg6[%dma_wait3A_110] : memref<24576xf32, #tpu.memory_space<vmem>> -> memref<24576xf32, #tpu.memory_space<vmem>>
          tpu.wait_dma2 semaphore(%arg9 : memref<!tpu.dma_semaphore, #tpu.memory_space<semaphore_mem>>) src(%dma_wait3A_111 : memref<24576xf32, #tpu.memory_space<vmem>>) dst(%dma_wait3A_109 : memref<24576xf32, #tpu.memory_space<hbm>>)
        } else {
        }
        %scan3A_84 = arith.constant 0 : i32
        %scan3A_85 = arith.constant 0 : i32
        %scan3A_86 = arith.constant 96 : i32
        %scan3A_87 = arith.addi %scan3A_85, %scan3A_86 : i32
        %scan3A_88 = arith.constant 1 : i32
        %scan3A_89 = scf.for %scan3A_105 = %scan3A_85 to %scan3A_87 step %scan3A_88 iter_args(%scan3A_106 = %scan3A_84) -> (i32)  : i32 {
          %mul3A_107 = arith.constant 8 : i32
          %mul3A_108 = arith.muli %scan3A_105, %mul3A_107 : i32
          %add3A_109 = arith.constant 0 : i32
          %add3A_110 = arith.addi %mul3A_108, %add3A_109 : i32
          %add3A_111 = vector.broadcast %add3A_110 : i32 to vector<16xi32>
          %add3A_112 = arith.addi %add3A_111, %iota3A : vector<16xi32>
          %ge3A_113 = arith.constant 768 : i32
          %ge3A_114 = vector.broadcast %ge3A_113 : i32 to vector<16xi32>
          %ge3A_115 = arith.cmpi sge, %add3A_112, %ge3A_114 : vector<16xi32>
          %sub3A_116 = arith.constant 768 : i32
          %sub3A_117 = vector.broadcast %sub3A_116 : i32 to vector<16xi32>
          %sub3A_118 = arith.subi %add3A_112, %sub3A_117 : vector<16xi32>
          %select_n3A = arith.select %ge3A_115, %sub3A_118, %add3A_112 : vector<16xi1>, vector<16xi32>
          %gather3A = tpu.vector_load_idx %arg4[%iota3A, %select_n3A] : memref<32x768xf32, #tpu.memory_space<vmem>>[vector<16xi32>, vector<16xi32>], vector<16xf32>,
          %add3A_119 = arith.constant 16 : i32
          %add3A_120 = vector.broadcast %add3A_119 : i32 to vector<16xi32>
          %add3A_121 = arith.addi %iota3A, %add3A_120 : vector<16xi32>
          %gather3A_122 = tpu.vector_load_idx %arg4[%add3A_121, %select_n3A] : memref<32x768xf32, #tpu.memory_space<vmem>>[vector<16xi32>, vector<16xi32>], vector<16xf32>,
          %mul3A_123 = arith.constant 32 : i32
          %mul3A_124 = vector.broadcast %mul3A_123 : i32 to vector<16xi32>
          %mul3A_125 = arith.muli %select_n3A, %mul3A_124 : vector<16xi32>
          %add3A_126 = arith.addi %mul3A_125, %iota3A : vector<16xi32>
          tpu.vector_store_idx %arg6[%add3A_126], %gather3A : memref<24576xf32, #tpu.memory_space<vmem>>[vector<16xi32>], vector<16xf32>,
          %mul3A_127 = arith.constant 32 : i32
          %mul3A_128 = vector.broadcast %mul3A_127 : i32 to vector<16xi32>
          %mul3A_129 = arith.muli %select_n3A, %mul3A_128 : vector<16xi32>
          %add3A_130 = arith.constant 16 : i32
          %add3A_131 = vector.broadcast %add3A_130 : i32 to vector<16xi32>
          %add3A_132 = arith.addi %mul3A_129, %add3A_131 : vector<16xi32>
          %add3A_133 = arith.addi %add3A_132, %iota3A : vector<16xi32>
          tpu.vector_store_idx %arg6[%add3A_133], %gather3A_122 : memref<24576xf32, #tpu.memory_space<vmem>>[vector<16xi32>], vector<16xf32>,
          %mul3A_134 = arith.constant 8 : i32
          %mul3A_135 = arith.muli %scan3A_105, %mul3A_134 : i32
          %add3A_136 = arith.constant 1 : i32
          %add3A_137 = arith.addi %mul3A_135, %add3A_136 : i32
          %add3A_138 = vector.broadcast %add3A_137 : i32 to vector<16xi32>
          %add3A_139 = arith.addi %add3A_138, %iota3A : vector<16xi32>
          %ge3A_140 = arith.constant 768 : i32
          %ge3A_141 = vector.broadcast %ge3A_140 : i32 to vector<16xi32>
          %ge3A_142 = arith.cmpi sge, %add3A_139, %ge3A_141 : vector<16xi32>
          %sub3A_143 = arith.constant 768 : i32
          %sub3A_144 = vector.broadcast %sub3A_143 : i32 to vector<16xi32>
          %sub3A_145 = arith.subi %add3A_139, %sub3A_144 : vector<16xi32>
          %select_n3A_146 = arith.select %ge3A_142, %sub3A_145, %add3A_139 : vector<16xi1>, vector<16xi32>
          %gather3A_147 = tpu.vector_load_idx %arg4[%iota3A, %select_n3A_146] : memref<32x768xf32, #tpu.memory_space<vmem>>[vector<16xi32>, vector<16xi32>], vector<16xf32>,
          %add3A_148 = arith.constant 16 : i32
          %add3A_149 = vector.broadcast %add3A_148 : i32 to vector<16xi32>
          %add3A_150 = arith.addi %iota3A, %add3A_149 : vector<16xi32>
          %gather3A_151 = tpu.vector_load_idx %arg4[%add3A_150, %select_n3A_146] : memref<32x768xf32, #tpu.memory_space<vmem>>[vector<16xi32>, vector<16xi32>], vector<16xf32>,
          %mul3A_152 = arith.constant 32 : i32
          %mul3A_153 = vector.broadcast %mul3A_152 : i32 to vector<16xi32>
          %mul3A_154 = arith.muli %select_n3A_146, %mul3A_153 : vector<16xi32>
          %add3A_155 = arith.addi %mul3A_154, %iota3A : vector<16xi32>
          tpu.vector_store_idx %arg6[%add3A_155], %gather3A_147 : memref<24576xf32, #tpu.memory_space<vmem>>[vector<16xi32>], vector<16xf32>,
          %mul3A_156 = arith.constant 32 : i32
          %mul3A_157 = vector.broadcast %mul3A_156 : i32 to vector<16xi32>
          %mul3A_158 = arith.muli %select_n3A_146, %mul3A_157 : vector<16xi32>
          %add3A_159 = arith.constant 16 : i32
          %add3A_160 = vector.broadcast %add3A_159 : i32 to vector<16xi32>
          %add3A_161 = arith.addi %mul3A_158, %add3A_160 : vector<16xi32>
          %add3A_162 = arith.addi %add3A_161, %iota3A : vector<16xi32>
          tpu.vector_store_idx %arg6[%add3A_162], %gather3A_151 : memref<24576xf32, #tpu.memory_space<vmem>>[vector<16xi32>], vector<16xf32>,
          %mul3A_163 = arith.constant 8 : i32
          %mul3A_164 = arith.muli %scan3A_105, %mul3A_163 : i32
          %add3A_165 = arith.constant 2 : i32
          %add3A_166 = arith.addi %mul3A_164, %add3A_165 : i32
          %add3A_167 = vector.broadcast %add3A_166 : i32 to vector<16xi32>
          %add3A_168 = arith.addi %add3A_167, %iota3A : vector<16xi32>
          %ge3A_169 = arith.constant 768 : i32
          %ge3A_170 = vector.broadcast %ge3A_169 : i32 to vector<16xi32>
          %ge3A_171 = arith.cmpi sge, %add3A_168, %ge3A_170 : vector<16xi32>
          %sub3A_172 = arith.constant 768 : i32
          %sub3A_173 = vector.broadcast %sub3A_172 : i32 to vector<16xi32>
          %sub3A_174 = arith.subi %add3A_168, %sub3A_173 : vector<16xi32>
          %select_n3A_175 = arith.select %ge3A_171, %sub3A_174, %add3A_168 : vector<16xi1>, vector<16xi32>
          %gather3A_176 = tpu.vector_load_idx %arg4[%iota3A, %select_n3A_175] : memref<32x768xf32, #tpu.memory_space<vmem>>[vector<16xi32>, vector<16xi32>], vector<16xf32>,
          %add3A_177 = arith.constant 16 : i32
          %add3A_178 = vector.broadcast %add3A_177 : i32 to vector<16xi32>
          %add3A_179 = arith.addi %iota3A, %add3A_178 : vector<16xi32>
          %gather3A_180 = tpu.vector_load_idx %arg4[%add3A_179, %select_n3A_175] : memref<32x768xf32, #tpu.memory_space<vmem>>[vector<16xi32>, vector<16xi32>], vector<16xf32>,
          %mul3A_181 = arith.constant 32 : i32
          %mul3A_182 = vector.broadcast %mul3A_181 : i32 to vector<16xi32>
          %mul3A_183 = arith.muli %select_n3A_175, %mul3A_182 : vector<16xi32>
          %add3A_184 = arith.addi %mul3A_183, %iota3A : vector<16xi32>
          tpu.vector_store_idx %arg6[%add3A_184], %gather3A_176 : memref<24576xf32, #tpu.memory_space<vmem>>[vector<16xi32>], vector<16xf32>,
          %mul3A_185 = arith.constant 32 : i32
          %mul3A_186 = vector.broadcast %mul3A_185 : i32 to vector<16xi32>
          %mul3A_187 = arith.muli %select_n3A_175, %mul3A_186 : vector<16xi32>
          %add3A_188 = arith.constant 16 : i32
          %add3A_189 = vector.broadcast %add3A_188 : i32 to vector<16xi32>
          %add3A_190 = arith.addi %mul3A_187, %add3A_189 : vector<16xi32>
          %add3A_191 = arith.addi %add3A_190, %iota3A : vector<16xi32>
          tpu.vector_store_idx %arg6[%add3A_191], %gather3A_180 : memref<24576xf32, #tpu.memory_space<vmem>>[vector<16xi32>], vector<16xf32>,
          %mul3A_192 = arith.constant 8 : i32
          %mul3A_193 = arith.muli %scan3A_105, %mul3A_192 : i32
          %add3A_194 = arith.constant 3 : i32
          %add3A_195 = arith.addi %mul3A_193, %add3A_194 : i32
          %add3A_196 = vector.broadcast %add3A_195 : i32 to vector<16xi32>
          %add3A_197 = arith.addi %add3A_196, %iota3A : vector<16xi32>
          %ge3A_198 = arith.constant 768 : i32
          %ge3A_199 = vector.broadcast %ge3A_198 : i32 to vector<16xi32>
          %ge3A_200 = arith.cmpi sge, %add3A_197, %ge3A_199 : vector<16xi32>
          %sub3A_201 = arith.constant 768 : i32
          %sub3A_202 = vector.broadcast %sub3A_201 : i32 to vector<16xi32>
          %sub3A_203 = arith.subi %add3A_197, %sub3A_202 : vector<16xi32>
          %select_n3A_204 = arith.select %ge3A_200, %sub3A_203, %add3A_197 : vector<16xi1>, vector<16xi32>
          %gather3A_205 = tpu.vector_load_idx %arg4[%iota3A, %select_n3A_204] : memref<32x768xf32, #tpu.memory_space<vmem>>[vector<16xi32>, vector<16xi32>], vector<16xf32>,
          %add3A_206 = arith.constant 16 : i32
          %add3A_207 = vector.broadcast %add3A_206 : i32 to vector<16xi32>
          %add3A_208 = arith.addi %iota3A, %add3A_207 : vector<16xi32>
          %gather3A_209 = tpu.vector_load_idx %arg4[%add3A_208, %select_n3A_204] : memref<32x768xf32, #tpu.memory_space<vmem>>[vector<16xi32>, vector<16xi32>], vector<16xf32>,
          %mul3A_210 = arith.constant 32 : i32
          %mul3A_211 = vector.broadcast %mul3A_210 : i32 to vector<16xi32>
          %mul3A_212 = arith.muli %select_n3A_204, %mul3A_211 : vector<16xi32>
          %add3A_213 = arith.addi %mul3A_212, %iota3A : vector<16xi32>
          tpu.vector_store_idx %arg6[%add3A_213], %gather3A_205 : memref<24576xf32, #tpu.memory_space<vmem>>[vector<16xi32>], vector<16xf32>,
          %mul3A_214 = arith.constant 32 : i32
          %mul3A_215 = vector.broadcast %mul3A_214 : i32 to vector<16xi32>
          %mul3A_216 = arith.muli %select_n3A_204, %mul3A_215 : vector<16xi32>
          %add3A_217 = arith.constant 16 : i32
          %add3A_218 = vector.broadcast %add3A_217 : i32 to vector<16xi32>
          %add3A_219 = arith.addi %mul3A_216, %add3A_218 : vector<16xi32>
          %add3A_220 = arith.addi %add3A_219, %iota3A : vector<16xi32>
          tpu.vector_store_idx %arg6[%add3A_220], %gather3A_209 : memref<24576xf32, #tpu.memory_space<vmem>>[vector<16xi32>], vector<16xf32>,
          %mul3A_221 = arith.constant 8 : i32
          %mul3A_222 = arith.muli %scan3A_105, %mul3A_221 : i32
          %add3A_223 = arith.constant 4 : i32
          %add3A_224 = arith.addi %mul3A_222, %add3A_223 : i32
          %add3A_225 = vector.broadcast %add3A_224 : i32 to vector<16xi32>
          %add3A_226 = arith.addi %add3A_225, %iota3A : vector<16xi32>
          %ge3A_227 = arith.constant 768 : i32
          %ge3A_228 = vector.broadcast %ge3A_227 : i32 to vector<16xi32>
          %ge3A_229 = arith.cmpi sge, %add3A_226, %ge3A_228 : vector<16xi32>
          %sub3A_230 = arith.constant 768 : i32
          %sub3A_231 = vector.broadcast %sub3A_230 : i32 to vector<16xi32>
          %sub3A_232 = arith.subi %add3A_226, %sub3A_231 : vector<16xi32>
          %select_n3A_233 = arith.select %ge3A_229, %sub3A_232, %add3A_226 : vector<16xi1>, vector<16xi32>
          %gather3A_234 = tpu.vector_load_idx %arg4[%iota3A, %select_n3A_233] : memref<32x768xf32, #tpu.memory_space<vmem>>[vector<16xi32>, vector<16xi32>], vector<16xf32>,
          %add3A_235 = arith.constant 16 : i32
          %add3A_236 = vector.broadcast %add3A_235 : i32 to vector<16xi32>
          %add3A_237 = arith.addi %iota3A, %add3A_236 : vector<16xi32>
          %gather3A_238 = tpu.vector_load_idx %arg4[%add3A_237, %select_n3A_233] : memref<32x768xf32, #tpu.memory_space<vmem>>[vector<16xi32>, vector<16xi32>], vector<16xf32>,
          %mul3A_239 = arith.constant 32 : i32
          %mul3A_240 = vector.broadcast %mul3A_239 : i32 to vector<16xi32>
          %mul3A_241 = arith.muli %select_n3A_233, %mul3A_240 : vector<16xi32>
          %add3A_242 = arith.addi %mul3A_241, %iota3A : vector<16xi32>
          tpu.vector_store_idx %arg6[%add3A_242], %gather3A_234 : memref<24576xf32, #tpu.memory_space<vmem>>[vector<16xi32>], vector<16xf32>,
          %mul3A_243 = arith.constant 32 : i32
          %mul3A_244 = vector.broadcast %mul3A_243 : i32 to vector<16xi32>
          %mul3A_245 = arith.muli %select_n3A_233, %mul3A_244 : vector<16xi32>
          %add3A_246 = arith.constant 16 : i32
          %add3A_247 = vector.broadcast %add3A_246 : i32 to vector<16xi32>
          %add3A_248 = arith.addi %mul3A_245, %add3A_247 : vector<16xi32>
          %add3A_249 = arith.addi %add3A_248, %iota3A : vector<16xi32>
          tpu.vector_store_idx %arg6[%add3A_249], %gather3A_238 : memref<24576xf32, #tpu.memory_space<vmem>>[vector<16xi32>], vector<16xf32>,
          %mul3A_250 = arith.constant 8 : i32
          %mul3A_251 = arith.muli %scan3A_105, %mul3A_250 : i32
          %add3A_252 = arith.constant 5 : i32
          %add3A_253 = arith.addi %mul3A_251, %add3A_252 : i32
          %add3A_254 = vector.broadcast %add3A_253 : i32 to vector<16xi32>
          %add3A_255 = arith.addi %add3A_254, %iota3A : vector<16xi32>
          %ge3A_256 = arith.constant 768 : i32
          %ge3A_257 = vector.broadcast %ge3A_256 : i32 to vector<16xi32>
          %ge3A_258 = arith.cmpi sge, %add3A_255, %ge3A_257 : vector<16xi32>
          %sub3A_259 = arith.constant 768 : i32
          %sub3A_260 = vector.broadcast %sub3A_259 : i32 to vector<16xi32>
          %sub3A_261 = arith.subi %add3A_255, %sub3A_260 : vector<16xi32>
          %select_n3A_262 = arith.select %ge3A_258, %sub3A_261, %add3A_255 : vector<16xi1>, vector<16xi32>
          %gather3A_263 = tpu.vector_load_idx %arg4[%iota3A, %select_n3A_262] : memref<32x768xf32, #tpu.memory_space<vmem>>[vector<16xi32>, vector<16xi32>], vector<16xf32>,
          %add3A_264 = arith.constant 16 : i32
          %add3A_265 = vector.broadcast %add3A_264 : i32 to vector<16xi32>
          %add3A_266 = arith.addi %iota3A, %add3A_265 : vector<16xi32>
          %gather3A_267 = tpu.vector_load_idx %arg4[%add3A_266, %select_n3A_262] : memref<32x768xf32, #tpu.memory_space<vmem>>[vector<16xi32>, vector<16xi32>], vector<16xf32>,
          %mul3A_268 = arith.constant 32 : i32
          %mul3A_269 = vector.broadcast %mul3A_268 : i32 to vector<16xi32>
          %mul3A_270 = arith.muli %select_n3A_262, %mul3A_269 : vector<16xi32>
          %add3A_271 = arith.addi %mul3A_270, %iota3A : vector<16xi32>
          tpu.vector_store_idx %arg6[%add3A_271], %gather3A_263 : memref<24576xf32, #tpu.memory_space<vmem>>[vector<16xi32>], vector<16xf32>,
          %mul3A_272 = arith.constant 32 : i32
          %mul3A_273 = vector.broadcast %mul3A_272 : i32 to vector<16xi32>
          %mul3A_274 = arith.muli %select_n3A_262, %mul3A_273 : vector<16xi32>
          %add3A_275 = arith.constant 16 : i32
          %add3A_276 = vector.broadcast %add3A_275 : i32 to vector<16xi32>
          %add3A_277 = arith.addi %mul3A_274, %add3A_276 : vector<16xi32>
          %add3A_278 = arith.addi %add3A_277, %iota3A : vector<16xi32>
          tpu.vector_store_idx %arg6[%add3A_278], %gather3A_267 : memref<24576xf32, #tpu.memory_space<vmem>>[vector<16xi32>], vector<16xf32>,
          %mul3A_279 = arith.constant 8 : i32
          %mul3A_280 = arith.muli %scan3A_105, %mul3A_279 : i32
          %add3A_281 = arith.constant 6 : i32
          %add3A_282 = arith.addi %mul3A_280, %add3A_281 : i32
          %add3A_283 = vector.broadcast %add3A_282 : i32 to vector<16xi32>
          %add3A_284 = arith.addi %add3A_283, %iota3A : vector<16xi32>
          %ge3A_285 = arith.constant 768 : i32
          %ge3A_286 = vector.broadcast %ge3A_285 : i32 to vector<16xi32>
          %ge3A_287 = arith.cmpi sge, %add3A_284, %ge3A_286 : vector<16xi32>
          %sub3A_288 = arith.constant 768 : i32
          %sub3A_289 = vector.broadcast %sub3A_288 : i32 to vector<16xi32>
          %sub3A_290 = arith.subi %add3A_284, %sub3A_289 : vector<16xi32>
          %select_n3A_291 = arith.select %ge3A_287, %sub3A_290, %add3A_284 : vector<16xi1>, vector<16xi32>
          %gather3A_292 = tpu.vector_load_idx %arg4[%iota3A, %select_n3A_291] : memref<32x768xf32, #tpu.memory_space<vmem>>[vector<16xi32>, vector<16xi32>], vector<16xf32>,
          %add3A_293 = arith.constant 16 : i32
          %add3A_294 = vector.broadcast %add3A_293 : i32 to vector<16xi32>
          %add3A_295 = arith.addi %iota3A, %add3A_294 : vector<16xi32>
          %gather3A_296 = tpu.vector_load_idx %arg4[%add3A_295, %select_n3A_291] : memref<32x768xf32, #tpu.memory_space<vmem>>[vector<16xi32>, vector<16xi32>], vector<16xf32>,
          %mul3A_297 = arith.constant 32 : i32
          %mul3A_298 = vector.broadcast %mul3A_297 : i32 to vector<16xi32>
          %mul3A_299 = arith.muli %select_n3A_291, %mul3A_298 : vector<16xi32>
          %add3A_300 = arith.addi %mul3A_299, %iota3A : vector<16xi32>
          tpu.vector_store_idx %arg6[%add3A_300], %gather3A_292 : memref<24576xf32, #tpu.memory_space<vmem>>[vector<16xi32>], vector<16xf32>,
          %mul3A_301 = arith.constant 32 : i32
          %mul3A_302 = vector.broadcast %mul3A_301 : i32 to vector<16xi32>
          %mul3A_303 = arith.muli %select_n3A_291, %mul3A_302 : vector<16xi32>
          %add3A_304 = arith.constant 16 : i32
          %add3A_305 = vector.broadcast %add3A_304 : i32 to vector<16xi32>
          %add3A_306 = arith.addi %mul3A_303, %add3A_305 : vector<16xi32>
          %add3A_307 = arith.addi %add3A_306, %iota3A : vector<16xi32>
          tpu.vector_store_idx %arg6[%add3A_307], %gather3A_296 : memref<24576xf32, #tpu.memory_space<vmem>>[vector<16xi32>], vector<16xf32>,
          %mul3A_308 = arith.constant 8 : i32
          %mul3A_309 = arith.muli %scan3A_105, %mul3A_308 : i32
          %add3A_310 = arith.constant 7 : i32
          %add3A_311 = arith.addi %mul3A_309, %add3A_310 : i32
          %add3A_312 = vector.broadcast %add3A_311 : i32 to vector<16xi32>
          %add3A_313 = arith.addi %add3A_312, %iota3A : vector<16xi32>
          %ge3A_314 = arith.constant 768 : i32
          %ge3A_315 = vector.broadcast %ge3A_314 : i32 to vector<16xi32>
          %ge3A_316 = arith.cmpi sge, %add3A_313, %ge3A_315 : vector<16xi32>
          %sub3A_317 = arith.constant 768 : i32
          %sub3A_318 = vector.broadcast %sub3A_317 : i32 to vector<16xi32>
          %sub3A_319 = arith.subi %add3A_313, %sub3A_318 : vector<16xi32>
          %select_n3A_320 = arith.select %ge3A_316, %sub3A_319, %add3A_313 : vector<16xi1>, vector<16xi32>
          %gather3A_321 = tpu.vector_load_idx %arg4[%iota3A, %select_n3A_320] : memref<32x768xf32, #tpu.memory_space<vmem>>[vector<16xi32>, vector<16xi32>], vector<16xf32>,
          %add3A_322 = arith.constant 16 : i32
          %add3A_323 = vector.broadcast %add3A_322 : i32 to vector<16xi32>
          %add3A_324 = arith.addi %iota3A, %add3A_323 : vector<16xi32>
          %gather3A_325 = tpu.vector_load_idx %arg4[%add3A_324, %select_n3A_320] : memref<32x768xf32, #tpu.memory_space<vmem>>[vector<16xi32>, vector<16xi32>], vector<16xf32>,
          %mul3A_326 = arith.constant 32 : i32
          %mul3A_327 = vector.broadcast %mul3A_326 : i32 to vector<16xi32>
          %mul3A_328 = arith.muli %select_n3A_320, %mul3A_327 : vector<16xi32>
          %add3A_329 = arith.addi %mul3A_328, %iota3A : vector<16xi32>
          tpu.vector_store_idx %arg6[%add3A_329], %gather3A_321 : memref<24576xf32, #tpu.memory_space<vmem>>[vector<16xi32>], vector<16xf32>,
          %mul3A_330 = arith.constant 32 : i32
          %mul3A_331 = vector.broadcast %mul3A_330 : i32 to vector<16xi32>
          %mul3A_332 = arith.muli %select_n3A_320, %mul3A_331 : vector<16xi32>
          %add3A_333 = arith.constant 16 : i32
          %add3A_334 = vector.broadcast %add3A_333 : i32 to vector<16xi32>
          %add3A_335 = arith.addi %mul3A_332, %add3A_334 : vector<16xi32>
          %add3A_336 = arith.addi %add3A_335, %iota3A : vector<16xi32>
          tpu.vector_store_idx %arg6[%add3A_336], %gather3A_325 : memref<24576xf32, #tpu.memory_space<vmem>>[vector<16xi32>], vector<16xf32>,
          %scan3A_337 = arith.constant 0 : i32
          scf.yield %scan3A_337 : i32
        }
        %scan3A_90 = arith.constant 96 : i32
        %mul3A_91 = arith.constant 768 : i32
        %mul3A_92 = arith.muli %add3A_48, %mul3A_91 : i32
        %mul3A_93 = arith.constant 32 : i32
        %mul3A_94 = arith.muli %mul3A_92, %mul3A_93 : i32
        %multiple_of3A = tpu.assume_multiple %mul3A_94, 8 : i32
        %eq3A_95 = arith.constant 1302 : i32
        %eq3A_96 = arith.cmpi eq, %add3A_48, %eq3A_95 : i32
        %not3A_97 = arith.constant true
        %not3A_98 = arith.xori %eq3A_96, %not3A_97 : i1
        %convert_element_type3A_99 = arith.extui %not3A_98 : i1 to i32
        %cond3A_100 = arith.constant 0 : i32
        %cond3A_101 = arith.cmpi ne, %convert_element_type3A_99, %cond3A_100 : i32
        scf.if %cond3A_101 {
          %dma_start3A = tpu.memref_slice %arg3[%multiple_of3A] : memref<32000000xf32, #tpu.memory_space<hbm>> -> memref<24576xf32, #tpu.memory_space<hbm>>
          %dma_start3A_105 = tpu.memref_slice %arg3[%multiple_of3A] : memref<32000000xf32, #tpu.memory_space<hbm>> -> memref<24576xf32, #tpu.memory_space<hbm>>
          tpu.enqueue_dma source(%arg6 : memref<24576xf32, #tpu.memory_space<vmem>>) target(%dma_start3A_105 : memref<24576xf32, #tpu.memory_space<hbm>>) target_semaphore(%arg9 : memref<!tpu.dma_semaphore, #tpu.memory_space<semaphore_mem>>)
        } else {
        }
        %convert_element_type3A_102 = arith.extui %eq3A_96 : i1 to i32
        %cond3A_103 = arith.constant 0 : i32
        %cond3A_104 = arith.cmpi ne, %convert_element_type3A_102, %cond3A_103 : i32
        scf.if %cond3A_104 {
          %dma_start3A = arith.constant 0 : i32
          %dma_start3A_105 = tpu.memref_slice %arg6[%dma_start3A] : memref<24576xf32, #tpu.memory_space<vmem>> -> memref<2048xf32, #tpu.memory_space<vmem>>
          %dma_start3A_106 = tpu.memref_slice %arg3[%multiple_of3A] : memref<32000000xf32, #tpu.memory_space<hbm>> -> memref<2048xf32, #tpu.memory_space<hbm>>
          %dma_start3A_107 = tpu.memref_slice %arg3[%multiple_of3A] : memref<32000000xf32, #tpu.memory_space<hbm>> -> memref<2048xf32, #tpu.memory_space<hbm>>
          %dma_start3A_108 = arith.constant 0 : i32
          %dma_start3A_109 = tpu.memref_slice %arg6[%dma_start3A_108] : memref<24576xf32, #tpu.memory_space<vmem>> -> memref<2048xf32, #tpu.memory_space<vmem>>
          tpu.enqueue_dma source(%dma_start3A_109 : memref<2048xf32, #tpu.memory_space<vmem>>) target(%dma_start3A_107 : memref<2048xf32, #tpu.memory_space<hbm>>) target_semaphore(%arg9 : memref<!tpu.dma_semaphore, #tpu.memory_space<semaphore_mem>>)
        } else {
        }
      } else {
      }
      %mul3A_53 = arith.constant 2 : i32
      %mul3A_54 = arith.muli %mul3A_53, %scan3A_42 : i32
      %add3A_55 = arith.addi %mul3A_2, %mul3A_54 : i32
      %add3A_56 = arith.constant 1 : i32
      %add3A_57 = arith.addi %add3A_55, %add3A_56 : i32
      %lt3A_58 = arith.cmpi slt, %add3A_57, %min3A_5 : i32
      %convert_element_type3A_59 = arith.extui %lt3A_58 : i1 to i32
      %cond3A_60 = arith.constant 0 : i32
      %cond3A_61 = arith.cmpi ne, %convert_element_type3A_59, %cond3A_60 : i32
      scf.if %cond3A_61 {
        %eq3A_63 = arith.constant 1302 : i32
        %eq3A_64 = arith.cmpi eq, %add3A_57, %eq3A_63 : i32
        %not3A = arith.constant true
        %not3A_65 = arith.xori %eq3A_64, %not3A : i1
        %convert_element_type3A_66 = arith.extui %not3A_65 : i1 to i32
        %cond3A_67 = arith.constant 0 : i32
        %cond3A_68 = arith.cmpi ne, %convert_element_type3A_66, %cond3A_67 : i32
        scf.if %cond3A_68 {
          %dma_wait3A = arith.constant 0 : i32
          %dma_wait3A_105 = arith.constant 0 : i32
          %dma_wait3A_106 = tpu.memref_slice %arg2[%dma_wait3A, %dma_wait3A_105] : memref<32x1000000xf32, #tpu.memory_space<hbm>> -> memref<32x768xf32, #tpu.memory_space<hbm>>
          %dma_wait3A_107 = arith.constant 0 : i32
          %dma_wait3A_108 = arith.constant 0 : i32
          %dma_wait3A_109 = tpu.memref_slice %arg2[%dma_wait3A_107, %dma_wait3A_108] : memref<32x1000000xf32, #tpu.memory_space<hbm>> -> memref<32x768xf32, #tpu.memory_space<hbm>>
          tpu.wait_dma2 semaphore(%arg8 : memref<!tpu.dma_semaphore, #tpu.memory_space<semaphore_mem>>) src(%dma_wait3A_109 : memref<32x768xf32, #tpu.memory_space<hbm>>) dst(%arg5 : memref<32x768xf32, #tpu.memory_space<vmem>>)
        } else {
        }
        %convert_element_type3A_69 = arith.extui %eq3A_64 : i1 to i32
        %cond3A_70 = arith.constant 0 : i32
        %cond3A_71 = arith.cmpi ne, %convert_element_type3A_69, %cond3A_70 : i32
        scf.if %cond3A_71 {
          %dma_wait3A = arith.constant 0 : i32
          %dma_wait3A_105 = arith.constant 0 : i32
          %dma_wait3A_106 = tpu.memref_slice %arg5[%dma_wait3A, %dma_wait3A_105] : memref<32x768xf32, #tpu.memory_space<vmem>> -> memref<32x128xf32, #tpu.memory_space<vmem>>
          %dma_wait3A_107 = arith.constant 0 : i32
          %dma_wait3A_108 = arith.constant 0 : i32
          %dma_wait3A_109 = tpu.memref_slice %arg2[%dma_wait3A_107, %dma_wait3A_108] : memref<32x1000000xf32, #tpu.memory_space<hbm>> -> memref<32x128xf32, #tpu.memory_space<hbm>>
          %dma_wait3A_110 = arith.constant 0 : i32
          %dma_wait3A_111 = arith.constant 0 : i32
          %dma_wait3A_112 = tpu.memref_slice %arg5[%dma_wait3A_110, %dma_wait3A_111] : memref<32x768xf32, #tpu.memory_space<vmem>> -> memref<32x128xf32, #tpu.memory_space<vmem>>
          %dma_wait3A_113 = arith.constant 0 : i32
          %dma_wait3A_114 = arith.constant 0 : i32
          %dma_wait3A_115 = tpu.memref_slice %arg2[%dma_wait3A_113, %dma_wait3A_114] : memref<32x1000000xf32, #tpu.memory_space<hbm>> -> memref<32x128xf32, #tpu.memory_space<hbm>>
          tpu.wait_dma2 semaphore(%arg8 : memref<!tpu.dma_semaphore, #tpu.memory_space<semaphore_mem>>) src(%dma_wait3A_115 : memref<32x128xf32, #tpu.memory_space<hbm>>) dst(%dma_wait3A_112 : memref<32x128xf32, #tpu.memory_space<vmem>>)
        } else {
        }
        %add3A_72 = arith.constant 1 : i32
        %add3A_73 = arith.addi %add3A_57, %add3A_72 : i32
        %lt3A_74 = arith.cmpi slt, %add3A_73, %min3A_5 : i32
        %convert_element_type3A_75 = arith.extui %lt3A_74 : i1 to i32
        %cond3A_76 = arith.constant 0 : i32
        %cond3A_77 = arith.cmpi ne, %convert_element_type3A_75, %cond3A_76 : i32
        scf.if %cond3A_77 {
          %add3A_105 = arith.constant 1 : i32
          %add3A_106 = arith.addi %add3A_57, %add3A_105 : i32
          %mul3A_107 = arith.constant 768 : i32
          %mul3A_108 = arith.muli %add3A_106, %mul3A_107 : i32
          %multiple_of3A_109 = tpu.assume_multiple %mul3A_108, 128 : i32
          %eq3A_110 = arith.constant 1302 : i32
          %eq3A_111 = arith.cmpi eq, %add3A_106, %eq3A_110 : i32
          %not3A_112 = arith.constant true
          %not3A_113 = arith.xori %eq3A_111, %not3A_112 : i1
          %convert_element_type3A_114 = arith.extui %not3A_113 : i1 to i32
          %cond3A_115 = arith.constant 0 : i32
          %cond3A_116 = arith.cmpi ne, %convert_element_type3A_114, %cond3A_115 : i32
          scf.if %cond3A_116 {
            %dma_start3A = arith.constant 0 : i32
            %dma_start3A_120 = tpu.memref_slice %arg2[%dma_start3A, %multiple_of3A_109] : memref<32x1000000xf32, #tpu.memory_space<hbm>> -> memref<32x768xf32, #tpu.memory_space<hbm>>
            %dma_start3A_121 = arith.constant 0 : i32
            %dma_start3A_122 = tpu.memref_slice %arg2[%dma_start3A_121, %multiple_of3A_109] : memref<32x1000000xf32, #tpu.memory_space<hbm>> -> memref<32x768xf32, #tpu.memory_space<hbm>>
            tpu.enqueue_dma source(%dma_start3A_122 : memref<32x768xf32, #tpu.memory_space<hbm>>) target(%arg4 : memref<32x768xf32, #tpu.memory_space<vmem>>) target_semaphore(%arg8 : memref<!tpu.dma_semaphore, #tpu.memory_space<semaphore_mem>>)
          } else {
          }
          %convert_element_type3A_117 = arith.extui %eq3A_111 : i1 to i32
          %cond3A_118 = arith.constant 0 : i32
          %cond3A_119 = arith.cmpi ne, %convert_element_type3A_117, %cond3A_118 : i32
          scf.if %cond3A_119 {
            %dma_start3A = arith.constant 0 : i32
            %dma_start3A_120 = arith.constant 0 : i32
            %dma_start3A_121 = tpu.memref_slice %arg4[%dma_start3A, %dma_start3A_120] : memref<32x768xf32, #tpu.memory_space<vmem>> -> memref<32x128xf32, #tpu.memory_space<vmem>>
            %dma_start3A_122 = arith.constant 0 : i32
            %dma_start3A_123 = tpu.memref_slice %arg2[%dma_start3A_122, %multiple_of3A_109] : memref<32x1000000xf32, #tpu.memory_space<hbm>> -> memref<32x128xf32, #tpu.memory_space<hbm>>
            %dma_start3A_124 = arith.constant 0 : i32
            %dma_start3A_125 = arith.constant 0 : i32
            %dma_start3A_126 = tpu.memref_slice %arg4[%dma_start3A_124, %dma_start3A_125] : memref<32x768xf32, #tpu.memory_space<vmem>> -> memref<32x128xf32, #tpu.memory_space<vmem>>
            %dma_start3A_127 = arith.constant 0 : i32
            %dma_start3A_128 = tpu.memref_slice %arg2[%dma_start3A_127, %multiple_of3A_109] : memref<32x1000000xf32, #tpu.memory_space<hbm>> -> memref<32x128xf32, #tpu.memory_space<hbm>>
            tpu.enqueue_dma source(%dma_start3A_128 : memref<32x128xf32, #tpu.memory_space<hbm>>) target(%dma_start3A_126 : memref<32x128xf32, #tpu.memory_space<vmem>>) target_semaphore(%arg8 : memref<!tpu.dma_semaphore, #tpu.memory_space<semaphore_mem>>)
          } else {
          }
        } else {
        }
        %sub3A_78 = arith.constant 2 : i32
        %sub3A_79 = arith.subi %add3A_57, %sub3A_78 : i32
        %ge3A_80 = arith.cmpi sge, %sub3A_79, %mul3A_2 : i32
        %convert_element_type3A_81 = arith.extui %ge3A_80 : i1 to i32
        %cond3A_82 = arith.constant 0 : i32
        %cond3A_83 = arith.cmpi ne, %convert_element_type3A_81, %cond3A_82 : i32
        scf.if %cond3A_83 {
          %dma_wait3A = arith.constant 0 : i32
          %dma_wait3A_105 = tpu.memref_slice %arg6[%dma_wait3A] : memref<24576xf32, #tpu.memory_space<vmem>> -> memref<24576xf32, #tpu.memory_space<vmem>>
          %dma_wait3A_106 = arith.constant 0 : i32
          %dma_wait3A_107 = tpu.memref_slice %arg3[%dma_wait3A_106] : memref<32000000xf32, #tpu.memory_space<hbm>> -> memref<24576xf32, #tpu.memory_space<hbm>>
          %dma_wait3A_108 = arith.constant 0 : i32
          %dma_wait3A_109 = tpu.memref_slice %arg3[%dma_wait3A_108] : memref<32000000xf32, #tpu.memory_space<hbm>> -> memref<24576xf32, #tpu.memory_space<hbm>>
          %dma_wait3A_110 = arith.constant 0 : i32
          %dma_wait3A_111 = tpu.memref_slice %arg6[%dma_wait3A_110] : memref<24576xf32, #tpu.memory_space<vmem>> -> memref<24576xf32, #tpu.memory_space<vmem>>
          tpu.wait_dma2 semaphore(%arg9 : memref<!tpu.dma_semaphore, #tpu.memory_space<semaphore_mem>>) src(%dma_wait3A_111 : memref<24576xf32, #tpu.memory_space<vmem>>) dst(%dma_wait3A_109 : memref<24576xf32, #tpu.memory_space<hbm>>)
        } else {
        }
        %scan3A_84 = arith.constant 0 : i32
        %scan3A_85 = arith.constant 0 : i32
        %scan3A_86 = arith.constant 96 : i32
        %scan3A_87 = arith.addi %scan3A_85, %scan3A_86 : i32
        %scan3A_88 = arith.constant 1 : i32
        %scan3A_89 = scf.for %scan3A_105 = %scan3A_85 to %scan3A_87 step %scan3A_88 iter_args(%scan3A_106 = %scan3A_84) -> (i32)  : i32 {
          %mul3A_107 = arith.constant 8 : i32
          %mul3A_108 = arith.muli %scan3A_105, %mul3A_107 : i32
          %add3A_109 = arith.constant 0 : i32
          %add3A_110 = arith.addi %mul3A_108, %add3A_109 : i32
          %add3A_111 = vector.broadcast %add3A_110 : i32 to vector<16xi32>
          %add3A_112 = arith.addi %add3A_111, %iota3A : vector<16xi32>
          %ge3A_113 = arith.constant 768 : i32
          %ge3A_114 = vector.broadcast %ge3A_113 : i32 to vector<16xi32>
          %ge3A_115 = arith.cmpi sge, %add3A_112, %ge3A_114 : vector<16xi32>
          %sub3A_116 = arith.constant 768 : i32
          %sub3A_117 = vector.broadcast %sub3A_116 : i32 to vector<16xi32>
          %sub3A_118 = arith.subi %add3A_112, %sub3A_117 : vector<16xi32>
          %select_n3A = arith.select %ge3A_115, %sub3A_118, %add3A_112 : vector<16xi1>, vector<16xi32>
          %gather3A = tpu.vector_load_idx %arg5[%iota3A, %select_n3A] : memref<32x768xf32, #tpu.memory_space<vmem>>[vector<16xi32>, vector<16xi32>], vector<16xf32>,
          %add3A_119 = arith.constant 16 : i32
          %add3A_120 = vector.broadcast %add3A_119 : i32 to vector<16xi32>
          %add3A_121 = arith.addi %iota3A, %add3A_120 : vector<16xi32>
          %gather3A_122 = tpu.vector_load_idx %arg5[%add3A_121, %select_n3A] : memref<32x768xf32, #tpu.memory_space<vmem>>[vector<16xi32>, vector<16xi32>], vector<16xf32>,
          %mul3A_123 = arith.constant 32 : i32
          %mul3A_124 = vector.broadcast %mul3A_123 : i32 to vector<16xi32>
          %mul3A_125 = arith.muli %select_n3A, %mul3A_124 : vector<16xi32>
          %add3A_126 = arith.addi %mul3A_125, %iota3A : vector<16xi32>
          tpu.vector_store_idx %arg7[%add3A_126], %gather3A : memref<24576xf32, #tpu.memory_space<vmem>>[vector<16xi32>], vector<16xf32>,
          %mul3A_127 = arith.constant 32 : i32
          %mul3A_128 = vector.broadcast %mul3A_127 : i32 to vector<16xi32>
          %mul3A_129 = arith.muli %select_n3A, %mul3A_128 : vector<16xi32>
          %add3A_130 = arith.constant 16 : i32
          %add3A_131 = vector.broadcast %add3A_130 : i32 to vector<16xi32>
          %add3A_132 = arith.addi %mul3A_129, %add3A_131 : vector<16xi32>
          %add3A_133 = arith.addi %add3A_132, %iota3A : vector<16xi32>
          tpu.vector_store_idx %arg7[%add3A_133], %gather3A_122 : memref<24576xf32, #tpu.memory_space<vmem>>[vector<16xi32>], vector<16xf32>,
          %mul3A_134 = arith.constant 8 : i32
          %mul3A_135 = arith.muli %scan3A_105, %mul3A_134 : i32
          %add3A_136 = arith.constant 1 : i32
          %add3A_137 = arith.addi %mul3A_135, %add3A_136 : i32
          %add3A_138 = vector.broadcast %add3A_137 : i32 to vector<16xi32>
          %add3A_139 = arith.addi %add3A_138, %iota3A : vector<16xi32>
          %ge3A_140 = arith.constant 768 : i32
          %ge3A_141 = vector.broadcast %ge3A_140 : i32 to vector<16xi32>
          %ge3A_142 = arith.cmpi sge, %add3A_139, %ge3A_141 : vector<16xi32>
          %sub3A_143 = arith.constant 768 : i32
          %sub3A_144 = vector.broadcast %sub3A_143 : i32 to vector<16xi32>
          %sub3A_145 = arith.subi %add3A_139, %sub3A_144 : vector<16xi32>
          %select_n3A_146 = arith.select %ge3A_142, %sub3A_145, %add3A_139 : vector<16xi1>, vector<16xi32>
          %gather3A_147 = tpu.vector_load_idx %arg5[%iota3A, %select_n3A_146] : memref<32x768xf32, #tpu.memory_space<vmem>>[vector<16xi32>, vector<16xi32>], vector<16xf32>,
          %add3A_148 = arith.constant 16 : i32
          %add3A_149 = vector.broadcast %add3A_148 : i32 to vector<16xi32>
          %add3A_150 = arith.addi %iota3A, %add3A_149 : vector<16xi32>
          %gather3A_151 = tpu.vector_load_idx %arg5[%add3A_150, %select_n3A_146] : memref<32x768xf32, #tpu.memory_space<vmem>>[vector<16xi32>, vector<16xi32>], vector<16xf32>,
          %mul3A_152 = arith.constant 32 : i32
          %mul3A_153 = vector.broadcast %mul3A_152 : i32 to vector<16xi32>
          %mul3A_154 = arith.muli %select_n3A_146, %mul3A_153 : vector<16xi32>
          %add3A_155 = arith.addi %mul3A_154, %iota3A : vector<16xi32>
          tpu.vector_store_idx %arg7[%add3A_155], %gather3A_147 : memref<24576xf32, #tpu.memory_space<vmem>>[vector<16xi32>], vector<16xf32>,
          %mul3A_156 = arith.constant 32 : i32
          %mul3A_157 = vector.broadcast %mul3A_156 : i32 to vector<16xi32>
          %mul3A_158 = arith.muli %select_n3A_146, %mul3A_157 : vector<16xi32>
          %add3A_159 = arith.constant 16 : i32
          %add3A_160 = vector.broadcast %add3A_159 : i32 to vector<16xi32>
          %add3A_161 = arith.addi %mul3A_158, %add3A_160 : vector<16xi32>
          %add3A_162 = arith.addi %add3A_161, %iota3A : vector<16xi32>
          tpu.vector_store_idx %arg7[%add3A_162], %gather3A_151 : memref<24576xf32, #tpu.memory_space<vmem>>[vector<16xi32>], vector<16xf32>,
          %mul3A_163 = arith.constant 8 : i32
          %mul3A_164 = arith.muli %scan3A_105, %mul3A_163 : i32
          %add3A_165 = arith.constant 2 : i32
          %add3A_166 = arith.addi %mul3A_164, %add3A_165 : i32
          %add3A_167 = vector.broadcast %add3A_166 : i32 to vector<16xi32>
          %add3A_168 = arith.addi %add3A_167, %iota3A : vector<16xi32>
          %ge3A_169 = arith.constant 768 : i32
          %ge3A_170 = vector.broadcast %ge3A_169 : i32 to vector<16xi32>
          %ge3A_171 = arith.cmpi sge, %add3A_168, %ge3A_170 : vector<16xi32>
          %sub3A_172 = arith.constant 768 : i32
          %sub3A_173 = vector.broadcast %sub3A_172 : i32 to vector<16xi32>
          %sub3A_174 = arith.subi %add3A_168, %sub3A_173 : vector<16xi32>
          %select_n3A_175 = arith.select %ge3A_171, %sub3A_174, %add3A_168 : vector<16xi1>, vector<16xi32>
          %gather3A_176 = tpu.vector_load_idx %arg5[%iota3A, %select_n3A_175] : memref<32x768xf32, #tpu.memory_space<vmem>>[vector<16xi32>, vector<16xi32>], vector<16xf32>,
          %add3A_177 = arith.constant 16 : i32
          %add3A_178 = vector.broadcast %add3A_177 : i32 to vector<16xi32>
          %add3A_179 = arith.addi %iota3A, %add3A_178 : vector<16xi32>
          %gather3A_180 = tpu.vector_load_idx %arg5[%add3A_179, %select_n3A_175] : memref<32x768xf32, #tpu.memory_space<vmem>>[vector<16xi32>, vector<16xi32>], vector<16xf32>,
          %mul3A_181 = arith.constant 32 : i32
          %mul3A_182 = vector.broadcast %mul3A_181 : i32 to vector<16xi32>
          %mul3A_183 = arith.muli %select_n3A_175, %mul3A_182 : vector<16xi32>
          %add3A_184 = arith.addi %mul3A_183, %iota3A : vector<16xi32>
          tpu.vector_store_idx %arg7[%add3A_184], %gather3A_176 : memref<24576xf32, #tpu.memory_space<vmem>>[vector<16xi32>], vector<16xf32>,
          %mul3A_185 = arith.constant 32 : i32
          %mul3A_186 = vector.broadcast %mul3A_185 : i32 to vector<16xi32>
          %mul3A_187 = arith.muli %select_n3A_175, %mul3A_186 : vector<16xi32>
          %add3A_188 = arith.constant 16 : i32
          %add3A_189 = vector.broadcast %add3A_188 : i32 to vector<16xi32>
          %add3A_190 = arith.addi %mul3A_187, %add3A_189 : vector<16xi32>
          %add3A_191 = arith.addi %add3A_190, %iota3A : vector<16xi32>
          tpu.vector_store_idx %arg7[%add3A_191], %gather3A_180 : memref<24576xf32, #tpu.memory_space<vmem>>[vector<16xi32>], vector<16xf32>,
          %mul3A_192 = arith.constant 8 : i32
          %mul3A_193 = arith.muli %scan3A_105, %mul3A_192 : i32
          %add3A_194 = arith.constant 3 : i32
          %add3A_195 = arith.addi %mul3A_193, %add3A_194 : i32
          %add3A_196 = vector.broadcast %add3A_195 : i32 to vector<16xi32>
          %add3A_197 = arith.addi %add3A_196, %iota3A : vector<16xi32>
          %ge3A_198 = arith.constant 768 : i32
          %ge3A_199 = vector.broadcast %ge3A_198 : i32 to vector<16xi32>
          %ge3A_200 = arith.cmpi sge, %add3A_197, %ge3A_199 : vector<16xi32>
          %sub3A_201 = arith.constant 768 : i32
          %sub3A_202 = vector.broadcast %sub3A_201 : i32 to vector<16xi32>
          %sub3A_203 = arith.subi %add3A_197, %sub3A_202 : vector<16xi32>
          %select_n3A_204 = arith.select %ge3A_200, %sub3A_203, %add3A_197 : vector<16xi1>, vector<16xi32>
          %gather3A_205 = tpu.vector_load_idx %arg5[%iota3A, %select_n3A_204] : memref<32x768xf32, #tpu.memory_space<vmem>>[vector<16xi32>, vector<16xi32>], vector<16xf32>,
          %add3A_206 = arith.constant 16 : i32
          %add3A_207 = vector.broadcast %add3A_206 : i32 to vector<16xi32>
          %add3A_208 = arith.addi %iota3A, %add3A_207 : vector<16xi32>
          %gather3A_209 = tpu.vector_load_idx %arg5[%add3A_208, %select_n3A_204] : memref<32x768xf32, #tpu.memory_space<vmem>>[vector<16xi32>, vector<16xi32>], vector<16xf32>,
          %mul3A_210 = arith.constant 32 : i32
          %mul3A_211 = vector.broadcast %mul3A_210 : i32 to vector<16xi32>
          %mul3A_212 = arith.muli %select_n3A_204, %mul3A_211 : vector<16xi32>
          %add3A_213 = arith.addi %mul3A_212, %iota3A : vector<16xi32>
          tpu.vector_store_idx %arg7[%add3A_213], %gather3A_205 : memref<24576xf32, #tpu.memory_space<vmem>>[vector<16xi32>], vector<16xf32>,
          %mul3A_214 = arith.constant 32 : i32
          %mul3A_215 = vector.broadcast %mul3A_214 : i32 to vector<16xi32>
          %mul3A_216 = arith.muli %select_n3A_204, %mul3A_215 : vector<16xi32>
          %add3A_217 = arith.constant 16 : i32
          %add3A_218 = vector.broadcast %add3A_217 : i32 to vector<16xi32>
          %add3A_219 = arith.addi %mul3A_216, %add3A_218 : vector<16xi32>
          %add3A_220 = arith.addi %add3A_219, %iota3A : vector<16xi32>
          tpu.vector_store_idx %arg7[%add3A_220], %gather3A_209 : memref<24576xf32, #tpu.memory_space<vmem>>[vector<16xi32>], vector<16xf32>,
          %mul3A_221 = arith.constant 8 : i32
          %mul3A_222 = arith.muli %scan3A_105, %mul3A_221 : i32
          %add3A_223 = arith.constant 4 : i32
          %add3A_224 = arith.addi %mul3A_222, %add3A_223 : i32
          %add3A_225 = vector.broadcast %add3A_224 : i32 to vector<16xi32>
          %add3A_226 = arith.addi %add3A_225, %iota3A : vector<16xi32>
          %ge3A_227 = arith.constant 768 : i32
          %ge3A_228 = vector.broadcast %ge3A_227 : i32 to vector<16xi32>
          %ge3A_229 = arith.cmpi sge, %add3A_226, %ge3A_228 : vector<16xi32>
          %sub3A_230 = arith.constant 768 : i32
          %sub3A_231 = vector.broadcast %sub3A_230 : i32 to vector<16xi32>
          %sub3A_232 = arith.subi %add3A_226, %sub3A_231 : vector<16xi32>
          %select_n3A_233 = arith.select %ge3A_229, %sub3A_232, %add3A_226 : vector<16xi1>, vector<16xi32>
          %gather3A_234 = tpu.vector_load_idx %arg5[%iota3A, %select_n3A_233] : memref<32x768xf32, #tpu.memory_space<vmem>>[vector<16xi32>, vector<16xi32>], vector<16xf32>,
          %add3A_235 = arith.constant 16 : i32
          %add3A_236 = vector.broadcast %add3A_235 : i32 to vector<16xi32>
          %add3A_237 = arith.addi %iota3A, %add3A_236 : vector<16xi32>
          %gather3A_238 = tpu.vector_load_idx %arg5[%add3A_237, %select_n3A_233] : memref<32x768xf32, #tpu.memory_space<vmem>>[vector<16xi32>, vector<16xi32>], vector<16xf32>,
          %mul3A_239 = arith.constant 32 : i32
          %mul3A_240 = vector.broadcast %mul3A_239 : i32 to vector<16xi32>
          %mul3A_241 = arith.muli %select_n3A_233, %mul3A_240 : vector<16xi32>
          %add3A_242 = arith.addi %mul3A_241, %iota3A : vector<16xi32>
          tpu.vector_store_idx %arg7[%add3A_242], %gather3A_234 : memref<24576xf32, #tpu.memory_space<vmem>>[vector<16xi32>], vector<16xf32>,
          %mul3A_243 = arith.constant 32 : i32
          %mul3A_244 = vector.broadcast %mul3A_243 : i32 to vector<16xi32>
          %mul3A_245 = arith.muli %select_n3A_233, %mul3A_244 : vector<16xi32>
          %add3A_246 = arith.constant 16 : i32
          %add3A_247 = vector.broadcast %add3A_246 : i32 to vector<16xi32>
          %add3A_248 = arith.addi %mul3A_245, %add3A_247 : vector<16xi32>
          %add3A_249 = arith.addi %add3A_248, %iota3A : vector<16xi32>
          tpu.vector_store_idx %arg7[%add3A_249], %gather3A_238 : memref<24576xf32, #tpu.memory_space<vmem>>[vector<16xi32>], vector<16xf32>,
          %mul3A_250 = arith.constant 8 : i32
          %mul3A_251 = arith.muli %scan3A_105, %mul3A_250 : i32
          %add3A_252 = arith.constant 5 : i32
          %add3A_253 = arith.addi %mul3A_251, %add3A_252 : i32
          %add3A_254 = vector.broadcast %add3A_253 : i32 to vector<16xi32>
          %add3A_255 = arith.addi %add3A_254, %iota3A : vector<16xi32>
          %ge3A_256 = arith.constant 768 : i32
          %ge3A_257 = vector.broadcast %ge3A_256 : i32 to vector<16xi32>
          %ge3A_258 = arith.cmpi sge, %add3A_255, %ge3A_257 : vector<16xi32>
          %sub3A_259 = arith.constant 768 : i32
          %sub3A_260 = vector.broadcast %sub3A_259 : i32 to vector<16xi32>
          %sub3A_261 = arith.subi %add3A_255, %sub3A_260 : vector<16xi32>
          %select_n3A_262 = arith.select %ge3A_258, %sub3A_261, %add3A_255 : vector<16xi1>, vector<16xi32>
          %gather3A_263 = tpu.vector_load_idx %arg5[%iota3A, %select_n3A_262] : memref<32x768xf32, #tpu.memory_space<vmem>>[vector<16xi32>, vector<16xi32>], vector<16xf32>,
          %add3A_264 = arith.constant 16 : i32
          %add3A_265 = vector.broadcast %add3A_264 : i32 to vector<16xi32>
          %add3A_266 = arith.addi %iota3A, %add3A_265 : vector<16xi32>
          %gather3A_267 = tpu.vector_load_idx %arg5[%add3A_266, %select_n3A_262] : memref<32x768xf32, #tpu.memory_space<vmem>>[vector<16xi32>, vector<16xi32>], vector<16xf32>,
          %mul3A_268 = arith.constant 32 : i32
          %mul3A_269 = vector.broadcast %mul3A_268 : i32 to vector<16xi32>
          %mul3A_270 = arith.muli %select_n3A_262, %mul3A_269 : vector<16xi32>
          %add3A_271 = arith.addi %mul3A_270, %iota3A : vector<16xi32>
          tpu.vector_store_idx %arg7[%add3A_271], %gather3A_263 : memref<24576xf32, #tpu.memory_space<vmem>>[vector<16xi32>], vector<16xf32>,
          %mul3A_272 = arith.constant 32 : i32
          %mul3A_273 = vector.broadcast %mul3A_272 : i32 to vector<16xi32>
          %mul3A_274 = arith.muli %select_n3A_262, %mul3A_273 : vector<16xi32>
          %add3A_275 = arith.constant 16 : i32
          %add3A_276 = vector.broadcast %add3A_275 : i32 to vector<16xi32>
          %add3A_277 = arith.addi %mul3A_274, %add3A_276 : vector<16xi32>
          %add3A_278 = arith.addi %add3A_277, %iota3A : vector<16xi32>
          tpu.vector_store_idx %arg7[%add3A_278], %gather3A_267 : memref<24576xf32, #tpu.memory_space<vmem>>[vector<16xi32>], vector<16xf32>,
          %mul3A_279 = arith.constant 8 : i32
          %mul3A_280 = arith.muli %scan3A_105, %mul3A_279 : i32
          %add3A_281 = arith.constant 6 : i32
          %add3A_282 = arith.addi %mul3A_280, %add3A_281 : i32
          %add3A_283 = vector.broadcast %add3A_282 : i32 to vector<16xi32>
          %add3A_284 = arith.addi %add3A_283, %iota3A : vector<16xi32>
          %ge3A_285 = arith.constant 768 : i32
          %ge3A_286 = vector.broadcast %ge3A_285 : i32 to vector<16xi32>
          %ge3A_287 = arith.cmpi sge, %add3A_284, %ge3A_286 : vector<16xi32>
          %sub3A_288 = arith.constant 768 : i32
          %sub3A_289 = vector.broadcast %sub3A_288 : i32 to vector<16xi32>
          %sub3A_290 = arith.subi %add3A_284, %sub3A_289 : vector<16xi32>
          %select_n3A_291 = arith.select %ge3A_287, %sub3A_290, %add3A_284 : vector<16xi1>, vector<16xi32>
          %gather3A_292 = tpu.vector_load_idx %arg5[%iota3A, %select_n3A_291] : memref<32x768xf32, #tpu.memory_space<vmem>>[vector<16xi32>, vector<16xi32>], vector<16xf32>,
          %add3A_293 = arith.constant 16 : i32
          %add3A_294 = vector.broadcast %add3A_293 : i32 to vector<16xi32>
          %add3A_295 = arith.addi %iota3A, %add3A_294 : vector<16xi32>
          %gather3A_296 = tpu.vector_load_idx %arg5[%add3A_295, %select_n3A_291] : memref<32x768xf32, #tpu.memory_space<vmem>>[vector<16xi32>, vector<16xi32>], vector<16xf32>,
          %mul3A_297 = arith.constant 32 : i32
          %mul3A_298 = vector.broadcast %mul3A_297 : i32 to vector<16xi32>
          %mul3A_299 = arith.muli %select_n3A_291, %mul3A_298 : vector<16xi32>
          %add3A_300 = arith.addi %mul3A_299, %iota3A : vector<16xi32>
          tpu.vector_store_idx %arg7[%add3A_300], %gather3A_292 : memref<24576xf32, #tpu.memory_space<vmem>>[vector<16xi32>], vector<16xf32>,
          %mul3A_301 = arith.constant 32 : i32
          %mul3A_302 = vector.broadcast %mul3A_301 : i32 to vector<16xi32>
          %mul3A_303 = arith.muli %select_n3A_291, %mul3A_302 : vector<16xi32>
          %add3A_304 = arith.constant 16 : i32
          %add3A_305 = vector.broadcast %add3A_304 : i32 to vector<16xi32>
          %add3A_306 = arith.addi %mul3A_303, %add3A_305 : vector<16xi32>
          %add3A_307 = arith.addi %add3A_306, %iota3A : vector<16xi32>
          tpu.vector_store_idx %arg7[%add3A_307], %gather3A_296 : memref<24576xf32, #tpu.memory_space<vmem>>[vector<16xi32>], vector<16xf32>,
          %mul3A_308 = arith.constant 8 : i32
          %mul3A_309 = arith.muli %scan3A_105, %mul3A_308 : i32
          %add3A_310 = arith.constant 7 : i32
          %add3A_311 = arith.addi %mul3A_309, %add3A_310 : i32
          %add3A_312 = vector.broadcast %add3A_311 : i32 to vector<16xi32>
          %add3A_313 = arith.addi %add3A_312, %iota3A : vector<16xi32>
          %ge3A_314 = arith.constant 768 : i32
          %ge3A_315 = vector.broadcast %ge3A_314 : i32 to vector<16xi32>
          %ge3A_316 = arith.cmpi sge, %add3A_313, %ge3A_315 : vector<16xi32>
          %sub3A_317 = arith.constant 768 : i32
          %sub3A_318 = vector.broadcast %sub3A_317 : i32 to vector<16xi32>
          %sub3A_319 = arith.subi %add3A_313, %sub3A_318 : vector<16xi32>
          %select_n3A_320 = arith.select %ge3A_316, %sub3A_319, %add3A_313 : vector<16xi1>, vector<16xi32>
          %gather3A_321 = tpu.vector_load_idx %arg5[%iota3A, %select_n3A_320] : memref<32x768xf32, #tpu.memory_space<vmem>>[vector<16xi32>, vector<16xi32>], vector<16xf32>,
          %add3A_322 = arith.constant 16 : i32
          %add3A_323 = vector.broadcast %add3A_322 : i32 to vector<16xi32>
          %add3A_324 = arith.addi %iota3A, %add3A_323 : vector<16xi32>
          %gather3A_325 = tpu.vector_load_idx %arg5[%add3A_324, %select_n3A_320] : memref<32x768xf32, #tpu.memory_space<vmem>>[vector<16xi32>, vector<16xi32>], vector<16xf32>,
          %mul3A_326 = arith.constant 32 : i32
          %mul3A_327 = vector.broadcast %mul3A_326 : i32 to vector<16xi32>
          %mul3A_328 = arith.muli %select_n3A_320, %mul3A_327 : vector<16xi32>
          %add3A_329 = arith.addi %mul3A_328, %iota3A : vector<16xi32>
          tpu.vector_store_idx %arg7[%add3A_329], %gather3A_321 : memref<24576xf32, #tpu.memory_space<vmem>>[vector<16xi32>], vector<16xf32>,
          %mul3A_330 = arith.constant 32 : i32
          %mul3A_331 = vector.broadcast %mul3A_330 : i32 to vector<16xi32>
          %mul3A_332 = arith.muli %select_n3A_320, %mul3A_331 : vector<16xi32>
          %add3A_333 = arith.constant 16 : i32
          %add3A_334 = vector.broadcast %add3A_333 : i32 to vector<16xi32>
          %add3A_335 = arith.addi %mul3A_332, %add3A_334 : vector<16xi32>
          %add3A_336 = arith.addi %add3A_335, %iota3A : vector<16xi32>
          tpu.vector_store_idx %arg7[%add3A_336], %gather3A_325 : memref<24576xf32, #tpu.memory_space<vmem>>[vector<16xi32>], vector<16xf32>,
          %scan3A_337 = arith.constant 0 : i32
          scf.yield %scan3A_337 : i32
        }
        %scan3A_90 = arith.constant 96 : i32
        %mul3A_91 = arith.constant 768 : i32
        %mul3A_92 = arith.muli %add3A_57, %mul3A_91 : i32
        %mul3A_93 = arith.constant 32 : i32
        %mul3A_94 = arith.muli %mul3A_92, %mul3A_93 : i32
        %multiple_of3A = tpu.assume_multiple %mul3A_94, 8 : i32
        %eq3A_95 = arith.constant 1302 : i32
        %eq3A_96 = arith.cmpi eq, %add3A_57, %eq3A_95 : i32
        %not3A_97 = arith.constant true
        %not3A_98 = arith.xori %eq3A_96, %not3A_97 : i1
        %convert_element_type3A_99 = arith.extui %not3A_98 : i1 to i32
        %cond3A_100 = arith.constant 0 : i32
        %cond3A_101 = arith.cmpi ne, %convert_element_type3A_99, %cond3A_100 : i32
        scf.if %cond3A_101 {
          %dma_start3A = tpu.memref_slice %arg3[%multiple_of3A] : memref<32000000xf32, #tpu.memory_space<hbm>> -> memref<24576xf32, #tpu.memory_space<hbm>>
          %dma_start3A_105 = tpu.memref_slice %arg3[%multiple_of3A] : memref<32000000xf32, #tpu.memory_space<hbm>> -> memref<24576xf32, #tpu.memory_space<hbm>>
          tpu.enqueue_dma source(%arg7 : memref<24576xf32, #tpu.memory_space<vmem>>) target(%dma_start3A_105 : memref<24576xf32, #tpu.memory_space<hbm>>) target_semaphore(%arg9 : memref<!tpu.dma_semaphore, #tpu.memory_space<semaphore_mem>>)
        } else {
        }
        %convert_element_type3A_102 = arith.extui %eq3A_96 : i1 to i32
        %cond3A_103 = arith.constant 0 : i32
        %cond3A_104 = arith.cmpi ne, %convert_element_type3A_102, %cond3A_103 : i32
        scf.if %cond3A_104 {
          %dma_start3A = arith.constant 0 : i32
          %dma_start3A_105 = tpu.memref_slice %arg7[%dma_start3A] : memref<24576xf32, #tpu.memory_space<vmem>> -> memref<2048xf32, #tpu.memory_space<vmem>>
          %dma_start3A_106 = tpu.memref_slice %arg3[%multiple_of3A] : memref<32000000xf32, #tpu.memory_space<hbm>> -> memref<2048xf32, #tpu.memory_space<hbm>>
          %dma_start3A_107 = tpu.memref_slice %arg3[%multiple_of3A] : memref<32000000xf32, #tpu.memory_space<hbm>> -> memref<2048xf32, #tpu.memory_space<hbm>>
          %dma_start3A_108 = arith.constant 0 : i32
          %dma_start3A_109 = tpu.memref_slice %arg7[%dma_start3A_108] : memref<24576xf32, #tpu.memory_space<vmem>> -> memref<2048xf32, #tpu.memory_space<vmem>>
          tpu.enqueue_dma source(%dma_start3A_109 : memref<2048xf32, #tpu.memory_space<vmem>>) target(%dma_start3A_107 : memref<2048xf32, #tpu.memory_space<hbm>>) target_semaphore(%arg9 : memref<!tpu.dma_semaphore, #tpu.memory_space<semaphore_mem>>)
        } else {
        }
      } else {
      }
      %scan3A_62 = arith.constant 0 : i32
      scf.yield %scan3A_62 : i32
    }
    %scan3A_12 = arith.constant 21 : i32
    %sub3A = arith.subi %min3A_5, %mul3A_2 : i32
    %ge3A = arith.constant 2 : i32
    %ge3A_13 = arith.cmpi sge, %sub3A, %ge3A : i32
    %eq3A = arith.constant 1303 : i32
    %eq3A_14 = arith.cmpi eq, %min3A_5, %eq3A : i32
    %and3A = arith.andi %ge3A_13, %eq3A_14 : i1
    %convert_element_type3A_15 = arith.extui %and3A : i1 to i32
    %cond3A_16 = arith.constant 0 : i32
    %cond3A_17 = arith.cmpi ne, %convert_element_type3A_15, %cond3A_16 : i32
    scf.if %cond3A_17 {
      %dma_wait3A = arith.constant 0 : i32
      %dma_wait3A_42 = tpu.memref_slice %arg6[%dma_wait3A] : memref<24576xf32, #tpu.memory_space<vmem>> -> memref<24576xf32, #tpu.memory_space<vmem>>
      %dma_wait3A_43 = arith.constant 0 : i32
      %dma_wait3A_44 = tpu.memref_slice %arg3[%dma_wait3A_43] : memref<32000000xf32, #tpu.memory_space<hbm>> -> memref<24576xf32, #tpu.memory_space<hbm>>
      %dma_wait3A_45 = arith.constant 0 : i32
      %dma_wait3A_46 = tpu.memref_slice %arg3[%dma_wait3A_45] : memref<32000000xf32, #tpu.memory_space<hbm>> -> memref<24576xf32, #tpu.memory_space<hbm>>
      %dma_wait3A_47 = arith.constant 0 : i32
      %dma_wait3A_48 = tpu.memref_slice %arg6[%dma_wait3A_47] : memref<24576xf32, #tpu.memory_space<vmem>> -> memref<24576xf32, #tpu.memory_space<vmem>>
      tpu.wait_dma2 semaphore(%arg9 : memref<!tpu.dma_semaphore, #tpu.memory_space<semaphore_mem>>) src(%dma_wait3A_48 : memref<24576xf32, #tpu.memory_space<vmem>>) dst(%dma_wait3A_46 : memref<24576xf32, #tpu.memory_space<hbm>>)
      %dma_wait3A_49 = arith.constant 0 : i32
      %dma_wait3A_50 = tpu.memref_slice %arg6[%dma_wait3A_49] : memref<24576xf32, #tpu.memory_space<vmem>> -> memref<2048xf32, #tpu.memory_space<vmem>>
      %dma_wait3A_51 = arith.constant 0 : i32
      %dma_wait3A_52 = tpu.memref_slice %arg3[%dma_wait3A_51] : memref<32000000xf32, #tpu.memory_space<hbm>> -> memref<2048xf32, #tpu.memory_space<hbm>>
      %dma_wait3A_53 = arith.constant 0 : i32
      %dma_wait3A_54 = tpu.memref_slice %arg3[%dma_wait3A_53] : memref<32000000xf32, #tpu.memory_space<hbm>> -> memref<2048xf32, #tpu.memory_space<hbm>>
      %dma_wait3A_55 = arith.constant 0 : i32
      %dma_wait3A_56 = tpu.memref_slice %arg6[%dma_wait3A_55] : memref<24576xf32, #tpu.memory_space<vmem>> -> memref<2048xf32, #tpu.memory_space<vmem>>
      tpu.wait_dma2 semaphore(%arg9 : memref<!tpu.dma_semaphore, #tpu.memory_space<semaphore_mem>>) src(%dma_wait3A_56 : memref<2048xf32, #tpu.memory_space<vmem>>) dst(%dma_wait3A_54 : memref<2048xf32, #tpu.memory_space<hbm>>)
    } else {
    }
    %ge3A_18 = arith.constant 2 : i32
    %ge3A_19 = arith.cmpi sge, %sub3A, %ge3A_18 : i32
    %lt3A_20 = arith.constant 1303 : i32
    %lt3A_21 = arith.cmpi slt, %min3A_5, %lt3A_20 : i32
    %and3A_22 = arith.andi %ge3A_19, %lt3A_21 : i1
    %convert_element_type3A_23 = arith.extui %and3A_22 : i1 to i32
    %cond3A_24 = arith.constant 0 : i32
    %cond3A_25 = arith.cmpi ne, %convert_element_type3A_23, %cond3A_24 : i32
    scf.if %cond3A_25 {
      %dma_wait3A = arith.constant 0 : i32
      %dma_wait3A_42 = tpu.memref_slice %arg6[%dma_wait3A] : memref<24576xf32, #tpu.memory_space<vmem>> -> memref<24576xf32, #tpu.memory_space<vmem>>
      %dma_wait3A_43 = arith.constant 0 : i32
      %dma_wait3A_44 = tpu.memref_slice %arg3[%dma_wait3A_43] : memref<32000000xf32, #tpu.memory_space<hbm>> -> memref<24576xf32, #tpu.memory_space<hbm>>
      %dma_wait3A_45 = arith.constant 0 : i32
      %dma_wait3A_46 = tpu.memref_slice %arg3[%dma_wait3A_45] : memref<32000000xf32, #tpu.memory_space<hbm>> -> memref<24576xf32, #tpu.memory_space<hbm>>
      %dma_wait3A_47 = arith.constant 0 : i32
      %dma_wait3A_48 = tpu.memref_slice %arg6[%dma_wait3A_47] : memref<24576xf32, #tpu.memory_space<vmem>> -> memref<24576xf32, #tpu.memory_space<vmem>>
      tpu.wait_dma2 semaphore(%arg9 : memref<!tpu.dma_semaphore, #tpu.memory_space<semaphore_mem>>) src(%dma_wait3A_48 : memref<24576xf32, #tpu.memory_space<vmem>>) dst(%dma_wait3A_46 : memref<24576xf32, #tpu.memory_space<hbm>>)
      %dma_wait3A_49 = arith.constant 0 : i32
      %dma_wait3A_50 = tpu.memref_slice %arg6[%dma_wait3A_49] : memref<24576xf32, #tpu.memory_space<vmem>> -> memref<24576xf32, #tpu.memory_space<vmem>>
      %dma_wait3A_51 = arith.constant 0 : i32
      %dma_wait3A_52 = tpu.memref_slice %arg3[%dma_wait3A_51] : memref<32000000xf32, #tpu.memory_space<hbm>> -> memref<24576xf32, #tpu.memory_space<hbm>>
      %dma_wait3A_53 = arith.constant 0 : i32
      %dma_wait3A_54 = tpu.memref_slice %arg3[%dma_wait3A_53] : memref<32000000xf32, #tpu.memory_space<hbm>> -> memref<24576xf32, #tpu.memory_space<hbm>>
      %dma_wait3A_55 = arith.constant 0 : i32
      %dma_wait3A_56 = tpu.memref_slice %arg6[%dma_wait3A_55] : memref<24576xf32, #tpu.memory_space<vmem>> -> memref<24576xf32, #tpu.memory_space<vmem>>
      tpu.wait_dma2 semaphore(%arg9 : memref<!tpu.dma_semaphore, #tpu.memory_space<semaphore_mem>>) src(%dma_wait3A_56 : memref<24576xf32, #tpu.memory_space<vmem>>) dst(%dma_wait3A_54 : memref<24576xf32, #tpu.memory_space<hbm>>)
    } else {
    }
    %eq3A_26 = arith.constant 1 : i32
    %eq3A_27 = arith.cmpi eq, %sub3A, %eq3A_26 : i32
    %eq3A_28 = arith.constant 1303 : i32
    %eq3A_29 = arith.cmpi eq, %min3A_5, %eq3A_28 : i32
    %and3A_30 = arith.andi %eq3A_27, %eq3A_29 : i1
    %convert_element_type3A_31 = arith.extui %and3A_30 : i1 to i32
    %cond3A_32 = arith.constant 0 : i32
    %cond3A_33 = arith.cmpi ne, %convert_element_type3A_31, %cond3A_32 : i32
    scf.if %cond3A_33 {
      %dma_wait3A = arith.constant 0 : i32
      %dma_wait3A_42 = tpu.memref_slice %arg6[%dma_wait3A] : memref<24576xf32, #tpu.memory_space<vmem>> -> memref<2048xf32, #tpu.memory_space<vmem>>
      %dma_wait3A_43 = arith.constant 0 : i32
      %dma_wait3A_44 = tpu.memref_slice %arg3[%dma_wait3A_43] : memref<32000000xf32, #tpu.memory_space<hbm>> -> memref<2048xf32, #tpu.memory_space<hbm>>
      %dma_wait3A_45 = arith.constant 0 : i32
      %dma_wait3A_46 = tpu.memref_slice %arg3[%dma_wait3A_45] : memref<32000000xf32, #tpu.memory_space<hbm>> -> memref<2048xf32, #tpu.memory_space<hbm>>
      %dma_wait3A_47 = arith.constant 0 : i32
      %dma_wait3A_48 = tpu.memref_slice %arg6[%dma_wait3A_47] : memref<24576xf32, #tpu.memory_space<vmem>> -> memref<2048xf32, #tpu.memory_space<vmem>>
      tpu.wait_dma2 semaphore(%arg9 : memref<!tpu.dma_semaphore, #tpu.memory_space<semaphore_mem>>) src(%dma_wait3A_48 : memref<2048xf32, #tpu.memory_space<vmem>>) dst(%dma_wait3A_46 : memref<2048xf32, #tpu.memory_space<hbm>>)
    } else {
    }
    %eq3A_34 = arith.constant 1 : i32
    %eq3A_35 = arith.cmpi eq, %sub3A, %eq3A_34 : i32
    %lt3A_36 = arith.constant 1303 : i32
    %lt3A_37 = arith.cmpi slt, %min3A_5, %lt3A_36 : i32
    %and3A_38 = arith.andi %eq3A_35, %lt3A_37 : i1
    %convert_element_type3A_39 = arith.extui %and3A_38 : i1 to i32
    %cond3A_40 = arith.constant 0 : i32
    %cond3A_41 = arith.cmpi ne, %convert_element_type3A_39, %cond3A_40 : i32
    scf.if %cond3A_41 {
      %dma_wait3A = arith.constant 0 : i32
      %dma_wait3A_42 = tpu.memref_slice %arg6[%dma_wait3A] : memref<24576xf32, #tpu.memory_space<vmem>> -> memref<24576xf32, #tpu.memory_space<vmem>>
      %dma_wait3A_43 = arith.constant 0 : i32
      %dma_wait3A_44 = tpu.memref_slice %arg3[%dma_wait3A_43] : memref<32000000xf32, #tpu.memory_space<hbm>> -> memref<24576xf32, #tpu.memory_space<hbm>>
      %dma_wait3A_45 = arith.constant 0 : i32
      %dma_wait3A_46 = tpu.memref_slice %arg3[%dma_wait3A_45] : memref<32000000xf32, #tpu.memory_space<hbm>> -> memref<24576xf32, #tpu.memory_space<hbm>>
      %dma_wait3A_47 = arith.constant 0 : i32
      %dma_wait3A_48 = tpu.memref_slice %arg6[%dma_wait3A_47] : memref<24576xf32, #tpu.memory_space<vmem>> -> memref<24576xf32, #tpu.memory_space<vmem>>
      tpu.wait_dma2 semaphore(%arg9 : memref<!tpu.dma_semaphore, #tpu.memory_space<semaphore_mem>>) src(%dma_wait3A_48 : memref<24576xf32, #tpu.memory_space<vmem>>) dst(%dma_wait3A_46 : memref<24576xf32, #tpu.memory_space<hbm>>)
    } else {
    }
    return
  }
}

</mosaic_0001>

<sc_bundles>
// kernel: kernel.11.cloned.1.call-start
scs
__scs_entry_jumppad:
0x0: {  	(pc) =	sbr.rel $0x88, $3  }
0x1: {  	(tag) =	ssettag $0x0;
	lr =	simm.s32 $0x1  }
0x2: {  	[smem:$0x3F9D] =	sst lr;
	_ =	strace $0xD0000000  }
0x3: {  	_ = 	snop  }
0x4: {  	_ = 	snop  }
0x5: {  	_ = 	snop  }
0x6: {  	_ = 	snop  }
0x7: {  	_ = 	snop  }
__scs_overlays_trampoline_lowered:
0x8: {  	[smem:$0x3FAC] =	sst s0  }
0x9: {  	[smem:$0x3FAD] =	sst s1  }
0xa: {  	[smem:$0x3FAE] =	sst s2  }
0xb: {  	[smem:$0x3FAF] =	sst s3  }
0xc: {  	[smem:$0x3FB0] =	sst s4  }
0xd: {  	[smem:$0x3FB1] =	sst s5  }
0xe: {  	[smem:$0x3FB2] =	sst s6  }
0xf: {  	[smem:$0x3FB3] =	sst s7  }
0x10: {  	[smem:$0x3FB4] =	sst s8  }
0x11: {  	[smem:$0x3FB5] =	sst s9;
	s0 =	simm.s32 @!p0 $0x0  }
0x12: {  	s1 =	sld [smem:$0x3F9B];
	s0 =	simm.s32 @p0 $0x1  }
0x13: {  	[smem:$0x3FB6] =	sst s0;
	s0 =	simm.s32 @!p1 $0x0  }
0x14: {  	s2 =	sld [smem:$0x3F9A];
	s0 =	simm.s32 @p1 $0x1  }
0x15: {  	[smem:$0x3FB7] =	sst s0;
	s0 =	simm.s32 @!p2 $0x0  }
0x16: {  	s3 =	sld [smem:$0x3FDB];
	s0 =	simm.s32 @p2 $0x1  }
0x17: {  	s4 =	simm.s32 $0x1BF5;
	[smem:$0x3FB9] =	sst s0  }
0x18: {  	s0 =	sld [smem:$0x3F9C];
	_ =	swait.ge [sflag:s4], $0x0  }
0x19: {  	s7 =	sld [smem:$0x3F9D]  }
0x1a: {  	s8 =	sadd.s32 $0xFFFFE003, lr  }
0x1b: {  	s9 =	sadd.s32 $0xFFFFFEF7, lr;
	s5 =	simm.s32 $0xFFFFFFFF;
	p2 =	slt.u32 s8, $0xFFFFF086  }
0x1c: {  	p1 =	slt.u32 s9, $0xF7A;
	s5 =	simm.s32 @!p2 $0x0  }
0x1d: {  	s5 =	simm.s32 @p1 $0x1;
	p0 =	seq.s32 s7, s2  }
0x1e: {  	s7 =	smul.u32 @!p0 $0xF7A, s2;
	p2 =	seq.s32 @!p0 s5, $0x0  }
0x1f: {  	s9 =	smul.u32 $0xF7A, s1;
	s8 =	simm.s32 @!p0 $0x1BF5;
	p2 =	por !p2, p0  }
0x20: {  	[sflag:s8] =	ssyncset.s32 @!p0 $0xFFFFF086;
	s6 =	sadd.s32 @!p0 s3, s7;
	s7 =	simm.s32 @!p0 $0x108  }
0x21: {  	s3 =	sadd.s32 s3, s9;
	s6 =	sadd.s32 @!p0 $0x88, s6;
	s7 =	simm.s32 @p2 $0x1082  }
0x22: {  	[simem:s7], [sflag:s8] =	dma.local @!p0 [hbm:s6], $0xF7A  }
0x23: {  	s9 =	sor.u32 $0xD0000000, s2;
	s6 =	simm.s32 $0x108;
	_ =	swait.ge @!p0 [sflag:s8], $0x0  }
0x24: {  	s3 =	sadd.s32 $0x88, s3;
	s6 =	simm.s32 @!p1 $0x1082;
	[sflag:s4] =	ssyncset.s32 $0xFFFFF086  }
0x25: {  	[simem:s6], [sflag:s4] =	dma.local [hbm:s3], $0xF7A  }
0x26: {  	[smem:$0x3F9D] =	sst s1;
	(tag) =	ssettag s2;
	_ =	strace s9  }
0x27: {  	s1 =	sld [smem:$0x3FAD]  }
0x28: {  	s2 =	sld [smem:$0x3FAE]  }
0x29: {  	s4 =	sld [smem:$0x3FB0]  }
0x2a: {  	p0 =	seq.s32 s5, $0x0;
	s5 =	sld [smem:$0x3FB1]  }
0x2b: {  	s6 =	sld [smem:$0x3FB2]  }
0x2c: {  	s7 =	sld [smem:$0x3FB3]  }
0x2d: {  	s3 =	simm.s32 $0x108;
	s8 =	sld [smem:$0x3FB4]  }
0x2e: {  	s3 =	simm.s32 @!p0 $0x1082;
	s9 =	sld [smem:$0x3FB5]  }
0x2f: {  	lr =	sadd.s32 s0, s3;
	s0 =	sld [smem:$0x3FAC]  }
0x30: {  	s3 =	sld [smem:$0x3FAF]  }
0x31: {  	[smem:$0x3FB8] =	sst s10  }
0x32: {  	s10 =	sld [smem:$0x3FB6];
	_ =	sdelay $0x3  }
0x33: {  	p0 =	seq.s32 s10, $0x1;
	s10 =	sld [smem:$0x3FB8];
	_ =	sdelay $0x3  }
0x34: {  	[smem:$0x3FB8] =	sst s10  }
0x35: {  	s10 =	sld [smem:$0x3FB7];
	_ =	sdelay $0x3  }
0x36: {  	p1 =	seq.s32 s10, $0x1;
	s10 =	sld [smem:$0x3FB8];
	_ =	sdelay $0x3  }
0x37: {  	[smem:$0x3FB8] =	sst s10  }
0x38: {  	s10 =	sld [smem:$0x3FB9]  }
0x39: {  	_ = 	snop;
	(pc) =	sbr.ind lr, $3  }
0x3a: {  	_ = 	snop  }
0x3b: {  	_ = 	snop  }
0x3c: {  	p2 =	seq.s32 s10, $0x1;
	s10 =	sld [smem:$0x3FB8]  }
0x3d: {  	_ =	shalt  }
0x3e: {  	_ =	shalt  }
0x3f: {  	_ =	shalt  }
0x40: {  	_ =	shalt  }
0x41: {  	_ =	shalt  }
0x42: {  	_ =	shalt  }
0x43: {  	_ =	shalt  }
0x44: {  	_ =	shalt  }
0x45: {  	_ =	shalt  }
0x46: {  	_ =	shalt  }
0x47: {  	_ =	shalt  }
0x48: {  	_ =	shalt  }
0x49: {  	_ =	shalt  }
0x4a: {  	_ =	shalt  }
0x4b: {  	_ =	shalt  }
0x4c: {  	_ =	shalt  }
0x4d: {  	_ =	shalt  }
0x4e: {  	_ =	shalt  }
0x4f: {  	_ =	shalt  }
0x50: {  	_ =	shalt  }
0x51: {  	_ =	shalt  }
0x52: {  	_ =	shalt  }
0x53: {  	_ =	shalt  }
0x54: {  	_ =	shalt  }
0x55: {  	_ =	shalt  }
0x56: {  	_ =	shalt  }
0x57: {  	_ =	shalt  }
0x58: {  	_ =	shalt  }
0x59: {  	_ =	shalt  }
0x5a: {  	_ =	shalt  }
0x5b: {  	_ =	shalt  }
0x5c: {  	_ =	shalt  }
0x5d: {  	_ =	shalt  }
0x5e: {  	_ =	shalt  }
0x5f: {  	_ =	shalt  }
0x60: {  	_ =	shalt  }
0x61: {  	_ =	shalt  }
0x62: {  	_ =	shalt  }
0x63: {  	_ =	shalt  }
0x64: {  	_ =	shalt  }
0x65: {  	_ =	shalt  }
0x66: {  	_ =	shalt  }
0x67: {  	_ =	shalt  }
0x68: {  	_ =	shalt  }
0x69: {  	_ =	shalt  }
0x6a: {  	_ =	shalt  }
0x6b: {  	_ =	shalt  }
0x6c: {  	_ =	shalt  }
0x6d: {  	_ =	shalt  }
0x6e: {  	_ =	shalt  }
0x6f: {  	_ =	shalt  }
0x70: {  	_ =	shalt  }
0x71: {  	_ =	shalt  }
0x72: {  	_ =	shalt  }
0x73: {  	_ =	shalt  }
0x74: {  	_ =	shalt  }
0x75: {  	_ =	shalt  }
0x76: {  	_ =	shalt  }
0x77: {  	_ =	shalt  }
0x78: {  	_ =	shalt  }
0x79: {  	_ =	shalt  }
0x7a: {  	_ =	shalt  }
0x7b: {  	_ =	shalt  }
0x7c: {  	_ =	shalt  }
0x7d: {  	_ =	shalt  }
0x7e: {  	_ =	shalt  }
0x7f: {  	_ =	shalt  }
0x80: {  	_ =	shalt  }
0x81: {  	_ =	shalt  }
0x82: {  	_ =	shalt  }
0x83: {  	_ =	shalt  }
0x84: {  	_ =	shalt  }
0x85: {  	_ =	shalt  }
0x86: {  	_ =	shalt  }
0x87: {  	_ =	shalt  }
.Lfunc_end0:
.L_simem_size_0:
called_computation.2_lowered:
.L_overlay_start_0:
0x88: {  	s2 =	sld [smem:$0x3FD9]  }
0x89: {  	s3 =	sld [smem:$0x3FFE];
	_ =	sdelay $0x1  }
0x8a: {  	s1 =	srdreg.scid  }
0x8b: {  	s0 =	sand.u32 $0x1, s1  }
0x8c: {  	s17 =	sshll.u32 s0, $0xA;
	s2 =	sadd.s32 s3, s2  }
0x8d: {  	s2 =	sadd.s32 s2, s17  }
0x8e: {  	[smem:$0x3FC4] =	sst s2  }
0x8f: {  	_ = 	snop  }
0x90: {  	s2 =	sld [smem:$0x3FC9]  }
0x91: {  	s18 =	sld [smem:$0x3FC8]  }
0x92: {  	s4 =	sld [smem:$0x3FD0];
	(tm) =	ssettm $0x1  }
0x93: {  	s5 =	sld [smem:$0x3FFB];
	_ =	sdelay $0x3  }
0x94: {  	_ =	strace s5  }
0x95: {  	s5 =	sld [smem:$0x3FFC];
	_ =	sdelay $0x3  }
0x96: {  	_ =	strace s5  }
0x97: {  	s5 =	sld [smem:$0x3FFD];
	_ =	sdelay $0x3  }
0x98: {  	_ =	strace s5  }
0x99: {  	_ =	strace $0x8FFFFFFF  }
0x9a: {  	s19 =	sld [smem:$0x3FDB];
	_ =	sdelay $0x1  }
0x9b: {  	s6 =	simm.s32 $_scs_section_size  }
0x9c: {  	s7 =	simm.s32 $_size__tile_overlayer_lowered;
	s8 =	simm.s32 $_tile_overlayer_lowered  }
0x9d: {  	s22 =	simm.s32 $0x1BFF;
	s21 =	sshll.u32 s8, $0x1;
	s5 =	sadd.s32 s6, s19  }
0x9e: {  	s9 =	simm.s32 $0x0;
	s20 =	sshll.u32 s7, $0x1;
	s7 =	sadd.s32 s21, s5  }
0x9f: {  	[timem:s9], [sflag:s22] =	dma.local [hbm:s7], s20  }
0xa0: {  	_ =	swait.ge [sflag:s22], s20  }
0xa1: {  	s6 =	ssub.s32 $0x0, s20;
	[sflag:s22] =	ssyncset.done $0x0  }
0xa2: {  	[sflag:s22] =	ssyncadd.s32 s6;
	_ =	sdelay $0x1  }
0xa3: {  	s23 =	simm.s32 $0x1B8B  }
0xa4: {  	_ =	swait.ge [sflag:s23], $0x1  }
0xa5: {  	[sflag:s23] =	ssyncset.done $0x0  }
0xa6: {  	s25 =	simm.s32 $0x1B8E;
	s24 =	sld [smem:$0x3FFE];
	[sflag:s23] =	ssyncadd.s32 $0xFFFFFFFF  }
0xa7: {  	s26 =	simm.s32 $execute0_lowered;
	[smem:$0x3FD2] =	sst s25  }
0xa8: {  	s7 =	sshll.u32 s26, $0x1;
	_ =	strace $0x8000004C;
	[dreg:$0x1] =	wrdreg $0xFFFFFFFF  }
0xa9: {  	s28 =	simm.s32 $_size_execute0_lowered;
	s5 =	sadd.s32 s5, s7;
	[dreg:$0x0] =	wrdreg $0x0  }
0xaa: {  	s7 =	sshll.u32 s28, $0x1;
	[dreg:$0x2] =	wrdreg s5  }
0xab: {  	[dreg:$0x3] =	wrdreg s7  }
0xac: {  	[dreg:$0x4] =	wrdreg $0xC0  }
0xad: {  	_ =	task [dreg:s9], $0x5FFFF  }
0xae: {  	[dreg:$0x1] =	wrdreg $0xFFFFFFFF  }
0xaf: {  	[dreg:$0x0] =	wrdreg $0x60  }
0xb0: {  	[dreg:$0x2] =	wrdreg s2  }
0xb1: {  	[dreg:$0x3] =	wrdreg s18  }
0xb2: {  	[dreg:$0x4] =	wrdreg s24  }
0xb3: {  	[dreg:$0x5] =	wrdreg s4  }
0xb4: {  	[dreg:$0x6] =	wrdreg $0x9  }
0xb5: {  	_ =	task.clear_ibuf [dreg:s9], $0x7FFFF;
	_ =	strace $0x9000004C  }
0xb6: {  	s29 =	simm.s32 $0x9;
	_ =	strace $0x8000004E  }
0xb7: {  	_ =	swait.ge [sflag:s29], $0x1  }
0xb8: {  	[sflag:s29] =	ssyncadd.s32 $0xFFFFFFFF  }
0xb9: {  	_ =	strace $0x9000004E  }
0xba: {  	_ =	sfence  }
0xbb: {  	s30 =	sld [smem:$0x0];
	_ =	sdelay $0x2  }
0xbc: {  	s31 =	sshll.u32 s1, $0xD;
	s1 =	sshrl.u32 s1, $0x2  }
0xbd: {  	s3 =	sand.u32 $0x4000, s31;
	s1 =	sadd.s32 s1, s30  }
0xbe: {  	s0 =	sor.u32 s3, s0;
	s1 =	sshll.u32 s1, $0x11  }
0xbf: {  	s0 =	sor.u32 s1, s0  }
0xc0: {  	s0 =	sadd.s32 $0x8F2B, s0  }
0xc1: {  	[sflag:s0] =	ssyncadd.remote.s32 $0x1  }
0xc2: {  	_ =	sfence.sel $0xFFFF  }
0xc3: {  	[dreg:$0x0] =	wrdreg $0xFFFFFFFF;
	(pc) =	sbr.abs _section_cstart, $3  }
0xc4: {  	[dreg:$0x1] =	wrdreg $0xFFFFFFFF  }
0xc5: {  	_ =	task.clear_ibuf [dreg:s9], $0x2FFFF;
	_ =	strace $0x9FFFFFFF  }
0xc6: {  	(tm) =	ssettm $0x7FFFFFFF  }
0xc7: {  	_ =	shalt  }
tec
execute0_lowered:
.L_overlay_start_1:
0x0: {  	(tag) =	ssettag $0x1  }
0x1: {  	v0 =	vlaneseq.u32;
	v17 =	vimm.s32 $0x14131211;
	v18 =	vimm.s32 $0x18171615  }
0x2: {  	v19 =	vimm.s32 $0x1C1B1A19;
	v21 =	vimm.s32 $0x19181716;
	vm0 =	vcmask $0x1F10  }
0x3: {  	v22 =	vimm.s32 $0x1D1C1B1A;
	v24 =	vimm.s32 $0x16151413;
	v26 =	vimm.s32 $0x1A191817  }
0x4: {  	v29 =	vimm.s32 $0x201001F;
	v30 =	vimm.s32 $0x3020100;
	v31 =	vimm.s32 $0x1F1E1D1C  }
0x5: {  	v32 =	vimm.s32 $0x17161514;
	v33 =	vimm.s32 $0x1B1A1918;
	v53 =	vimm.s32 $0x4030201  }
0x6: {  	v54 =	vimm.s32 $0x5040302;
	v38 =	vimm.s32 $0x6050403;
	v55 =	vimm.s32 $0x98765432  }
0x7: {  	v56 =	vimm.s32 $0xA9876543;
	v57 =	vimm.s32 $0x32107654;
	v59 =	vimm.s32 $0x43218765  }
0x8: {  	v60 =	vimm.s32 $0x54329876;
	v61 =	vimm.s32 $0x6543A987;
	vm15 =	vcmask $0x2F10  }
0x9: {  	vm1 =	vcmask $0x3F30;
	v1 =	vmul.u32 $0x20, v0;
	v2 =	vadd.s32 $0x1, v0  }
0xa: {  	v3 =	vadd.s32 $0x2, v0;
	v4 =	vadd.s32 $0x3, v0;
	v5 =	vadd.s32 $0x4, v0  }
0xb: {  	v6 =	vadd.s32 $0x5, v0;
	v7 =	vadd.s32 $0x6, v0;
	v8 =	vadd.s32 $0x7, v0  }
0xc: {  	v9 =	vadd.s32 $0x8, v0;
	v10 =	vadd.s32 $0x9, v0;
	v11 =	vadd.s32 $0xA, v0  }
0xd: {  	v12 =	vadd.s32 $0xB, v0;
	v13 =	vadd.s32 $0xC, v0;
	v14 =	vadd.s32 $0xD, v0  }
0xe: {  	v15 =	vadd.s32 $0xE, v0;
	v17 =	vunpack.c.0.s8.s32 v17;
	v20 =	vunpack.c.0.s8.s32 v18  }
0xf: {  	v19 =	vunpack.c.0.s8.s32 v19;
	v18 =	vimm.s32 $0x1F1E1D;
	v21 =	vunpack.c.0.s8.s32 v21  }
0x10: {  	v22 =	vunpack.c.0.s8.s32 v22;
	v27 =	vunpack.c.0.s8.s32 v18;
	v18 =	vimm.s32 $0x15141312  }
0x11: {  	v29 =	vunpack.c.0.s8.s32 v29;
	v30 =	vunpack.c.0.s8.s32 v30;
	v18 =	vunpack.c.0.s8.s32 v18  }
0x12: {  	v31 =	vunpack.c.0.s8.s32 v31;
	v32 =	vunpack.c.0.s8.s32 v32;
	v33 =	vunpack.c.0.s8.s32 v33  }
0x13: {  	v17 =	vsel vm0, v20, v17;
	v23 =	vsel vm0, v21, v18;
	v18 =	vimm.s32 $0x1001F1E  }
0x14: {  	v37 =	vsel vm0, v19, v20;
	v25 =	vsel vm0, v27, v19;
	v28 =	vunpack.c.0.s8.s32 v18  }
0x15: {  	v18 =	vunpack.c.0.s8.s32 v24;
	v24 =	vunpack.c.0.s8.s32 v26;
	v26 =	vimm.s32 $0x1E1D1C1B  }
0x16: {  	v17 =	vcombine.low v17, v25;
	v26 =	vunpack.c.0.s8.s32 v26;
	v34 =	vsel vm0, v28, v22  }
0x17: {  	v35 =	vsel vm0, v24, v18;
	v18 =	vsel vm0, v30, v31;
	v30 =	vsel vm0, v33, v32  }
0x18: {  	v32 =	vunpack.c.0.s8.s32 v54;
	v22 =	vsel vm0, v22, v21;
	v36 =	vsel vm0, v29, v26  }
0x19: {  	v18 =	vcombine.low v30, v18;
	v30 =	vunpack.c.0.s8.s32 v53;
	v19 =	vcombine.low v23, v34  }
0x1a: {  	v23 =	vunpack.c.0.s8.s32 v38;
	v24 =	vsel vm0, v26, v24;
	v26 =	vimm.s32 $0x76543210  }
0x1b: {  	v20 =	vcombine.low v35, v36;
	v32 =	vsel vm0, v32, v28;
	v30 =	vsel vm0, v30, v27  }
0x1c: {  	s5 =	rddreg [dreg:$0x0];
	v26 =	vunpack.c.l.s4.s8 v26;
	v21 =	vcombine.low v37, v30;
	v30 =	vimm.s32 $0x87654321  }
0x1d: {  	s6 =	rddreg [dreg:$0x1];
	v22 =	vcombine.low v22, v32;
	v23 =	vsel vm0, v23, v29;
	v30 =	vunpack.c.l.s4.s8 v30  }
0x1e: {  	s4 =	rddreg [dreg:$0x2];
	v32 =	vunpack.c.l.s4.s8 v55;
	v23 =	vcombine.low v24, v23;
	v26 =	vunpack.c.0.s8.s32 v26  }
0x1f: {  	s7 =	rddreg [dreg:$0x3];
	v24 =	vsel vm0, v31, v33;
	v33 =	vunpack.c.l.s4.s8 v56;
	v30 =	vunpack.c.0.s8.s32 v30  }
0x20: {  	s0 =	rddreg [dreg:$0x4];
	s1 =	simm.s32 $0x0;
	v35 =	vunpack.c.l.s4.s8 v61;
	v32 =	vunpack.c.0.s8.s32 v32;
	v24 =	vcombine.low v24, v26  }
0x21: {  	s8 =	srdreg.scid;
	s2 =	stileid.u32;
	s12 =	simm.s32 $0x4400;
	v58 =	vunpack.c.0.s8.s32 v33;
	v26 =	vand.u32 $0xF, v30;
	v30 =	vunpack.c.l.s4.s8 v57  }
0x22: {  	s13 =	simm.s32 $0x80;
	s14 =	simm.s32 $0x1400;
	s15 =	simm.s32 $0x280;
	v33 =	vunpack.c.l.s4.s8 v59;
	v25 =	vcombine.low v25, v26;
	v26 =	vand.u32 $0xF, v32  }
0x23: {  	s16 =	simm.s32 $0x5400;
	s17 =	simm.s32 $0x100;
	s18 =	simm.s32 $0x2400;
	v26 =	vcombine.low v34, v26;
	v30 =	vunpack.c.0.s8.s32 v30;
	v34 =	vunpack.c.l.s4.s8 v60  }
0x24: {  	s19 =	simm.s32 $0x300;
	s20 =	simm.s32 $0x6400;
	s21 =	simm.s32 $0x180;
	v16 =	vadd.s32 $0xF, v0;
	v35 =	vunpack.c.0.s8.s32 v35;
	v33 =	vunpack.c.0.s8.s32 v33  }
0x25: {  	s22 =	simm.s32 $0x3400;
	s23 =	simm.s32 $0x380;
	s24 =	simm.s32 $0x7400;
	v32 =	vand.u32 $0xF, v58;
	v30 =	vand.u32 $0xF, v30;
	v34 =	vunpack.c.0.s8.s32 v34  }
0x26: {  	s25 =	simm.s32 $0x1;
	s26 =	simm.s32 $0x8400;
	s28 =	simm.s32 $0x0;
	v33 =	vand.u32 $0xF, v33;
	v30 =	vsel vm15, v30, v31;
	v31 =	vimm.s32 $0xB0A0908  }
0x27: {  	[smem:$0x7FF] =	sst s1;
	s3 =	sadd.s32 $0xC00, s4;
	s8 =	sand.u32 $0x1, s8;
	v33 =	vsel vm15, v33, v27;
	v31 =	vunpack.c.0.s8.s32 v31;
	v27 =	vand.u32 $0xF, v34  }
0x28: {  	s10 =	sshll.u32 s2, $0x7;
	s4 =	sadd.s32 $0x3D1600, s4;
	s9 =	ssub.s32 $0x2, s8;
	v34 =	vsel vm15, v27, v28;
	v27 =	vimm.s32 $0xC0B0A09;
	v28 =	vand.u32 $0xF, v35  }
0x29: {  	_ =	strace $0x8000004D;
	s8 =	sshll.u32 s8, $0x6;
	s11 =	sshrl.u32 s9, $0x1;
	v35 =	vsel vm15, v28, v29;
	v28 =	vimm.s32 $0xD0C0B0A;
	v29 =	vimm.s32 $0xE0D0C0B  }
0x2a: {  	s8 =	sor.u32 s8, s10;
	s10 =	simm.s32 $0x200;
	s9 =	ssub.s32 s9, s11;
	v62 =	vunpack.c.0.s8.s32 v27;
	v63 =	vunpack.c.0.s8.s32 v28;
	v39 =	vunpack.c.0.s8.s32 v29  }
0x2b: {  	s5 =	sadd.s32 s5, s8;
	s6 =	sadd.s32 s6, s8;
	s7 =	sadd.s32 s7, s8;
	v27 =	vcombine.low v36, v32;
	v28 =	vor.u32 $0x10, v0;
	v29 =	vsel vm1, v31, v30  }
0x2c: {  	s11 =	simm.s32 $0x400;
	s8 =	smax.u32 s9, $0x1;
	s9 =	simm.s32 $0x2;
	v30 =	vsel vm1, v62, v33;
	v31 =	vsel vm1, v63, v34;
	v32 =	vsel vm1, v39, v35  }
.LBB2_1:
0x2d: {  	[tilespmem:s1], [sflag:$0x2] =	stream.linear.gather [hbm4b:s5+s1], $0x200, $0x38;
	[tilespmem:$0x8600] =	vst v63  }
0x2e: {  	_ =	swait.ge [sflag:s9], $0x200  }
0x2f: {  	[sflag:s9] =	ssyncset.done $0x0  }
0x30: {  	[sflag:s9] =	ssyncadd.s32 $0xFFFFFE00  }
0x31: {  	[tilespmem:s10], [sflag:$0x2] =	stream.linear.gather [hbm4b:s6+s1], $0x200, $0x38;
	[tilespmem:$0x8600] =	vst v63  }
0x32: {  	_ =	swait.ge [sflag:s9], $0x200  }
0x33: {  	[sflag:s9] =	ssyncset.done $0x0  }
0x34: {  	[sflag:s9] =	ssyncadd.s32 $0xFFFFFE00  }
0x35: {  	[tilespmem:s11], [sflag:$0x1] =	stream.indirect.gather [hbm4b:s3+s13], $0x20, s1, s13, $0xb8;
	[tilespmem:$0x8600] =	vst v63  }
0x36: {  	_ = 	snop  }
0x37: {  	[tilespmem:s12], [sflag:$0x1] =	stream.indirect.gather [hbm4b:s4+s13], $0x20, s10, s13, $0xb8;
	[tilespmem:$0x8600] =	vst v63  }
0x38: {  	_ = 	snop  }
0x39: {  	[tilespmem:s14], [sflag:$0x1] =	stream.indirect.gather [hbm4b:s3+s13], $0x20, s13, s13, $0xb8;
	[tilespmem:$0x8600] =	vst v63  }
0x3a: {  	_ = 	snop  }
0x3b: {  	[tilespmem:s16], [sflag:$0x1] =	stream.indirect.gather [hbm4b:s4+s13], $0x20, s15, s13, $0xb8;
	[tilespmem:$0x8600] =	vst v63  }
0x3c: {  	_ = 	snop  }
0x3d: {  	[tilespmem:s18], [sflag:$0x1] =	stream.indirect.gather [hbm4b:s3+s13], $0x20, s17, s13, $0xb8;
	[tilespmem:$0x8600] =	vst v63  }
0x3e: {  	_ = 	snop  }
0x3f: {  	[tilespmem:s20], [sflag:$0x1] =	stream.indirect.gather [hbm4b:s4+s13], $0x20, s19, s13, $0xb8;
	[tilespmem:$0x8600] =	vst v63  }
0x40: {  	_ = 	snop  }
0x41: {  	[tilespmem:s22], [sflag:$0x1] =	stream.indirect.gather [hbm4b:s3+s13], $0x20, s21, s13, $0xb8;
	[tilespmem:$0x8600] =	vst v63  }
0x42: {  	_ = 	snop  }
0x43: {  	[tilespmem:s24], [sflag:$0x1] =	stream.indirect.gather [hbm4b:s4+s13], $0x20, s23, s13, $0xb8;
	[tilespmem:$0x8600] =	vst v63  }
0x44: {  	_ =	swait.ge [sflag:s25], $0x1000  }
0x45: {  	[sflag:s25] =	ssyncset.done $0x0  }
0x46: {  	[sflag:s25] =	ssyncadd.s32 $0xFFFFF000  }
0x47: {  	_ =	swait.ge [sflag:s25], $0x1000  }
0x48: {  	[sflag:s25] =	ssyncset.done $0x0  }
0x49: {  	[sflag:s25] =	ssyncadd.s32 $0xFFFFF000  }
0x4a: {  	_ =	swait.ge [sflag:s25], $0x1000  }
0x4b: {  	[sflag:s25] =	ssyncset.done $0x0  }
0x4c: {  	[sflag:s25] =	ssyncadd.s32 $0xFFFFF000  }
0x4d: {  	_ =	swait.ge [sflag:s25], $0x1000  }
0x4e: {  	[sflag:s25] =	ssyncset.done $0x0  }
0x4f: {  	[sflag:s25] =	ssyncadd.s32 $0xFFFFF000  }
0x50: {  	_ =	swait.ge [sflag:s25], $0x1000  }
0x51: {  	[sflag:s25] =	ssyncset.done $0x0  }
0x52: {  	[sflag:s25] =	ssyncadd.s32 $0xFFFFF000  }
0x53: {  	_ =	swait.ge [sflag:s25], $0x1000  }
0x54: {  	v33 =	vmov s1;
	[sflag:s25] =	ssyncset.done $0x0  }
0x55: {  	v33 =	vshll.u32 v33, $0x5;
	[sflag:s25] =	ssyncadd.s32 $0xFFFFF000  }
0x56: {  	v33 =	vor.u32 v1, v33;
	_ =	swait.ge [sflag:s25], $0x1000  }
0x57: {  	v34 =	vor.u32 v0, v33;
	[sflag:s25] =	ssyncset.done $0x0  }
0x58: {  	[sflag:s25] =	ssyncadd.s32 $0xFFFFF000  }
0x59: {  	v35 =	vor.u32 v2, v33;
	_ =	swait.ge [sflag:s25], $0x1000  }
0x5a: {  	[sflag:s25] =	ssyncset.done $0x0  }
0x5b: {  	v36 =	vor.u32 v3, v33;
	[sflag:s25] =	ssyncadd.s32 $0xFFFFF000  }
0x5c: {  	v37 =	vld.idx.msk [tilespmem:v34+s12+$0x0], $0xffff  }
0x5d: {  	v38 =	vor.u32 v4, v33;
	v34 =	vld.idx.msk [tilespmem:v34+s11+$0x0], $0xffff  }
0x5e: {  	v39 =	vld.idx.msk [tilespmem:v35+s11+$0x0], $0xffff  }
0x5f: {  	v40 =	vor.u32 v5, v33;
	v35 =	vld.idx.msk [tilespmem:v35+s12+$0x0], $0xffff  }
0x60: {  	v41 =	vld.idx.msk [tilespmem:v36+s11+$0x0], $0xffff  }
0x61: {  	v42 =	vor.u32 v6, v33;
	v36 =	vld.idx.msk [tilespmem:v36+s12+$0x0], $0xffff  }
0x62: {  	v43 =	vld.idx.msk [tilespmem:v38+s11+$0x0], $0xffff;
	v34 =	vmul.f32 v37, v34  }
0x63: {  	v53 =	vor.u32 v7, v33;
	v52 =	vld.idx.msk [tilespmem:v38+s12+$0x0], $0xffff  }
0x64: {  	v44 =	vld.idx.msk [tilespmem:v40+s11+$0x0], $0xffff;
	v35 =	vmul.f32 v35, v39;
	v34 =	vadd.f32 $0.0e+00, v34  }
0x65: {  	v55 =	vor.u32 v8, v33;
	v54 =	vld.idx.msk [tilespmem:v40+s12+$0x0], $0xffff  }
0x66: {  	v45 =	vld.idx.msk [tilespmem:v42+s11+$0x0], $0xffff;
	v56 =	vmul.f32 v36, v41;
	v34 =	vadd.f32 v35, v34  }
0x67: {  	v58 =	vor.u32 v9, v33;
	v57 =	vld.idx.msk [tilespmem:v42+s12+$0x0], $0xffff  }
0x68: {  	v59 =	vld.idx.msk [tilespmem:v53+s11+$0x0], $0xffff;
	v60 =	vmul.f32 v52, v43;
	v34 =	vadd.f32 v56, v34  }
0x69: {  	v62 =	vor.u32 v10, v33;
	v61 =	vld.idx.msk [tilespmem:v53+s12+$0x0], $0xffff  }
0x6a: {  	v63 =	vld.idx.msk [tilespmem:v55+s11+$0x0], $0xffff;
	v48 =	vmul.f32 v54, v44;
	v34 =	vadd.f32 v60, v34  }
0x6b: {  	v50 =	vor.u32 v11, v33;
	v49 =	vld.idx.msk [tilespmem:v55+s12+$0x0], $0xffff  }
0x6c: {  	v51 =	vld.idx.msk [tilespmem:v58+s11+$0x0], $0xffff;
	v52 =	vmul.f32 v57, v45;
	v34 =	vadd.f32 v48, v34  }
0x6d: {  	v53 =	vld.idx.msk [tilespmem:v58+s12+$0x0], $0xffff;
	v54 =	vor.u32 v12, v33  }
0x6e: {  	v55 =	vld.idx.msk [tilespmem:v62+s11+$0x0], $0xffff;
	v56 =	vmul.f32 v61, v59;
	v34 =	vadd.f32 v52, v34  }
0x6f: {  	v58 =	vor.u32 v13, v33;
	v57 =	vld.idx.msk [tilespmem:v62+s12+$0x0], $0xffff  }
0x70: {  	v59 =	vld.idx.msk [tilespmem:v50+s11+$0x0], $0xffff;
	v60 =	vmul.f32 v49, v63;
	v34 =	vadd.f32 v56, v34  }
0x71: {  	v62 =	vor.u32 v14, v33;
	v61 =	vld.idx.msk [tilespmem:v50+s12+$0x0], $0xffff  }
0x72: {  	v63 =	vld.idx.msk [tilespmem:v54+s11+$0x0], $0xffff;
	v48 =	vmul.f32 v53, v51;
	v34 =	vadd.f32 v60, v34  }
0x73: {  	v50 =	vor.u32 v15, v33;
	v49 =	vld.idx.msk [tilespmem:v54+s12+$0x0], $0xffff  }
0x74: {  	v51 =	vld.idx.msk [tilespmem:v58+s11+$0x0], $0xffff;
	v52 =	vmul.f32 v57, v55;
	v34 =	vadd.f32 v48, v34  }
0x75: {  	v54 =	vor.u32 v16, v33;
	v53 =	vld.idx.msk [tilespmem:v58+s12+$0x0], $0xffff  }
0x76: {  	v55 =	vld.idx.msk [tilespmem:v62+s11+$0x0], $0xffff;
	v56 =	vmul.f32 v61, v59;
	v34 =	vadd.f32 v52, v34  }
0x77: {  	v58 =	vor.u32 v28, v33;
	v57 =	vld.idx.msk [tilespmem:v62+s12+$0x0], $0xffff  }
0x78: {  	v59 =	vld.idx.msk [tilespmem:v50+s11+$0x0], $0xffff;
	v60 =	vmul.f32 v49, v63;
	v34 =	vadd.f32 v56, v34  }
0x79: {  	v62 =	vor.u32 v17, v33;
	v61 =	vld.idx.msk [tilespmem:v50+s12+$0x0], $0xffff  }
0x7a: {  	v63 =	vld.idx.msk [tilespmem:v54+s11+$0x0], $0xffff;
	v48 =	vmul.f32 v53, v51;
	v34 =	vadd.f32 v60, v34  }
0x7b: {  	v50 =	vor.u32 v19, v33;
	v49 =	vld.idx.msk [tilespmem:v54+s12+$0x0], $0xffff  }
0x7c: {  	v51 =	vld.idx.msk [tilespmem:v58+s11+$0x0], $0xffff;
	v52 =	vmul.f32 v57, v55;
	v34 =	vadd.f32 v48, v34  }
0x7d: {  	v54 =	vor.u32 v20, v33;
	v53 =	vld.idx.msk [tilespmem:v58+s12+$0x0], $0xffff  }
0x7e: {  	v55 =	vld.idx.msk [tilespmem:v62+s11+$0x0], $0xffff;
	v56 =	vmul.f32 v61, v59;
	v34 =	vadd.f32 v52, v34  }
0x7f: {  	v58 =	vor.u32 v18, v33;
	v57 =	vld.idx.msk [tilespmem:v62+s12+$0x0], $0xffff  }
0x80: {  	v59 =	vld.idx.msk [tilespmem:v50+s11+$0x0], $0xffff;
	v60 =	vmul.f32 v49, v63;
	v34 =	vadd.f32 v56, v34  }
0x81: {  	v62 =	vor.u32 v21, v33;
	v61 =	vld.idx.msk [tilespmem:v50+s12+$0x0], $0xffff  }
0x82: {  	v63 =	vld.idx.msk [tilespmem:v54+s11+$0x0], $0xffff;
	v48 =	vmul.f32 v53, v51;
	v34 =	vadd.f32 v60, v34  }
0x83: {  	v50 =	vor.u32 v22, v33;
	v49 =	vld.idx.msk [tilespmem:v54+s12+$0x0], $0xffff  }
0x84: {  	v51 =	vld.idx.msk [tilespmem:v58+s11+$0x0], $0xffff;
	v52 =	vmul.f32 v57, v55;
	v34 =	vadd.f32 v48, v34  }
0x85: {  	v54 =	vor.u32 v23, v33;
	v53 =	vld.idx.msk [tilespmem:v58+s12+$0x0], $0xffff  }
0x86: {  	v55 =	vld.idx.msk [tilespmem:v62+s11+$0x0], $0xffff;
	v56 =	vmul.f32 v61, v59;
	v34 =	vadd.f32 v52, v34  }
0x87: {  	v58 =	vor.u32 v24, v33;
	v57 =	vld.idx.msk [tilespmem:v62+s12+$0x0], $0xffff  }
0x88: {  	v59 =	vld.idx.msk [tilespmem:v50+s11+$0x0], $0xffff;
	v60 =	vmul.f32 v49, v63;
	v34 =	vadd.f32 v56, v34  }
0x89: {  	v62 =	vor.u32 v25, v33;
	v61 =	vld.idx.msk [tilespmem:v50+s12+$0x0], $0xffff  }
0x8a: {  	v63 =	vld.idx.msk [tilespmem:v54+s11+$0x0], $0xffff;
	v48 =	vmul.f32 v53, v51;
	v34 =	vadd.f32 v60, v34  }
0x8b: {  	v50 =	vor.u32 v26, v33;
	v49 =	vld.idx.msk [tilespmem:v54+s12+$0x0], $0xffff  }
0x8c: {  	v51 =	vld.idx.msk [tilespmem:v58+s11+$0x0], $0xffff;
	v52 =	vmul.f32 v57, v55;
	v34 =	vadd.f32 v48, v34  }
0x8d: {  	v54 =	vor.u32 v27, v33;
	v53 =	vld.idx.msk [tilespmem:v58+s12+$0x0], $0xffff  }
0x8e: {  	v55 =	vld.idx.msk [tilespmem:v62+s11+$0x0], $0xffff;
	v56 =	vmul.f32 v61, v59;
	v34 =	vadd.f32 v52, v34  }
0x8f: {  	v58 =	vor.u32 v29, v33;
	v57 =	vld.idx.msk [tilespmem:v62+s12+$0x0], $0xffff  }
0x90: {  	v59 =	vld.idx.msk [tilespmem:v50+s11+$0x0], $0xffff;
	v60 =	vmul.f32 v49, v63;
	v34 =	vadd.f32 v56, v34  }
0x91: {  	v62 =	vor.u32 v30, v33;
	v61 =	vld.idx.msk [tilespmem:v50+s12+$0x0], $0xffff  }
0x92: {  	v63 =	vld.idx.msk [tilespmem:v54+s11+$0x0], $0xffff;
	v48 =	vmul.f32 v53, v51;
	v34 =	vadd.f32 v60, v34  }
0x93: {  	v50 =	vor.u32 v31, v33;
	v49 =	vld.idx.msk [tilespmem:v54+s12+$0x0], $0xffff  }
0x94: {  	v51 =	vld.idx.msk [tilespmem:v58+s11+$0x0], $0xffff;
	v52 =	vmul.f32 v57, v55;
	v34 =	vadd.f32 v48, v34  }
0x95: {  	v33 =	vor.u32 v32, v33;
	v53 =	vld.idx.msk [tilespmem:v58+s12+$0x0], $0xffff  }
0x96: {  	v54 =	vld.idx.msk [tilespmem:v62+s11+$0x0], $0xffff;
	v55 =	vmul.f32 v61, v59;
	v34 =	vadd.f32 v52, v34  }
0x97: {  	v56 =	vld.idx.msk [tilespmem:v62+s12+$0x0], $0xffff  }
0x98: {  	v57 =	vld.idx.msk [tilespmem:v50+s11+$0x0], $0xffff;
	v58 =	vmul.f32 v49, v63;
	v34 =	vadd.f32 v55, v34  }
0x99: {  	v59 =	vld.idx.msk [tilespmem:v50+s12+$0x0], $0xffff  }
0x9a: {  	v62 =	vld.idx.msk [tilespmem:v33+s12+$0x0], $0xffff;
	v61 =	vmul.f32 v53, v51;
	v34 =	vadd.f32 v58, v34  }
0x9b: {  	v60 =	vld.idx.msk [tilespmem:v33+s11+$0x0], $0xffff  }
0x9c: {  	s29 =	simm.s32 $0x10;
	v42 =	vmul.f32 v56, v54;
	v63 =	vadd.f32 v61, v34  }
0x9d: {  	v43 =	vmov s29  }
0x9e: {  	v35 =	vshll.u32 v43, $0x5;
	v44 =	vmul.f32 v59, v57;
	v34 =	vadd.f32 v42, v63  }
0x9f: {  	v33 =	vor.u32 v1, v35  }
0xa0: {  	v35 =	vor.u32 v0, v33;
	v45 =	vmul.f32 v62, v60;
	v34 =	vadd.f32 v44, v34;
	_ =	sdelay $0x1  }
0xa1: {  	v46 =	vor.u32 v2, v33;
	v34 =	vadd.f32 v45, v34;
	_ =	sdelay $0x1  }
0xa2: {  	v47 =	vor.u32 v3, v33;
	[tilespmem:s26+$0x0] =	vst v34  }
0xa3: {  	v34 =	vld.idx.msk [tilespmem:v35+s12+$0x0], $0xffff  }
0xa4: {  	v48 =	vor.u32 v4, v33;
	v35 =	vld.idx.msk [tilespmem:v35+s11+$0x0], $0xffff  }
0xa5: {  	v49 =	vld.idx.msk [tilespmem:v46+s11+$0x0], $0xffff  }
0xa6: {  	v50 =	vor.u32 v5, v33;
	v37 =	vld.idx.msk [tilespmem:v46+s12+$0x0], $0xffff  }
0xa7: {  	v51 =	vld.idx.msk [tilespmem:v47+s11+$0x0], $0xffff  }
0xa8: {  	v52 =	vor.u32 v6, v33;
	v36 =	vld.idx.msk [tilespmem:v47+s12+$0x0], $0xffff  }
0xa9: {  	v53 =	vld.idx.msk [tilespmem:v48+s11+$0x0], $0xffff;
	v34 =	vmul.f32 v34, v35  }
0xaa: {  	v55 =	vor.u32 v7, v33;
	v54 =	vld.idx.msk [tilespmem:v48+s12+$0x0], $0xffff  }
0xab: {  	v56 =	vld.idx.msk [tilespmem:v50+s11+$0x0], $0xffff;
	v37 =	vmul.f32 v37, v49;
	v34 =	vadd.f32 $0.0e+00, v34  }
0xac: {  	v58 =	vor.u32 v8, v33;
	v57 =	vld.idx.msk [tilespmem:v50+s12+$0x0], $0xffff  }
0xad: {  	v59 =	vld.idx.msk [tilespmem:v52+s11+$0x0], $0xffff;
	v36 =	vmul.f32 v36, v51;
	v34 =	vadd.f32 v37, v34  }
0xae: {  	v61 =	vor.u32 v9, v33;
	v60 =	vld.idx.msk [tilespmem:v52+s12+$0x0], $0xffff  }
0xaf: {  	v62 =	vld.idx.msk [tilespmem:v55+s11+$0x0], $0xffff;
	v35 =	vmul.f32 v54, v53;
	v34 =	vadd.f32 v36, v34  }
0xb0: {  	v63 =	vld.idx.msk [tilespmem:v55+s12+$0x0], $0xffff;
	v48 =	vor.u32 v10, v33  }
0xb1: {  	v49 =	vld.idx.msk [tilespmem:v58+s11+$0x0], $0xffff;
	v50 =	vmul.f32 v57, v56;
	v34 =	vadd.f32 v35, v34  }
0xb2: {  	v52 =	vor.u32 v11, v33;
	v51 =	vld.idx.msk [tilespmem:v58+s12+$0x0], $0xffff  }
0xb3: {  	v55 =	vld.idx.msk [tilespmem:v61+s12+$0x0], $0xffff;
	v54 =	vmul.f32 v60, v59;
	v34 =	vadd.f32 v50, v34  }
0xb4: {  	v53 =	vld.idx.msk [tilespmem:v61+s11+$0x0], $0xffff;
	v56 =	vor.u32 v12, v33  }
0xb5: {  	v57 =	vld.idx.msk [tilespmem:v48+s11+$0x0], $0xffff;
	v58 =	vmul.f32 v63, v62;
	v34 =	vadd.f32 v54, v34  }
0xb6: {  	v59 =	vld.idx.msk [tilespmem:v48+s12+$0x0], $0xffff;
	v60 =	vor.u32 v13, v33  }
0xb7: {  	v61 =	vld.idx.msk [tilespmem:v52+s11+$0x0], $0xffff;
	v62 =	vmul.f32 v51, v49;
	v34 =	vadd.f32 v58, v34  }
0xb8: {  	v63 =	vld.idx.msk [tilespmem:v52+s12+$0x0], $0xffff;
	v48 =	vor.u32 v14, v33  }
0xb9: {  	v49 =	vld.idx.msk [tilespmem:v56+s11+$0x0], $0xffff;
	v50 =	vmul.f32 v55, v53;
	v34 =	vadd.f32 v62, v34  }
0xba: {  	v52 =	vor.u32 v15, v33;
	v51 =	vld.idx.msk [tilespmem:v56+s12+$0x0], $0xffff  }
0xbb: {  	v53 =	vld.idx.msk [tilespmem:v60+s11+$0x0], $0xffff;
	v54 =	vmul.f32 v59, v57;
	v34 =	vadd.f32 v50, v34  }
0xbc: {  	v56 =	vor.u32 v16, v33;
	v55 =	vld.idx.msk [tilespmem:v60+s12+$0x0], $0xffff  }
0xbd: {  	v57 =	vld.idx.msk [tilespmem:v48+s11+$0x0], $0xffff;
	v58 =	vmul.f32 v63, v61;
	v34 =	vadd.f32 v54, v34  }
0xbe: {  	v60 =	vor.u32 v28, v33;
	v59 =	vld.idx.msk [tilespmem:v48+s12+$0x0], $0xffff  }
0xbf: {  	v61 =	vld.idx.msk [tilespmem:v52+s11+$0x0], $0xffff;
	v62 =	vmul.f32 v51, v49;
	v34 =	vadd.f32 v58, v34  }
0xc0: {  	v48 =	vor.u32 v17, v33;
	v63 =	vld.idx.msk [tilespmem:v52+s12+$0x0], $0xffff  }
0xc1: {  	v49 =	vld.idx.msk [tilespmem:v56+s11+$0x0], $0xffff;
	v50 =	vmul.f32 v55, v53;
	v34 =	vadd.f32 v62, v34  }
0xc2: {  	v52 =	vor.u32 v19, v33;
	v51 =	vld.idx.msk [tilespmem:v56+s12+$0x0], $0xffff  }
0xc3: {  	v53 =	vld.idx.msk [tilespmem:v60+s11+$0x0], $0xffff;
	v54 =	vmul.f32 v59, v57;
	v34 =	vadd.f32 v50, v34  }
0xc4: {  	v56 =	vor.u32 v20, v33;
	v55 =	vld.idx.msk [tilespmem:v60+s12+$0x0], $0xffff  }
0xc5: {  	v57 =	vld.idx.msk [tilespmem:v48+s11+$0x0], $0xffff;
	v58 =	vmul.f32 v63, v61;
	v34 =	vadd.f32 v54, v34  }
0xc6: {  	v60 =	vor.u32 v18, v33;
	v59 =	vld.idx.msk [tilespmem:v48+s12+$0x0], $0xffff  }
0xc7: {  	v61 =	vld.idx.msk [tilespmem:v52+s11+$0x0], $0xffff;
	v62 =	vmul.f32 v51, v49;
	v34 =	vadd.f32 v58, v34  }
0xc8: {  	v48 =	vor.u32 v21, v33;
	v63 =	vld.idx.msk [tilespmem:v52+s12+$0x0], $0xffff  }
0xc9: {  	v49 =	vld.idx.msk [tilespmem:v56+s11+$0x0], $0xffff;
	v50 =	vmul.f32 v55, v53;
	v34 =	vadd.f32 v62, v34  }
0xca: {  	v52 =	vor.u32 v22, v33;
	v51 =	vld.idx.msk [tilespmem:v56+s12+$0x0], $0xffff  }
0xcb: {  	v53 =	vld.idx.msk [tilespmem:v60+s11+$0x0], $0xffff;
	v54 =	vmul.f32 v59, v57;
	v34 =	vadd.f32 v50, v34  }
0xcc: {  	v56 =	vor.u32 v23, v33;
	v55 =	vld.idx.msk [tilespmem:v60+s12+$0x0], $0xffff  }
0xcd: {  	v57 =	vld.idx.msk [tilespmem:v48+s11+$0x0], $0xffff;
	v58 =	vmul.f32 v63, v61;
	v34 =	vadd.f32 v54, v34  }
0xce: {  	v60 =	vor.u32 v24, v33;
	v59 =	vld.idx.msk [tilespmem:v48+s12+$0x0], $0xffff  }
0xcf: {  	v61 =	vld.idx.msk [tilespmem:v52+s11+$0x0], $0xffff;
	v62 =	vmul.f32 v51, v49;
	v34 =	vadd.f32 v58, v34  }
0xd0: {  	v48 =	vor.u32 v25, v33;
	v63 =	vld.idx.msk [tilespmem:v52+s12+$0x0], $0xffff  }
0xd1: {  	v49 =	vld.idx.msk [tilespmem:v56+s11+$0x0], $0xffff;
	v50 =	vmul.f32 v55, v53;
	v34 =	vadd.f32 v62, v34  }
0xd2: {  	v52 =	vor.u32 v26, v33;
	v51 =	vld.idx.msk [tilespmem:v56+s12+$0x0], $0xffff  }
0xd3: {  	v53 =	vld.idx.msk [tilespmem:v60+s11+$0x0], $0xffff;
	v54 =	vmul.f32 v59, v57;
	v34 =	vadd.f32 v50, v34  }
0xd4: {  	v56 =	vor.u32 v27, v33;
	v55 =	vld.idx.msk [tilespmem:v60+s12+$0x0], $0xffff  }
0xd5: {  	v57 =	vld.idx.msk [tilespmem:v48+s11+$0x0], $0xffff;
	v58 =	vmul.f32 v63, v61;
	v34 =	vadd.f32 v54, v34  }
0xd6: {  	v60 =	vor.u32 v29, v33;
	v59 =	vld.idx.msk [tilespmem:v48+s12+$0x0], $0xffff  }
0xd7: {  	v61 =	vld.idx.msk [tilespmem:v52+s11+$0x0], $0xffff;
	v62 =	vmul.f32 v51, v49;
	v34 =	vadd.f32 v58, v34  }
0xd8: {  	v63 =	vld.idx.msk [tilespmem:v52+s12+$0x0], $0xffff  }
0xd9: {  	v48 =	vor.u32 v30, v33;
	v49 =	vld.idx.msk [tilespmem:v56+s11+$0x0], $0xffff;
	v50 =	vmul.f32 v55, v53;
	v34 =	vadd.f32 v62, v34  }
0xda: {  	v51 =	vld.idx.msk [tilespmem:v56+s12+$0x0], $0xffff  }
0xdb: {  	v52 =	vor.u32 v31, v33;
	v53 =	vld.idx.msk [tilespmem:v60+s11+$0x0], $0xffff;
	v54 =	vmul.f32 v59, v57;
	v34 =	vadd.f32 v50, v34  }
0xdc: {  	v55 =	vld.idx.msk [tilespmem:v60+s12+$0x0], $0xffff  }
0xdd: {  	v33 =	vor.u32 v32, v33;
	v57 =	vmul.f32 v63, v61;
	v34 =	vadd.f32 v54, v34  }
0xde: {  	v56 =	vld.idx.msk [tilespmem:v48+s11+$0x0], $0xffff  }
0xdf: {  	v60 =	vmul.f32 v51, v49;
	v58 =	vld.idx.msk [tilespmem:v48+s12+$0x0], $0xffff;
	v34 =	vadd.f32 v57, v34  }
0xe0: {  	v38 =	vld.idx.msk [tilespmem:v52+s12+$0x0], $0xffff  }
0xe1: {  	v59 =	vld.idx.msk [tilespmem:v52+s11+$0x0], $0xffff;
	v61 =	vmul.f32 v55, v53;
	v34 =	vadd.f32 v60, v34  }
0xe2: {  	v35 =	vld.idx.msk [tilespmem:v33+s12+$0x0], $0xffff  }
0xe3: {  	v62 =	vadd.f32 v61, v34;
	v34 =	vld.idx.msk [tilespmem:v33+s11+$0x0], $0xffff  }
0xe4: {  	s29 =	simm.s32 $0x20;
	v37 =	vmul.f32 v58, v56  }
0xe5: {  	v63 =	vmov s29  }
0xe6: {  	s30 =	simm.s32 $0x30;
	s29 =	simm.s32 $0x8400;
	v33 =	vshll.u32 v63, $0x5;
	v36 =	vadd.f32 v37, v62;
	v37 =	vmul.f32 v38, v59  }
.LBB2_2:
0xe7: {  	p0 =	sne.s32 s30, $0x1F0;
	v33 =	vor.u32 v1, v33  }
0xe8: {  	v34 =	vmul.f32 v35, v34;
	v38 =	vor.u32 v0, v33;
	v36 =	vadd.f32 v37, v36;
	_ =	sdelay $0x1  }
0xe9: {  	v35 =	vor.u32 v2, v33;
	v34 =	vadd.f32 v34, v36  }
0xea: {  	s29 =	sadd.s32 $0x10, s29  }
0xeb: {  	v36 =	vor.u32 v3, v33;
	[tilespmem:s29+$0x0] =	vst v34  }
0xec: {  	v34 =	vld.idx.msk [tilespmem:v38+s12+$0x0], $0xffff  }
0xed: {  	v37 =	vld.idx.msk [tilespmem:v38+s11+$0x0], $0xffff;
	v38 =	vor.u32 v4, v33  }
0xee: {  	v39 =	vld.idx.msk [tilespmem:v35+s11+$0x0], $0xffff  }
0xef: {  	v40 =	vor.u32 v5, v33;
	v35 =	vld.idx.msk [tilespmem:v35+s12+$0x0], $0xffff  }
0xf0: {  	v41 =	vld.idx.msk [tilespmem:v36+s11+$0x0], $0xffff  }
0xf1: {  	v42 =	vor.u32 v6, v33;
	v36 =	vld.idx.msk [tilespmem:v36+s12+$0x0], $0xffff  }
0xf2: {  	v43 =	vld.idx.msk [tilespmem:v38+s11+$0x0], $0xffff  }
0xf3: {  	v34 =	vmul.f32 v34, v37;
	v37 =	vld.idx.msk [tilespmem:v38+s12+$0x0], $0xffff;
	v38 =	vor.u32 v7, v33  }
0xf4: {  	v44 =	vld.idx.msk [tilespmem:v40+s11+$0x0], $0xffff  }
0xf5: {  	v34 =	vadd.f32 $0.0e+00, v34;
	v35 =	vmul.f32 v35, v39;
	v39 =	vld.idx.msk [tilespmem:v40+s12+$0x0], $0xffff;
	v40 =	vor.u32 v8, v33  }
0xf6: {  	v45 =	vld.idx.msk [tilespmem:v42+s11+$0x0], $0xffff  }
0xf7: {  	v34 =	vadd.f32 v35, v34;
	v35 =	vmul.f32 v36, v41;
	v41 =	vor.u32 v9, v33;
	v36 =	vld.idx.msk [tilespmem:v42+s12+$0x0], $0xffff  }
0xf8: {  	v42 =	vld.idx.msk [tilespmem:v38+s11+$0x0], $0xffff  }
0xf9: {  	v34 =	vadd.f32 v35, v34;
	v35 =	vmul.f32 v37, v43;
	v37 =	vld.idx.msk [tilespmem:v38+s12+$0x0], $0xffff;
	v38 =	vor.u32 v10, v33  }
0xfa: {  	v43 =	vld.idx.msk [tilespmem:v40+s11+$0x0], $0xffff  }
0xfb: {  	v34 =	vadd.f32 v35, v34;
	v35 =	vmul.f32 v39, v44;
	v39 =	vld.idx.msk [tilespmem:v40+s12+$0x0], $0xffff;
	v40 =	vor.u32 v11, v33  }
0xfc: {  	v44 =	vld.idx.msk [tilespmem:v41+s11+$0x0], $0xffff  }
0xfd: {  	v34 =	vadd.f32 v35, v34;
	v35 =	vmul.f32 v36, v45;
	v36 =	vld.idx.msk [tilespmem:v41+s12+$0x0], $0xffff;
	v41 =	vor.u32 v12, v33  }
0xfe: {  	v45 =	vld.idx.msk [tilespmem:v38+s11+$0x0], $0xffff  }
0xff: {  	v34 =	vadd.f32 v35, v34;
	v35 =	vmul.f32 v37, v42;
	v37 =	vld.idx.msk [tilespmem:v38+s12+$0x0], $0xffff;
	v38 =	vor.u32 v13, v33  }
0x100: {  	v42 =	vld.idx.msk [tilespmem:v40+s11+$0x0], $0xffff  }
0x101: {  	v34 =	vadd.f32 v35, v34;
	v35 =	vmul.f32 v39, v43;
	v39 =	vld.idx.msk [tilespmem:v40+s12+$0x0], $0xffff;
	v40 =	vor.u32 v14, v33  }
0x102: {  	v43 =	vld.idx.msk [tilespmem:v41+s11+$0x0], $0xffff  }
0x103: {  	v34 =	vadd.f32 v35, v34;
	v35 =	vmul.f32 v36, v44;
	v36 =	vld.idx.msk [tilespmem:v41+s12+$0x0], $0xffff;
	v41 =	vor.u32 v15, v33  }
0x104: {  	v44 =	vld.idx.msk [tilespmem:v38+s11+$0x0], $0xffff  }
0x105: {  	v34 =	vadd.f32 v35, v34;
	v35 =	vmul.f32 v37, v45;
	v37 =	vld.idx.msk [tilespmem:v38+s12+$0x0], $0xffff;
	v38 =	vor.u32 v16, v33  }
0x106: {  	v45 =	vld.idx.msk [tilespmem:v40+s11+$0x0], $0xffff  }
0x107: {  	v34 =	vadd.f32 v35, v34;
	v35 =	vmul.f32 v39, v42;
	v39 =	vld.idx.msk [tilespmem:v40+s12+$0x0], $0xffff;
	v40 =	vor.u32 v28, v33  }
0x108: {  	v42 =	vld.idx.msk [tilespmem:v41+s11+$0x0], $0xffff  }
0x109: {  	v34 =	vadd.f32 v35, v34;
	v35 =	vmul.f32 v36, v43;
	v36 =	vld.idx.msk [tilespmem:v41+s12+$0x0], $0xffff;
	v41 =	vor.u32 v17, v33  }
0x10a: {  	v43 =	vld.idx.msk [tilespmem:v38+s11+$0x0], $0xffff  }
0x10b: {  	v34 =	vadd.f32 v35, v34;
	v35 =	vmul.f32 v37, v44;
	v37 =	vld.idx.msk [tilespmem:v38+s12+$0x0], $0xffff;
	v38 =	vor.u32 v19, v33  }
0x10c: {  	v44 =	vld.idx.msk [tilespmem:v40+s11+$0x0], $0xffff  }
0x10d: {  	v34 =	vadd.f32 v35, v34;
	v35 =	vmul.f32 v39, v45;
	v39 =	vld.idx.msk [tilespmem:v40+s12+$0x0], $0xffff;
	v40 =	vor.u32 v20, v33  }
0x10e: {  	v45 =	vld.idx.msk [tilespmem:v41+s11+$0x0], $0xffff  }
0x10f: {  	v34 =	vadd.f32 v35, v34;
	v35 =	vmul.f32 v36, v42;
	v36 =	vld.idx.msk [tilespmem:v41+s12+$0x0], $0xffff;
	v41 =	vor.u32 v18, v33  }
0x110: {  	v42 =	vld.idx.msk [tilespmem:v38+s11+$0x0], $0xffff  }
0x111: {  	v34 =	vadd.f32 v35, v34;
	v35 =	vmul.f32 v37, v43;
	v37 =	vld.idx.msk [tilespmem:v38+s12+$0x0], $0xffff;
	v38 =	vor.u32 v21, v33  }
0x112: {  	v43 =	vld.idx.msk [tilespmem:v40+s11+$0x0], $0xffff  }
0x113: {  	v34 =	vadd.f32 v35, v34;
	v35 =	vmul.f32 v39, v44;
	v39 =	vld.idx.msk [tilespmem:v40+s12+$0x0], $0xffff;
	v40 =	vor.u32 v22, v33  }
0x114: {  	v44 =	vld.idx.msk [tilespmem:v41+s11+$0x0], $0xffff  }
0x115: {  	v34 =	vadd.f32 v35, v34;
	v35 =	vmul.f32 v36, v45;
	v36 =	vld.idx.msk [tilespmem:v41+s12+$0x0], $0xffff;
	v41 =	vor.u32 v23, v33  }
0x116: {  	v45 =	vld.idx.msk [tilespmem:v38+s11+$0x0], $0xffff  }
0x117: {  	v34 =	vadd.f32 v35, v34;
	v35 =	vmul.f32 v37, v42;
	v37 =	vld.idx.msk [tilespmem:v38+s12+$0x0], $0xffff;
	v38 =	vor.u32 v24, v33  }
0x118: {  	v42 =	vld.idx.msk [tilespmem:v40+s11+$0x0], $0xffff  }
0x119: {  	v34 =	vadd.f32 v35, v34;
	v35 =	vmul.f32 v39, v43;
	v39 =	vld.idx.msk [tilespmem:v40+s12+$0x0], $0xffff;
	v40 =	vor.u32 v25, v33  }
0x11a: {  	v43 =	vld.idx.msk [tilespmem:v41+s11+$0x0], $0xffff  }
0x11b: {  	v34 =	vadd.f32 v35, v34;
	v35 =	vmul.f32 v36, v44;
	v36 =	vld.idx.msk [tilespmem:v41+s12+$0x0], $0xffff;
	v41 =	vor.u32 v26, v33  }
0x11c: {  	v44 =	vld.idx.msk [tilespmem:v38+s11+$0x0], $0xffff  }
0x11d: {  	v34 =	vadd.f32 v35, v34;
	v35 =	vmul.f32 v37, v45;
	v37 =	vld.idx.msk [tilespmem:v38+s12+$0x0], $0xffff;
	v38 =	vor.u32 v27, v33  }
0x11e: {  	v45 =	vld.idx.msk [tilespmem:v40+s11+$0x0], $0xffff  }
0x11f: {  	v34 =	vadd.f32 v35, v34;
	v35 =	vmul.f32 v39, v42;
	v39 =	vld.idx.msk [tilespmem:v40+s12+$0x0], $0xffff;
	v40 =	vor.u32 v29, v33  }
0x120: {  	v42 =	vld.idx.msk [tilespmem:v41+s11+$0x0], $0xffff  }
0x121: {  	v34 =	vadd.f32 v35, v34;
	v35 =	vmul.f32 v36, v43;
	v36 =	vld.idx.msk [tilespmem:v41+s12+$0x0], $0xffff;
	v41 =	vor.u32 v30, v33  }
0x122: {  	v43 =	vld.idx.msk [tilespmem:v38+s11+$0x0], $0xffff  }
0x123: {  	v34 =	vadd.f32 v35, v34;
	v35 =	vmul.f32 v37, v44;
	v37 =	vld.idx.msk [tilespmem:v38+s12+$0x0], $0xffff;
	v38 =	vor.u32 v31, v33  }
0x124: {  	v44 =	vld.idx.msk [tilespmem:v40+s11+$0x0], $0xffff  }
0x125: {  	v33 =	vor.u32 v32, v33;
	v34 =	vadd.f32 v35, v34;
	v35 =	vmul.f32 v39, v45;
	v39 =	vld.idx.msk [tilespmem:v40+s12+$0x0], $0xffff  }
0x126: {  	v40 =	vld.idx.msk [tilespmem:v41+s11+$0x0], $0xffff  }
0x127: {  	v34 =	vadd.f32 v35, v34;
	v35 =	vmul.f32 v36, v42;
	v36 =	vld.idx.msk [tilespmem:v41+s12+$0x0], $0xffff  }
0x128: {  	v41 =	vld.idx.msk [tilespmem:v38+s11+$0x0], $0xffff  }
0x129: {  	v35 =	vadd.f32 v35, v34;
	v37 =	vmul.f32 v37, v43;
	v38 =	vld.idx.msk [tilespmem:v38+s12+$0x0], $0xffff  }
0x12a: {  	v34 =	vld.idx.msk [tilespmem:v33+s11+$0x0], $0xffff  }
.Ltmp0:
0x12b: {  	v37 =	vadd.f32 v37, v35;
	v39 =	vmul.f32 v39, v44;
	v35 =	vld.idx.msk [tilespmem:v33+s12+$0x0], $0xffff;
	(pc) =	sbr.rel @p0 .LBB2_2-.Ltmp0, $4  }
0x12c: {  	_ = 	snop  }
0x12d: {  	v37 =	vadd.f32 v39, v37;
	v36 =	vmul.f32 v36, v40  }
0x12e: {  	v33 =	vmov s30  }
0x12f: {  	s30 =	sadd.s32 $0x10, s30;
	v33 =	vshll.u32 v33, $0x5;
	v36 =	vadd.f32 v36, v37;
	v37 =	vmul.f32 v38, v41  }
0x130: {  	v33 =	vor.u32 v1, v33  }
0x131: {  	v34 =	vmul.f32 v35, v34;
	v38 =	vor.u32 v0, v33;
	v36 =	vadd.f32 v37, v36;
	_ =	sdelay $0x1  }
0x132: {  	v48 =	vor.u32 v2, v33;
	v34 =	vadd.f32 v34, v36  }
0x133: {  	s29 =	sadd.s32 $0x10, s29  }
0x134: {  	v49 =	vor.u32 v3, v33;
	[tilespmem:s29+$0x0] =	vst v34  }
0x135: {  	v34 =	vld.idx.msk [tilespmem:v38+s12+$0x0], $0xffff  }
0x136: {  	v51 =	vor.u32 v4, v33;
	v50 =	vld.idx.msk [tilespmem:v38+s11+$0x0], $0xffff  }
0x137: {  	v39 =	vld.idx.msk [tilespmem:v48+s11+$0x0], $0xffff  }
0x138: {  	v40 =	vor.u32 v5, v33;
	v35 =	vld.idx.msk [tilespmem:v48+s12+$0x0], $0xffff  }
0x139: {  	v41 =	vld.idx.msk [tilespmem:v49+s11+$0x0], $0xffff  }
0x13a: {  	v42 =	vor.u32 v6, v33;
	v36 =	vld.idx.msk [tilespmem:v49+s12+$0x0], $0xffff  }
0x13b: {  	v43 =	vld.idx.msk [tilespmem:v51+s11+$0x0], $0xffff;
	v34 =	vmul.f32 v34, v50  }
0x13c: {  	v53 =	vor.u32 v7, v33;
	v52 =	vld.idx.msk [tilespmem:v51+s12+$0x0], $0xffff  }
0x13d: {  	v44 =	vld.idx.msk [tilespmem:v40+s11+$0x0], $0xffff;
	v35 =	vmul.f32 v35, v39;
	v34 =	vadd.f32 $0.0e+00, v34  }
0x13e: {  	v55 =	vor.u32 v8, v33;
	v54 =	vld.idx.msk [tilespmem:v40+s12+$0x0], $0xffff  }
0x13f: {  	v45 =	vld.idx.msk [tilespmem:v42+s11+$0x0], $0xffff;
	v56 =	vmul.f32 v36, v41;
	v34 =	vadd.f32 v35, v34  }
0x140: {  	v58 =	vor.u32 v9, v33;
	v57 =	vld.idx.msk [tilespmem:v42+s12+$0x0], $0xffff  }
0x141: {  	v59 =	vld.idx.msk [tilespmem:v53+s11+$0x0], $0xffff;
	v60 =	vmul.f32 v52, v43;
	v34 =	vadd.f32 v56, v34  }
0x142: {  	v62 =	vor.u32 v10, v33;
	v61 =	vld.idx.msk [tilespmem:v53+s12+$0x0], $0xffff  }
0x143: {  	v63 =	vld.idx.msk [tilespmem:v55+s11+$0x0], $0xffff;
	v48 =	vmul.f32 v54, v44;
	v34 =	vadd.f32 v60, v34  }
0x144: {  	v49 =	vld.idx.msk [tilespmem:v55+s12+$0x0], $0xffff;
	v50 =	vor.u32 v11, v33  }
0x145: {  	v51 =	vld.idx.msk [tilespmem:v58+s11+$0x0], $0xffff;
	v52 =	vmul.f32 v57, v45;
	v34 =	vadd.f32 v48, v34  }
0x146: {  	v53 =	vld.idx.msk [tilespmem:v58+s12+$0x0], $0xffff;
	v54 =	vor.u32 v12, v33  }
0x147: {  	v55 =	vld.idx.msk [tilespmem:v62+s11+$0x0], $0xffff;
	v56 =	vmul.f32 v61, v59;
	v34 =	vadd.f32 v52, v34  }
0x148: {  	v58 =	vor.u32 v13, v33;
	v57 =	vld.idx.msk [tilespmem:v62+s12+$0x0], $0xffff  }
0x149: {  	v59 =	vld.idx.msk [tilespmem:v50+s11+$0x0], $0xffff;
	v60 =	vmul.f32 v49, v63;
	v34 =	vadd.f32 v56, v34  }
0x14a: {  	v62 =	vor.u32 v14, v33;
	v61 =	vld.idx.msk [tilespmem:v50+s12+$0x0], $0xffff  }
0x14b: {  	v63 =	vld.idx.msk [tilespmem:v54+s11+$0x0], $0xffff;
	v48 =	vmul.f32 v53, v51;
	v34 =	vadd.f32 v60, v34  }
0x14c: {  	v50 =	vor.u32 v15, v33;
	v49 =	vld.idx.msk [tilespmem:v54+s12+$0x0], $0xffff  }
0x14d: {  	v51 =	vld.idx.msk [tilespmem:v58+s11+$0x0], $0xffff;
	v52 =	vmul.f32 v57, v55;
	v34 =	vadd.f32 v48, v34  }
0x14e: {  	v54 =	vor.u32 v16, v33;
	v53 =	vld.idx.msk [tilespmem:v58+s12+$0x0], $0xffff  }
0x14f: {  	v55 =	vld.idx.msk [tilespmem:v62+s11+$0x0], $0xffff;
	v56 =	vmul.f32 v61, v59;
	v34 =	vadd.f32 v52, v34  }
0x150: {  	v58 =	vor.u32 v28, v33;
	v57 =	vld.idx.msk [tilespmem:v62+s12+$0x0], $0xffff  }
0x151: {  	v59 =	vld.idx.msk [tilespmem:v50+s11+$0x0], $0xffff;
	v60 =	vmul.f32 v49, v63;
	v34 =	vadd.f32 v56, v34  }
0x152: {  	v62 =	vor.u32 v17, v33;
	v61 =	vld.idx.msk [tilespmem:v50+s12+$0x0], $0xffff  }
0x153: {  	v63 =	vld.idx.msk [tilespmem:v54+s11+$0x0], $0xffff;
	v48 =	vmul.f32 v53, v51;
	v34 =	vadd.f32 v60, v34  }
0x154: {  	v50 =	vor.u32 v19, v33;
	v49 =	vld.idx.msk [tilespmem:v54+s12+$0x0], $0xffff  }
0x155: {  	v51 =	vld.idx.msk [tilespmem:v58+s11+$0x0], $0xffff;
	v52 =	vmul.f32 v57, v55;
	v34 =	vadd.f32 v48, v34  }
0x156: {  	v54 =	vor.u32 v20, v33;
	v53 =	vld.idx.msk [tilespmem:v58+s12+$0x0], $0xffff  }
0x157: {  	v55 =	vld.idx.msk [tilespmem:v62+s11+$0x0], $0xffff;
	v56 =	vmul.f32 v61, v59;
	v34 =	vadd.f32 v52, v34  }
0x158: {  	v58 =	vor.u32 v18, v33;
	v57 =	vld.idx.msk [tilespmem:v62+s12+$0x0], $0xffff  }
0x159: {  	v59 =	vld.idx.msk [tilespmem:v50+s11+$0x0], $0xffff;
	v60 =	vmul.f32 v49, v63;
	v34 =	vadd.f32 v56, v34  }
0x15a: {  	v62 =	vor.u32 v21, v33;
	v61 =	vld.idx.msk [tilespmem:v50+s12+$0x0], $0xffff  }
0x15b: {  	v63 =	vld.idx.msk [tilespmem:v54+s11+$0x0], $0xffff;
	v48 =	vmul.f32 v53, v51;
	v34 =	vadd.f32 v60, v34  }
0x15c: {  	v50 =	vor.u32 v22, v33;
	v49 =	vld.idx.msk [tilespmem:v54+s12+$0x0], $0xffff  }
0x15d: {  	v51 =	vld.idx.msk [tilespmem:v58+s11+$0x0], $0xffff;
	v52 =	vmul.f32 v57, v55;
	v34 =	vadd.f32 v48, v34  }
0x15e: {  	v54 =	vor.u32 v23, v33;
	v53 =	vld.idx.msk [tilespmem:v58+s12+$0x0], $0xffff  }
0x15f: {  	v55 =	vld.idx.msk [tilespmem:v62+s11+$0x0], $0xffff;
	v56 =	vmul.f32 v61, v59;
	v34 =	vadd.f32 v52, v34  }
0x160: {  	v58 =	vor.u32 v24, v33;
	v57 =	vld.idx.msk [tilespmem:v62+s12+$0x0], $0xffff  }
0x161: {  	v59 =	vld.idx.msk [tilespmem:v50+s11+$0x0], $0xffff;
	v60 =	vmul.f32 v49, v63;
	v34 =	vadd.f32 v56, v34  }
0x162: {  	v62 =	vor.u32 v25, v33;
	v61 =	vld.idx.msk [tilespmem:v50+s12+$0x0], $0xffff  }
0x163: {  	v63 =	vld.idx.msk [tilespmem:v54+s11+$0x0], $0xffff;
	v48 =	vmul.f32 v53, v51;
	v34 =	vadd.f32 v60, v34  }
0x164: {  	v50 =	vor.u32 v26, v33;
	v49 =	vld.idx.msk [tilespmem:v54+s12+$0x0], $0xffff  }
0x165: {  	v51 =	vld.idx.msk [tilespmem:v58+s11+$0x0], $0xffff;
	v52 =	vmul.f32 v57, v55;
	v34 =	vadd.f32 v48, v34  }
0x166: {  	v54 =	vor.u32 v27, v33;
	v53 =	vld.idx.msk [tilespmem:v58+s12+$0x0], $0xffff  }
0x167: {  	v55 =	vld.idx.msk [tilespmem:v62+s11+$0x0], $0xffff;
	v56 =	vmul.f32 v61, v59;
	v34 =	vadd.f32 v52, v34  }
0x168: {  	v58 =	vor.u32 v29, v33;
	v57 =	vld.idx.msk [tilespmem:v62+s12+$0x0], $0xffff  }
0x169: {  	v59 =	vld.idx.msk [tilespmem:v50+s11+$0x0], $0xffff;
	v60 =	vmul.f32 v49, v63;
	v34 =	vadd.f32 v56, v34  }
0x16a: {  	v62 =	vor.u32 v30, v33;
	v61 =	vld.idx.msk [tilespmem:v50+s12+$0x0], $0xffff  }
0x16b: {  	v63 =	vld.idx.msk [tilespmem:v54+s11+$0x0], $0xffff;
	v48 =	vmul.f32 v53, v51;
	v34 =	vadd.f32 v60, v34  }
0x16c: {  	v50 =	vor.u32 v31, v33;
	v49 =	vld.idx.msk [tilespmem:v54+s12+$0x0], $0xffff  }
0x16d: {  	v51 =	vld.idx.msk [tilespmem:v58+s11+$0x0], $0xffff;
	v52 =	vmul.f32 v57, v55;
	v34 =	vadd.f32 v48, v34  }
0x16e: {  	v33 =	vor.u32 v32, v33;
	v53 =	vld.idx.msk [tilespmem:v58+s12+$0x0], $0xffff  }
0x16f: {  	v54 =	vld.idx.msk [tilespmem:v62+s11+$0x0], $0xffff;
	v55 =	vmul.f32 v61, v59;
	v34 =	vadd.f32 v52, v34  }
0x170: {  	v56 =	vld.idx.msk [tilespmem:v62+s12+$0x0], $0xffff  }
0x171: {  	v57 =	vld.idx.msk [tilespmem:v50+s11+$0x0], $0xffff;
	v58 =	vmul.f32 v49, v63;
	v34 =	vadd.f32 v55, v34  }
0x172: {  	v59 =	vld.idx.msk [tilespmem:v50+s12+$0x0], $0xffff  }
0x173: {  	v61 =	vmul.f32 v53, v51;
	v60 =	vld.idx.msk [tilespmem:v33+s11+$0x0], $0xffff;
	v34 =	vadd.f32 v58, v34  }
0x174: {  	v33 =	vld.idx.msk [tilespmem:v33+s12+$0x0], $0xffff  }
0x175: {  	v62 =	vmul.f32 v56, v54;
	v34 =	vadd.f32 v61, v34;
	_ =	sdelay $0x1  }
0x176: {  	v63 =	vmul.f32 v59, v57;
	v34 =	vadd.f32 v62, v34;
	_ =	sdelay $0x1  }
0x177: {  	v33 =	vmul.f32 v33, v60;
	v34 =	vadd.f32 v63, v34;
	_ =	sdelay $0x1  }
0x178: {  	s28 =	sadd.s32 $0x1, s28;
	v33 =	vadd.f32 v33, v34  }
0x179: {  	p0 =	sne.s32 s28, s8;
	s29 =	sadd.s32 $0x10, s29  }
.Ltmp1:
0x17a: {  	[tilespmem:s29+$0x0] =	vst v33;
	(pc) =	sbr.rel @p0 .LBB2_1-.Ltmp1, $4  }
0x17b: {  	[hbm4b:s7+s1] =	stream.linear.scatter [tilespmem:s26], [sflag:$0x2], $0x200, $0x38;
	[tilespmem:$0x8600] =	vst v63  }
0x17c: {  	_ =	swait.ge [sflag:s9], $0x200  }
0x17d: {  	[sflag:s9] =	ssyncset.done $0x0  }
0x17e: {  	[sflag:s9] =	ssyncadd.s32 $0xFFFFFE00  }
0x17f: {  	_ =	sfence.sel $0x180000  }
0x180: {  	[bflag:$0x0] =	sbarrier.arrive $0xFFFF  }
0x181: {  	p0 =	sne.s32 s2, $0x0;
	_ =	strace $0x9000004D  }
0x182: {  	s0 =	sadd.s32 @!p0 $0x100000, s0;
	[bflag:$0x2] =	sbarrier.arrive $0xFFFF  }
0x183: {  	[sflag:s0] =	ssyncadd.tile.s32 @!p0 $0x1;
	_ =	shalt  }
.Lfunc_end2:
_tile_overlayer_lowered:
.L_overlay_start_2:
0x184: {  	(tag) =	ssettag $0x2  }
0x185: {  	s0 =	rddreg [dreg:$0x0];
	s2 =	stileid.u32  }
0x186: {  	s1 =	rddreg [dreg:$0x1];
	p0 =	sne.s32 s2, $0x0  }
0x187: {  	s3 =	rddreg [dreg:$0x2];
	[bflag:$0x3] =	sbarrier.arrive $0xFFFF;
	s2 =	simm.s32 @!p0 $0x1C02  }
0x188: {  	[timem:s3], [sflag:s2] =	dma.local @!p0 [hbm:s0], s1  }
0x189: {  	s0 =	simm.s32 @!p0 $0x2  }
0x18a: {  	_ =	swait.ge @!p0 [sflag:s0], s1  }
0x18b: {  	s1 =	ssub.s32 @!p0 $0x0, s1;
	[sflag:s0] =	ssyncset.done @!p0 $0x0  }
0x18c: {  	[sflag:s0] =	ssyncadd.s32 @!p0 s1  }
0x18d: {  	[bflag:$0x3] =	sbarrier.arrive $0xFFFF  }
0x18e: {  	_ =	shalt  }

// kernel: kernel.5.cloned.1.call-start
scs
__scs_entry_jumppad:
0x0: {  	(pc) =	sbr.rel $0x88, $3  }
0x1: {  	(tag) =	ssettag $0x0;
	lr =	simm.s32 $0x1  }
0x2: {  	[smem:$0x3F9D] =	sst lr;
	_ =	strace $0xD0000000  }
0x3: {  	_ = 	snop  }
0x4: {  	_ = 	snop  }
0x5: {  	_ = 	snop  }
0x6: {  	_ = 	snop  }
0x7: {  	_ = 	snop  }
__scs_overlays_trampoline_lowered:
0x8: {  	[smem:$0x3FAC] =	sst s0  }
0x9: {  	[smem:$0x3FAD] =	sst s1  }
0xa: {  	[smem:$0x3FAE] =	sst s2  }
0xb: {  	[smem:$0x3FAF] =	sst s3  }
0xc: {  	[smem:$0x3FB0] =	sst s4  }
0xd: {  	[smem:$0x3FB1] =	sst s5  }
0xe: {  	[smem:$0x3FB2] =	sst s6  }
0xf: {  	[smem:$0x3FB3] =	sst s7  }
0x10: {  	[smem:$0x3FB4] =	sst s8  }
0x11: {  	[smem:$0x3FB5] =	sst s9;
	s0 =	simm.s32 @!p0 $0x0  }
0x12: {  	s1 =	sld [smem:$0x3F9B];
	s0 =	simm.s32 @p0 $0x1  }
0x13: {  	[smem:$0x3FB6] =	sst s0;
	s0 =	simm.s32 @!p1 $0x0  }
0x14: {  	s2 =	sld [smem:$0x3F9A];
	s0 =	simm.s32 @p1 $0x1  }
0x15: {  	[smem:$0x3FB7] =	sst s0;
	s0 =	simm.s32 @!p2 $0x0  }
0x16: {  	s3 =	sld [smem:$0x3FDB];
	s0 =	simm.s32 @p2 $0x1  }
0x17: {  	s4 =	simm.s32 $0x1BF5;
	[smem:$0x3FB9] =	sst s0  }
0x18: {  	s0 =	sld [smem:$0x3F9C];
	_ =	swait.ge [sflag:s4], $0x0  }
0x19: {  	s7 =	sld [smem:$0x3F9D]  }
0x1a: {  	s8 =	sadd.s32 $0xFFFFE003, lr  }
0x1b: {  	s9 =	sadd.s32 $0xFFFFFEF7, lr;
	s5 =	simm.s32 $0xFFFFFFFF;
	p2 =	slt.u32 s8, $0xFFFFF086  }
0x1c: {  	p1 =	slt.u32 s9, $0xF7A;
	s5 =	simm.s32 @!p2 $0x0  }
0x1d: {  	s5 =	simm.s32 @p1 $0x1;
	p0 =	seq.s32 s7, s2  }
0x1e: {  	s7 =	smul.u32 @!p0 $0xF7A, s2;
	p2 =	seq.s32 @!p0 s5, $0x0  }
0x1f: {  	s9 =	smul.u32 $0xF7A, s1;
	s8 =	simm.s32 @!p0 $0x1BF5;
	p2 =	por !p2, p0  }
0x20: {  	[sflag:s8] =	ssyncset.s32 @!p0 $0xFFFFF086;
	s6 =	sadd.s32 @!p0 s3, s7;
	s7 =	simm.s32 @!p0 $0x108  }
0x21: {  	s3 =	sadd.s32 s3, s9;
	s6 =	sadd.s32 @!p0 $0x88, s6;
	s7 =	simm.s32 @p2 $0x1082  }
0x22: {  	[simem:s7], [sflag:s8] =	dma.local @!p0 [hbm:s6], $0xF7A  }
0x23: {  	s9 =	sor.u32 $0xD0000000, s2;
	s6 =	simm.s32 $0x108;
	_ =	swait.ge @!p0 [sflag:s8], $0x0  }
0x24: {  	s3 =	sadd.s32 $0x88, s3;
	s6 =	simm.s32 @!p1 $0x1082;
	[sflag:s4] =	ssyncset.s32 $0xFFFFF086  }
0x25: {  	[simem:s6], [sflag:s4] =	dma.local [hbm:s3], $0xF7A  }
0x26: {  	[smem:$0x3F9D] =	sst s1;
	(tag) =	ssettag s2;
	_ =	strace s9  }
0x27: {  	s1 =	sld [smem:$0x3FAD]  }
0x28: {  	s2 =	sld [smem:$0x3FAE]  }
0x29: {  	s4 =	sld [smem:$0x3FB0]  }
0x2a: {  	p0 =	seq.s32 s5, $0x0;
	s5 =	sld [smem:$0x3FB1]  }
0x2b: {  	s6 =	sld [smem:$0x3FB2]  }
0x2c: {  	s7 =	sld [smem:$0x3FB3]  }
0x2d: {  	s3 =	simm.s32 $0x108;
	s8 =	sld [smem:$0x3FB4]  }
0x2e: {  	s3 =	simm.s32 @!p0 $0x1082;
	s9 =	sld [smem:$0x3FB5]  }
0x2f: {  	lr =	sadd.s32 s0, s3;
	s0 =	sld [smem:$0x3FAC]  }
0x30: {  	s3 =	sld [smem:$0x3FAF]  }
0x31: {  	[smem:$0x3FB8] =	sst s10  }
0x32: {  	s10 =	sld [smem:$0x3FB6];
	_ =	sdelay $0x3  }
0x33: {  	p0 =	seq.s32 s10, $0x1;
	s10 =	sld [smem:$0x3FB8];
	_ =	sdelay $0x3  }
0x34: {  	[smem:$0x3FB8] =	sst s10  }
0x35: {  	s10 =	sld [smem:$0x3FB7];
	_ =	sdelay $0x3  }
0x36: {  	p1 =	seq.s32 s10, $0x1;
	s10 =	sld [smem:$0x3FB8];
	_ =	sdelay $0x3  }
0x37: {  	[smem:$0x3FB8] =	sst s10  }
0x38: {  	s10 =	sld [smem:$0x3FB9]  }
0x39: {  	_ = 	snop;
	(pc) =	sbr.ind lr, $3  }
0x3a: {  	_ = 	snop  }
0x3b: {  	_ = 	snop  }
0x3c: {  	p2 =	seq.s32 s10, $0x1;
	s10 =	sld [smem:$0x3FB8]  }
0x3d: {  	_ =	shalt  }
0x3e: {  	_ =	shalt  }
0x3f: {  	_ =	shalt  }
0x40: {  	_ =	shalt  }
0x41: {  	_ =	shalt  }
0x42: {  	_ =	shalt  }
0x43: {  	_ =	shalt  }
0x44: {  	_ =	shalt  }
0x45: {  	_ =	shalt  }
0x46: {  	_ =	shalt  }
0x47: {  	_ =	shalt  }
0x48: {  	_ =	shalt  }
0x49: {  	_ =	shalt  }
0x4a: {  	_ =	shalt  }
0x4b: {  	_ =	shalt  }
0x4c: {  	_ =	shalt  }
0x4d: {  	_ =	shalt  }
0x4e: {  	_ =	shalt  }
0x4f: {  	_ =	shalt  }
0x50: {  	_ =	shalt  }
0x51: {  	_ =	shalt  }
0x52: {  	_ =	shalt  }
0x53: {  	_ =	shalt  }
0x54: {  	_ =	shalt  }
0x55: {  	_ =	shalt  }
0x56: {  	_ =	shalt  }
0x57: {  	_ =	shalt  }
0x58: {  	_ =	shalt  }
0x59: {  	_ =	shalt  }
0x5a: {  	_ =	shalt  }
0x5b: {  	_ =	shalt  }
0x5c: {  	_ =	shalt  }
0x5d: {  	_ =	shalt  }
0x5e: {  	_ =	shalt  }
0x5f: {  	_ =	shalt  }
0x60: {  	_ =	shalt  }
0x61: {  	_ =	shalt  }
0x62: {  	_ =	shalt  }
0x63: {  	_ =	shalt  }
0x64: {  	_ =	shalt  }
0x65: {  	_ =	shalt  }
0x66: {  	_ =	shalt  }
0x67: {  	_ =	shalt  }
0x68: {  	_ =	shalt  }
0x69: {  	_ =	shalt  }
0x6a: {  	_ =	shalt  }
0x6b: {  	_ =	shalt  }
0x6c: {  	_ =	shalt  }
0x6d: {  	_ =	shalt  }
0x6e: {  	_ =	shalt  }
0x6f: {  	_ =	shalt  }
0x70: {  	_ =	shalt  }
0x71: {  	_ =	shalt  }
0x72: {  	_ =	shalt  }
0x73: {  	_ =	shalt  }
0x74: {  	_ =	shalt  }
0x75: {  	_ =	shalt  }
0x76: {  	_ =	shalt  }
0x77: {  	_ =	shalt  }
0x78: {  	_ =	shalt  }
0x79: {  	_ =	shalt  }
0x7a: {  	_ =	shalt  }
0x7b: {  	_ =	shalt  }
0x7c: {  	_ =	shalt  }
0x7d: {  	_ =	shalt  }
0x7e: {  	_ =	shalt  }
0x7f: {  	_ =	shalt  }
0x80: {  	_ =	shalt  }
0x81: {  	_ =	shalt  }
0x82: {  	_ =	shalt  }
0x83: {  	_ =	shalt  }
0x84: {  	_ =	shalt  }
0x85: {  	_ =	shalt  }
0x86: {  	_ =	shalt  }
0x87: {  	_ =	shalt  }
.Lfunc_end0:
.L_simem_size_0:
called_computation_lowered:
.L_overlay_start_0:
0x88: {  	s2 =	sld [smem:$0x3FD9]  }
0x89: {  	s3 =	sld [smem:$0x3FFE];
	_ =	sdelay $0x1  }
0x8a: {  	s1 =	srdreg.scid  }
0x8b: {  	s0 =	sand.u32 $0x1, s1  }
0x8c: {  	s17 =	sshll.u32 s0, $0xA;
	s2 =	sadd.s32 s3, s2  }
0x8d: {  	s2 =	sadd.s32 s2, s17  }
0x8e: {  	[smem:$0x3FC4] =	sst s2  }
0x8f: {  	_ = 	snop  }
0x90: {  	s2 =	sld [smem:$0x3FC7];
	(tm) =	ssettm $0x1  }
0x91: {  	s18 =	sld [smem:$0x3FFB];
	_ =	sdelay $0x3  }
0x92: {  	_ =	strace s18  }
0x93: {  	s3 =	sld [smem:$0x3FFC];
	_ =	sdelay $0x3  }
0x94: {  	_ =	strace s3  }
0x95: {  	s3 =	sld [smem:$0x3FFD];
	_ =	sdelay $0x3  }
0x96: {  	_ =	strace s3  }
0x97: {  	_ =	strace $0x8FFFFFFF  }
0x98: {  	s19 =	sld [smem:$0x3FDB];
	_ =	sdelay $0x1  }
0x99: {  	s4 =	simm.s32 $_scs_section_size  }
0x9a: {  	s5 =	simm.s32 $_size__tile_overlayer_lowered;
	s6 =	simm.s32 $_tile_overlayer_lowered  }
0x9b: {  	s22 =	simm.s32 $0x1BFF;
	s21 =	sshll.u32 s6, $0x1;
	s3 =	sadd.s32 s4, s19  }
0x9c: {  	s7 =	simm.s32 $0x0;
	s20 =	sshll.u32 s5, $0x1;
	s5 =	sadd.s32 s21, s3  }
0x9d: {  	[timem:s7], [sflag:s22] =	dma.local [hbm:s5], s20  }
0x9e: {  	_ =	swait.ge [sflag:s22], s20  }
0x9f: {  	s4 =	ssub.s32 $0x0, s20;
	[sflag:s22] =	ssyncset.done $0x0  }
0xa0: {  	[sflag:s22] =	ssyncadd.s32 s4;
	_ =	sdelay $0x1  }
0xa1: {  	s23 =	simm.s32 $0x1B8B  }
0xa2: {  	_ =	swait.ge [sflag:s23], $0x1  }
0xa3: {  	[sflag:s23] =	ssyncset.done $0x0  }
0xa4: {  	s25 =	simm.s32 $0x1B8E;
	s24 =	sld [smem:$0x3FFE];
	[sflag:s23] =	ssyncadd.s32 $0xFFFFFFFF  }
0xa5: {  	s26 =	simm.s32 $execute0_lowered;
	[smem:$0x3FD2] =	sst s25  }
0xa6: {  	s5 =	sshll.u32 s26, $0x1;
	_ =	strace $0x80000046;
	[dreg:$0x1] =	wrdreg $0xFFFFFFFF  }
0xa7: {  	s28 =	simm.s32 $_size_execute0_lowered;
	s3 =	sadd.s32 s3, s5;
	[dreg:$0x0] =	wrdreg $0x0  }
0xa8: {  	s5 =	sshll.u32 s28, $0x1;
	[dreg:$0x2] =	wrdreg s3  }
0xa9: {  	[dreg:$0x3] =	wrdreg s5  }
0xaa: {  	[dreg:$0x4] =	wrdreg $0xC0  }
0xab: {  	_ =	task [dreg:s7], $0x5FFFF  }
0xac: {  	[dreg:$0x1] =	wrdreg $0xFFFFFFFF  }
0xad: {  	[dreg:$0x0] =	wrdreg $0x60  }
0xae: {  	[dreg:$0x2] =	wrdreg s2  }
0xaf: {  	[dreg:$0x3] =	wrdreg s24  }
0xb0: {  	[dreg:$0x4] =	wrdreg $0x9  }
0xb1: {  	_ =	task.clear_ibuf [dreg:s7], $0x5FFFF;
	_ =	strace $0x90000046  }
0xb2: {  	s29 =	simm.s32 $0x9;
	_ =	strace $0x80000048  }
0xb3: {  	_ =	swait.ge [sflag:s29], $0x1  }
0xb4: {  	[sflag:s29] =	ssyncadd.s32 $0xFFFFFFFF  }
0xb5: {  	_ =	strace $0x90000048  }
0xb6: {  	_ =	sfence  }
0xb7: {  	s30 =	sld [smem:$0x0];
	_ =	sdelay $0x2  }
0xb8: {  	s31 =	sshll.u32 s1, $0xD;
	s1 =	sshrl.u32 s1, $0x2  }
0xb9: {  	s3 =	sand.u32 $0x4000, s31;
	s1 =	sadd.s32 s1, s30  }
0xba: {  	s0 =	sor.u32 s3, s0;
	s1 =	sshll.u32 s1, $0x11  }
0xbb: {  	s0 =	sor.u32 s1, s0  }
0xbc: {  	s0 =	sadd.s32 $0x8F2B, s0  }
0xbd: {  	[sflag:s0] =	ssyncadd.remote.s32 $0x1  }
0xbe: {  	_ =	sfence.sel $0xFFFF  }
0xbf: {  	[dreg:$0x0] =	wrdreg $0xFFFFFFFF;
	(pc) =	sbr.abs _section_cstart, $3  }
0xc0: {  	[dreg:$0x1] =	wrdreg $0xFFFFFFFF  }
0xc1: {  	_ =	task.clear_ibuf [dreg:s7], $0x2FFFF;
	_ =	strace $0x9FFFFFFF  }
0xc2: {  	(tm) =	ssettm $0x7FFFFFFF  }
0xc3: {  	_ =	shalt  }
tec
execute0_lowered:
.L_overlay_start_1:
0x0: {  	(tag) =	ssettag $0x1  }
0x1: {  	s2 =	srdreg.scid;
	s0 =	stileid.u32  }
0x2: {  	s1 =	rddreg [dreg:$0x0];
	v0 =	vlaneseq.u32;
	v2 =	vimm.s32 $0x1B80;
	s5 =	sand.u32 $0x1, s2;
	s4 =	sshll.u32 s0, $0x1  }
0x3: {  	s9 =	rddreg [dreg:$0x1];
	vm0 =	vcmask $0x300;
	v3 =	vimm.s32 $0x4B80;
	s3 =	simm.s32 $0x0;
	vm1 =	vcmask $0x704;
	s10 =	sor.u32 s5, s4  }
0x4: {  	vm15 =	vcmask $0xB08;
	s13 =	simm.s32 $0xC000;
	s14 =	simm.s32 $0x6000;
	v2 =	vsel vm0, $0x0, v2;
	v3 =	vsel vm0, $0x3000, v3;
	s4 =	smul.u32 $0x29, s10  }
0x5: {  	vm4 =	vcmask $0xF0C;
	s15 =	simm.s32 $0x12000;
	s2 =	rddreg [dreg:$0x2];
	v2 =	vsel vm1, $0x80, v2;
	v3 =	vsel vm1, $0x3080, v3;
	s6 =	ssub.s32 $0x2, s5  }
0x6: {  	vm5 =	vcmask $0x1310;
	[smem:$0x7FF] =	sst s3;
	v2 =	vsel vm15, $0x100, v2;
	v3 =	vsel vm15, $0x3100, v3;
	s7 =	sshrl.u32 s6, $0x1;
	s8 =	smin.u32 s4, $0x4EE  }
0x7: {  	vm6 =	vcmask $0x1714;
	_ =	strace $0x80000047;
	v2 =	vsel vm4, $0x180, v2;
	v3 =	vsel vm4, $0x3180, v3;
	s12 =	ssub.s32 s6, s7;
	s6 =	sadd.s32 $0x29, s8  }
0x8: {  	vm7 =	vcmask $0x1B18;
	s11 =	smul.u32 $0x7B00, s10;
	p2 =	seq.s32 s10, $0x1F;
	v2 =	vsel vm5, $0x200, v2;
	v3 =	vsel vm5, $0x3200, v3;
	s31 =	ssub.s32 s6, s4  }
0x9: {  	vm8 =	vcmask $0x1F1C;
	p4 =	sne.s32 s10, $0x1F;
	v2 =	vsel vm6, $0x280, v2;
	v3 =	vsel vm6, $0x3280, v3;
	p1 =	sgt.s32 s31, $0x1;
	p5 =	seq.s32 s31, $0x1  }
0xa: {  	vm9 =	vcmask $0x2320;
	v2 =	vsel vm7, $0x300, v2;
	v3 =	vsel vm7, $0x3300, v3;
	p0 =	por !p2, !p1;
	p1 =	por !p4, !p1;
	p2 =	por !p2, !p5  }
0xb: {  	vm10 =	vcmask $0x2724;
	v2 =	vsel vm8, $0x380, v2;
	v3 =	vsel vm8, $0x3380, v3;
	p6 =	por !p5, !p4;
	p0 =	por !p0, !p0;
	p3 =	por !p1, !p1  }
0xc: {  	vm11 =	vcmask $0x2B28;
	v2 =	vsel vm9, $0x1800, v2;
	v3 =	vsel vm9, $0x4800, v3;
	p2 =	por !p2, !p2;
	p1 =	por !p6, !p6;
	p4 =	por p3, p0  }
0xd: {  	vm12 =	vcmask $0x2F2C;
	s5 =	sadd.s32 $0xC00, s9;
	s9 =	sadd.s32 $0x3D1400, s9;
	v2 =	vsel vm10, $0x1880, v2;
	v3 =	vsel vm10, $0x4880, v3;
	p1 =	por @!p4 !p1, p2  }
.Ltmp0:
0xe: {  	vm13 =	vcmask $0x3330;
	s7 =	sadd.s32 s1, s11;
	v2 =	vsel vm11, $0x1900, v2;
	v3 =	vsel vm11, $0x4900, v3;
	p1 =	por @!p0 p1, p3;
	(pc) =	sbr.rel .LBB2_1-.Ltmp0, $4  }
0xf: {  	vm14 =	vcmask $0x3734;
	s10 =	smax.u32 s12, $0x1;
	s11 =	simm.s32 $0x1800;
	v2 =	vsel vm12, $0x1980, v2;
	v3 =	vsel vm12, $0x4980, v3;
	p1 =	por p1, p0  }
0x10: {  	v1 =	vor.u32 $0xFFFFFD00, v0;
	s12 =	simm.s32 $0x7A1400;
	p2 =	por @!p0 !p2, p3;
	v2 =	vsel vm13, $0x1A00, v2;
	v3 =	vsel vm13, $0x4A00, v3;
	s16 =	simm.s32 @!p1 $0x0  }
0x11: {  	vm15 =	vcmask $0x3B38;
	s8 =	sadd.s32 $0xF4200, s1;
	p2 =	por p2, p0;
	v2 =	vsel vm14, $0x1A80, v2;
	v3 =	vsel vm14, $0x4A80, v3;
	s16 =	simm.s32 @p1 $0x1  }
0x12: {  	v4 =	vor.u32 $0x10, v0;
	p3 =	por !p3, p0;
	v2 =	vsel vm15, $0x1B00, v2;
	v3 =	vsel vm15, $0x4B00, v3;
	[smem:$0x7FD] =	sst s16;
	s16 =	simm.s32 $0x0  }
.LBB2_12:
0x13: {  	s17 =	sld [smem:$0x7FD];
	_ =	sdelay $0x2  }
0x14: {  	p1 =	seq.s32 s17, $0x1  }
0x15: {  	s17 =	simm.s32 @!p1 $0x2  }
0x16: {  	_ =	swait.ge @!p1 [sflag:s17], $0x6000  }
0x17: {  	[sflag:s17] =	ssyncset.done @!p1 $0x0  }
0x18: {  	[sflag:s17] =	ssyncadd.s32 @!p1 $0xFFFFA000;
	s17 =	simm.s32 @!p2 $0x2  }
0x19: {  	_ =	swait.ge @!p2 [sflag:s17], $0x800  }
0x1a: {  	[sflag:s17] =	ssyncset.done @!p2 $0x0  }
0x1b: {  	[sflag:s17] =	ssyncadd.s32 @!p2 $0xFFFFF800;
	s17 =	simm.s32 @!p3 $0x2  }
0x1c: {  	_ =	swait.ge @!p3 [sflag:s17], $0x6000  }
0x1d: {  	[sflag:s17] =	ssyncset.done @!p3 $0x0  }
0x1e: {  	[sflag:s17] =	ssyncadd.s32 @!p3 $0xFFFFA000  }
0x1f: {  	_ =	swait.ge @!p3 [sflag:s17], $0x6000  }
0x20: {  	[sflag:s17] =	ssyncset.done @!p3 $0x0  }
0x21: {  	s16 =	sadd.s32 $0x1, s16;
	[sflag:s17] =	ssyncadd.s32 @!p3 $0xFFFFA000;
	s17 =	simm.s32 @p0 $0x2  }
0x22: {  	p1 =	sne.s32 s16, s10;
	_ =	swait.ge @p0 [sflag:s17], $0x6000  }
.Ltmp1:
0x23: {  	[sflag:s17] =	ssyncset.done @p0 $0x0;
	(pc) =	sbr.rel @!p1 .LBB2_13-.Ltmp1, $4  }
0x24: {  	[sflag:s17] =	ssyncadd.s32 @p0 $0xFFFFA000  }
0x25: {  	_ =	swait.ge @p0 [sflag:s17], $0x800  }
0x26: {  	[sflag:s17] =	ssyncset.done @p0 $0x0  }
0x27: {  	[sflag:s17] =	ssyncadd.s32 @p0 $0xFFFFF800  }
.LBB2_1:
.Ltmp2:
0x28: {  	(pc) =	sbr.rel .LBB2_2-.Ltmp2, $3  }
0x29: {  	_ =	sdelay $0x1  }
0x2a: {  	[tilespmem:s3], [sflag:$0x1] =	stream.strided.gather [hbm4b:s7+s11], $0x6000, s12, s11, $0x38;
	[tilespmem:$0x18000] =	vst v63  }
0x2b: {  	s17 =	simm.s32 $0x0  }
.LBB2_10:
0x2c: {  	_ =	sdelay $0x2  }
0x2d: {  	v10 =	vsel vm0, v11, v10  }
0x2e: {  	[tilespmem:v9+s15+$0x0] =	vst.idx.msk $0xffff, v7;
	v7 =	vshll.u32 v10, $0x3  }
0x2f: {  	v36 =	vor.u32 v0, v5;
	v8 =	vld.idx.msk [tilespmem:v8+s14+$0x0], $0xffff;
	v11 =	vand.u32 $0x7F, v10;
	v7 =	vand.u32 $0xFFFFFC00, v7  }
0x30: {  	v5 =	vor.u32 v4, v5;
	v6 =	vld.idx.msk [tilespmem:v6+s14+$0x0], $0xffff;
	v7 =	vor.u32 v11, v7  }
0x31: {  	s20 =	sadd.s32 $0xFFFFFFFB, s19;
	v11 =	vadd.s32 v2, v7  }
0x32: {  	v12 =	vadd.s32 s20, v0;
	v7 =	vadd.s32 v3, v7  }
0x33: {  	v13 =	vadd.s32 s20, v1;
	vm10 =	vgt.u32 v12, $0x2FF  }
0x34: {  	v37 =	vsel vm10, v13, v12;
	[tilespmem:v36+s15+$0x0] =	vst.idx.msk $0xffff, v8  }
0x35: {  	v38 =	vshll.u32 v10, $0x5;
	[tilespmem:v5+s15+$0x0] =	vst.idx.msk $0xffff, v6;
	v5 =	vshll.u32 v37, $0x3  }
0x36: {  	v10 =	vor.u32 v0, v38;
	v39 =	vand.u32 $0x7F, v37;
	v5 =	vand.u32 $0xFFFFFC00, v5;
	v6 =	vld.idx.msk [tilespmem:v11+s14+$0x0], $0xffff  }
0x37: {  	v9 =	vor.u32 v4, v38;
	v7 =	vld.idx.msk [tilespmem:v7+s14+$0x0], $0xffff;
	v5 =	vor.u32 v39, v5  }
0x38: {  	s28 =	sadd.s32 $0xFFFFFFFC, s19;
	v11 =	vadd.s32 v2, v5  }
0x39: {  	v40 =	vadd.s32 s28, v0;
	v5 =	vadd.s32 v3, v5  }
0x3a: {  	v41 =	vadd.s32 s28, v1;
	vm11 =	vgt.u32 v40, $0x2FF  }
0x3b: {  	[tilespmem:v10+s15+$0x0] =	vst.idx.msk $0xffff, v6;
	v6 =	vsel vm11, v41, v40  }
0x3c: {  	v8 =	vshll.u32 v37, $0x5;
	[tilespmem:v9+s15+$0x0] =	vst.idx.msk $0xffff, v7;
	v7 =	vshll.u32 v6, $0x3  }
0x3d: {  	v42 =	vor.u32 v0, v8;
	v43 =	vand.u32 $0x7F, v6;
	v9 =	vld.idx.msk [tilespmem:v11+s14+$0x0], $0xffff;
	v7 =	vand.u32 $0xFFFFFC00, v7  }
0x3e: {  	v8 =	vor.u32 v4, v8;
	v5 =	vld.idx.msk [tilespmem:v5+s14+$0x0], $0xffff;
	v7 =	vor.u32 v43, v7  }
0x3f: {  	s29 =	sadd.s32 $0xFFFFFFFD, s19;
	v11 =	vadd.s32 v2, v7  }
0x40: {  	v44 =	vadd.s32 s29, v0;
	v7 =	vadd.s32 v3, v7  }
0x41: {  	v45 =	vadd.s32 s29, v1;
	vm12 =	vgt.u32 v44, $0x2FF  }
0x42: {  	v46 =	vsel vm12, v45, v44;
	[tilespmem:v42+s15+$0x0] =	vst.idx.msk $0xffff, v9  }
0x43: {  	v6 =	vshll.u32 v6, $0x5;
	[tilespmem:v8+s15+$0x0] =	vst.idx.msk $0xffff, v5;
	v5 =	vshll.u32 v46, $0x3  }
0x44: {  	v48 =	vand.u32 $0x7F, v46;
	v47 =	vor.u32 v0, v6;
	v8 =	vld.idx.msk [tilespmem:v11+s14+$0x0], $0xffff;
	v5 =	vand.u32 $0xFFFFFC00, v5  }
0x45: {  	v6 =	vor.u32 v4, v6;
	v7 =	vld.idx.msk [tilespmem:v7+s14+$0x0], $0xffff;
	v5 =	vor.u32 v48, v5  }
0x46: {  	s30 =	sadd.s32 $0xFFFFFFFE, s19;
	v11 =	vadd.s32 v2, v5  }
0x47: {  	v49 =	vadd.s32 s30, v0;
	v5 =	vadd.s32 v3, v5  }
0x48: {  	v50 =	vadd.s32 s30, v1;
	vm13 =	vgt.u32 v49, $0x2FF  }
0x49: {  	v51 =	vsel vm13, v50, v49;
	[tilespmem:v47+s15+$0x0] =	vst.idx.msk $0xffff, v8  }
0x4a: {  	v9 =	vshll.u32 v46, $0x5;
	[tilespmem:v6+s15+$0x0] =	vst.idx.msk $0xffff, v7;
	v6 =	vshll.u32 v51, $0x3  }
0x4b: {  	v53 =	vand.u32 $0x7F, v51;
	v52 =	vor.u32 v0, v9;
	v7 =	vld.idx.msk [tilespmem:v11+s14+$0x0], $0xffff;
	v6 =	vand.u32 $0xFFFFFC00, v6  }
0x4c: {  	v9 =	vor.u32 v4, v9;
	v5 =	vld.idx.msk [tilespmem:v5+s14+$0x0], $0xffff;
	v6 =	vor.u32 v53, v6  }
0x4d: {  	s31 =	sadd.s32 $0xFFFFFFFF, s19;
	v11 =	vadd.s32 v2, v6  }
0x4e: {  	v54 =	vadd.s32 s31, v0;
	v6 =	vadd.s32 v3, v6  }
0x4f: {  	v55 =	vadd.s32 s31, v1;
	vm14 =	vgt.u32 v54, $0x2FF  }
0x50: {  	[tilespmem:v52+s15+$0x0] =	vst.idx.msk $0xffff, v7;
	v7 =	vsel vm14, v55, v54  }
0x51: {  	v8 =	vshll.u32 v51, $0x5;
	[tilespmem:v9+s15+$0x0] =	vst.idx.msk $0xffff, v5;
	v5 =	vshll.u32 v7, $0x3  }
0x52: {  	v56 =	vor.u32 v0, v8;
	v57 =	vand.u32 $0x7F, v7;
	v9 =	vld.idx.msk [tilespmem:v11+s14+$0x0], $0xffff;
	v5 =	vand.u32 $0xFFFFFC00, v5  }
0x53: {  	v8 =	vor.u32 v4, v8;
	v6 =	vld.idx.msk [tilespmem:v6+s14+$0x0], $0xffff;
	v5 =	vor.u32 v57, v5  }
0x54: {  	v11 =	vadd.s32 v2, v5  }
0x55: {  	v58 =	vadd.s32 s19, v0;
	v5 =	vadd.s32 v3, v5  }
0x56: {  	v59 =	vadd.s32 s19, v1;
	vm15 =	vgt.u32 v58, $0x2FF  }
0x57: {  	v60 =	vsel vm15, v59, v58;
	[tilespmem:v56+s15+$0x0] =	vst.idx.msk $0xffff, v9  }
0x58: {  	v7 =	vshll.u32 v7, $0x5;
	[tilespmem:v8+s15+$0x0] =	vst.idx.msk $0xffff, v6;
	v6 =	vshll.u32 v60, $0x3  }
0x59: {  	v62 =	vand.u32 $0x7F, v60;
	v61 =	vor.u32 v0, v7;
	v8 =	vld.idx.msk [tilespmem:v11+s14+$0x0], $0xffff;
	v6 =	vand.u32 $0xFFFFFC00, v6  }
0x5a: {  	v7 =	vor.u32 v4, v7;
	v5 =	vld.idx.msk [tilespmem:v5+s14+$0x0], $0xffff;
	v6 =	vor.u32 v62, v6  }
0x5b: {  	v11 =	vadd.s32 v2, v6  }
0x5c: {  	v6 =	vadd.s32 v3, v6;
	_ =	sdelay $0x1  }
0x5d: {  	[tilespmem:v61+s15+$0x0] =	vst.idx.msk $0xffff, v8  }
0x5e: {  	v63 =	vshll.u32 v60, $0x5;
	[tilespmem:v7+s15+$0x0] =	vst.idx.msk $0xffff, v5  }
0x5f: {  	v7 =	vor.u32 v0, v63;
	v5 =	vld.idx.msk [tilespmem:v11+s14+$0x0], $0xffff  }
0x60: {  	v8 =	vor.u32 v4, v63;
	v6 =	vld.idx.msk [tilespmem:v6+s14+$0x0], $0xffff;
	_ =	sdelay $0x3  }
0x61: {  	[tilespmem:v7+s15+$0x0] =	vst.idx.msk $0xffff, v5  }
0x62: {  	s19 =	simm.s32 @p4 $0x0;
	s18 =	smul.u32 @!p4 $0xC00, s18;
	s20 =	simm.s32 @p4 $0x12000;
	[tilespmem:v8+s15+$0x0] =	vst.idx.msk $0xffff, v6  }
0x63: {  	[hbm4b:s9+s19] =	stream.linear.scatter @p4 [tilespmem:s20], [sflag:$0x2], $0x800, $0x38;
	[tilespmem:$0x18000] =	vst v63  }
0x64: {  	s18 =	sadd.s32 @!p4 s5, s18;
	s19 =	simm.s32 @!p4 $0x0;
	s20 =	simm.s32 @!p4 $0x12000  }
0x65: {  	[hbm4b:s18+s19] =	stream.linear.scatter @!p4 [tilespmem:s20], [sflag:$0x2], $0x6000, $0x38;
	[tilespmem:$0x18000] =	vst v63  }
.LBB2_11:
0x66: {  	s17 =	sadd.s32 $0x1, s17  }
0x67: {  	p1 =	sne.s32 s17, $0x15  }
.Ltmp3:
0x68: {  	_ = 	snop;
	(pc) =	sbr.rel @!p1 .LBB2_12-.Ltmp3, $1  }
0x69: {  	_ =	sdelay $0x3  }
.LBB2_2:
0x6a: {  	s18 =	sshll.u32 s17, $0x1  }
0x6b: {  	s19 =	sadd.s32 s4, s18  }
0x6c: {  	p4 =	slt.u32 s19, s6  }
.Ltmp4:
0x6d: {  	_ = 	snop;
	(pc) =	sbr.rel @!p4 .LBB2_3-.Ltmp4, $1  }
0x6e: {  	_ =	sdelay $0x3  }
0x6f: {  	p4 =	seq.s32 s19, $0x516  }
0x70: {  	s20 =	simm.s32 @p4 $0x1  }
0x71: {  	_ =	swait.ge @p4 [sflag:s20], $0x1000  }
0x72: {  	s18 =	sadd.s32 $0x1, s19;
	[sflag:s20] =	ssyncset.done @p4 $0x0  }
0x73: {  	p6 =	sge.u32 s18, s6;
	[sflag:s20] =	ssyncadd.s32 @p4 $0xFFFFF000;
	s20 =	simm.s32 @!p4 $0x1  }
0x74: {  	p1 =	seq.s32 @!p6 s18, $0x516;
	_ =	swait.ge @!p4 [sflag:s20], $0x6000  }
0x75: {  	p5 =	por !p1, p6;
	[sflag:s20] =	ssyncset.done @!p4 $0x0  }
0x76: {  	s21 =	simm.s32 @!p5 $0x6000;
	[sflag:s20] =	ssyncadd.s32 @!p4 $0xFFFFA000;
	s20 =	simm.s32 @!p5 $0x0  }
0x77: {  	[tilespmem:s21], [sflag:$0x1] =	stream.linear.gather @!p5 [hbm4b:s8+s20], $0x400, $0x38;
	[tilespmem:$0x18000] =	vst v63  }
0x78: {  	s31 =	simm.s32 $0x0;
	s22 =	simm.s32 @!p5 $0x7800;
	s21 =	sadd.s32 @!p5 $0xF4280, s8  }
0x79: {  	[tilespmem:s22], [sflag:$0x1] =	stream.linear.gather @!p5 [hbm4b:s21+s20], $0x400, $0x38;
	[tilespmem:$0x18000] =	vst v63  }
0x7a: {  	p6 =	por p1, p6;
	s21 =	sadd.s32 @!p5 $0x1E8500, s8;
	s22 =	simm.s32 @!p5 $0x9000  }
0x7b: {  	v5 =	vadd.s32 s31, v0;
	[tilespmem:s22], [sflag:$0x1] =	stream.linear.gather @!p5 [hbm4b:s21+s20], $0x400, $0x38;
	[tilespmem:$0x18000] =	vst v63  }
0x7c: {  	v6 =	vadd.s32 s31, v1;
	vm0 =	vgt.u32 v5, $0x2FF;
	s23 =	simm.s32 @!p5 $0xA800;
	s22 =	sadd.s32 @!p5 $0x2DC780, s8;
	s21 =	smul.u32 @!p6 $0x300, s18  }
0x7d: {  	v5 =	vsel vm0, v6, v5;
	[tilespmem:s23], [sflag:$0x1] =	stream.linear.gather @!p5 [hbm4b:s22+s20], $0x400, $0x38;
	[tilespmem:$0x18000] =	vst v63  }
0x7e: {  	v6 =	vshll.u32 v5, $0x3;
	s20 =	sadd.s32 @!p6 s1, s21  }
0x7f: {  	v7 =	vand.u32 $0x7F, v5;
	v6 =	vand.u32 $0xFFFFFC00, v6;
	s21 =	simm.s32 @!p6 $0x1800;
	s22 =	simm.s32 @!p6 $0x7A1400;
	s23 =	simm.s32 @!p6 $0x6000  }
0x80: {  	v6 =	vor.u32 v7, v6;
	[tilespmem:s23], [sflag:$0x1] =	stream.strided.gather @!p6 [hbm4b:s20+s21], $0x6000, s22, s21, $0x38;
	[tilespmem:$0x18000] =	vst v63  }
0x81: {  	p1 =	seq.s32 s17, $0x0;
	v7 =	vadd.s32 v2, v6;
	s22 =	simm.s32 $0x1  }
0x82: {  	v6 =	vadd.s32 v3, v6;
	s21 =	simm.s32 @!p1 $0x2;
	v8 =	vadd.s32 s22, v0  }
0x83: {  	_ =	swait.ge @!p1 [sflag:s21], $0x6000;
	v9 =	vadd.s32 s22, v1;
	vm0 =	vgt.u32 v8, $0x2FF  }
0x84: {  	[sflag:s21] =	ssyncset.done @!p1 $0x0;
	v8 =	vsel vm0, v9, v8  }
0x85: {  	v5 =	vshll.u32 v5, $0x5;
	[sflag:s21] =	ssyncadd.s32 @!p1 $0xFFFFA000;
	v9 =	vshll.u32 v8, $0x3  }
0x86: {  	v10 =	vor.u32 v0, v5;
	v7 =	vld.idx.msk [tilespmem:v7+s3+$0x0], $0xffff;
	v11 =	vand.u32 $0x7F, v8;
	v9 =	vand.u32 $0xFFFFFC00, v9  }
0x87: {  	v5 =	vor.u32 v4, v5;
	v6 =	vld.idx.msk [tilespmem:v6+s3+$0x0], $0xffff;
	v9 =	vor.u32 v11, v9  }
0x88: {  	s23 =	simm.s32 $0x2;
	v11 =	vadd.s32 v2, v9  }
0x89: {  	v12 =	vadd.s32 s23, v0;
	v9 =	vadd.s32 v3, v9  }
0x8a: {  	v13 =	vadd.s32 s23, v1;
	vm0 =	vgt.u32 v12, $0x2FF  }
0x8b: {  	[tilespmem:v10+s13+$0x0] =	vst.idx.msk $0xffff, v7;
	v7 =	vsel vm0, v13, v12  }
0x8c: {  	v8 =	vshll.u32 v8, $0x5;
	[tilespmem:v5+s13+$0x0] =	vst.idx.msk $0xffff, v6;
	v5 =	vshll.u32 v7, $0x3  }
0x8d: {  	v10 =	vor.u32 v0, v8;
	v5 =	vand.u32 $0xFFFFFC00, v5;
	v6 =	vld.idx.msk [tilespmem:v11+s3+$0x0], $0xffff;
	v11 =	vand.u32 $0x7F, v7  }
0x8e: {  	v8 =	vor.u32 v4, v8;
	v9 =	vld.idx.msk [tilespmem:v9+s3+$0x0], $0xffff;
	v5 =	vor.u32 v11, v5  }
0x8f: {  	s24 =	simm.s32 $0x3;
	v11 =	vadd.s32 v2, v5  }
0x90: {  	v51 =	vadd.s32 s24, v0;
	v5 =	vadd.s32 v3, v5  }
0x91: {  	v52 =	vadd.s32 s24, v1;
	vm0 =	vgt.u32 v51, $0x2FF  }
0x92: {  	[tilespmem:v10+s13+$0x0] =	vst.idx.msk $0xffff, v6;
	v6 =	vsel vm0, v52, v51  }
0x93: {  	v7 =	vshll.u32 v7, $0x5;
	[tilespmem:v8+s13+$0x0] =	vst.idx.msk $0xffff, v9;
	v8 =	vshll.u32 v6, $0x3  }
0x94: {  	v10 =	vor.u32 v0, v7;
	v9 =	vld.idx.msk [tilespmem:v11+s3+$0x0], $0xffff;
	v11 =	vand.u32 $0x7F, v6;
	v8 =	vand.u32 $0xFFFFFC00, v8  }
0x95: {  	v7 =	vor.u32 v4, v7;
	v5 =	vld.idx.msk [tilespmem:v5+s3+$0x0], $0xffff;
	v8 =	vor.u32 v11, v8  }
0x96: {  	s25 =	simm.s32 $0x4;
	v11 =	vadd.s32 v2, v8  }
0x97: {  	v53 =	vadd.s32 s25, v0;
	v8 =	vadd.s32 v3, v8  }
0x98: {  	v54 =	vadd.s32 s25, v1;
	vm0 =	vgt.u32 v53, $0x2FF  }
0x99: {  	[tilespmem:v10+s13+$0x0] =	vst.idx.msk $0xffff, v9;
	v9 =	vsel vm0, v54, v53  }
0x9a: {  	v6 =	vshll.u32 v6, $0x5;
	[tilespmem:v7+s13+$0x0] =	vst.idx.msk $0xffff, v5;
	v5 =	vshll.u32 v9, $0x3  }
0x9b: {  	v10 =	vor.u32 v0, v6;
	v7 =	vld.idx.msk [tilespmem:v11+s3+$0x0], $0xffff;
	v11 =	vand.u32 $0x7F, v9;
	v5 =	vand.u32 $0xFFFFFC00, v5  }
0x9c: {  	v6 =	vor.u32 v4, v6;
	v8 =	vld.idx.msk [tilespmem:v8+s3+$0x0], $0xffff;
	v5 =	vor.u32 v11, v5  }
0x9d: {  	s26 =	simm.s32 $0x5;
	v11 =	vadd.s32 v2, v5  }
0x9e: {  	v55 =	vadd.s32 s26, v0;
	v5 =	vadd.s32 v3, v5  }
0x9f: {  	v56 =	vadd.s32 s26, v1;
	vm0 =	vgt.u32 v55, $0x2FF  }
0xa0: {  	[tilespmem:v10+s13+$0x0] =	vst.idx.msk $0xffff, v7;
	v7 =	vsel vm0, v56, v55  }
0xa1: {  	v9 =	vshll.u32 v9, $0x5;
	[tilespmem:v6+s13+$0x0] =	vst.idx.msk $0xffff, v8;
	v6 =	vshll.u32 v7, $0x3  }
0xa2: {  	v10 =	vor.u32 v0, v9;
	v8 =	vld.idx.msk [tilespmem:v11+s3+$0x0], $0xffff;
	v11 =	vand.u32 $0x7F, v7;
	v6 =	vand.u32 $0xFFFFFC00, v6  }
0xa3: {  	v9 =	vor.u32 v4, v9;
	v5 =	vld.idx.msk [tilespmem:v5+s3+$0x0], $0xffff;
	v6 =	vor.u32 v11, v6  }
0xa4: {  	s28 =	simm.s32 $0x6;
	v11 =	vadd.s32 v2, v6  }
0xa5: {  	v57 =	vadd.s32 s28, v0;
	v6 =	vadd.s32 v3, v6  }
0xa6: {  	v58 =	vadd.s32 s28, v1;
	vm0 =	vgt.u32 v57, $0x2FF  }
0xa7: {  	[tilespmem:v10+s13+$0x0] =	vst.idx.msk $0xffff, v8;
	v8 =	vsel vm0, v58, v57  }
0xa8: {  	v7 =	vshll.u32 v7, $0x5;
	[tilespmem:v9+s13+$0x0] =	vst.idx.msk $0xffff, v5;
	v5 =	vshll.u32 v8, $0x3  }
0xa9: {  	v10 =	vor.u32 v0, v7;
	v9 =	vld.idx.msk [tilespmem:v11+s3+$0x0], $0xffff;
	v11 =	vand.u32 $0x7F, v8;
	v5 =	vand.u32 $0xFFFFFC00, v5  }
0xaa: {  	v7 =	vor.u32 v4, v7;
	v6 =	vld.idx.msk [tilespmem:v6+s3+$0x0], $0xffff;
	v5 =	vor.u32 v11, v5  }
0xab: {  	v11 =	vadd.s32 v2, v5  }
0xac: {  	s29 =	simm.s32 $0x7;
	v5 =	vadd.s32 v3, v5  }
0xad: {  	v59 =	vadd.s32 s29, v0  }
0xae: {  	v60 =	vadd.s32 s29, v1;
	vm0 =	vgt.u32 v59, $0x2FF;
	[tilespmem:v10+s13+$0x0] =	vst.idx.msk $0xffff, v9  }
0xaf: {  	v8 =	vshll.u32 v8, $0x5;
	v9 =	vsel vm0, v60, v59;
	[tilespmem:v7+s13+$0x0] =	vst.idx.msk $0xffff, v6  }
0xb0: {  	v10 =	vor.u32 v0, v8;
	v6 =	vshll.u32 v9, $0x3;
	v7 =	vld.idx.msk [tilespmem:v11+s3+$0x0], $0xffff  }
0xb1: {  	v8 =	vor.u32 v4, v8;
	v11 =	vand.u32 $0x7F, v9;
	v6 =	vand.u32 $0xFFFFFC00, v6;
	v5 =	vld.idx.msk [tilespmem:v5+s3+$0x0], $0xffff  }
0xb2: {  	v6 =	vor.u32 v11, v6  }
0xb3: {  	s30 =	simm.s32 $0x8;
	v11 =	vadd.s32 v2, v6  }
0xb4: {  	v61 =	vadd.s32 s30, v0;
	v6 =	vadd.s32 v3, v6  }
0xb5: {  	vm0 =	vgt.u32 v61, $0x2FF;
	[tilespmem:v10+s13+$0x0] =	vst.idx.msk $0xffff, v7;
	v7 =	vadd.s32 s30, v1  }
0xb6: {  	[tilespmem:v8+s13+$0x0] =	vst.idx.msk $0xffff, v5;
	v5 =	vsel vm0, v7, v61  }
0xb7: {  	v9 =	vshll.u32 v9, $0x5;
	v7 =	vshll.u32 v5, $0x3  }
0xb8: {  	v63 =	vor.u32 v0, v9;
	v62 =	vld.idx.msk [tilespmem:v11+s3+$0x0], $0xffff;
	v8 =	vand.u32 $0x7F, v5;
	v7 =	vand.u32 $0xFFFFFC00, v7  }
0xb9: {  	v9 =	vor.u32 v4, v9;
	v11 =	vor.u32 v8, v7;
	v7 =	vld.idx.msk [tilespmem:v6+s3+$0x0], $0xffff  }
0xba: {  	v8 =	vadd.s32 v2, v11  }
0xbb: {  	s31 =	simm.s32 $0x9;
	v6 =	vadd.s32 v3, v11  }
0xbc: {  	v10 =	vadd.s32 s31, v0  }
0xbd: {  	s20 =	simm.s32 $0xF;
	s21 =	simm.s32 $0x17;
	vm0 =	vgt.u32 v10, $0x2FF;
	v5 =	vshll.u32 v5, $0x5;
	v11 =	vadd.s32 s31, v1;
	[tilespmem:v63+s13+$0x0] =	vst.idx.msk $0xffff, v62  }
.LBB2_5:
0xbe: {  	p5 =	sne.s32 s21, $0x2FF;
	v10 =	vsel vm0, v11, v10;
	[tilespmem:v9+s13+$0x0] =	vst.idx.msk $0xffff, v7;
	s22 =	smov.u32 s21;
	s21 =	sadd.s32 $0x8, s21  }
0xbf: {  	v7 =	vld.idx.msk [tilespmem:v8+s3+$0x0], $0xffff;
	v8 =	vshll.u32 v10, $0x3;
	v9 =	vshll.u32 v10, $0x5  }
0xc0: {  	v11 =	vor.u32 v0, v5;
	v10 =	vand.u32 $0x7F, v10;
	v6 =	vld.idx.msk [tilespmem:v6+s3+$0x0], $0xffff;
	v8 =	vand.u32 $0xFFFFFC00, v8  }
0xc1: {  	v5 =	vor.u32 v4, v5;
	v8 =	vor.u32 v10, v8  }
0xc2: {  	v10 =	vadd.s32 v2, v8  }
0xc3: {  	s23 =	sadd.s32 $0xFFFFFFFB, s20;
	v8 =	vadd.s32 v3, v8  }
0xc4: {  	v12 =	vadd.s32 s23, v0  }
0xc5: {  	vm0 =	vgt.u32 v12, $0x2FF;
	[tilespmem:v11+s13+$0x0] =	vst.idx.msk $0xffff, v7;
	v7 =	vadd.s32 s23, v1  }
0xc6: {  	[tilespmem:v5+s13+$0x0] =	vst.idx.msk $0xffff, v6;
	v5 =	vsel vm0, v7, v12  }
0xc7: {  	v6 =	vld.idx.msk [tilespmem:v10+s3+$0x0], $0xffff;
	v7 =	vshll.u32 v5, $0x3;
	v10 =	vshll.u32 v5, $0x5  }
0xc8: {  	v11 =	vor.u32 v0, v9;
	v5 =	vand.u32 $0x7F, v5;
	v8 =	vld.idx.msk [tilespmem:v8+s3+$0x0], $0xffff;
	v7 =	vand.u32 $0xFFFFFC00, v7  }
0xc9: {  	v9 =	vor.u32 v4, v9;
	v5 =	vor.u32 v5, v7  }
0xca: {  	v7 =	vadd.s32 v2, v5  }
0xcb: {  	s23 =	sadd.s32 $0xFFFFFFFC, s20;
	v5 =	vadd.s32 v3, v5  }
0xcc: {  	v12 =	vadd.s32 s23, v0  }
0xcd: {  	vm0 =	vgt.u32 v12, $0x2FF;
	[tilespmem:v11+s13+$0x0] =	vst.idx.msk $0xffff, v6;
	v6 =	vadd.s32 s23, v1  }
0xce: {  	[tilespmem:v9+s13+$0x0] =	vst.idx.msk $0xffff, v8;
	v6 =	vsel vm0, v6, v12  }
0xcf: {  	v7 =	vld.idx.msk [tilespmem:v7+s3+$0x0], $0xffff;
	v8 =	vshll.u32 v6, $0x3;
	v9 =	vshll.u32 v6, $0x5  }
0xd0: {  	v11 =	vor.u32 v0, v10;
	v6 =	vand.u32 $0x7F, v6;
	v5 =	vld.idx.msk [tilespmem:v5+s3+$0x0], $0xffff;
	v8 =	vand.u32 $0xFFFFFC00, v8  }
0xd1: {  	v10 =	vor.u32 v4, v10;
	v6 =	vor.u32 v6, v8  }
0xd2: {  	v8 =	vadd.s32 v2, v6  }
0xd3: {  	s23 =	sadd.s32 $0xFFFFFFFD, s20;
	v6 =	vadd.s32 v3, v6  }
0xd4: {  	v12 =	vadd.s32 s23, v0  }
0xd5: {  	vm0 =	vgt.u32 v12, $0x2FF;
	[tilespmem:v11+s13+$0x0] =	vst.idx.msk $0xffff, v7;
	v7 =	vadd.s32 s23, v1  }
0xd6: {  	[tilespmem:v10+s13+$0x0] =	vst.idx.msk $0xffff, v5;
	v5 =	vsel vm0, v7, v12  }
0xd7: {  	v7 =	vld.idx.msk [tilespmem:v8+s3+$0x0], $0xffff;
	v8 =	vshll.u32 v5, $0x3;
	v10 =	vshll.u32 v5, $0x5  }
0xd8: {  	v11 =	vor.u32 v0, v9;
	v5 =	vand.u32 $0x7F, v5;
	v6 =	vld.idx.msk [tilespmem:v6+s3+$0x0], $0xffff;
	v8 =	vand.u32 $0xFFFFFC00, v8  }
0xd9: {  	v9 =	vor.u32 v4, v9;
	v5 =	vor.u32 v5, v8  }
0xda: {  	v8 =	vadd.s32 v2, v5  }
0xdb: {  	s23 =	sadd.s32 $0xFFFFFFFE, s20;
	v5 =	vadd.s32 v3, v5  }
0xdc: {  	v12 =	vadd.s32 s23, v0  }
0xdd: {  	vm0 =	vgt.u32 v12, $0x2FF;
	[tilespmem:v11+s13+$0x0] =	vst.idx.msk $0xffff, v7;
	v7 =	vadd.s32 s23, v1  }
0xde: {  	[tilespmem:v9+s13+$0x0] =	vst.idx.msk $0xffff, v6;
	v6 =	vsel vm0, v7, v12  }
0xdf: {  	v7 =	vld.idx.msk [tilespmem:v8+s3+$0x0], $0xffff;
	v8 =	vshll.u32 v6, $0x3;
	v9 =	vshll.u32 v6, $0x5  }
0xe0: {  	v11 =	vor.u32 v0, v10;
	v6 =	vand.u32 $0x7F, v6;
	v5 =	vld.idx.msk [tilespmem:v5+s3+$0x0], $0xffff;
	v8 =	vand.u32 $0xFFFFFC00, v8  }
0xe1: {  	v10 =	vor.u32 v4, v10;
	v6 =	vor.u32 v6, v8  }
0xe2: {  	v8 =	vadd.s32 v2, v6  }
0xe3: {  	s23 =	sadd.s32 $0xFFFFFFFF, s20;
	v6 =	vadd.s32 v3, v6  }
0xe4: {  	v12 =	vadd.s32 s23, v0  }
0xe5: {  	vm0 =	vgt.u32 v12, $0x2FF;
	[tilespmem:v11+s13+$0x0] =	vst.idx.msk $0xffff, v7;
	v7 =	vadd.s32 s23, v1  }
0xe6: {  	[tilespmem:v10+s13+$0x0] =	vst.idx.msk $0xffff, v5;
	v5 =	vsel vm0, v7, v12  }
0xe7: {  	v7 =	vld.idx.msk [tilespmem:v8+s3+$0x0], $0xffff;
	v8 =	vshll.u32 v5, $0x3;
	v10 =	vshll.u32 v5, $0x5  }
0xe8: {  	v11 =	vor.u32 v0, v9;
	v5 =	vand.u32 $0x7F, v5;
	v6 =	vld.idx.msk [tilespmem:v6+s3+$0x0], $0xffff;
	v8 =	vand.u32 $0xFFFFFC00, v8  }
0xe9: {  	v9 =	vor.u32 v4, v9;
	v5 =	vor.u32 v5, v8  }
0xea: {  	v8 =	vadd.s32 v2, v5  }
0xeb: {  	v5 =	vadd.s32 v3, v5  }
0xec: {  	v12 =	vadd.s32 s20, v0  }
0xed: {  	vm0 =	vgt.u32 v12, $0x2FF;
	[tilespmem:v11+s13+$0x0] =	vst.idx.msk $0xffff, v7;
	v7 =	vadd.s32 s20, v1;
	s20 =	smov.u32 s22  }
0xee: {  	[tilespmem:v9+s13+$0x0] =	vst.idx.msk $0xffff, v6;
	v6 =	vsel vm0, v7, v12  }
0xef: {  	v7 =	vld.idx.msk [tilespmem:v8+s3+$0x0], $0xffff;
	v8 =	vshll.u32 v6, $0x3;
	v9 =	vshll.u32 v6, $0x5  }
0xf0: {  	v11 =	vor.u32 v0, v10;
	v6 =	vand.u32 $0x7F, v6;
	v5 =	vld.idx.msk [tilespmem:v5+s3+$0x0], $0xffff;
	v8 =	vand.u32 $0xFFFFFC00, v8  }
0xf1: {  	v10 =	vor.u32 v4, v10;
	v6 =	vor.u32 v6, v8  }
0xf2: {  	v8 =	vadd.s32 v2, v6  }
0xf3: {  	s22 =	sadd.s32 $0xFFFFFFF9, s20;
	v6 =	vadd.s32 v3, v6  }
0xf4: {  	v12 =	vadd.s32 s22, v0  }
0xf5: {  	v13 =	vadd.s32 s22, v1;
	vm0 =	vgt.u32 v12, $0x2FF;
	[tilespmem:v11+s13+$0x0] =	vst.idx.msk $0xffff, v7  }
0xf6: {  	v7 =	vsel vm0, v13, v12;
	[tilespmem:v10+s13+$0x0] =	vst.idx.msk $0xffff, v5  }
0xf7: {  	v10 =	vshll.u32 v7, $0x3;
	v5 =	vshll.u32 v7, $0x5;
	v12 =	vld.idx.msk [tilespmem:v8+s3+$0x0], $0xffff  }
0xf8: {  	v13 =	vor.u32 v0, v9;
	v8 =	vand.u32 $0x7F, v7;
	v10 =	vand.u32 $0xFFFFFC00, v10;
	v7 =	vld.idx.msk [tilespmem:v6+s3+$0x0], $0xffff  }
.Ltmp5:
0xf9: {  	v9 =	vor.u32 v4, v9;
	v6 =	vor.u32 v8, v10;
	(pc) =	sbr.rel @p5 .LBB2_5-.Ltmp5, $4  }
0xfa: {  	v8 =	vadd.s32 v2, v6;
	v6 =	vadd.s32 v3, v6  }
0xfb: {  	s22 =	sadd.s32 $0xFFFFFFFA, s20  }
0xfc: {  	v10 =	vadd.s32 s22, v0  }
0xfd: {  	v11 =	vadd.s32 s22, v1;
	vm0 =	vgt.u32 v10, $0x2FF;
	[tilespmem:v13+s13+$0x0] =	vst.idx.msk $0xffff, v12  }
0xfe: {  	_ =	sdelay $0x2  }
0xff: {  	v10 =	vsel vm0, v11, v10  }
0x100: {  	[tilespmem:v9+s13+$0x0] =	vst.idx.msk $0xffff, v7;
	v7 =	vshll.u32 v10, $0x3  }
0x101: {  	v36 =	vor.u32 v0, v5;
	v8 =	vld.idx.msk [tilespmem:v8+s3+$0x0], $0xffff;
	v11 =	vand.u32 $0x7F, v10;
	v7 =	vand.u32 $0xFFFFFC00, v7  }
0x102: {  	v5 =	vor.u32 v4, v5;
	v6 =	vld.idx.msk [tilespmem:v6+s3+$0x0], $0xffff;
	v7 =	vor.u32 v11, v7  }
0x103: {  	s21 =	sadd.s32 $0xFFFFFFFB, s20;
	v11 =	vadd.s32 v2, v7  }
0x104: {  	v12 =	vadd.s32 s21, v0;
	v7 =	vadd.s32 v3, v7  }
0x105: {  	v13 =	vadd.s32 s21, v1;
	vm10 =	vgt.u32 v12, $0x2FF  }
0x106: {  	v37 =	vsel vm10, v13, v12;
	[tilespmem:v36+s13+$0x0] =	vst.idx.msk $0xffff, v8  }
0x107: {  	v38 =	vshll.u32 v10, $0x5;
	[tilespmem:v5+s13+$0x0] =	vst.idx.msk $0xffff, v6;
	v5 =	vshll.u32 v37, $0x3  }
0x108: {  	v10 =	vor.u32 v0, v38;
	v39 =	vand.u32 $0x7F, v37;
	v5 =	vand.u32 $0xFFFFFC00, v5;
	v6 =	vld.idx.msk [tilespmem:v11+s3+$0x0], $0xffff  }
0x109: {  	v9 =	vor.u32 v4, v38;
	v7 =	vld.idx.msk [tilespmem:v7+s3+$0x0], $0xffff;
	v5 =	vor.u32 v39, v5  }
0x10a: {  	s28 =	sadd.s32 $0xFFFFFFFC, s20;
	v11 =	vadd.s32 v2, v5  }
0x10b: {  	v40 =	vadd.s32 s28, v0;
	v5 =	vadd.s32 v3, v5  }
0x10c: {  	v41 =	vadd.s32 s28, v1;
	vm11 =	vgt.u32 v40, $0x2FF  }
0x10d: {  	[tilespmem:v10+s13+$0x0] =	vst.idx.msk $0xffff, v6;
	v6 =	vsel vm11, v41, v40  }
0x10e: {  	v8 =	vshll.u32 v37, $0x5;
	[tilespmem:v9+s13+$0x0] =	vst.idx.msk $0xffff, v7;
	v7 =	vshll.u32 v6, $0x3  }
0x10f: {  	v42 =	vor.u32 v0, v8;
	v43 =	vand.u32 $0x7F, v6;
	v9 =	vld.idx.msk [tilespmem:v11+s3+$0x0], $0xffff;
	v7 =	vand.u32 $0xFFFFFC00, v7  }
0x110: {  	v8 =	vor.u32 v4, v8;
	v5 =	vld.idx.msk [tilespmem:v5+s3+$0x0], $0xffff;
	v7 =	vor.u32 v43, v7  }
0x111: {  	s29 =	sadd.s32 $0xFFFFFFFD, s20;
	v11 =	vadd.s32 v2, v7  }
0x112: {  	v44 =	vadd.s32 s29, v0;
	v7 =	vadd.s32 v3, v7  }
0x113: {  	v45 =	vadd.s32 s29, v1;
	vm12 =	vgt.u32 v44, $0x2FF  }
0x114: {  	v46 =	vsel vm12, v45, v44;
	[tilespmem:v42+s13+$0x0] =	vst.idx.msk $0xffff, v9  }
0x115: {  	v6 =	vshll.u32 v6, $0x5;
	[tilespmem:v8+s13+$0x0] =	vst.idx.msk $0xffff, v5;
	v5 =	vshll.u32 v46, $0x3  }
0x116: {  	v48 =	vand.u32 $0x7F, v46;
	v47 =	vor.u32 v0, v6;
	v8 =	vld.idx.msk [tilespmem:v11+s3+$0x0], $0xffff;
	v5 =	vand.u32 $0xFFFFFC00, v5  }
0x117: {  	v6 =	vor.u32 v4, v6;
	v7 =	vld.idx.msk [tilespmem:v7+s3+$0x0], $0xffff;
	v5 =	vor.u32 v48, v5  }
0x118: {  	s30 =	sadd.s32 $0xFFFFFFFE, s20;
	v11 =	vadd.s32 v2, v5  }
0x119: {  	v49 =	vadd.s32 s30, v0;
	v5 =	vadd.s32 v3, v5  }
0x11a: {  	v50 =	vadd.s32 s30, v1;
	vm13 =	vgt.u32 v49, $0x2FF  }
0x11b: {  	v51 =	vsel vm13, v50, v49;
	[tilespmem:v47+s13+$0x0] =	vst.idx.msk $0xffff, v8  }
0x11c: {  	v9 =	vshll.u32 v46, $0x5;
	[tilespmem:v6+s13+$0x0] =	vst.idx.msk $0xffff, v7;
	v6 =	vshll.u32 v51, $0x3  }
0x11d: {  	v53 =	vand.u32 $0x7F, v51;
	v52 =	vor.u32 v0, v9;
	v7 =	vld.idx.msk [tilespmem:v11+s3+$0x0], $0xffff;
	v6 =	vand.u32 $0xFFFFFC00, v6  }
0x11e: {  	v9 =	vor.u32 v4, v9;
	v5 =	vld.idx.msk [tilespmem:v5+s3+$0x0], $0xffff;
	v6 =	vor.u32 v53, v6  }
0x11f: {  	s31 =	sadd.s32 $0xFFFFFFFF, s20;
	v11 =	vadd.s32 v2, v6  }
0x120: {  	v54 =	vadd.s32 s31, v0;
	v6 =	vadd.s32 v3, v6  }
0x121: {  	v55 =	vadd.s32 s31, v1;
	vm14 =	vgt.u32 v54, $0x2FF  }
0x122: {  	[tilespmem:v52+s13+$0x0] =	vst.idx.msk $0xffff, v7;
	v7 =	vsel vm14, v55, v54  }
0x123: {  	v8 =	vshll.u32 v51, $0x5;
	[tilespmem:v9+s13+$0x0] =	vst.idx.msk $0xffff, v5;
	v5 =	vshll.u32 v7, $0x3  }
0x124: {  	v56 =	vor.u32 v0, v8;
	v57 =	vand.u32 $0x7F, v7;
	v9 =	vld.idx.msk [tilespmem:v11+s3+$0x0], $0xffff;
	v5 =	vand.u32 $0xFFFFFC00, v5  }
0x125: {  	v8 =	vor.u32 v4, v8;
	v6 =	vld.idx.msk [tilespmem:v6+s3+$0x0], $0xffff;
	v5 =	vor.u32 v57, v5  }
0x126: {  	v11 =	vadd.s32 v2, v5  }
0x127: {  	v58 =	vadd.s32 s20, v0;
	v5 =	vadd.s32 v3, v5  }
0x128: {  	v59 =	vadd.s32 s20, v1;
	vm15 =	vgt.u32 v58, $0x2FF  }
0x129: {  	v60 =	vsel vm15, v59, v58;
	[tilespmem:v56+s13+$0x0] =	vst.idx.msk $0xffff, v9  }
0x12a: {  	v7 =	vshll.u32 v7, $0x5;
	[tilespmem:v8+s13+$0x0] =	vst.idx.msk $0xffff, v6;
	v6 =	vshll.u32 v60, $0x3  }
0x12b: {  	v62 =	vand.u32 $0x7F, v60;
	v61 =	vor.u32 v0, v7;
	v8 =	vld.idx.msk [tilespmem:v11+s3+$0x0], $0xffff;
	v6 =	vand.u32 $0xFFFFFC00, v6  }
0x12c: {  	v7 =	vor.u32 v4, v7;
	v5 =	vld.idx.msk [tilespmem:v5+s3+$0x0], $0xffff;
	v6 =	vor.u32 v62, v6  }
0x12d: {  	v11 =	vadd.s32 v2, v6  }
0x12e: {  	v6 =	vadd.s32 v3, v6;
	_ =	sdelay $0x1  }
0x12f: {  	[tilespmem:v61+s13+$0x0] =	vst.idx.msk $0xffff, v8  }
0x130: {  	v63 =	vshll.u32 v60, $0x5;
	[tilespmem:v7+s13+$0x0] =	vst.idx.msk $0xffff, v5  }
0x131: {  	v7 =	vor.u32 v0, v63;
	v5 =	vld.idx.msk [tilespmem:v11+s3+$0x0], $0xffff  }
0x132: {  	v8 =	vor.u32 v4, v63;
	v6 =	vld.idx.msk [tilespmem:v6+s3+$0x0], $0xffff;
	_ =	sdelay $0x3  }
.Ltmp6:
0x133: {  	s20 =	simm.s32 @p4 $0x0;
	[tilespmem:v7+s13+$0x0] =	vst.idx.msk $0xffff, v5;
	(pc) =	sbr.rel .LBB2_7-.Ltmp6, $4  }
0x134: {  	s22 =	smul.u32 @!p4 $0xC00, s19;
	s18 =	simm.s32 @p4 $0x517;
	s21 =	simm.s32 @p4 $0xC000;
	[tilespmem:v8+s13+$0x0] =	vst.idx.msk $0xffff, v6  }
0x135: {  	[hbm4b:s9+s20] =	stream.linear.scatter @p4 [tilespmem:s21], [sflag:$0x2], $0x800, $0x38;
	[tilespmem:$0x18000] =	vst v63  }
0x136: {  	s20 =	sadd.s32 @!p4 s5, s22;
	s21 =	simm.s32 @!p4 $0x0;
	s22 =	simm.s32 @!p4 $0xC000  }
0x137: {  	[hbm4b:s20+s21] =	stream.linear.scatter @!p4 [tilespmem:s22], [sflag:$0x2], $0x6000, $0x38;
	[tilespmem:$0x18000] =	vst v63  }
.LBB2_3:
0x138: {  	s18 =	sadd.s32 $0x1, s19  }
.LBB2_7:
0x139: {  	p1 =	sge.u32 s18, s6  }
.Ltmp7:
0x13a: {  	_ = 	snop;
	(pc) =	sbr.rel @p1 .LBB2_11-.Ltmp7, $1  }
0x13b: {  	_ =	sdelay $0x3  }
0x13c: {  	p4 =	seq.s32 s18, $0x516  }
0x13d: {  	s20 =	simm.s32 @p4 $0x1  }
0x13e: {  	_ =	swait.ge @p4 [sflag:s20], $0x1000  }
0x13f: {  	s19 =	sadd.s32 $0x2, s19;
	[sflag:s20] =	ssyncset.done @p4 $0x0  }
0x140: {  	p6 =	sge.u32 s19, s6;
	[sflag:s20] =	ssyncadd.s32 @p4 $0xFFFFF000;
	s20 =	simm.s32 @!p4 $0x1  }
0x141: {  	p1 =	seq.s32 @!p6 s19, $0x516;
	_ =	swait.ge @!p4 [sflag:s20], $0x6000  }
0x142: {  	p5 =	por !p1, p6;
	[sflag:s20] =	ssyncset.done @!p4 $0x0  }
0x143: {  	s31 =	simm.s32 $0x0;
	[sflag:s20] =	ssyncadd.s32 @!p4 $0xFFFFA000;
	s20 =	simm.s32 @!p5 $0x0  }
0x144: {  	[tilespmem:s20], [sflag:$0x1] =	stream.linear.gather @!p5 [hbm4b:s8+s20], $0x400, $0x38;
	[tilespmem:$0x18000] =	vst v63  }
0x145: {  	p6 =	por p1, p6;
	s21 =	sadd.s32 @!p5 $0xF4280, s8;
	s22 =	simm.s32 @!p5 $0x1800  }
0x146: {  	[tilespmem:s22], [sflag:$0x1] =	stream.linear.gather @!p5 [hbm4b:s21+s20], $0x400, $0x38;
	[tilespmem:$0x18000] =	vst v63  }
0x147: {  	v5 =	vadd.s32 s31, v0;
	s19 =	smul.u32 @!p6 $0x300, s19;
	s21 =	sadd.s32 @!p5 $0x1E8500, s8;
	s22 =	simm.s32 @!p5 $0x3000  }
0x148: {  	v6 =	vadd.s32 s31, v1;
	vm0 =	vgt.u32 v5, $0x2FF;
	[tilespmem:s22], [sflag:$0x1] =	stream.linear.gather @!p5 [hbm4b:s21+s20], $0x400, $0x38;
	[tilespmem:$0x18000] =	vst v63  }
0x149: {  	v5 =	vsel vm0, v6, v5;
	s19 =	sadd.s32 @!p6 s1, s19;
	s22 =	sadd.s32 @!p5 $0x2DC780, s8;
	s21 =	simm.s32 @!p5 $0x4800  }
0x14a: {  	v6 =	vshll.u32 v5, $0x3;
	[tilespmem:s21], [sflag:$0x1] =	stream.linear.gather @!p5 [hbm4b:s22+s20], $0x400, $0x38;
	[tilespmem:$0x18000] =	vst v63  }
0x14b: {  	v7 =	vand.u32 $0x7F, v5;
	v6 =	vand.u32 $0xFFFFFC00, v6;
	s20 =	simm.s32 @!p6 $0x1800;
	s21 =	simm.s32 @!p6 $0x7A1400;
	s22 =	simm.s32 @!p6 $0x0  }
0x14c: {  	v6 =	vor.u32 v7, v6;
	[tilespmem:s22], [sflag:$0x1] =	stream.strided.gather @!p6 [hbm4b:s19+s20], $0x6000, s21, s20, $0x38;
	[tilespmem:$0x18000] =	vst v63  }
0x14d: {  	p1 =	seq.s32 s17, $0x0;
	v7 =	vadd.s32 v2, v6;
	s22 =	simm.s32 $0x1  }
0x14e: {  	v6 =	vadd.s32 v3, v6;
	s20 =	simm.s32 @!p1 $0x2;
	v8 =	vadd.s32 s22, v0  }
0x14f: {  	_ =	swait.ge @!p1 [sflag:s20], $0x6000;
	v9 =	vadd.s32 s22, v1;
	vm0 =	vgt.u32 v8, $0x2FF  }
0x150: {  	[sflag:s20] =	ssyncset.done @!p1 $0x0;
	v8 =	vsel vm0, v9, v8  }
0x151: {  	v5 =	vshll.u32 v5, $0x5;
	[sflag:s20] =	ssyncadd.s32 @!p1 $0xFFFFA000;
	v9 =	vshll.u32 v8, $0x3  }
0x152: {  	v10 =	vor.u32 v0, v5;
	v7 =	vld.idx.msk [tilespmem:v7+s14+$0x0], $0xffff;
	v11 =	vand.u32 $0x7F, v8;
	v9 =	vand.u32 $0xFFFFFC00, v9  }
0x153: {  	v5 =	vor.u32 v4, v5;
	v6 =	vld.idx.msk [tilespmem:v6+s14+$0x0], $0xffff;
	v9 =	vor.u32 v11, v9  }
0x154: {  	s23 =	simm.s32 $0x2;
	v11 =	vadd.s32 v2, v9  }
0x155: {  	v12 =	vadd.s32 s23, v0;
	v9 =	vadd.s32 v3, v9  }
0x156: {  	v13 =	vadd.s32 s23, v1;
	vm0 =	vgt.u32 v12, $0x2FF  }
0x157: {  	[tilespmem:v10+s15+$0x0] =	vst.idx.msk $0xffff, v7;
	v7 =	vsel vm0, v13, v12  }
0x158: {  	v8 =	vshll.u32 v8, $0x5;
	[tilespmem:v5+s15+$0x0] =	vst.idx.msk $0xffff, v6;
	v5 =	vshll.u32 v7, $0x3  }
0x159: {  	v10 =	vor.u32 v0, v8;
	v5 =	vand.u32 $0xFFFFFC00, v5;
	v6 =	vld.idx.msk [tilespmem:v11+s14+$0x0], $0xffff;
	v11 =	vand.u32 $0x7F, v7  }
0x15a: {  	v8 =	vor.u32 v4, v8;
	v9 =	vld.idx.msk [tilespmem:v9+s14+$0x0], $0xffff;
	v5 =	vor.u32 v11, v5  }
0x15b: {  	s24 =	simm.s32 $0x3;
	v11 =	vadd.s32 v2, v5  }
0x15c: {  	v51 =	vadd.s32 s24, v0;
	v5 =	vadd.s32 v3, v5  }
0x15d: {  	v52 =	vadd.s32 s24, v1;
	vm0 =	vgt.u32 v51, $0x2FF  }
0x15e: {  	[tilespmem:v10+s15+$0x0] =	vst.idx.msk $0xffff, v6;
	v6 =	vsel vm0, v52, v51  }
0x15f: {  	v7 =	vshll.u32 v7, $0x5;
	[tilespmem:v8+s15+$0x0] =	vst.idx.msk $0xffff, v9;
	v8 =	vshll.u32 v6, $0x3  }
0x160: {  	v10 =	vor.u32 v0, v7;
	v9 =	vld.idx.msk [tilespmem:v11+s14+$0x0], $0xffff;
	v11 =	vand.u32 $0x7F, v6;
	v8 =	vand.u32 $0xFFFFFC00, v8  }
0x161: {  	v7 =	vor.u32 v4, v7;
	v5 =	vld.idx.msk [tilespmem:v5+s14+$0x0], $0xffff;
	v8 =	vor.u32 v11, v8  }
0x162: {  	s25 =	simm.s32 $0x4;
	v11 =	vadd.s32 v2, v8  }
0x163: {  	v53 =	vadd.s32 s25, v0;
	v8 =	vadd.s32 v3, v8  }
0x164: {  	v54 =	vadd.s32 s25, v1;
	vm0 =	vgt.u32 v53, $0x2FF  }
0x165: {  	[tilespmem:v10+s15+$0x0] =	vst.idx.msk $0xffff, v9;
	v9 =	vsel vm0, v54, v53  }
0x166: {  	v6 =	vshll.u32 v6, $0x5;
	[tilespmem:v7+s15+$0x0] =	vst.idx.msk $0xffff, v5;
	v5 =	vshll.u32 v9, $0x3  }
0x167: {  	v10 =	vor.u32 v0, v6;
	v7 =	vld.idx.msk [tilespmem:v11+s14+$0x0], $0xffff;
	v11 =	vand.u32 $0x7F, v9;
	v5 =	vand.u32 $0xFFFFFC00, v5  }
0x168: {  	v6 =	vor.u32 v4, v6;
	v8 =	vld.idx.msk [tilespmem:v8+s14+$0x0], $0xffff;
	v5 =	vor.u32 v11, v5  }
0x169: {  	s26 =	simm.s32 $0x5;
	v11 =	vadd.s32 v2, v5  }
0x16a: {  	v55 =	vadd.s32 s26, v0;
	v5 =	vadd.s32 v3, v5  }
0x16b: {  	v56 =	vadd.s32 s26, v1;
	vm0 =	vgt.u32 v55, $0x2FF  }
0x16c: {  	[tilespmem:v10+s15+$0x0] =	vst.idx.msk $0xffff, v7;
	v7 =	vsel vm0, v56, v55  }
0x16d: {  	v9 =	vshll.u32 v9, $0x5;
	[tilespmem:v6+s15+$0x0] =	vst.idx.msk $0xffff, v8;
	v6 =	vshll.u32 v7, $0x3  }
0x16e: {  	v10 =	vor.u32 v0, v9;
	v8 =	vld.idx.msk [tilespmem:v11+s14+$0x0], $0xffff;
	v11 =	vand.u32 $0x7F, v7;
	v6 =	vand.u32 $0xFFFFFC00, v6  }
0x16f: {  	v9 =	vor.u32 v4, v9;
	v5 =	vld.idx.msk [tilespmem:v5+s14+$0x0], $0xffff;
	v6 =	vor.u32 v11, v6  }
0x170: {  	s28 =	simm.s32 $0x6;
	v11 =	vadd.s32 v2, v6  }
0x171: {  	v57 =	vadd.s32 s28, v0;
	v6 =	vadd.s32 v3, v6  }
0x172: {  	v58 =	vadd.s32 s28, v1;
	vm0 =	vgt.u32 v57, $0x2FF  }
0x173: {  	[tilespmem:v10+s15+$0x0] =	vst.idx.msk $0xffff, v8;
	v8 =	vsel vm0, v58, v57  }
0x174: {  	v7 =	vshll.u32 v7, $0x5;
	[tilespmem:v9+s15+$0x0] =	vst.idx.msk $0xffff, v5;
	v5 =	vshll.u32 v8, $0x3  }
0x175: {  	v10 =	vor.u32 v0, v7;
	v9 =	vld.idx.msk [tilespmem:v11+s14+$0x0], $0xffff;
	v11 =	vand.u32 $0x7F, v8;
	v5 =	vand.u32 $0xFFFFFC00, v5  }
0x176: {  	v7 =	vor.u32 v4, v7;
	v6 =	vld.idx.msk [tilespmem:v6+s14+$0x0], $0xffff;
	v5 =	vor.u32 v11, v5  }
0x177: {  	v11 =	vadd.s32 v2, v5  }
0x178: {  	s29 =	simm.s32 $0x7;
	v5 =	vadd.s32 v3, v5  }
0x179: {  	v59 =	vadd.s32 s29, v0  }
0x17a: {  	v60 =	vadd.s32 s29, v1;
	vm0 =	vgt.u32 v59, $0x2FF;
	[tilespmem:v10+s15+$0x0] =	vst.idx.msk $0xffff, v9  }
0x17b: {  	v8 =	vshll.u32 v8, $0x5;
	v9 =	vsel vm0, v60, v59;
	[tilespmem:v7+s15+$0x0] =	vst.idx.msk $0xffff, v6  }
0x17c: {  	v10 =	vor.u32 v0, v8;
	v6 =	vshll.u32 v9, $0x3;
	v7 =	vld.idx.msk [tilespmem:v11+s14+$0x0], $0xffff  }
0x17d: {  	v8 =	vor.u32 v4, v8;
	v11 =	vand.u32 $0x7F, v9;
	v6 =	vand.u32 $0xFFFFFC00, v6;
	v5 =	vld.idx.msk [tilespmem:v5+s14+$0x0], $0xffff  }
0x17e: {  	v6 =	vor.u32 v11, v6  }
0x17f: {  	s30 =	simm.s32 $0x8;
	v11 =	vadd.s32 v2, v6  }
0x180: {  	v61 =	vadd.s32 s30, v0;
	v6 =	vadd.s32 v3, v6  }
0x181: {  	vm0 =	vgt.u32 v61, $0x2FF;
	[tilespmem:v10+s15+$0x0] =	vst.idx.msk $0xffff, v7;
	v7 =	vadd.s32 s30, v1  }
0x182: {  	[tilespmem:v8+s15+$0x0] =	vst.idx.msk $0xffff, v5;
	v5 =	vsel vm0, v7, v61  }
0x183: {  	v9 =	vshll.u32 v9, $0x5;
	v7 =	vshll.u32 v5, $0x3  }
0x184: {  	v63 =	vor.u32 v0, v9;
	v62 =	vld.idx.msk [tilespmem:v11+s14+$0x0], $0xffff;
	v8 =	vand.u32 $0x7F, v5;
	v7 =	vand.u32 $0xFFFFFC00, v7  }
0x185: {  	v9 =	vor.u32 v4, v9;
	v11 =	vor.u32 v8, v7;
	v7 =	vld.idx.msk [tilespmem:v6+s14+$0x0], $0xffff  }
0x186: {  	v8 =	vadd.s32 v2, v11  }
0x187: {  	s31 =	simm.s32 $0x9;
	v6 =	vadd.s32 v3, v11  }
0x188: {  	v10 =	vadd.s32 s31, v0  }
0x189: {  	s19 =	simm.s32 $0xF;
	s20 =	simm.s32 $0x17;
	vm0 =	vgt.u32 v10, $0x2FF;
	v5 =	vshll.u32 v5, $0x5;
	v11 =	vadd.s32 s31, v1;
	[tilespmem:v63+s15+$0x0] =	vst.idx.msk $0xffff, v62  }
.LBB2_9:
0x18a: {  	p5 =	sne.s32 s20, $0x2FF;
	v10 =	vsel vm0, v11, v10;
	[tilespmem:v9+s15+$0x0] =	vst.idx.msk $0xffff, v7;
	s21 =	smov.u32 s20;
	s20 =	sadd.s32 $0x8, s20  }
0x18b: {  	v7 =	vld.idx.msk [tilespmem:v8+s14+$0x0], $0xffff;
	v8 =	vshll.u32 v10, $0x3;
	v9 =	vshll.u32 v10, $0x5  }
0x18c: {  	v11 =	vor.u32 v0, v5;
	v10 =	vand.u32 $0x7F, v10;
	v6 =	vld.idx.msk [tilespmem:v6+s14+$0x0], $0xffff;
	v8 =	vand.u32 $0xFFFFFC00, v8  }
0x18d: {  	v5 =	vor.u32 v4, v5;
	v8 =	vor.u32 v10, v8  }
0x18e: {  	v10 =	vadd.s32 v2, v8  }
0x18f: {  	s22 =	sadd.s32 $0xFFFFFFFB, s19;
	v8 =	vadd.s32 v3, v8  }
0x190: {  	v12 =	vadd.s32 s22, v0  }
0x191: {  	vm0 =	vgt.u32 v12, $0x2FF;
	[tilespmem:v11+s15+$0x0] =	vst.idx.msk $0xffff, v7;
	v7 =	vadd.s32 s22, v1  }
0x192: {  	[tilespmem:v5+s15+$0x0] =	vst.idx.msk $0xffff, v6;
	v5 =	vsel vm0, v7, v12  }
0x193: {  	v6 =	vld.idx.msk [tilespmem:v10+s14+$0x0], $0xffff;
	v7 =	vshll.u32 v5, $0x3;
	v10 =	vshll.u32 v5, $0x5  }
0x194: {  	v11 =	vor.u32 v0, v9;
	v5 =	vand.u32 $0x7F, v5;
	v8 =	vld.idx.msk [tilespmem:v8+s14+$0x0], $0xffff;
	v7 =	vand.u32 $0xFFFFFC00, v7  }
0x195: {  	v9 =	vor.u32 v4, v9;
	v5 =	vor.u32 v5, v7  }
0x196: {  	v7 =	vadd.s32 v2, v5  }
0x197: {  	s22 =	sadd.s32 $0xFFFFFFFC, s19;
	v5 =	vadd.s32 v3, v5  }
0x198: {  	v12 =	vadd.s32 s22, v0  }
0x199: {  	vm0 =	vgt.u32 v12, $0x2FF;
	[tilespmem:v11+s15+$0x0] =	vst.idx.msk $0xffff, v6;
	v6 =	vadd.s32 s22, v1  }
0x19a: {  	[tilespmem:v9+s15+$0x0] =	vst.idx.msk $0xffff, v8;
	v6 =	vsel vm0, v6, v12  }
0x19b: {  	v7 =	vld.idx.msk [tilespmem:v7+s14+$0x0], $0xffff;
	v8 =	vshll.u32 v6, $0x3;
	v9 =	vshll.u32 v6, $0x5  }
0x19c: {  	v11 =	vor.u32 v0, v10;
	v6 =	vand.u32 $0x7F, v6;
	v5 =	vld.idx.msk [tilespmem:v5+s14+$0x0], $0xffff;
	v8 =	vand.u32 $0xFFFFFC00, v8  }
0x19d: {  	v10 =	vor.u32 v4, v10;
	v6 =	vor.u32 v6, v8  }
0x19e: {  	v8 =	vadd.s32 v2, v6  }
0x19f: {  	s22 =	sadd.s32 $0xFFFFFFFD, s19;
	v6 =	vadd.s32 v3, v6  }
0x1a0: {  	v12 =	vadd.s32 s22, v0  }
0x1a1: {  	vm0 =	vgt.u32 v12, $0x2FF;
	[tilespmem:v11+s15+$0x0] =	vst.idx.msk $0xffff, v7;
	v7 =	vadd.s32 s22, v1  }
0x1a2: {  	[tilespmem:v10+s15+$0x0] =	vst.idx.msk $0xffff, v5;
	v5 =	vsel vm0, v7, v12  }
0x1a3: {  	v7 =	vld.idx.msk [tilespmem:v8+s14+$0x0], $0xffff;
	v8 =	vshll.u32 v5, $0x3;
	v10 =	vshll.u32 v5, $0x5  }
0x1a4: {  	v11 =	vor.u32 v0, v9;
	v5 =	vand.u32 $0x7F, v5;
	v6 =	vld.idx.msk [tilespmem:v6+s14+$0x0], $0xffff;
	v8 =	vand.u32 $0xFFFFFC00, v8  }
0x1a5: {  	v9 =	vor.u32 v4, v9;
	v5 =	vor.u32 v5, v8  }
0x1a6: {  	v8 =	vadd.s32 v2, v5  }
0x1a7: {  	s22 =	sadd.s32 $0xFFFFFFFE, s19;
	v5 =	vadd.s32 v3, v5  }
0x1a8: {  	v12 =	vadd.s32 s22, v0  }
0x1a9: {  	vm0 =	vgt.u32 v12, $0x2FF;
	[tilespmem:v11+s15+$0x0] =	vst.idx.msk $0xffff, v7;
	v7 =	vadd.s32 s22, v1  }
0x1aa: {  	[tilespmem:v9+s15+$0x0] =	vst.idx.msk $0xffff, v6;
	v6 =	vsel vm0, v7, v12  }
0x1ab: {  	v7 =	vld.idx.msk [tilespmem:v8+s14+$0x0], $0xffff;
	v8 =	vshll.u32 v6, $0x3;
	v9 =	vshll.u32 v6, $0x5  }
0x1ac: {  	v11 =	vor.u32 v0, v10;
	v6 =	vand.u32 $0x7F, v6;
	v5 =	vld.idx.msk [tilespmem:v5+s14+$0x0], $0xffff;
	v8 =	vand.u32 $0xFFFFFC00, v8  }
0x1ad: {  	v10 =	vor.u32 v4, v10;
	v6 =	vor.u32 v6, v8  }
0x1ae: {  	v8 =	vadd.s32 v2, v6  }
0x1af: {  	s22 =	sadd.s32 $0xFFFFFFFF, s19;
	v6 =	vadd.s32 v3, v6  }
0x1b0: {  	v12 =	vadd.s32 s22, v0  }
0x1b1: {  	vm0 =	vgt.u32 v12, $0x2FF;
	[tilespmem:v11+s15+$0x0] =	vst.idx.msk $0xffff, v7;
	v7 =	vadd.s32 s22, v1  }
0x1b2: {  	[tilespmem:v10+s15+$0x0] =	vst.idx.msk $0xffff, v5;
	v5 =	vsel vm0, v7, v12  }
0x1b3: {  	v7 =	vld.idx.msk [tilespmem:v8+s14+$0x0], $0xffff;
	v8 =	vshll.u32 v5, $0x3;
	v10 =	vshll.u32 v5, $0x5  }
0x1b4: {  	v11 =	vor.u32 v0, v9;
	v5 =	vand.u32 $0x7F, v5;
	v6 =	vld.idx.msk [tilespmem:v6+s14+$0x0], $0xffff;
	v8 =	vand.u32 $0xFFFFFC00, v8  }
0x1b5: {  	v9 =	vor.u32 v4, v9;
	v5 =	vor.u32 v5, v8  }
0x1b6: {  	v8 =	vadd.s32 v2, v5  }
0x1b7: {  	v5 =	vadd.s32 v3, v5  }
0x1b8: {  	v12 =	vadd.s32 s19, v0  }
0x1b9: {  	vm0 =	vgt.u32 v12, $0x2FF;
	[tilespmem:v11+s15+$0x0] =	vst.idx.msk $0xffff, v7;
	v7 =	vadd.s32 s19, v1;
	s19 =	smov.u32 s21  }
0x1ba: {  	[tilespmem:v9+s15+$0x0] =	vst.idx.msk $0xffff, v6;
	v6 =	vsel vm0, v7, v12  }
0x1bb: {  	v7 =	vld.idx.msk [tilespmem:v8+s14+$0x0], $0xffff;
	v8 =	vshll.u32 v6, $0x3;
	v9 =	vshll.u32 v6, $0x5  }
0x1bc: {  	v11 =	vor.u32 v0, v10;
	v6 =	vand.u32 $0x7F, v6;
	v5 =	vld.idx.msk [tilespmem:v5+s14+$0x0], $0xffff;
	v8 =	vand.u32 $0xFFFFFC00, v8  }
0x1bd: {  	v10 =	vor.u32 v4, v10;
	v6 =	vor.u32 v6, v8  }
0x1be: {  	v8 =	vadd.s32 v2, v6  }
0x1bf: {  	s21 =	sadd.s32 $0xFFFFFFF9, s19;
	v6 =	vadd.s32 v3, v6  }
0x1c0: {  	v12 =	vadd.s32 s21, v0  }
0x1c1: {  	v13 =	vadd.s32 s21, v1;
	vm0 =	vgt.u32 v12, $0x2FF;
	[tilespmem:v11+s15+$0x0] =	vst.idx.msk $0xffff, v7  }
0x1c2: {  	v7 =	vsel vm0, v13, v12;
	[tilespmem:v10+s15+$0x0] =	vst.idx.msk $0xffff, v5  }
0x1c3: {  	v10 =	vshll.u32 v7, $0x3;
	v5 =	vshll.u32 v7, $0x5;
	v12 =	vld.idx.msk [tilespmem:v8+s14+$0x0], $0xffff  }
0x1c4: {  	v13 =	vor.u32 v0, v9;
	v8 =	vand.u32 $0x7F, v7;
	v10 =	vand.u32 $0xFFFFFC00, v10;
	v7 =	vld.idx.msk [tilespmem:v6+s14+$0x0], $0xffff  }
.Ltmp8:
0x1c5: {  	v9 =	vor.u32 v4, v9;
	v6 =	vor.u32 v8, v10;
	(pc) =	sbr.rel @p5 .LBB2_9-.Ltmp8, $4  }
0x1c6: {  	v8 =	vadd.s32 v2, v6;
	v6 =	vadd.s32 v3, v6  }
0x1c7: {  	s21 =	sadd.s32 $0xFFFFFFFA, s19  }
0x1c8: {  	v10 =	vadd.s32 s21, v0  }
0x1c9: {  	v11 =	vadd.s32 s21, v1;
	vm0 =	vgt.u32 v10, $0x2FF;
	[tilespmem:v13+s15+$0x0] =	vst.idx.msk $0xffff, v12  }
.Ltmp9:
0x1ca: {  	_ = 	snop;
	(pc) =	sbr.rel .LBB2_10-.Ltmp9, $1  }
0x1cb: {  	_ =	sdelay $0x3  }
.LBB2_13:
0x1cc: {  	_ =	sfence.sel $0x180000  }
0x1cd: {  	[bflag:$0x0] =	sbarrier.arrive $0xFFFF  }
0x1ce: {  	p0 =	sne.s32 s0, $0x0;
	_ =	strace $0x90000047  }
0x1cf: {  	s0 =	sadd.s32 @!p0 $0x100000, s2;
	[bflag:$0x2] =	sbarrier.arrive $0xFFFF  }
0x1d0: {  	[sflag:s0] =	ssyncadd.tile.s32 @!p0 $0x1;
	_ =	shalt  }
.Lfunc_end2:
_tile_overlayer_lowered:
.L_overlay_start_2:
0x1d1: {  	(tag) =	ssettag $0x2  }
0x1d2: {  	s0 =	rddreg [dreg:$0x0];
	s2 =	stileid.u32  }
0x1d3: {  	s1 =	rddreg [dreg:$0x1];
	p0 =	sne.s32 s2, $0x0  }
0x1d4: {  	s3 =	rddreg [dreg:$0x2];
	[bflag:$0x3] =	sbarrier.arrive $0xFFFF;
	s2 =	simm.s32 @!p0 $0x1C03  }
0x1d5: {  	[timem:s3], [sflag:s2] =	dma.local @!p0 [hbm:s0], s1  }
0x1d6: {  	s0 =	simm.s32 @!p0 $0x3  }
0x1d7: {  	_ =	swait.ge @!p0 [sflag:s0], s1  }
0x1d8: {  	s1 =	ssub.s32 @!p0 $0x0, s1;
	[sflag:s0] =	ssyncset.done @!p0 $0x0  }
0x1d9: {  	[sflag:s0] =	ssyncadd.s32 @!p0 s1  }
0x1da: {  	[bflag:$0x3] =	sbarrier.arrive $0xFFFF  }
0x1db: {  	_ =	shalt  }

// kernel: kernel.8.cloned.1.call-start
scs
__scs_entry_jumppad:
0x0: {  	(pc) =	sbr.rel $0x88, $3  }
0x1: {  	(tag) =	ssettag $0x0;
	lr =	simm.s32 $0x1  }
0x2: {  	[smem:$0x3F9D] =	sst lr;
	_ =	strace $0xD0000000  }
0x3: {  	_ = 	snop  }
0x4: {  	_ = 	snop  }
0x5: {  	_ = 	snop  }
0x6: {  	_ = 	snop  }
0x7: {  	_ = 	snop  }
__scs_overlays_trampoline_lowered:
0x8: {  	[smem:$0x3FAC] =	sst s0  }
0x9: {  	[smem:$0x3FAD] =	sst s1  }
0xa: {  	[smem:$0x3FAE] =	sst s2  }
0xb: {  	[smem:$0x3FAF] =	sst s3  }
0xc: {  	[smem:$0x3FB0] =	sst s4  }
0xd: {  	[smem:$0x3FB1] =	sst s5  }
0xe: {  	[smem:$0x3FB2] =	sst s6  }
0xf: {  	[smem:$0x3FB3] =	sst s7  }
0x10: {  	[smem:$0x3FB4] =	sst s8  }
0x11: {  	[smem:$0x3FB5] =	sst s9;
	s0 =	simm.s32 @!p0 $0x0  }
0x12: {  	s1 =	sld [smem:$0x3F9B];
	s0 =	simm.s32 @p0 $0x1  }
0x13: {  	[smem:$0x3FB6] =	sst s0;
	s0 =	simm.s32 @!p1 $0x0  }
0x14: {  	s2 =	sld [smem:$0x3F9A];
	s0 =	simm.s32 @p1 $0x1  }
0x15: {  	[smem:$0x3FB7] =	sst s0;
	s0 =	simm.s32 @!p2 $0x0  }
0x16: {  	s3 =	sld [smem:$0x3FDB];
	s0 =	simm.s32 @p2 $0x1  }
0x17: {  	s4 =	simm.s32 $0x1BF5;
	[smem:$0x3FB9] =	sst s0  }
0x18: {  	s0 =	sld [smem:$0x3F9C];
	_ =	swait.ge [sflag:s4], $0x0  }
0x19: {  	s7 =	sld [smem:$0x3F9D]  }
0x1a: {  	s8 =	sadd.s32 $0xFFFFE003, lr  }
0x1b: {  	s9 =	sadd.s32 $0xFFFFFEF7, lr;
	s5 =	simm.s32 $0xFFFFFFFF;
	p2 =	slt.u32 s8, $0xFFFFF086  }
0x1c: {  	p1 =	slt.u32 s9, $0xF7A;
	s5 =	simm.s32 @!p2 $0x0  }
0x1d: {  	s5 =	simm.s32 @p1 $0x1;
	p0 =	seq.s32 s7, s2  }
0x1e: {  	s7 =	smul.u32 @!p0 $0xF7A, s2;
	p2 =	seq.s32 @!p0 s5, $0x0  }
0x1f: {  	s9 =	smul.u32 $0xF7A, s1;
	s8 =	simm.s32 @!p0 $0x1BF5;
	p2 =	por !p2, p0  }
0x20: {  	[sflag:s8] =	ssyncset.s32 @!p0 $0xFFFFF086;
	s6 =	sadd.s32 @!p0 s3, s7;
	s7 =	simm.s32 @!p0 $0x108  }
0x21: {  	s3 =	sadd.s32 s3, s9;
	s6 =	sadd.s32 @!p0 $0x88, s6;
	s7 =	simm.s32 @p2 $0x1082  }
0x22: {  	[simem:s7], [sflag:s8] =	dma.local @!p0 [hbm:s6], $0xF7A  }
0x23: {  	s9 =	sor.u32 $0xD0000000, s2;
	s6 =	simm.s32 $0x108;
	_ =	swait.ge @!p0 [sflag:s8], $0x0  }
0x24: {  	s3 =	sadd.s32 $0x88, s3;
	s6 =	simm.s32 @!p1 $0x1082;
	[sflag:s4] =	ssyncset.s32 $0xFFFFF086  }
0x25: {  	[simem:s6], [sflag:s4] =	dma.local [hbm:s3], $0xF7A  }
0x26: {  	[smem:$0x3F9D] =	sst s1;
	(tag) =	ssettag s2;
	_ =	strace s9  }
0x27: {  	s1 =	sld [smem:$0x3FAD]  }
0x28: {  	s2 =	sld [smem:$0x3FAE]  }
0x29: {  	s4 =	sld [smem:$0x3FB0]  }
0x2a: {  	p0 =	seq.s32 s5, $0x0;
	s5 =	sld [smem:$0x3FB1]  }
0x2b: {  	s6 =	sld [smem:$0x3FB2]  }
0x2c: {  	s7 =	sld [smem:$0x3FB3]  }
0x2d: {  	s3 =	simm.s32 $0x108;
	s8 =	sld [smem:$0x3FB4]  }
0x2e: {  	s3 =	simm.s32 @!p0 $0x1082;
	s9 =	sld [smem:$0x3FB5]  }
0x2f: {  	lr =	sadd.s32 s0, s3;
	s0 =	sld [smem:$0x3FAC]  }
0x30: {  	s3 =	sld [smem:$0x3FAF]  }
0x31: {  	[smem:$0x3FB8] =	sst s10  }
0x32: {  	s10 =	sld [smem:$0x3FB6];
	_ =	sdelay $0x3  }
0x33: {  	p0 =	seq.s32 s10, $0x1;
	s10 =	sld [smem:$0x3FB8];
	_ =	sdelay $0x3  }
0x34: {  	[smem:$0x3FB8] =	sst s10  }
0x35: {  	s10 =	sld [smem:$0x3FB7];
	_ =	sdelay $0x3  }
0x36: {  	p1 =	seq.s32 s10, $0x1;
	s10 =	sld [smem:$0x3FB8];
	_ =	sdelay $0x3  }
0x37: {  	[smem:$0x3FB8] =	sst s10  }
0x38: {  	s10 =	sld [smem:$0x3FB9]  }
0x39: {  	_ = 	snop;
	(pc) =	sbr.ind lr, $3  }
0x3a: {  	_ = 	snop  }
0x3b: {  	_ = 	snop  }
0x3c: {  	p2 =	seq.s32 s10, $0x1;
	s10 =	sld [smem:$0x3FB8]  }
0x3d: {  	_ =	shalt  }
0x3e: {  	_ =	shalt  }
0x3f: {  	_ =	shalt  }
0x40: {  	_ =	shalt  }
0x41: {  	_ =	shalt  }
0x42: {  	_ =	shalt  }
0x43: {  	_ =	shalt  }
0x44: {  	_ =	shalt  }
0x45: {  	_ =	shalt  }
0x46: {  	_ =	shalt  }
0x47: {  	_ =	shalt  }
0x48: {  	_ =	shalt  }
0x49: {  	_ =	shalt  }
0x4a: {  	_ =	shalt  }
0x4b: {  	_ =	shalt  }
0x4c: {  	_ =	shalt  }
0x4d: {  	_ =	shalt  }
0x4e: {  	_ =	shalt  }
0x4f: {  	_ =	shalt  }
0x50: {  	_ =	shalt  }
0x51: {  	_ =	shalt  }
0x52: {  	_ =	shalt  }
0x53: {  	_ =	shalt  }
0x54: {  	_ =	shalt  }
0x55: {  	_ =	shalt  }
0x56: {  	_ =	shalt  }
0x57: {  	_ =	shalt  }
0x58: {  	_ =	shalt  }
0x59: {  	_ =	shalt  }
0x5a: {  	_ =	shalt  }
0x5b: {  	_ =	shalt  }
0x5c: {  	_ =	shalt  }
0x5d: {  	_ =	shalt  }
0x5e: {  	_ =	shalt  }
0x5f: {  	_ =	shalt  }
0x60: {  	_ =	shalt  }
0x61: {  	_ =	shalt  }
0x62: {  	_ =	shalt  }
0x63: {  	_ =	shalt  }
0x64: {  	_ =	shalt  }
0x65: {  	_ =	shalt  }
0x66: {  	_ =	shalt  }
0x67: {  	_ =	shalt  }
0x68: {  	_ =	shalt  }
0x69: {  	_ =	shalt  }
0x6a: {  	_ =	shalt  }
0x6b: {  	_ =	shalt  }
0x6c: {  	_ =	shalt  }
0x6d: {  	_ =	shalt  }
0x6e: {  	_ =	shalt  }
0x6f: {  	_ =	shalt  }
0x70: {  	_ =	shalt  }
0x71: {  	_ =	shalt  }
0x72: {  	_ =	shalt  }
0x73: {  	_ =	shalt  }
0x74: {  	_ =	shalt  }
0x75: {  	_ =	shalt  }
0x76: {  	_ =	shalt  }
0x77: {  	_ =	shalt  }
0x78: {  	_ =	shalt  }
0x79: {  	_ =	shalt  }
0x7a: {  	_ =	shalt  }
0x7b: {  	_ =	shalt  }
0x7c: {  	_ =	shalt  }
0x7d: {  	_ =	shalt  }
0x7e: {  	_ =	shalt  }
0x7f: {  	_ =	shalt  }
0x80: {  	_ =	shalt  }
0x81: {  	_ =	shalt  }
0x82: {  	_ =	shalt  }
0x83: {  	_ =	shalt  }
0x84: {  	_ =	shalt  }
0x85: {  	_ =	shalt  }
0x86: {  	_ =	shalt  }
0x87: {  	_ =	shalt  }
.Lfunc_end0:
.L_simem_size_0:
called_computation.1_lowered:
.L_overlay_start_0:
0x88: {  	s2 =	sld [smem:$0x3FD9]  }
0x89: {  	s3 =	sld [smem:$0x3FFE];
	_ =	sdelay $0x1  }
0x8a: {  	s1 =	srdreg.scid  }
0x8b: {  	s0 =	sand.u32 $0x1, s1  }
0x8c: {  	s17 =	sshll.u32 s0, $0xA;
	s2 =	sadd.s32 s3, s2  }
0x8d: {  	s2 =	sadd.s32 s2, s17  }
0x8e: {  	[smem:$0x3FC4] =	sst s2  }
0x8f: {  	_ = 	snop  }
0x90: {  	s18 =	sld [smem:$0x3FC6];
	(tm) =	ssettm $0x1  }
0x91: {  	s19 =	sld [smem:$0x3FFB];
	_ =	sdelay $0x3  }
0x92: {  	_ =	strace s19  }
0x93: {  	s2 =	sld [smem:$0x3FFC];
	_ =	sdelay $0x3  }
0x94: {  	_ =	strace s2  }
0x95: {  	s2 =	sld [smem:$0x3FFD];
	_ =	sdelay $0x3  }
0x96: {  	_ =	strace s2  }
0x97: {  	_ =	strace $0x8FFFFFFF  }
0x98: {  	s20 =	sld [smem:$0x3FDB];
	_ =	sdelay $0x1  }
0x99: {  	s4 =	simm.s32 $_scs_section_size  }
0x9a: {  	s5 =	simm.s32 $_size__tile_overlayer_lowered;
	s6 =	simm.s32 $_tile_overlayer_lowered  }
0x9b: {  	s7 =	simm.s32 $0x1BFF;
	s21 =	sshll.u32 s6, $0x1;
	s4 =	sadd.s32 s4, s20  }
0x9c: {  	s22 =	simm.s32 $0x0;
	s5 =	sshll.u32 s5, $0x1;
	s6 =	sadd.s32 s21, s4  }
0x9d: {  	[timem:s22], [sflag:s7] =	dma.local [hbm:s6], s5  }
0x9e: {  	_ =	swait.ge [sflag:s7], s5  }
0x9f: {  	s5 =	ssub.s32 $0x0, s5;
	[sflag:s7] =	ssyncset.done $0x0  }
0xa0: {  	[sflag:s7] =	ssyncadd.s32 s5;
	_ =	sdelay $0x1  }
0xa1: {  	s23 =	simm.s32 $0x1B8B  }
0xa2: {  	_ =	swait.ge [sflag:s23], $0x1  }
0xa3: {  	[sflag:s23] =	ssyncset.done $0x0  }
0xa4: {  	[sflag:s23] =	ssyncadd.s32 $0xFFFFFFFF  }
0xa5: {  	s5 =	sld [smem:$0x0]  }
0xa6: {  	s6 =	sand.u32 $0xFFFFFFFE, s1  }
0xa7: {  	p0 =	sne.s32 s1, s6  }
0xa8: {  	s6 =	sshll.u32 @p0 s6, $0xE  }
0xa9: {  	s6 =	sadd.s32 @p0 $0x11B8D, s6;
	s7 =	sshll.u32 @p0 s5, $0x11  }
0xaa: {  	s6 =	sor.u32 @p0 s7, s6  }
0xab: {  	[sflag:s6] =	ssyncadd.remote.s32 @p0 $0x1;
	_ =	sdelay $0x1  }
0xac: {  	s6 =	simm.s32 @p0 $0x1B8D  }
0xad: {  	_ =	swait.eq @p0 [sflag:s6], $0x1  }
0xae: {  	[sflag:s6] =	ssyncadd.s32 @p0 $0xFFFFFFFF  }
0xaf: {  	s7 =	sshll.u32 @!p0 s1, $0xE  }
0xb0: {  	s7 =	sor.u32 @!p0 $0x4000, s7;
	s6 =	simm.s32 @!p0 $0x1B8D  }
0xb1: {  	s5 =	sshll.u32 @!p0 s5, $0x11;
	s7 =	sadd.s32 @!p0 $0x11B8D, s7;
	_ =	swait.eq @!p0 [sflag:s6], $0x1  }
0xb2: {  	s5 =	sor.u32 @!p0 s5, s7;
	[sflag:s6] =	ssyncadd.s32 @!p0 $0xFFFFFFFF  }
0xb3: {  	s25 =	simm.s32 $0x1B8E;
	s24 =	sld [smem:$0x3FFE];
	[sflag:s5] =	ssyncadd.remote.s32 @!p0 $0x1  }
0xb4: {  	s26 =	simm.s32 $execute0_lowered;
	[smem:$0x3FD2] =	sst s25  }
0xb5: {  	s6 =	sshll.u32 s26, $0x1;
	_ =	strace $0x80000049;
	[dreg:$0x1] =	wrdreg $0xFFFFFFFF  }
0xb6: {  	s28 =	simm.s32 $_size_execute0_lowered;
	s4 =	sadd.s32 s4, s6;
	[dreg:$0x0] =	wrdreg $0x0  }
0xb7: {  	s6 =	sshll.u32 s28, $0x1;
	[dreg:$0x2] =	wrdreg s4  }
0xb8: {  	[dreg:$0x3] =	wrdreg s6  }
0xb9: {  	[dreg:$0x4] =	wrdreg $0xC0  }
0xba: {  	_ =	task [dreg:s22], $0x5FFFF  }
0xbb: {  	[dreg:$0x1] =	wrdreg $0xFFFFFFFF  }
0xbc: {  	[dreg:$0x0] =	wrdreg $0x60  }
0xbd: {  	[dreg:$0x2] =	wrdreg s18  }
0xbe: {  	[dreg:$0x3] =	wrdreg s24  }
0xbf: {  	[dreg:$0x4] =	wrdreg $0xA  }
0xc0: {  	_ =	task.clear_ibuf [dreg:s22], $0x5FFFF;
	_ =	strace $0x90000049  }
0xc1: {  	s29 =	simm.s32 $0xA;
	_ =	strace $0x8000004B  }
0xc2: {  	_ =	swait.ge [sflag:s29], $0x1  }
0xc3: {  	[sflag:s29] =	ssyncadd.s32 $0xFFFFFFFF  }
0xc4: {  	_ =	strace $0x9000004B  }
0xc5: {  	_ =	sfence  }
0xc6: {  	s30 =	sld [smem:$0x0];
	_ =	sdelay $0x2  }
0xc7: {  	s31 =	sshll.u32 s1, $0xD;
	s1 =	sshrl.u32 s1, $0x2  }
0xc8: {  	s4 =	sand.u32 $0x4000, s31;
	s1 =	sadd.s32 s1, s30  }
0xc9: {  	s0 =	sor.u32 s4, s0;
	s1 =	sshll.u32 s1, $0x11  }
0xca: {  	s0 =	sor.u32 s1, s0  }
0xcb: {  	s0 =	sadd.s32 $0x8F2B, s0  }
0xcc: {  	[sflag:s0] =	ssyncadd.remote.s32 $0x1  }
0xcd: {  	_ =	sfence.sel $0xFFFF  }
0xce: {  	[dreg:$0x0] =	wrdreg $0xFFFFFFFF;
	(pc) =	sbr.abs _section_cstart, $3  }
0xcf: {  	[dreg:$0x1] =	wrdreg $0xFFFFFFFF  }
0xd0: {  	_ =	task.clear_ibuf [dreg:s22], $0x2FFFF;
	_ =	strace $0x9FFFFFFF  }
0xd1: {  	(tm) =	ssettm $0x7FFFFFFF  }
tec
execute0_lowered:
.L_overlay_start_1:
0x0: {  	(tag) =	ssettag $0x1  }
0x1: {  	s2 =	srdreg.scid;
	s0 =	stileid.u32  }
0x2: {  	s1 =	rddreg [dreg:$0x0];
	v2 =	vimm.s32 $0x1B80;
	vm0 =	vcmask $0x300;
	s5 =	sand.u32 $0x1, s2;
	s4 =	sshll.u32 s0, $0x1  }
0x3: {  	s9 =	rddreg [dreg:$0x1];
	v3 =	vimm.s32 $0x4B80;
	s3 =	simm.s32 $0x0;
	vm1 =	vcmask $0x704;
	vm15 =	vcmask $0xB08;
	s10 =	sor.u32 s5, s4  }
0x4: {  	vm4 =	vcmask $0xF0C;
	s13 =	simm.s32 $0xC000;
	s14 =	simm.s32 $0x6000;
	v2 =	vsel vm0, $0x0, v2;
	v3 =	vsel vm0, $0x3000, v3;
	s4 =	smul.u32 $0x29, s10  }
0x5: {  	vm5 =	vcmask $0x1310;
	s15 =	simm.s32 $0x12000;
	s2 =	rddreg [dreg:$0x2];
	v2 =	vsel vm1, $0x80, v2;
	v3 =	vsel vm1, $0x3080, v3;
	s6 =	ssub.s32 $0x2, s5  }
0x6: {  	vm6 =	vcmask $0x1714;
	[smem:$0x7FF] =	sst s3;
	v2 =	vsel vm15, $0x100, v2;
	v3 =	vsel vm15, $0x3100, v3;
	s7 =	sshrl.u32 s6, $0x1;
	s8 =	smin.u32 s4, $0x4EE  }
0x7: {  	vm7 =	vcmask $0x1B18;
	_ =	strace $0x8000004A;
	v2 =	vsel vm4, $0x180, v2;
	v3 =	vsel vm4, $0x3180, v3;
	s12 =	ssub.s32 s6, s7;
	s6 =	sadd.s32 $0x29, s8  }
0x8: {  	vm8 =	vcmask $0x1F1C;
	s11 =	smul.u32 $0x7B00, s10;
	p2 =	seq.s32 s10, $0x1F;
	v2 =	vsel vm5, $0x200, v2;
	v3 =	vsel vm5, $0x3200, v3;
	s31 =	ssub.s32 s6, s4  }
0x9: {  	vm9 =	vcmask $0x2320;
	p4 =	sne.s32 s10, $0x1F;
	v2 =	vsel vm6, $0x280, v2;
	v3 =	vsel vm6, $0x3280, v3;
	p1 =	sgt.s32 s31, $0x1;
	p5 =	seq.s32 s31, $0x1  }
0xa: {  	vm10 =	vcmask $0x2724;
	v2 =	vsel vm7, $0x300, v2;
	v3 =	vsel vm7, $0x3300, v3;
	p0 =	por !p2, !p1;
	p1 =	por !p4, !p1;
	p2 =	por !p2, !p5  }
0xb: {  	vm11 =	vcmask $0x2B28;
	v2 =	vsel vm8, $0x380, v2;
	v3 =	vsel vm8, $0x3380, v3;
	p6 =	por !p5, !p4;
	p0 =	por !p0, !p0;
	p3 =	por !p1, !p1  }
0xc: {  	vm12 =	vcmask $0x2F2C;
	v2 =	vsel vm9, $0x1800, v2;
	v3 =	vsel vm9, $0x4800, v3;
	p2 =	por !p2, !p2;
	p1 =	por !p6, !p6;
	p4 =	por p3, p0  }
0xd: {  	v0 =	vlaneseq.u32;
	s5 =	sadd.s32 $0x3D1600, s9;
	s9 =	sadd.s32 $0x7A1E00, s9;
	v2 =	vsel vm10, $0x1880, v2;
	v3 =	vsel vm10, $0x4880, v3;
	p1 =	por @!p4 !p1, p2  }
.Ltmp0:
0xe: {  	vm13 =	vcmask $0x3330;
	s7 =	sadd.s32 s1, s11;
	v2 =	vsel vm11, $0x1900, v2;
	v3 =	vsel vm11, $0x4900, v3;
	p1 =	por @!p0 p1, p3;
	(pc) =	sbr.rel .LBB2_1-.Ltmp0, $4  }
0xf: {  	vm14 =	vcmask $0x3734;
	s10 =	smax.u32 s12, $0x1;
	s11 =	simm.s32 $0x1800;
	v2 =	vsel vm12, $0x1980, v2;
	v3 =	vsel vm12, $0x4980, v3;
	p1 =	por p1, p0  }
0x10: {  	v1 =	vor.u32 $0xFFFFFD00, v0;
	s12 =	simm.s32 $0x7A1400;
	p2 =	por @!p0 !p2, p3;
	v2 =	vsel vm13, $0x1A00, v2;
	v3 =	vsel vm13, $0x4A00, v3;
	s16 =	simm.s32 @!p1 $0x0  }
0x11: {  	vm15 =	vcmask $0x3B38;
	s8 =	sadd.s32 $0xF4200, s1;
	p2 =	por p2, p0;
	v2 =	vsel vm14, $0x1A80, v2;
	v3 =	vsel vm14, $0x4A80, v3;
	s16 =	simm.s32 @p1 $0x1  }
0x12: {  	v4 =	vor.u32 $0x10, v0;
	p3 =	por !p3, p0;
	v2 =	vsel vm15, $0x1B00, v2;
	v3 =	vsel vm15, $0x4B00, v3;
	[smem:$0x7FD] =	sst s16;
	s16 =	simm.s32 $0x0  }
.LBB2_12:
0x13: {  	s17 =	sld [smem:$0x7FD];
	_ =	sdelay $0x2  }
0x14: {  	p1 =	seq.s32 s17, $0x1  }
0x15: {  	s17 =	simm.s32 @!p1 $0x2  }
0x16: {  	_ =	swait.ge @!p1 [sflag:s17], $0x6000  }
0x17: {  	[sflag:s17] =	ssyncset.done @!p1 $0x0  }
0x18: {  	[sflag:s17] =	ssyncadd.s32 @!p1 $0xFFFFA000;
	s17 =	simm.s32 @!p2 $0x2  }
0x19: {  	_ =	swait.ge @!p2 [sflag:s17], $0x800  }
0x1a: {  	[sflag:s17] =	ssyncset.done @!p2 $0x0  }
0x1b: {  	[sflag:s17] =	ssyncadd.s32 @!p2 $0xFFFFF800;
	s17 =	simm.s32 @!p3 $0x2  }
0x1c: {  	_ =	swait.ge @!p3 [sflag:s17], $0x6000  }
0x1d: {  	[sflag:s17] =	ssyncset.done @!p3 $0x0  }
0x1e: {  	[sflag:s17] =	ssyncadd.s32 @!p3 $0xFFFFA000  }
0x1f: {  	_ =	swait.ge @!p3 [sflag:s17], $0x6000  }
0x20: {  	[sflag:s17] =	ssyncset.done @!p3 $0x0  }
0x21: {  	s16 =	sadd.s32 $0x1, s16;
	[sflag:s17] =	ssyncadd.s32 @!p3 $0xFFFFA000;
	s17 =	simm.s32 @p0 $0x2  }
0x22: {  	p1 =	sne.s32 s16, s10;
	_ =	swait.ge @p0 [sflag:s17], $0x6000  }
.Ltmp1:
0x23: {  	[sflag:s17] =	ssyncset.done @p0 $0x0;
	(pc) =	sbr.rel @!p1 .LBB2_13-.Ltmp1, $4  }
0x24: {  	[sflag:s17] =	ssyncadd.s32 @p0 $0xFFFFA000  }
0x25: {  	_ =	swait.ge @p0 [sflag:s17], $0x800  }
0x26: {  	[sflag:s17] =	ssyncset.done @p0 $0x0  }
0x27: {  	[sflag:s17] =	ssyncadd.s32 @p0 $0xFFFFF800  }
.LBB2_1:
.Ltmp2:
0x28: {  	(pc) =	sbr.rel .LBB2_2-.Ltmp2, $3  }
0x29: {  	_ =	sdelay $0x1  }
0x2a: {  	[tilespmem:s3], [sflag:$0x1] =	stream.strided.gather [hbm4b:s7+s11], $0x6000, s12, s11, $0x38;
	[tilespmem:$0x18000] =	vst v63  }
0x2b: {  	s17 =	simm.s32 $0x0  }
.LBB2_10:
0x2c: {  	_ =	sdelay $0x2  }
0x2d: {  	v10 =	vsel vm0, v11, v10  }
0x2e: {  	[tilespmem:v9+s15+$0x0] =	vst.idx.msk $0xffff, v7;
	v7 =	vshll.u32 v10, $0x3  }
0x2f: {  	v36 =	vor.u32 v0, v5;
	v8 =	vld.idx.msk [tilespmem:v8+s14+$0x0], $0xffff;
	v11 =	vand.u32 $0x7F, v10;
	v7 =	vand.u32 $0xFFFFFC00, v7  }
0x30: {  	v5 =	vor.u32 v4, v5;
	v6 =	vld.idx.msk [tilespmem:v6+s14+$0x0], $0xffff;
	v7 =	vor.u32 v11, v7  }
0x31: {  	s20 =	sadd.s32 $0xFFFFFFFB, s19;
	v11 =	vadd.s32 v2, v7  }
0x32: {  	v12 =	vadd.s32 s20, v0;
	v7 =	vadd.s32 v3, v7  }
0x33: {  	v13 =	vadd.s32 s20, v1;
	vm10 =	vgt.u32 v12, $0x2FF  }
0x34: {  	v37 =	vsel vm10, v13, v12;
	[tilespmem:v36+s15+$0x0] =	vst.idx.msk $0xffff, v8  }
0x35: {  	v38 =	vshll.u32 v10, $0x5;
	[tilespmem:v5+s15+$0x0] =	vst.idx.msk $0xffff, v6;
	v5 =	vshll.u32 v37, $0x3  }
0x36: {  	v10 =	vor.u32 v0, v38;
	v39 =	vand.u32 $0x7F, v37;
	v5 =	vand.u32 $0xFFFFFC00, v5;
	v6 =	vld.idx.msk [tilespmem:v11+s14+$0x0], $0xffff  }
0x37: {  	v9 =	vor.u32 v4, v38;
	v7 =	vld.idx.msk [tilespmem:v7+s14+$0x0], $0xffff;
	v5 =	vor.u32 v39, v5  }
0x38: {  	s28 =	sadd.s32 $0xFFFFFFFC, s19;
	v11 =	vadd.s32 v2, v5  }
0x39: {  	v40 =	vadd.s32 s28, v0;
	v5 =	vadd.s32 v3, v5  }
0x3a: {  	v41 =	vadd.s32 s28, v1;
	vm11 =	vgt.u32 v40, $0x2FF  }
0x3b: {  	[tilespmem:v10+s15+$0x0] =	vst.idx.msk $0xffff, v6;
	v6 =	vsel vm11, v41, v40  }
0x3c: {  	v8 =	vshll.u32 v37, $0x5;
	[tilespmem:v9+s15+$0x0] =	vst.idx.msk $0xffff, v7;
	v7 =	vshll.u32 v6, $0x3  }
0x3d: {  	v42 =	vor.u32 v0, v8;
	v43 =	vand.u32 $0x7F, v6;
	v9 =	vld.idx.msk [tilespmem:v11+s14+$0x0], $0xffff;
	v7 =	vand.u32 $0xFFFFFC00, v7  }
0x3e: {  	v8 =	vor.u32 v4, v8;
	v5 =	vld.idx.msk [tilespmem:v5+s14+$0x0], $0xffff;
	v7 =	vor.u32 v43, v7  }
0x3f: {  	s29 =	sadd.s32 $0xFFFFFFFD, s19;
	v11 =	vadd.s32 v2, v7  }
0x40: {  	v44 =	vadd.s32 s29, v0;
	v7 =	vadd.s32 v3, v7  }
0x41: {  	v45 =	vadd.s32 s29, v1;
	vm12 =	vgt.u32 v44, $0x2FF  }
0x42: {  	v46 =	vsel vm12, v45, v44;
	[tilespmem:v42+s15+$0x0] =	vst.idx.msk $0xffff, v9  }
0x43: {  	v6 =	vshll.u32 v6, $0x5;
	[tilespmem:v8+s15+$0x0] =	vst.idx.msk $0xffff, v5;
	v5 =	vshll.u32 v46, $0x3  }
0x44: {  	v48 =	vand.u32 $0x7F, v46;
	v47 =	vor.u32 v0, v6;
	v8 =	vld.idx.msk [tilespmem:v11+s14+$0x0], $0xffff;
	v5 =	vand.u32 $0xFFFFFC00, v5  }
0x45: {  	v6 =	vor.u32 v4, v6;
	v7 =	vld.idx.msk [tilespmem:v7+s14+$0x0], $0xffff;
	v5 =	vor.u32 v48, v5  }
0x46: {  	s30 =	sadd.s32 $0xFFFFFFFE, s19;
	v11 =	vadd.s32 v2, v5  }
0x47: {  	v49 =	vadd.s32 s30, v0;
	v5 =	vadd.s32 v3, v5  }
0x48: {  	v50 =	vadd.s32 s30, v1;
	vm13 =	vgt.u32 v49, $0x2FF  }
0x49: {  	v51 =	vsel vm13, v50, v49;
	[tilespmem:v47+s15+$0x0] =	vst.idx.msk $0xffff, v8  }
0x4a: {  	v9 =	vshll.u32 v46, $0x5;
	[tilespmem:v6+s15+$0x0] =	vst.idx.msk $0xffff, v7;
	v6 =	vshll.u32 v51, $0x3  }
0x4b: {  	v53 =	vand.u32 $0x7F, v51;
	v52 =	vor.u32 v0, v9;
	v7 =	vld.idx.msk [tilespmem:v11+s14+$0x0], $0xffff;
	v6 =	vand.u32 $0xFFFFFC00, v6  }
0x4c: {  	v9 =	vor.u32 v4, v9;
	v5 =	vld.idx.msk [tilespmem:v5+s14+$0x0], $0xffff;
	v6 =	vor.u32 v53, v6  }
0x4d: {  	s31 =	sadd.s32 $0xFFFFFFFF, s19;
	v11 =	vadd.s32 v2, v6  }
0x4e: {  	v54 =	vadd.s32 s31, v0;
	v6 =	vadd.s32 v3, v6  }
0x4f: {  	v55 =	vadd.s32 s31, v1;
	vm14 =	vgt.u32 v54, $0x2FF  }
0x50: {  	[tilespmem:v52+s15+$0x0] =	vst.idx.msk $0xffff, v7;
	v7 =	vsel vm14, v55, v54  }
0x51: {  	v8 =	vshll.u32 v51, $0x5;
	[tilespmem:v9+s15+$0x0] =	vst.idx.msk $0xffff, v5;
	v5 =	vshll.u32 v7, $0x3  }
0x52: {  	v56 =	vor.u32 v0, v8;
	v57 =	vand.u32 $0x7F, v7;
	v9 =	vld.idx.msk [tilespmem:v11+s14+$0x0], $0xffff;
	v5 =	vand.u32 $0xFFFFFC00, v5  }
0x53: {  	v8 =	vor.u32 v4, v8;
	v6 =	vld.idx.msk [tilespmem:v6+s14+$0x0], $0xffff;
	v5 =	vor.u32 v57, v5  }
0x54: {  	v11 =	vadd.s32 v2, v5  }
0x55: {  	v58 =	vadd.s32 s19, v0;
	v5 =	vadd.s32 v3, v5  }
0x56: {  	v59 =	vadd.s32 s19, v1;
	vm15 =	vgt.u32 v58, $0x2FF  }
0x57: {  	v60 =	vsel vm15, v59, v58;
	[tilespmem:v56+s15+$0x0] =	vst.idx.msk $0xffff, v9  }
0x58: {  	v7 =	vshll.u32 v7, $0x5;
	[tilespmem:v8+s15+$0x0] =	vst.idx.msk $0xffff, v6;
	v6 =	vshll.u32 v60, $0x3  }
0x59: {  	v62 =	vand.u32 $0x7F, v60;
	v61 =	vor.u32 v0, v7;
	v8 =	vld.idx.msk [tilespmem:v11+s14+$0x0], $0xffff;
	v6 =	vand.u32 $0xFFFFFC00, v6  }
0x5a: {  	v7 =	vor.u32 v4, v7;
	v5 =	vld.idx.msk [tilespmem:v5+s14+$0x0], $0xffff;
	v6 =	vor.u32 v62, v6  }
0x5b: {  	v11 =	vadd.s32 v2, v6  }
0x5c: {  	v6 =	vadd.s32 v3, v6;
	_ =	sdelay $0x1  }
0x5d: {  	[tilespmem:v61+s15+$0x0] =	vst.idx.msk $0xffff, v8  }
0x5e: {  	v63 =	vshll.u32 v60, $0x5;
	[tilespmem:v7+s15+$0x0] =	vst.idx.msk $0xffff, v5  }
0x5f: {  	v7 =	vor.u32 v0, v63;
	v5 =	vld.idx.msk [tilespmem:v11+s14+$0x0], $0xffff  }
0x60: {  	v8 =	vor.u32 v4, v63;
	v6 =	vld.idx.msk [tilespmem:v6+s14+$0x0], $0xffff;
	_ =	sdelay $0x3  }
0x61: {  	[tilespmem:v7+s15+$0x0] =	vst.idx.msk $0xffff, v5  }
0x62: {  	s19 =	simm.s32 @p4 $0x0;
	s18 =	smul.u32 @!p4 $0xC00, s18;
	s20 =	simm.s32 @p4 $0x12000;
	[tilespmem:v8+s15+$0x0] =	vst.idx.msk $0xffff, v6  }
0x63: {  	[hbm4b:s9+s19] =	stream.linear.scatter @p4 [tilespmem:s20], [sflag:$0x2], $0x800, $0x38;
	[tilespmem:$0x18000] =	vst v63  }
0x64: {  	s18 =	sadd.s32 @!p4 s5, s18;
	s19 =	simm.s32 @!p4 $0x0;
	s20 =	simm.s32 @!p4 $0x12000  }
0x65: {  	[hbm4b:s18+s19] =	stream.linear.scatter @!p4 [tilespmem:s20], [sflag:$0x2], $0x6000, $0x38;
	[tilespmem:$0x18000] =	vst v63  }
.LBB2_11:
0x66: {  	s17 =	sadd.s32 $0x1, s17  }
0x67: {  	p1 =	sne.s32 s17, $0x15  }
.Ltmp3:
0x68: {  	_ = 	snop;
	(pc) =	sbr.rel @!p1 .LBB2_12-.Ltmp3, $1  }
0x69: {  	_ =	sdelay $0x3  }
.LBB2_2:
0x6a: {  	s18 =	sshll.u32 s17, $0x1  }
0x6b: {  	s19 =	sadd.s32 s4, s18  }
0x6c: {  	p4 =	slt.u32 s19, s6  }
.Ltmp4:
0x6d: {  	_ = 	snop;
	(pc) =	sbr.rel @!p4 .LBB2_3-.Ltmp4, $1  }
0x6e: {  	_ =	sdelay $0x3  }
0x6f: {  	p4 =	seq.s32 s19, $0x516  }
0x70: {  	s20 =	simm.s32 @p4 $0x1  }
0x71: {  	_ =	swait.ge @p4 [sflag:s20], $0x1000  }
0x72: {  	s18 =	sadd.s32 $0x1, s19;
	[sflag:s20] =	ssyncset.done @p4 $0x0  }
0x73: {  	p6 =	sge.u32 s18, s6;
	[sflag:s20] =	ssyncadd.s32 @p4 $0xFFFFF000;
	s20 =	simm.s32 @!p4 $0x1  }
0x74: {  	p1 =	seq.s32 @!p6 s18, $0x516;
	_ =	swait.ge @!p4 [sflag:s20], $0x6000  }
0x75: {  	p5 =	por !p1, p6;
	[sflag:s20] =	ssyncset.done @!p4 $0x0  }
0x76: {  	s21 =	simm.s32 @!p5 $0x6000;
	[sflag:s20] =	ssyncadd.s32 @!p4 $0xFFFFA000;
	s20 =	simm.s32 @!p5 $0x0  }
0x77: {  	[tilespmem:s21], [sflag:$0x1] =	stream.linear.gather @!p5 [hbm4b:s8+s20], $0x400, $0x38;
	[tilespmem:$0x18000] =	vst v63  }
0x78: {  	s31 =	simm.s32 $0x0;
	s22 =	simm.s32 @!p5 $0x7800;
	s21 =	sadd.s32 @!p5 $0xF4280, s8  }
0x79: {  	[tilespmem:s22], [sflag:$0x1] =	stream.linear.gather @!p5 [hbm4b:s21+s20], $0x400, $0x38;
	[tilespmem:$0x18000] =	vst v63  }
0x7a: {  	p6 =	por p1, p6;
	s21 =	sadd.s32 @!p5 $0x1E8500, s8;
	s22 =	simm.s32 @!p5 $0x9000  }
0x7b: {  	v5 =	vadd.s32 s31, v0;
	[tilespmem:s22], [sflag:$0x1] =	stream.linear.gather @!p5 [hbm4b:s21+s20], $0x400, $0x38;
	[tilespmem:$0x18000] =	vst v63  }
0x7c: {  	v6 =	vadd.s32 s31, v1;
	vm0 =	vgt.u32 v5, $0x2FF;
	s23 =	simm.s32 @!p5 $0xA800;
	s22 =	sadd.s32 @!p5 $0x2DC780, s8;
	s21 =	smul.u32 @!p6 $0x300, s18  }
0x7d: {  	v5 =	vsel vm0, v6, v5;
	[tilespmem:s23], [sflag:$0x1] =	stream.linear.gather @!p5 [hbm4b:s22+s20], $0x400, $0x38;
	[tilespmem:$0x18000] =	vst v63  }
0x7e: {  	v6 =	vshll.u32 v5, $0x3;
	s20 =	sadd.s32 @!p6 s1, s21  }
0x7f: {  	v7 =	vand.u32 $0x7F, v5;
	v6 =	vand.u32 $0xFFFFFC00, v6;
	s21 =	simm.s32 @!p6 $0x1800;
	s22 =	simm.s32 @!p6 $0x7A1400;
	s23 =	simm.s32 @!p6 $0x6000  }
0x80: {  	v6 =	vor.u32 v7, v6;
	[tilespmem:s23], [sflag:$0x1] =	stream.strided.gather @!p6 [hbm4b:s20+s21], $0x6000, s22, s21, $0x38;
	[tilespmem:$0x18000] =	vst v63  }
0x81: {  	p1 =	seq.s32 s17, $0x0;
	v7 =	vadd.s32 v2, v6;
	s22 =	simm.s32 $0x1  }
0x82: {  	v6 =	vadd.s32 v3, v6;
	s21 =	simm.s32 @!p1 $0x2;
	v8 =	vadd.s32 s22, v0  }
0x83: {  	_ =	swait.ge @!p1 [sflag:s21], $0x6000;
	v9 =	vadd.s32 s22, v1;
	vm0 =	vgt.u32 v8, $0x2FF  }
0x84: {  	[sflag:s21] =	ssyncset.done @!p1 $0x0;
	v8 =	vsel vm0, v9, v8  }
0x85: {  	v5 =	vshll.u32 v5, $0x5;
	[sflag:s21] =	ssyncadd.s32 @!p1 $0xFFFFA000;
	v9 =	vshll.u32 v8, $0x3  }
0x86: {  	v10 =	vor.u32 v0, v5;
	v7 =	vld.idx.msk [tilespmem:v7+s3+$0x0], $0xffff;
	v11 =	vand.u32 $0x7F, v8;
	v9 =	vand.u32 $0xFFFFFC00, v9  }
0x87: {  	v5 =	vor.u32 v4, v5;
	v6 =	vld.idx.msk [tilespmem:v6+s3+$0x0], $0xffff;
	v9 =	vor.u32 v11, v9  }
0x88: {  	s23 =	simm.s32 $0x2;
	v11 =	vadd.s32 v2, v9  }
0x89: {  	v12 =	vadd.s32 s23, v0;
	v9 =	vadd.s32 v3, v9  }
0x8a: {  	v13 =	vadd.s32 s23, v1;
	vm0 =	vgt.u32 v12, $0x2FF  }
0x8b: {  	[tilespmem:v10+s13+$0x0] =	vst.idx.msk $0xffff, v7;
	v7 =	vsel vm0, v13, v12  }
0x8c: {  	v8 =	vshll.u32 v8, $0x5;
	[tilespmem:v5+s13+$0x0] =	vst.idx.msk $0xffff, v6;
	v5 =	vshll.u32 v7, $0x3  }
0x8d: {  	v10 =	vor.u32 v0, v8;
	v5 =	vand.u32 $0xFFFFFC00, v5;
	v6 =	vld.idx.msk [tilespmem:v11+s3+$0x0], $0xffff;
	v11 =	vand.u32 $0x7F, v7  }
0x8e: {  	v8 =	vor.u32 v4, v8;
	v9 =	vld.idx.msk [tilespmem:v9+s3+$0x0], $0xffff;
	v5 =	vor.u32 v11, v5  }
0x8f: {  	s24 =	simm.s32 $0x3;
	v11 =	vadd.s32 v2, v5  }
0x90: {  	v51 =	vadd.s32 s24, v0;
	v5 =	vadd.s32 v3, v5  }
0x91: {  	v52 =	vadd.s32 s24, v1;
	vm0 =	vgt.u32 v51, $0x2FF  }
0x92: {  	[tilespmem:v10+s13+$0x0] =	vst.idx.msk $0xffff, v6;
	v6 =	vsel vm0, v52, v51  }
0x93: {  	v7 =	vshll.u32 v7, $0x5;
	[tilespmem:v8+s13+$0x0] =	vst.idx.msk $0xffff, v9;
	v8 =	vshll.u32 v6, $0x3  }
0x94: {  	v10 =	vor.u32 v0, v7;
	v9 =	vld.idx.msk [tilespmem:v11+s3+$0x0], $0xffff;
	v11 =	vand.u32 $0x7F, v6;
	v8 =	vand.u32 $0xFFFFFC00, v8  }
0x95: {  	v7 =	vor.u32 v4, v7;
	v5 =	vld.idx.msk [tilespmem:v5+s3+$0x0], $0xffff;
	v8 =	vor.u32 v11, v8  }
0x96: {  	s25 =	simm.s32 $0x4;
	v11 =	vadd.s32 v2, v8  }
0x97: {  	v53 =	vadd.s32 s25, v0;
	v8 =	vadd.s32 v3, v8  }
0x98: {  	v54 =	vadd.s32 s25, v1;
	vm0 =	vgt.u32 v53, $0x2FF  }
0x99: {  	[tilespmem:v10+s13+$0x0] =	vst.idx.msk $0xffff, v9;
	v9 =	vsel vm0, v54, v53  }
0x9a: {  	v6 =	vshll.u32 v6, $0x5;
	[tilespmem:v7+s13+$0x0] =	vst.idx.msk $0xffff, v5;
	v5 =	vshll.u32 v9, $0x3  }
0x9b: {  	v10 =	vor.u32 v0, v6;
	v7 =	vld.idx.msk [tilespmem:v11+s3+$0x0], $0xffff;
	v11 =	vand.u32 $0x7F, v9;
	v5 =	vand.u32 $0xFFFFFC00, v5  }
0x9c: {  	v6 =	vor.u32 v4, v6;
	v8 =	vld.idx.msk [tilespmem:v8+s3+$0x0], $0xffff;
	v5 =	vor.u32 v11, v5  }
0x9d: {  	s26 =	simm.s32 $0x5;
	v11 =	vadd.s32 v2, v5  }
0x9e: {  	v55 =	vadd.s32 s26, v0;
	v5 =	vadd.s32 v3, v5  }
0x9f: {  	v56 =	vadd.s32 s26, v1;
	vm0 =	vgt.u32 v55, $0x2FF  }
0xa0: {  	[tilespmem:v10+s13+$0x0] =	vst.idx.msk $0xffff, v7;
	v7 =	vsel vm0, v56, v55  }
0xa1: {  	v9 =	vshll.u32 v9, $0x5;
	[tilespmem:v6+s13+$0x0] =	vst.idx.msk $0xffff, v8;
	v6 =	vshll.u32 v7, $0x3  }
0xa2: {  	v10 =	vor.u32 v0, v9;
	v8 =	vld.idx.msk [tilespmem:v11+s3+$0x0], $0xffff;
	v11 =	vand.u32 $0x7F, v7;
	v6 =	vand.u32 $0xFFFFFC00, v6  }
0xa3: {  	v9 =	vor.u32 v4, v9;
	v5 =	vld.idx.msk [tilespmem:v5+s3+$0x0], $0xffff;
	v6 =	vor.u32 v11, v6  }
0xa4: {  	s28 =	simm.s32 $0x6;
	v11 =	vadd.s32 v2, v6  }
0xa5: {  	v57 =	vadd.s32 s28, v0;
	v6 =	vadd.s32 v3, v6  }
0xa6: {  	v58 =	vadd.s32 s28, v1;
	vm0 =	vgt.u32 v57, $0x2FF  }
0xa7: {  	[tilespmem:v10+s13+$0x0] =	vst.idx.msk $0xffff, v8;
	v8 =	vsel vm0, v58, v57  }
0xa8: {  	v7 =	vshll.u32 v7, $0x5;
	[tilespmem:v9+s13+$0x0] =	vst.idx.msk $0xffff, v5;
	v5 =	vshll.u32 v8, $0x3  }
0xa9: {  	v10 =	vor.u32 v0, v7;
	v9 =	vld.idx.msk [tilespmem:v11+s3+$0x0], $0xffff;
	v11 =	vand.u32 $0x7F, v8;
	v5 =	vand.u32 $0xFFFFFC00, v5  }
0xaa: {  	v7 =	vor.u32 v4, v7;
	v6 =	vld.idx.msk [tilespmem:v6+s3+$0x0], $0xffff;
	v5 =	vor.u32 v11, v5  }
0xab: {  	v11 =	vadd.s32 v2, v5  }
0xac: {  	s29 =	simm.s32 $0x7;
	v5 =	vadd.s32 v3, v5  }
0xad: {  	v59 =	vadd.s32 s29, v0  }
0xae: {  	v60 =	vadd.s32 s29, v1;
	vm0 =	vgt.u32 v59, $0x2FF;
	[tilespmem:v10+s13+$0x0] =	vst.idx.msk $0xffff, v9  }
0xaf: {  	v8 =	vshll.u32 v8, $0x5;
	v9 =	vsel vm0, v60, v59;
	[tilespmem:v7+s13+$0x0] =	vst.idx.msk $0xffff, v6  }
0xb0: {  	v10 =	vor.u32 v0, v8;
	v6 =	vshll.u32 v9, $0x3;
	v7 =	vld.idx.msk [tilespmem:v11+s3+$0x0], $0xffff  }
0xb1: {  	v8 =	vor.u32 v4, v8;
	v11 =	vand.u32 $0x7F, v9;
	v6 =	vand.u32 $0xFFFFFC00, v6;
	v5 =	vld.idx.msk [tilespmem:v5+s3+$0x0], $0xffff  }
0xb2: {  	v6 =	vor.u32 v11, v6  }
0xb3: {  	s30 =	simm.s32 $0x8;
	v11 =	vadd.s32 v2, v6  }
0xb4: {  	v61 =	vadd.s32 s30, v0;
	v6 =	vadd.s32 v3, v6  }
0xb5: {  	vm0 =	vgt.u32 v61, $0x2FF;
	[tilespmem:v10+s13+$0x0] =	vst.idx.msk $0xffff, v7;
	v7 =	vadd.s32 s30, v1  }
0xb6: {  	[tilespmem:v8+s13+$0x0] =	vst.idx.msk $0xffff, v5;
	v5 =	vsel vm0, v7, v61  }
0xb7: {  	v9 =	vshll.u32 v9, $0x5;
	v7 =	vshll.u32 v5, $0x3  }
0xb8: {  	v63 =	vor.u32 v0, v9;
	v62 =	vld.idx.msk [tilespmem:v11+s3+$0x0], $0xffff;
	v8 =	vand.u32 $0x7F, v5;
	v7 =	vand.u32 $0xFFFFFC00, v7  }
0xb9: {  	v9 =	vor.u32 v4, v9;
	v11 =	vor.u32 v8, v7;
	v7 =	vld.idx.msk [tilespmem:v6+s3+$0x0], $0xffff  }
0xba: {  	v8 =	vadd.s32 v2, v11  }
0xbb: {  	s31 =	simm.s32 $0x9;
	v6 =	vadd.s32 v3, v11  }
0xbc: {  	v10 =	vadd.s32 s31, v0  }
0xbd: {  	s20 =	simm.s32 $0xF;
	s21 =	simm.s32 $0x17;
	vm0 =	vgt.u32 v10, $0x2FF;
	v5 =	vshll.u32 v5, $0x5;
	v11 =	vadd.s32 s31, v1;
	[tilespmem:v63+s13+$0x0] =	vst.idx.msk $0xffff, v62  }
.LBB2_5:
0xbe: {  	p5 =	sne.s32 s21, $0x2FF;
	v10 =	vsel vm0, v11, v10;
	[tilespmem:v9+s13+$0x0] =	vst.idx.msk $0xffff, v7;
	s22 =	smov.u32 s21;
	s21 =	sadd.s32 $0x8, s21  }
0xbf: {  	v7 =	vld.idx.msk [tilespmem:v8+s3+$0x0], $0xffff;
	v8 =	vshll.u32 v10, $0x3;
	v9 =	vshll.u32 v10, $0x5  }
0xc0: {  	v11 =	vor.u32 v0, v5;
	v10 =	vand.u32 $0x7F, v10;
	v6 =	vld.idx.msk [tilespmem:v6+s3+$0x0], $0xffff;
	v8 =	vand.u32 $0xFFFFFC00, v8  }
0xc1: {  	v5 =	vor.u32 v4, v5;
	v8 =	vor.u32 v10, v8  }
0xc2: {  	v10 =	vadd.s32 v2, v8  }
0xc3: {  	s23 =	sadd.s32 $0xFFFFFFFB, s20;
	v8 =	vadd.s32 v3, v8  }
0xc4: {  	v12 =	vadd.s32 s23, v0  }
0xc5: {  	vm0 =	vgt.u32 v12, $0x2FF;
	[tilespmem:v11+s13+$0x0] =	vst.idx.msk $0xffff, v7;
	v7 =	vadd.s32 s23, v1  }
0xc6: {  	[tilespmem:v5+s13+$0x0] =	vst.idx.msk $0xffff, v6;
	v5 =	vsel vm0, v7, v12  }
0xc7: {  	v6 =	vld.idx.msk [tilespmem:v10+s3+$0x0], $0xffff;
	v7 =	vshll.u32 v5, $0x3;
	v10 =	vshll.u32 v5, $0x5  }
0xc8: {  	v11 =	vor.u32 v0, v9;
	v5 =	vand.u32 $0x7F, v5;
	v8 =	vld.idx.msk [tilespmem:v8+s3+$0x0], $0xffff;
	v7 =	vand.u32 $0xFFFFFC00, v7  }
0xc9: {  	v9 =	vor.u32 v4, v9;
	v5 =	vor.u32 v5, v7  }
0xca: {  	v7 =	vadd.s32 v2, v5  }
0xcb: {  	s23 =	sadd.s32 $0xFFFFFFFC, s20;
	v5 =	vadd.s32 v3, v5  }
0xcc: {  	v12 =	vadd.s32 s23, v0  }
0xcd: {  	vm0 =	vgt.u32 v12, $0x2FF;
	[tilespmem:v11+s13+$0x0] =	vst.idx.msk $0xffff, v6;
	v6 =	vadd.s32 s23, v1  }
0xce: {  	[tilespmem:v9+s13+$0x0] =	vst.idx.msk $0xffff, v8;
	v6 =	vsel vm0, v6, v12  }
0xcf: {  	v7 =	vld.idx.msk [tilespmem:v7+s3+$0x0], $0xffff;
	v8 =	vshll.u32 v6, $0x3;
	v9 =	vshll.u32 v6, $0x5  }
0xd0: {  	v11 =	vor.u32 v0, v10;
	v6 =	vand.u32 $0x7F, v6;
	v5 =	vld.idx.msk [tilespmem:v5+s3+$0x0], $0xffff;
	v8 =	vand.u32 $0xFFFFFC00, v8  }
0xd1: {  	v10 =	vor.u32 v4, v10;
	v6 =	vor.u32 v6, v8  }
0xd2: {  	v8 =	vadd.s32 v2, v6  }
0xd3: {  	s23 =	sadd.s32 $0xFFFFFFFD, s20;
	v6 =	vadd.s32 v3, v6  }
0xd4: {  	v12 =	vadd.s32 s23, v0  }
0xd5: {  	vm0 =	vgt.u32 v12, $0x2FF;
	[tilespmem:v11+s13+$0x0] =	vst.idx.msk $0xffff, v7;
	v7 =	vadd.s32 s23, v1  }
0xd6: {  	[tilespmem:v10+s13+$0x0] =	vst.idx.msk $0xffff, v5;
	v5 =	vsel vm0, v7, v12  }
0xd7: {  	v7 =	vld.idx.msk [tilespmem:v8+s3+$0x0], $0xffff;
	v8 =	vshll.u32 v5, $0x3;
	v10 =	vshll.u32 v5, $0x5  }
0xd8: {  	v11 =	vor.u32 v0, v9;
	v5 =	vand.u32 $0x7F, v5;
	v6 =	vld.idx.msk [tilespmem:v6+s3+$0x0], $0xffff;
	v8 =	vand.u32 $0xFFFFFC00, v8  }
0xd9: {  	v9 =	vor.u32 v4, v9;
	v5 =	vor.u32 v5, v8  }
0xda: {  	v8 =	vadd.s32 v2, v5  }
0xdb: {  	s23 =	sadd.s32 $0xFFFFFFFE, s20;
	v5 =	vadd.s32 v3, v5  }
0xdc: {  	v12 =	vadd.s32 s23, v0  }
0xdd: {  	vm0 =	vgt.u32 v12, $0x2FF;
	[tilespmem:v11+s13+$0x0] =	vst.idx.msk $0xffff, v7;
	v7 =	vadd.s32 s23, v1  }
0xde: {  	[tilespmem:v9+s13+$0x0] =	vst.idx.msk $0xffff, v6;
	v6 =	vsel vm0, v7, v12  }
0xdf: {  	v7 =	vld.idx.msk [tilespmem:v8+s3+$0x0], $0xffff;
	v8 =	vshll.u32 v6, $0x3;
	v9 =	vshll.u32 v6, $0x5  }
0xe0: {  	v11 =	vor.u32 v0, v10;
	v6 =	vand.u32 $0x7F, v6;
	v5 =	vld.idx.msk [tilespmem:v5+s3+$0x0], $0xffff;
	v8 =	vand.u32 $0xFFFFFC00, v8  }
0xe1: {  	v10 =	vor.u32 v4, v10;
	v6 =	vor.u32 v6, v8  }
0xe2: {  	v8 =	vadd.s32 v2, v6  }
0xe3: {  	s23 =	sadd.s32 $0xFFFFFFFF, s20;
	v6 =	vadd.s32 v3, v6  }
0xe4: {  	v12 =	vadd.s32 s23, v0  }
0xe5: {  	vm0 =	vgt.u32 v12, $0x2FF;
	[tilespmem:v11+s13+$0x0] =	vst.idx.msk $0xffff, v7;
	v7 =	vadd.s32 s23, v1  }
0xe6: {  	[tilespmem:v10+s13+$0x0] =	vst.idx.msk $0xffff, v5;
	v5 =	vsel vm0, v7, v12  }
0xe7: {  	v7 =	vld.idx.msk [tilespmem:v8+s3+$0x0], $0xffff;
	v8 =	vshll.u32 v5, $0x3;
	v10 =	vshll.u32 v5, $0x5  }
0xe8: {  	v11 =	vor.u32 v0, v9;
	v5 =	vand.u32 $0x7F, v5;
	v6 =	vld.idx.msk [tilespmem:v6+s3+$0x0], $0xffff;
	v8 =	vand.u32 $0xFFFFFC00, v8  }
0xe9: {  	v9 =	vor.u32 v4, v9;
	v5 =	vor.u32 v5, v8  }
0xea: {  	v8 =	vadd.s32 v2, v5  }
0xeb: {  	v5 =	vadd.s32 v3, v5  }
0xec: {  	v12 =	vadd.s32 s20, v0  }
0xed: {  	vm0 =	vgt.u32 v12, $0x2FF;
	[tilespmem:v11+s13+$0x0] =	vst.idx.msk $0xffff, v7;
	v7 =	vadd.s32 s20, v1;
	s20 =	smov.u32 s22  }
0xee: {  	[tilespmem:v9+s13+$0x0] =	vst.idx.msk $0xffff, v6;
	v6 =	vsel vm0, v7, v12  }
0xef: {  	v7 =	vld.idx.msk [tilespmem:v8+s3+$0x0], $0xffff;
	v8 =	vshll.u32 v6, $0x3;
	v9 =	vshll.u32 v6, $0x5  }
0xf0: {  	v11 =	vor.u32 v0, v10;
	v6 =	vand.u32 $0x7F, v6;
	v5 =	vld.idx.msk [tilespmem:v5+s3+$0x0], $0xffff;
	v8 =	vand.u32 $0xFFFFFC00, v8  }
0xf1: {  	v10 =	vor.u32 v4, v10;
	v6 =	vor.u32 v6, v8  }
0xf2: {  	v8 =	vadd.s32 v2, v6  }
0xf3: {  	s22 =	sadd.s32 $0xFFFFFFF9, s20;
	v6 =	vadd.s32 v3, v6  }
0xf4: {  	v12 =	vadd.s32 s22, v0  }
0xf5: {  	v13 =	vadd.s32 s22, v1;
	vm0 =	vgt.u32 v12, $0x2FF;
	[tilespmem:v11+s13+$0x0] =	vst.idx.msk $0xffff, v7  }
0xf6: {  	v7 =	vsel vm0, v13, v12;
	[tilespmem:v10+s13+$0x0] =	vst.idx.msk $0xffff, v5  }
0xf7: {  	v10 =	vshll.u32 v7, $0x3;
	v5 =	vshll.u32 v7, $0x5;
	v12 =	vld.idx.msk [tilespmem:v8+s3+$0x0], $0xffff  }
0xf8: {  	v13 =	vor.u32 v0, v9;
	v8 =	vand.u32 $0x7F, v7;
	v10 =	vand.u32 $0xFFFFFC00, v10;
	v7 =	vld.idx.msk [tilespmem:v6+s3+$0x0], $0xffff  }
.Ltmp5:
0xf9: {  	v9 =	vor.u32 v4, v9;
	v6 =	vor.u32 v8, v10;
	(pc) =	sbr.rel @p5 .LBB2_5-.Ltmp5, $4  }
0xfa: {  	v8 =	vadd.s32 v2, v6;
	v6 =	vadd.s32 v3, v6  }
0xfb: {  	s22 =	sadd.s32 $0xFFFFFFFA, s20  }
0xfc: {  	v10 =	vadd.s32 s22, v0  }
0xfd: {  	v11 =	vadd.s32 s22, v1;
	vm0 =	vgt.u32 v10, $0x2FF;
	[tilespmem:v13+s13+$0x0] =	vst.idx.msk $0xffff, v12  }
0xfe: {  	_ =	sdelay $0x2  }
0xff: {  	v10 =	vsel vm0, v11, v10  }
0x100: {  	[tilespmem:v9+s13+$0x0] =	vst.idx.msk $0xffff, v7;
	v7 =	vshll.u32 v10, $0x3  }
0x101: {  	v36 =	vor.u32 v0, v5;
	v8 =	vld.idx.msk [tilespmem:v8+s3+$0x0], $0xffff;
	v11 =	vand.u32 $0x7F, v10;
	v7 =	vand.u32 $0xFFFFFC00, v7  }
0x102: {  	v5 =	vor.u32 v4, v5;
	v6 =	vld.idx.msk [tilespmem:v6+s3+$0x0], $0xffff;
	v7 =	vor.u32 v11, v7  }
0x103: {  	s21 =	sadd.s32 $0xFFFFFFFB, s20;
	v11 =	vadd.s32 v2, v7  }
0x104: {  	v12 =	vadd.s32 s21, v0;
	v7 =	vadd.s32 v3, v7  }
0x105: {  	v13 =	vadd.s32 s21, v1;
	vm10 =	vgt.u32 v12, $0x2FF  }
0x106: {  	v37 =	vsel vm10, v13, v12;
	[tilespmem:v36+s13+$0x0] =	vst.idx.msk $0xffff, v8  }
0x107: {  	v38 =	vshll.u32 v10, $0x5;
	[tilespmem:v5+s13+$0x0] =	vst.idx.msk $0xffff, v6;
	v5 =	vshll.u32 v37, $0x3  }
0x108: {  	v10 =	vor.u32 v0, v38;
	v39 =	vand.u32 $0x7F, v37;
	v5 =	vand.u32 $0xFFFFFC00, v5;
	v6 =	vld.idx.msk [tilespmem:v11+s3+$0x0], $0xffff  }
0x109: {  	v9 =	vor.u32 v4, v38;
	v7 =	vld.idx.msk [tilespmem:v7+s3+$0x0], $0xffff;
	v5 =	vor.u32 v39, v5  }
0x10a: {  	s28 =	sadd.s32 $0xFFFFFFFC, s20;
	v11 =	vadd.s32 v2, v5  }
0x10b: {  	v40 =	vadd.s32 s28, v0;
	v5 =	vadd.s32 v3, v5  }
0x10c: {  	v41 =	vadd.s32 s28, v1;
	vm11 =	vgt.u32 v40, $0x2FF  }
0x10d: {  	[tilespmem:v10+s13+$0x0] =	vst.idx.msk $0xffff, v6;
	v6 =	vsel vm11, v41, v40  }
0x10e: {  	v8 =	vshll.u32 v37, $0x5;
	[tilespmem:v9+s13+$0x0] =	vst.idx.msk $0xffff, v7;
	v7 =	vshll.u32 v6, $0x3  }
0x10f: {  	v42 =	vor.u32 v0, v8;
	v43 =	vand.u32 $0x7F, v6;
	v9 =	vld.idx.msk [tilespmem:v11+s3+$0x0], $0xffff;
	v7 =	vand.u32 $0xFFFFFC00, v7  }
0x110: {  	v8 =	vor.u32 v4, v8;
	v5 =	vld.idx.msk [tilespmem:v5+s3+$0x0], $0xffff;
	v7 =	vor.u32 v43, v7  }
0x111: {  	s29 =	sadd.s32 $0xFFFFFFFD, s20;
	v11 =	vadd.s32 v2, v7  }
0x112: {  	v44 =	vadd.s32 s29, v0;
	v7 =	vadd.s32 v3, v7  }
0x113: {  	v45 =	vadd.s32 s29, v1;
	vm12 =	vgt.u32 v44, $0x2FF  }
0x114: {  	v46 =	vsel vm12, v45, v44;
	[tilespmem:v42+s13+$0x0] =	vst.idx.msk $0xffff, v9  }
0x115: {  	v6 =	vshll.u32 v6, $0x5;
	[tilespmem:v8+s13+$0x0] =	vst.idx.msk $0xffff, v5;
	v5 =	vshll.u32 v46, $0x3  }
0x116: {  	v48 =	vand.u32 $0x7F, v46;
	v47 =	vor.u32 v0, v6;
	v8 =	vld.idx.msk [tilespmem:v11+s3+$0x0], $0xffff;
	v5 =	vand.u32 $0xFFFFFC00, v5  }
0x117: {  	v6 =	vor.u32 v4, v6;
	v7 =	vld.idx.msk [tilespmem:v7+s3+$0x0], $0xffff;
	v5 =	vor.u32 v48, v5  }
0x118: {  	s30 =	sadd.s32 $0xFFFFFFFE, s20;
	v11 =	vadd.s32 v2, v5  }
0x119: {  	v49 =	vadd.s32 s30, v0;
	v5 =	vadd.s32 v3, v5  }
0x11a: {  	v50 =	vadd.s32 s30, v1;
	vm13 =	vgt.u32 v49, $0x2FF  }
0x11b: {  	v51 =	vsel vm13, v50, v49;
	[tilespmem:v47+s13+$0x0] =	vst.idx.msk $0xffff, v8  }
0x11c: {  	v9 =	vshll.u32 v46, $0x5;
	[tilespmem:v6+s13+$0x0] =	vst.idx.msk $0xffff, v7;
	v6 =	vshll.u32 v51, $0x3  }
0x11d: {  	v53 =	vand.u32 $0x7F, v51;
	v52 =	vor.u32 v0, v9;
	v7 =	vld.idx.msk [tilespmem:v11+s3+$0x0], $0xffff;
	v6 =	vand.u32 $0xFFFFFC00, v6  }
0x11e: {  	v9 =	vor.u32 v4, v9;
	v5 =	vld.idx.msk [tilespmem:v5+s3+$0x0], $0xffff;
	v6 =	vor.u32 v53, v6  }
0x11f: {  	s31 =	sadd.s32 $0xFFFFFFFF, s20;
	v11 =	vadd.s32 v2, v6  }
0x120: {  	v54 =	vadd.s32 s31, v0;
	v6 =	vadd.s32 v3, v6  }
0x121: {  	v55 =	vadd.s32 s31, v1;
	vm14 =	vgt.u32 v54, $0x2FF  }
0x122: {  	[tilespmem:v52+s13+$0x0] =	vst.idx.msk $0xffff, v7;
	v7 =	vsel vm14, v55, v54  }
0x123: {  	v8 =	vshll.u32 v51, $0x5;
	[tilespmem:v9+s13+$0x0] =	vst.idx.msk $0xffff, v5;
	v5 =	vshll.u32 v7, $0x3  }
0x124: {  	v56 =	vor.u32 v0, v8;
	v57 =	vand.u32 $0x7F, v7;
	v9 =	vld.idx.msk [tilespmem:v11+s3+$0x0], $0xffff;
	v5 =	vand.u32 $0xFFFFFC00, v5  }
0x125: {  	v8 =	vor.u32 v4, v8;
	v6 =	vld.idx.msk [tilespmem:v6+s3+$0x0], $0xffff;
	v5 =	vor.u32 v57, v5  }
0x126: {  	v11 =	vadd.s32 v2, v5  }
0x127: {  	v58 =	vadd.s32 s20, v0;
	v5 =	vadd.s32 v3, v5  }
0x128: {  	v59 =	vadd.s32 s20, v1;
	vm15 =	vgt.u32 v58, $0x2FF  }
0x129: {  	v60 =	vsel vm15, v59, v58;
	[tilespmem:v56+s13+$0x0] =	vst.idx.msk $0xffff, v9  }
0x12a: {  	v7 =	vshll.u32 v7, $0x5;
	[tilespmem:v8+s13+$0x0] =	vst.idx.msk $0xffff, v6;
	v6 =	vshll.u32 v60, $0x3  }
0x12b: {  	v62 =	vand.u32 $0x7F, v60;
	v61 =	vor.u32 v0, v7;
	v8 =	vld.idx.msk [tilespmem:v11+s3+$0x0], $0xffff;
	v6 =	vand.u32 $0xFFFFFC00, v6  }
0x12c: {  	v7 =	vor.u32 v4, v7;
	v5 =	vld.idx.msk [tilespmem:v5+s3+$0x0], $0xffff;
	v6 =	vor.u32 v62, v6  }
0x12d: {  	v11 =	vadd.s32 v2, v6  }
0x12e: {  	v6 =	vadd.s32 v3, v6;
	_ =	sdelay $0x1  }
0x12f: {  	[tilespmem:v61+s13+$0x0] =	vst.idx.msk $0xffff, v8  }
0x130: {  	v63 =	vshll.u32 v60, $0x5;
	[tilespmem:v7+s13+$0x0] =	vst.idx.msk $0xffff, v5  }
0x131: {  	v7 =	vor.u32 v0, v63;
	v5 =	vld.idx.msk [tilespmem:v11+s3+$0x0], $0xffff  }
0x132: {  	v8 =	vor.u32 v4, v63;
	v6 =	vld.idx.msk [tilespmem:v6+s3+$0x0], $0xffff;
	_ =	sdelay $0x3  }
.Ltmp6:
0x133: {  	s20 =	simm.s32 @p4 $0x0;
	[tilespmem:v7+s13+$0x0] =	vst.idx.msk $0xffff, v5;
	(pc) =	sbr.rel .LBB2_7-.Ltmp6, $4  }
0x134: {  	s22 =	smul.u32 @!p4 $0xC00, s19;
	s18 =	simm.s32 @p4 $0x517;
	s21 =	simm.s32 @p4 $0xC000;
	[tilespmem:v8+s13+$0x0] =	vst.idx.msk $0xffff, v6  }
0x135: {  	[hbm4b:s9+s20] =	stream.linear.scatter @p4 [tilespmem:s21], [sflag:$0x2], $0x800, $0x38;
	[tilespmem:$0x18000] =	vst v63  }
0x136: {  	s20 =	sadd.s32 @!p4 s5, s22;
	s21 =	simm.s32 @!p4 $0x0;
	s22 =	simm.s32 @!p4 $0xC000  }
0x137: {  	[hbm4b:s20+s21] =	stream.linear.scatter @!p4 [tilespmem:s22], [sflag:$0x2], $0x6000, $0x38;
	[tilespmem:$0x18000] =	vst v63  }
.LBB2_3:
0x138: {  	s18 =	sadd.s32 $0x1, s19  }
.LBB2_7:
0x139: {  	p1 =	sge.u32 s18, s6  }
.Ltmp7:
0x13a: {  	_ = 	snop;
	(pc) =	sbr.rel @p1 .LBB2_11-.Ltmp7, $1  }
0x13b: {  	_ =	sdelay $0x3  }
0x13c: {  	p4 =	seq.s32 s18, $0x516  }
0x13d: {  	s20 =	simm.s32 @p4 $0x1  }
0x13e: {  	_ =	swait.ge @p4 [sflag:s20], $0x1000  }
0x13f: {  	s19 =	sadd.s32 $0x2, s19;
	[sflag:s20] =	ssyncset.done @p4 $0x0  }
0x140: {  	p6 =	sge.u32 s19, s6;
	[sflag:s20] =	ssyncadd.s32 @p4 $0xFFFFF000;
	s20 =	simm.s32 @!p4 $0x1  }
0x141: {  	p1 =	seq.s32 @!p6 s19, $0x516;
	_ =	swait.ge @!p4 [sflag:s20], $0x6000  }
0x142: {  	p5 =	por !p1, p6;
	[sflag:s20] =	ssyncset.done @!p4 $0x0  }
0x143: {  	s31 =	simm.s32 $0x0;
	[sflag:s20] =	ssyncadd.s32 @!p4 $0xFFFFA000;
	s20 =	simm.s32 @!p5 $0x0  }
0x144: {  	[tilespmem:s20], [sflag:$0x1] =	stream.linear.gather @!p5 [hbm4b:s8+s20], $0x400, $0x38;
	[tilespmem:$0x18000] =	vst v63  }
0x145: {  	p6 =	por p1, p6;
	s21 =	sadd.s32 @!p5 $0xF4280, s8;
	s22 =	simm.s32 @!p5 $0x1800  }
0x146: {  	[tilespmem:s22], [sflag:$0x1] =	stream.linear.gather @!p5 [hbm4b:s21+s20], $0x400, $0x38;
	[tilespmem:$0x18000] =	vst v63  }
0x147: {  	v5 =	vadd.s32 s31, v0;
	s19 =	smul.u32 @!p6 $0x300, s19;
	s21 =	sadd.s32 @!p5 $0x1E8500, s8;
	s22 =	simm.s32 @!p5 $0x3000  }
0x148: {  	v6 =	vadd.s32 s31, v1;
	vm0 =	vgt.u32 v5, $0x2FF;
	[tilespmem:s22], [sflag:$0x1] =	stream.linear.gather @!p5 [hbm4b:s21+s20], $0x400, $0x38;
	[tilespmem:$0x18000] =	vst v63  }
0x149: {  	v5 =	vsel vm0, v6, v5;
	s19 =	sadd.s32 @!p6 s1, s19;
	s22 =	sadd.s32 @!p5 $0x2DC780, s8;
	s21 =	simm.s32 @!p5 $0x4800  }
0x14a: {  	v6 =	vshll.u32 v5, $0x3;
	[tilespmem:s21], [sflag:$0x1] =	stream.linear.gather @!p5 [hbm4b:s22+s20], $0x400, $0x38;
	[tilespmem:$0x18000] =	vst v63  }
0x14b: {  	v7 =	vand.u32 $0x7F, v5;
	v6 =	vand.u32 $0xFFFFFC00, v6;
	s20 =	simm.s32 @!p6 $0x1800;
	s21 =	simm.s32 @!p6 $0x7A1400;
	s22 =	simm.s32 @!p6 $0x0  }
0x14c: {  	v6 =	vor.u32 v7, v6;
	[tilespmem:s22], [sflag:$0x1] =	stream.strided.gather @!p6 [hbm4b:s19+s20], $0x6000, s21, s20, $0x38;
	[tilespmem:$0x18000] =	vst v63  }
0x14d: {  	p1 =	seq.s32 s17, $0x0;
	v7 =	vadd.s32 v2, v6;
	s22 =	simm.s32 $0x1  }
0x14e: {  	v6 =	vadd.s32 v3, v6;
	s20 =	simm.s32 @!p1 $0x2;
	v8 =	vadd.s32 s22, v0  }
0x14f: {  	_ =	swait.ge @!p1 [sflag:s20], $0x6000;
	v9 =	vadd.s32 s22, v1;
	vm0 =	vgt.u32 v8, $0x2FF  }
0x150: {  	[sflag:s20] =	ssyncset.done @!p1 $0x0;
	v8 =	vsel vm0, v9, v8  }
0x151: {  	v5 =	vshll.u32 v5, $0x5;
	[sflag:s20] =	ssyncadd.s32 @!p1 $0xFFFFA000;
	v9 =	vshll.u32 v8, $0x3  }
0x152: {  	v10 =	vor.u32 v0, v5;
	v7 =	vld.idx.msk [tilespmem:v7+s14+$0x0], $0xffff;
	v11 =	vand.u32 $0x7F, v8;
	v9 =	vand.u32 $0xFFFFFC00, v9  }
0x153: {  	v5 =	vor.u32 v4, v5;
	v6 =	vld.idx.msk [tilespmem:v6+s14+$0x0], $0xffff;
	v9 =	vor.u32 v11, v9  }
0x154: {  	s23 =	simm.s32 $0x2;
	v11 =	vadd.s32 v2, v9  }
0x155: {  	v12 =	vadd.s32 s23, v0;
	v9 =	vadd.s32 v3, v9  }
0x156: {  	v13 =	vadd.s32 s23, v1;
	vm0 =	vgt.u32 v12, $0x2FF  }
0x157: {  	[tilespmem:v10+s15+$0x0] =	vst.idx.msk $0xffff, v7;
	v7 =	vsel vm0, v13, v12  }
0x158: {  	v8 =	vshll.u32 v8, $0x5;
	[tilespmem:v5+s15+$0x0] =	vst.idx.msk $0xffff, v6;
	v5 =	vshll.u32 v7, $0x3  }
0x159: {  	v10 =	vor.u32 v0, v8;
	v5 =	vand.u32 $0xFFFFFC00, v5;
	v6 =	vld.idx.msk [tilespmem:v11+s14+$0x0], $0xffff;
	v11 =	vand.u32 $0x7F, v7  }
0x15a: {  	v8 =	vor.u32 v4, v8;
	v9 =	vld.idx.msk [tilespmem:v9+s14+$0x0], $0xffff;
	v5 =	vor.u32 v11, v5  }
0x15b: {  	s24 =	simm.s32 $0x3;
	v11 =	vadd.s32 v2, v5  }
0x15c: {  	v51 =	vadd.s32 s24, v0;
	v5 =	vadd.s32 v3, v5  }
0x15d: {  	v52 =	vadd.s32 s24, v1;
	vm0 =	vgt.u32 v51, $0x2FF  }
0x15e: {  	[tilespmem:v10+s15+$0x0] =	vst.idx.msk $0xffff, v6;
	v6 =	vsel vm0, v52, v51  }
0x15f: {  	v7 =	vshll.u32 v7, $0x5;
	[tilespmem:v8+s15+$0x0] =	vst.idx.msk $0xffff, v9;
	v8 =	vshll.u32 v6, $0x3  }
0x160: {  	v10 =	vor.u32 v0, v7;
	v9 =	vld.idx.msk [tilespmem:v11+s14+$0x0], $0xffff;
	v11 =	vand.u32 $0x7F, v6;
	v8 =	vand.u32 $0xFFFFFC00, v8  }
0x161: {  	v7 =	vor.u32 v4, v7;
	v5 =	vld.idx.msk [tilespmem:v5+s14+$0x0], $0xffff;
	v8 =	vor.u32 v11, v8  }
0x162: {  	s25 =	simm.s32 $0x4;
	v11 =	vadd.s32 v2, v8  }
0x163: {  	v53 =	vadd.s32 s25, v0;
	v8 =	vadd.s32 v3, v8  }
0x164: {  	v54 =	vadd.s32 s25, v1;
	vm0 =	vgt.u32 v53, $0x2FF  }
0x165: {  	[tilespmem:v10+s15+$0x0] =	vst.idx.msk $0xffff, v9;
	v9 =	vsel vm0, v54, v53  }
0x166: {  	v6 =	vshll.u32 v6, $0x5;
	[tilespmem:v7+s15+$0x0] =	vst.idx.msk $0xffff, v5;
	v5 =	vshll.u32 v9, $0x3  }
0x167: {  	v10 =	vor.u32 v0, v6;
	v7 =	vld.idx.msk [tilespmem:v11+s14+$0x0], $0xffff;
	v11 =	vand.u32 $0x7F, v9;
	v5 =	vand.u32 $0xFFFFFC00, v5  }
0x168: {  	v6 =	vor.u32 v4, v6;
	v8 =	vld.idx.msk [tilespmem:v8+s14+$0x0], $0xffff;
	v5 =	vor.u32 v11, v5  }
0x169: {  	s26 =	simm.s32 $0x5;
	v11 =	vadd.s32 v2, v5  }
0x16a: {  	v55 =	vadd.s32 s26, v0;
	v5 =	vadd.s32 v3, v5  }
0x16b: {  	v56 =	vadd.s32 s26, v1;
	vm0 =	vgt.u32 v55, $0x2FF  }
0x16c: {  	[tilespmem:v10+s15+$0x0] =	vst.idx.msk $0xffff, v7;
	v7 =	vsel vm0, v56, v55  }
0x16d: {  	v9 =	vshll.u32 v9, $0x5;
	[tilespmem:v6+s15+$0x0] =	vst.idx.msk $0xffff, v8;
	v6 =	vshll.u32 v7, $0x3  }
0x16e: {  	v10 =	vor.u32 v0, v9;
	v8 =	vld.idx.msk [tilespmem:v11+s14+$0x0], $0xffff;
	v11 =	vand.u32 $0x7F, v7;
	v6 =	vand.u32 $0xFFFFFC00, v6  }
0x16f: {  	v9 =	vor.u32 v4, v9;
	v5 =	vld.idx.msk [tilespmem:v5+s14+$0x0], $0xffff;
	v6 =	vor.u32 v11, v6  }
0x170: {  	s28 =	simm.s32 $0x6;
	v11 =	vadd.s32 v2, v6  }
0x171: {  	v57 =	vadd.s32 s28, v0;
	v6 =	vadd.s32 v3, v6  }
0x172: {  	v58 =	vadd.s32 s28, v1;
	vm0 =	vgt.u32 v57, $0x2FF  }
0x173: {  	[tilespmem:v10+s15+$0x0] =	vst.idx.msk $0xffff, v8;
	v8 =	vsel vm0, v58, v57  }
0x174: {  	v7 =	vshll.u32 v7, $0x5;
	[tilespmem:v9+s15+$0x0] =	vst.idx.msk $0xffff, v5;
	v5 =	vshll.u32 v8, $0x3  }
0x175: {  	v10 =	vor.u32 v0, v7;
	v9 =	vld.idx.msk [tilespmem:v11+s14+$0x0], $0xffff;
	v11 =	vand.u32 $0x7F, v8;
	v5 =	vand.u32 $0xFFFFFC00, v5  }
0x176: {  	v7 =	vor.u32 v4, v7;
	v6 =	vld.idx.msk [tilespmem:v6+s14+$0x0], $0xffff;
	v5 =	vor.u32 v11, v5  }
0x177: {  	v11 =	vadd.s32 v2, v5  }
0x178: {  	s29 =	simm.s32 $0x7;
	v5 =	vadd.s32 v3, v5  }
0x179: {  	v59 =	vadd.s32 s29, v0  }
0x17a: {  	v60 =	vadd.s32 s29, v1;
	vm0 =	vgt.u32 v59, $0x2FF;
	[tilespmem:v10+s15+$0x0] =	vst.idx.msk $0xffff, v9  }
0x17b: {  	v8 =	vshll.u32 v8, $0x5;
	v9 =	vsel vm0, v60, v59;
	[tilespmem:v7+s15+$0x0] =	vst.idx.msk $0xffff, v6  }
0x17c: {  	v10 =	vor.u32 v0, v8;
	v6 =	vshll.u32 v9, $0x3;
	v7 =	vld.idx.msk [tilespmem:v11+s14+$0x0], $0xffff  }
0x17d: {  	v8 =	vor.u32 v4, v8;
	v11 =	vand.u32 $0x7F, v9;
	v6 =	vand.u32 $0xFFFFFC00, v6;
	v5 =	vld.idx.msk [tilespmem:v5+s14+$0x0], $0xffff  }
0x17e: {  	v6 =	vor.u32 v11, v6  }
0x17f: {  	s30 =	simm.s32 $0x8;
	v11 =	vadd.s32 v2, v6  }
0x180: {  	v61 =	vadd.s32 s30, v0;
	v6 =	vadd.s32 v3, v6  }
0x181: {  	vm0 =	vgt.u32 v61, $0x2FF;
	[tilespmem:v10+s15+$0x0] =	vst.idx.msk $0xffff, v7;
	v7 =	vadd.s32 s30, v1  }
0x182: {  	[tilespmem:v8+s15+$0x0] =	vst.idx.msk $0xffff, v5;
	v5 =	vsel vm0, v7, v61  }
0x183: {  	v9 =	vshll.u32 v9, $0x5;
	v7 =	vshll.u32 v5, $0x3  }
0x184: {  	v63 =	vor.u32 v0, v9;
	v62 =	vld.idx.msk [tilespmem:v11+s14+$0x0], $0xffff;
	v8 =	vand.u32 $0x7F, v5;
	v7 =	vand.u32 $0xFFFFFC00, v7  }
0x185: {  	v9 =	vor.u32 v4, v9;
	v11 =	vor.u32 v8, v7;
	v7 =	vld.idx.msk [tilespmem:v6+s14+$0x0], $0xffff  }
0x186: {  	v8 =	vadd.s32 v2, v11  }
0x187: {  	s31 =	simm.s32 $0x9;
	v6 =	vadd.s32 v3, v11  }
0x188: {  	v10 =	vadd.s32 s31, v0  }
0x189: {  	s19 =	simm.s32 $0xF;
	s20 =	simm.s32 $0x17;
	vm0 =	vgt.u32 v10, $0x2FF;
	v5 =	vshll.u32 v5, $0x5;
	v11 =	vadd.s32 s31, v1;
	[tilespmem:v63+s15+$0x0] =	vst.idx.msk $0xffff, v62  }
.LBB2_9:
0x18a: {  	p5 =	sne.s32 s20, $0x2FF;
	v10 =	vsel vm0, v11, v10;
	[tilespmem:v9+s15+$0x0] =	vst.idx.msk $0xffff, v7;
	s21 =	smov.u32 s20;
	s20 =	sadd.s32 $0x8, s20  }
0x18b: {  	v7 =	vld.idx.msk [tilespmem:v8+s14+$0x0], $0xffff;
	v8 =	vshll.u32 v10, $0x3;
	v9 =	vshll.u32 v10, $0x5  }
0x18c: {  	v11 =	vor.u32 v0, v5;
	v10 =	vand.u32 $0x7F, v10;
	v6 =	vld.idx.msk [tilespmem:v6+s14+$0x0], $0xffff;
	v8 =	vand.u32 $0xFFFFFC00, v8  }
0x18d: {  	v5 =	vor.u32 v4, v5;
	v8 =	vor.u32 v10, v8  }
0x18e: {  	v10 =	vadd.s32 v2, v8  }
0x18f: {  	s22 =	sadd.s32 $0xFFFFFFFB, s19;
	v8 =	vadd.s32 v3, v8  }
0x190: {  	v12 =	vadd.s32 s22, v0  }
0x191: {  	vm0 =	vgt.u32 v12, $0x2FF;
	[tilespmem:v11+s15+$0x0] =	vst.idx.msk $0xffff, v7;
	v7 =	vadd.s32 s22, v1  }
0x192: {  	[tilespmem:v5+s15+$0x0] =	vst.idx.msk $0xffff, v6;
	v5 =	vsel vm0, v7, v12  }
0x193: {  	v6 =	vld.idx.msk [tilespmem:v10+s14+$0x0], $0xffff;
	v7 =	vshll.u32 v5, $0x3;
	v10 =	vshll.u32 v5, $0x5  }
0x194: {  	v11 =	vor.u32 v0, v9;
	v5 =	vand.u32 $0x7F, v5;
	v8 =	vld.idx.msk [tilespmem:v8+s14+$0x0], $0xffff;
	v7 =	vand.u32 $0xFFFFFC00, v7  }
0x195: {  	v9 =	vor.u32 v4, v9;
	v5 =	vor.u32 v5, v7  }
0x196: {  	v7 =	vadd.s32 v2, v5  }
0x197: {  	s22 =	sadd.s32 $0xFFFFFFFC, s19;
	v5 =	vadd.s32 v3, v5  }
0x198: {  	v12 =	vadd.s32 s22, v0  }
0x199: {  	vm0 =	vgt.u32 v12, $0x2FF;
	[tilespmem:v11+s15+$0x0] =	vst.idx.msk $0xffff, v6;
	v6 =	vadd.s32 s22, v1  }
0x19a: {  	[tilespmem:v9+s15+$0x0] =	vst.idx.msk $0xffff, v8;
	v6 =	vsel vm0, v6, v12  }
0x19b: {  	v7 =	vld.idx.msk [tilespmem:v7+s14+$0x0], $0xffff;
	v8 =	vshll.u32 v6, $0x3;
	v9 =	vshll.u32 v6, $0x5  }
0x19c: {  	v11 =	vor.u32 v0, v10;
	v6 =	vand.u32 $0x7F, v6;
	v5 =	vld.idx.msk [tilespmem:v5+s14+$0x0], $0xffff;
	v8 =	vand.u32 $0xFFFFFC00, v8  }
0x19d: {  	v10 =	vor.u32 v4, v10;
	v6 =	vor.u32 v6, v8  }
0x19e: {  	v8 =	vadd.s32 v2, v6  }
0x19f: {  	s22 =	sadd.s32 $0xFFFFFFFD, s19;
	v6 =	vadd.s32 v3, v6  }
0x1a0: {  	v12 =	vadd.s32 s22, v0  }
0x1a1: {  	vm0 =	vgt.u32 v12, $0x2FF;
	[tilespmem:v11+s15+$0x0] =	vst.idx.msk $0xffff, v7;
	v7 =	vadd.s32 s22, v1  }
0x1a2: {  	[tilespmem:v10+s15+$0x0] =	vst.idx.msk $0xffff, v5;
	v5 =	vsel vm0, v7, v12  }
0x1a3: {  	v7 =	vld.idx.msk [tilespmem:v8+s14+$0x0], $0xffff;
	v8 =	vshll.u32 v5, $0x3;
	v10 =	vshll.u32 v5, $0x5  }
0x1a4: {  	v11 =	vor.u32 v0, v9;
	v5 =	vand.u32 $0x7F, v5;
	v6 =	vld.idx.msk [tilespmem:v6+s14+$0x0], $0xffff;
	v8 =	vand.u32 $0xFFFFFC00, v8  }
0x1a5: {  	v9 =	vor.u32 v4, v9;
	v5 =	vor.u32 v5, v8  }
0x1a6: {  	v8 =	vadd.s32 v2, v5  }
0x1a7: {  	s22 =	sadd.s32 $0xFFFFFFFE, s19;
	v5 =	vadd.s32 v3, v5  }
0x1a8: {  	v12 =	vadd.s32 s22, v0  }
0x1a9: {  	vm0 =	vgt.u32 v12, $0x2FF;
	[tilespmem:v11+s15+$0x0] =	vst.idx.msk $0xffff, v7;
	v7 =	vadd.s32 s22, v1  }
0x1aa: {  	[tilespmem:v9+s15+$0x0] =	vst.idx.msk $0xffff, v6;
	v6 =	vsel vm0, v7, v12  }
0x1ab: {  	v7 =	vld.idx.msk [tilespmem:v8+s14+$0x0], $0xffff;
	v8 =	vshll.u32 v6, $0x3;
	v9 =	vshll.u32 v6, $0x5  }
0x1ac: {  	v11 =	vor.u32 v0, v10;
	v6 =	vand.u32 $0x7F, v6;
	v5 =	vld.idx.msk [tilespmem:v5+s14+$0x0], $0xffff;
	v8 =	vand.u32 $0xFFFFFC00, v8  }
0x1ad: {  	v10 =	vor.u32 v4, v10;
	v6 =	vor.u32 v6, v8  }
0x1ae: {  	v8 =	vadd.s32 v2, v6  }
0x1af: {  	s22 =	sadd.s32 $0xFFFFFFFF, s19;
	v6 =	vadd.s32 v3, v6  }
0x1b0: {  	v12 =	vadd.s32 s22, v0  }
0x1b1: {  	vm0 =	vgt.u32 v12, $0x2FF;
	[tilespmem:v11+s15+$0x0] =	vst.idx.msk $0xffff, v7;
	v7 =	vadd.s32 s22, v1  }
0x1b2: {  	[tilespmem:v10+s15+$0x0] =	vst.idx.msk $0xffff, v5;
	v5 =	vsel vm0, v7, v12  }
0x1b3: {  	v7 =	vld.idx.msk [tilespmem:v8+s14+$0x0], $0xffff;
	v8 =	vshll.u32 v5, $0x3;
	v10 =	vshll.u32 v5, $0x5  }
0x1b4: {  	v11 =	vor.u32 v0, v9;
	v5 =	vand.u32 $0x7F, v5;
	v6 =	vld.idx.msk [tilespmem:v6+s14+$0x0], $0xffff;
	v8 =	vand.u32 $0xFFFFFC00, v8  }
0x1b5: {  	v9 =	vor.u32 v4, v9;
	v5 =	vor.u32 v5, v8  }
0x1b6: {  	v8 =	vadd.s32 v2, v5  }
0x1b7: {  	v5 =	vadd.s32 v3, v5  }
0x1b8: {  	v12 =	vadd.s32 s19, v0  }
0x1b9: {  	vm0 =	vgt.u32 v12, $0x2FF;
	[tilespmem:v11+s15+$0x0] =	vst.idx.msk $0xffff, v7;
	v7 =	vadd.s32 s19, v1;
	s19 =	smov.u32 s21  }
0x1ba: {  	[tilespmem:v9+s15+$0x0] =	vst.idx.msk $0xffff, v6;
	v6 =	vsel vm0, v7, v12  }
0x1bb: {  	v7 =	vld.idx.msk [tilespmem:v8+s14+$0x0], $0xffff;
	v8 =	vshll.u32 v6, $0x3;
	v9 =	vshll.u32 v6, $0x5  }
0x1bc: {  	v11 =	vor.u32 v0, v10;
	v6 =	vand.u32 $0x7F, v6;
	v5 =	vld.idx.msk [tilespmem:v5+s14+$0x0], $0xffff;
	v8 =	vand.u32 $0xFFFFFC00, v8  }
0x1bd: {  	v10 =	vor.u32 v4, v10;
	v6 =	vor.u32 v6, v8  }
0x1be: {  	v8 =	vadd.s32 v2, v6  }
0x1bf: {  	s21 =	sadd.s32 $0xFFFFFFF9, s19;
	v6 =	vadd.s32 v3, v6  }
0x1c0: {  	v12 =	vadd.s32 s21, v0  }
0x1c1: {  	v13 =	vadd.s32 s21, v1;
	vm0 =	vgt.u32 v12, $0x2FF;
	[tilespmem:v11+s15+$0x0] =	vst.idx.msk $0xffff, v7  }
0x1c2: {  	v7 =	vsel vm0, v13, v12;
	[tilespmem:v10+s15+$0x0] =	vst.idx.msk $0xffff, v5  }
0x1c3: {  	v10 =	vshll.u32 v7, $0x3;
	v5 =	vshll.u32 v7, $0x5;
	v12 =	vld.idx.msk [tilespmem:v8+s14+$0x0], $0xffff  }
0x1c4: {  	v13 =	vor.u32 v0, v9;
	v8 =	vand.u32 $0x7F, v7;
	v10 =	vand.u32 $0xFFFFFC00, v10;
	v7 =	vld.idx.msk [tilespmem:v6+s14+$0x0], $0xffff  }
.Ltmp8:
0x1c5: {  	v9 =	vor.u32 v4, v9;
	v6 =	vor.u32 v8, v10;
	(pc) =	sbr.rel @p5 .LBB2_9-.Ltmp8, $4  }
0x1c6: {  	v8 =	vadd.s32 v2, v6;
	v6 =	vadd.s32 v3, v6  }
0x1c7: {  	s21 =	sadd.s32 $0xFFFFFFFA, s19  }
0x1c8: {  	v10 =	vadd.s32 s21, v0  }
0x1c9: {  	v11 =	vadd.s32 s21, v1;
	vm0 =	vgt.u32 v10, $0x2FF;
	[tilespmem:v13+s15+$0x0] =	vst.idx.msk $0xffff, v12  }
.Ltmp9:
0x1ca: {  	_ = 	snop;
	(pc) =	sbr.rel .LBB2_10-.Ltmp9, $1  }
0x1cb: {  	_ =	sdelay $0x3  }
.LBB2_13:
0x1cc: {  	_ =	sfence.sel $0x180000  }
0x1cd: {  	[bflag:$0x0] =	sbarrier.arrive $0xFFFF  }
0x1ce: {  	p0 =	sne.s32 s0, $0x0;
	_ =	strace $0x9000004A  }
0x1cf: {  	s0 =	sadd.s32 @!p0 $0x100000, s2;
	[bflag:$0x2] =	sbarrier.arrive $0xFFFF  }
0x1d0: {  	[sflag:s0] =	ssyncadd.tile.s32 @!p0 $0x1;
	_ =	shalt  }
.Lfunc_end2:
_tile_overlayer_lowered:
.L_overlay_start_2:
0x1d1: {  	(tag) =	ssettag $0x2  }
0x1d2: {  	s0 =	rddreg [dreg:$0x0];
	s2 =	stileid.u32  }
0x1d3: {  	s1 =	rddreg [dreg:$0x1];
	p0 =	sne.s32 s2, $0x0  }
0x1d4: {  	s3 =	rddreg [dreg:$0x2];
	[bflag:$0x3] =	sbarrier.arrive $0xFFFF;
	s2 =	simm.s32 @!p0 $0x1C03  }
0x1d5: {  	[timem:s3], [sflag:s2] =	dma.local @!p0 [hbm:s0], s1  }
0x1d6: {  	s0 =	simm.s32 @!p0 $0x3  }
0x1d7: {  	_ =	swait.ge @!p0 [sflag:s0], s1  }
0x1d8: {  	s1 =	ssub.s32 @!p0 $0x0, s1;
	[sflag:s0] =	ssyncset.done @!p0 $0x0  }
0x1d9: {  	[sflag:s0] =	ssyncadd.s32 @!p0 s1  }
0x1da: {  	[bflag:$0x3] =	sbarrier.arrive $0xFFFF  }
0x1db: {  	_ =	shalt  }

</sc_bundles>
